<compile_context>
chip_gen: v7x
topology: tpu7x:2x2x1
jax: 0.10.2.dev20260603
libtpu: 0.0.44.dev20260713+nightly
codegen_flags: <defaults>
</compile_context>

<pallas_src>
import functools

import jax
import jax.numpy as jnp
from jax import lax
from jax.experimental import pallas as pl
from jax.experimental.pallas import tpu as pltpu
from jax.experimental.pallas import tpu_sc as plsc

NBUF = 2


def kernel(focuses, mask, pe):
    B, L = focuses.shape
    V, H = pe.shape
    info = plsc.get_sparse_core_info()
    nc, ns = info.num_cores, info.num_subcores
    nw = nc * ns
    HP = H // 2
    WB = B // 2
    NHO = H // 8
    NT = WB // 128
    n_units = L // 2
    assert nw == 2 * 2 * NHO and L % 2 == 0 and B % 256 == 0

    pe_u16 = jax.lax.bitcast_convert_type(
        pe.astype(jnp.bfloat16), jnp.uint16
    ).astype(jnp.uint32)
    lo = pe_u16[:, 0::2]
    hi = pe_u16[:, 1::2]
    pe_pack = jax.lax.bitcast_convert_type(lo | (hi << 16), jnp.int32)
    cols = jnp.arange(HP, dtype=jnp.int32)[None, :] ^ (
        jnp.arange(V, dtype=jnp.int32)[:, None] % HP
    )
    pe_sw = jnp.take_along_axis(pe_pack, cols, axis=1)
    pe_flat = pe_sw.reshape(V * HP)

    fmT = (
        focuses.astype(jnp.int32) | (mask.astype(jnp.int32) << 16)
    ).T

    @functools.partial(
        pl.kernel,
        mesh=plsc.VectorSubcoreMesh(core_axis_name="c", subcore_axis_name="s"),
        compiler_params=pltpu.CompilerParams(use_tc_tiling_on_sc=False, needs_layout_passes=False),
        out_type=jax.ShapeDtypeStruct((L, NHO, B // 128, 8, 128), jnp.float32),
        scratch_types=[
            pltpu.VMEM((V * HP,), jnp.int32),
            pltpu.VMEM((NBUF, WB), jnp.int32),
            pltpu.VMEM((NBUF, NT, 8, 128), jnp.float32),
        ]
        + [pltpu.SemaphoreType.DMA] * (2 * NBUF),
    )
    def fe_kernel(pe_hbm, fm_hbm, out_hbm, tab_v, idx_v, slab_v, *sems):
        isems = sems[:NBUF]
        wsems = sems[NBUF : 2 * NBUF]
        c = lax.axis_index("c")
        s = lax.axis_index("s")
        wid = s * nc + c
        ho = wid % NHO
        half = (wid // NHO) % 2
        lpar = wid // (2 * NHO)
        bco = half * WB

        pltpu.sync_copy(pe_hbm, tab_v)

        def stage(u, slot):
            l = lpar + 2 * u
            pltpu.async_copy(
                fm_hbm.at[l, pl.ds(bco, WB)], idx_v.at[slot], isems[slot]
            )

        def wait_stage(u, slot):
            l = lpar + 2 * u
            pltpu.make_async_copy(
                fm_hbm.at[l, pl.ds(bco, WB)], idx_v.at[slot], isems[slot]
            ).wait()

        def out_slice(u):
            l = lpar + 2 * u
            return out_hbm.at[l, ho, pl.ds(NT * half, NT)]

        for b in range(NBUF):
            stage(b, b)

        def unit(u, carry):
            for b in range(NBUF):
                uu = u * NBUF + b

                @pl.when(uu >= NBUF)
                def _():
                    pltpu.make_async_copy(
                        slab_v.at[b], out_slice(uu - NBUF), wsems[b]
                    ).wait()

                wait_stage(uu, b)

                @plsc.parallel_loop(0, 2 * NT, unroll=1)
                def bvec(q):
                    bt = q // 2
                    for jj in range(4):
                        bs = (q % 2) * 64 + jj * 16
                        k = bt * 128 + bs
                        fm = idx_v[b, pl.ds(k, 16)]
                        mneg = jnp.int32(0) - (fm >> 16)
                        hmask = mneg & jnp.int32(-65536)
                        f16 = fm & jnp.int32(65535)
                        base = f16 << 5
                        fx = f16 & jnp.int32(HP - 1)
                        for p in range(4):
                            addr = base + (fx ^ (4 * ho + p))
                            w = plsc.load_gather(tab_v, [addr])
                            lo16 = (w << 16) & mneg
                            hi16 = w & hmask
                            slab_v[b, bt, 2 * p, pl.ds(bs, 16)] = plsc.bitcast(
                                lo16, jnp.float32
                            )
                            slab_v[b, bt, 2 * p + 1, pl.ds(bs, 16)] = plsc.bitcast(
                                hi16, jnp.float32
                            )

                pltpu.async_copy(slab_v.at[b], out_slice(uu), wsems[b])

                @pl.when(uu + NBUF < n_units)
                def _():
                    stage(uu + NBUF, b)

            return carry

        lax.fori_loop(0, n_units // NBUF, unit, 0)

        for b in range(NBUF):
            uu = n_units - NBUF + b
            pltpu.make_async_copy(
                slab_v.at[b], out_slice(uu), wsems[b]
            ).wait()

    out = fe_kernel(pe_flat, fmT)
    return jnp.transpose(out, (2, 4, 0, 1, 3)).reshape(B, L, H)

# --- scband reference (transcript-rebuilt; emitter-appended) ---
"""Pipeline reference for scband-focus-encoding-4329327034440 (READ-ONLY COPY).

The authoritative reference and input builder live on the scoring server;
editing this copy changes nothing except your own understanding.
"""

import jax, jax.numpy as jnp
import numpy as np

FE_MAX_LEN = 2048
HIDDEN = 64
B = 4096
L = 200


def make_pe():
    position = np.arange(FE_MAX_LEN, dtype=np.float64)[:, None]
    div_term = np.exp(np.arange(0, HIDDEN, 2, dtype=np.float64) * (-np.log(10000.0) / HIDDEN))
    pe = np.zeros((FE_MAX_LEN, HIDDEN), dtype=np.float64)
    pe[:, 0::2] = np.sin(position * div_term)
    pe[:, 1::2] = np.cos(position * div_term)
    return jnp.asarray(pe, dtype=jnp.float32)


def setup_inputs(seed: int = 0) -> dict:
    key = jax.random.key(seed)
    k1, k2 = jax.random.split(key)
    focuses = jax.random.randint(k1, (B, L), 0, FE_MAX_LEN, dtype=jnp.int32)
    mask = jax.random.randint(k2, (B, L), 0, 2, dtype=jnp.int32) > 0
    pe = make_pe()
    return {"focuses": focuses, "mask": mask, "pe": pe}


def reference(focuses, mask, pe):
    # fe = self.pe[focuses, :]  -> row gather from positional table
    fe = jnp.take(pe, focuses, axis=0)
    # fe = fe * mask.unsqueeze(-1).float()
    fe = fe * mask[..., None].astype(jnp.float32)
    # dropout with p=0.0 is identity (eval-mode equivalent)
    return fe

if __name__ == "__main__":
    import jax
    _d = setup_inputs()
    print(jax.jit(kernel)(*tuple(_d.values())))

</pallas_src>

<mosaic_0001>
#map = affine_map<(d0, d1) -> (0)>
#map1 = affine_map<(d0, d1) -> (0, 0)>
#map2 = affine_map<(d0, d1) -> (0, 0, 0, 0, 0)>
module attributes {stable_mosaic.version = 14 : i64} {
  func.func @fe_kernel(%arg0: i32, %arg1: i32, %arg2: memref<65536xi32, #tpu.memory_space<hbm>>, %arg3: memref<200x4096xi32, #tpu.memory_space<hbm>>, %arg4: memref<200x8x32x8x128xf32, #tpu.memory_space<hbm>>, %arg5: memref<65536xi32, #tpu.memory_space<vmem>>, %arg6: memref<2x2048xi32, #tpu.memory_space<vmem>>, %arg7: memref<2x16x8x128xf32, #tpu.memory_space<vmem>>, %arg8: memref<!tpu.dma_semaphore, #tpu.memory_space<semaphore_mem>>, %arg9: memref<!tpu.dma_semaphore, #tpu.memory_space<semaphore_mem>>, %arg10: memref<!tpu.dma_semaphore, #tpu.memory_space<semaphore_mem>>, %arg11: memref<!tpu.dma_semaphore, #tpu.memory_space<semaphore_mem>>) attributes {dimension_semantics = [#tpu.dimension_semantics<core_parallel>, #tpu.dimension_semantics<subcore_parallel>], iteration_bounds = array<i64: 2, 16>, scalar_prefetch = 0 : i64, scratch_operands = 7 : i64, tpu.core_type = #tpu.core_type<sc_vector_subcore>, window_params = [{transform_indices = #map}, {transform_indices = #map1}, {transform_indices = #map2}]} {
    %mul3A = arith.constant 2 : i32
    %mul3A_0 = arith.muli %arg1, %mul3A : i32
    %add3A = arith.addi %mul3A_0, %arg0 : i32
    %jit3A = arith.constant 8 : i32
    %eq3A = arith.constant 0 : i32
    %eq3A_1 = arith.cmpi eq, %jit3A, %eq3A : i32
    %jit3A_2 = arith.constant 1 : i32
    %select_n3A = arith.select %eq3A_1, %jit3A_2, %jit3A : i32
    %rem3A = arith.remsi %add3A, %select_n3A : i32
    %ne3A = arith.constant 0 : i32
    %ne3A_3 = arith.cmpi ne, %rem3A, %ne3A : i32
    %lt3A = arith.constant 0 : i32
    %lt3A_4 = arith.cmpi slt, %rem3A, %lt3A : i32
    %lt3A_5 = arith.constant 0 : i32
    %lt3A_6 = arith.cmpi slt, %select_n3A, %lt3A_5 : i32
    %ne3A_7 = arith.xori %lt3A_4, %lt3A_6 : i1
    %and3A = arith.andi %ne3A_7, %ne3A_3 : i1
    %add3A_8 = arith.addi %rem3A, %select_n3A : i32
    %select_n3A_9 = arith.select %and3A, %add3A_8, %rem3A : i32
    %jit3A_10 = arith.constant 8 : i32
    %div3A = arith.divsi %add3A, %jit3A_10 : i32
    %sign3A = arith.constant 0 : i32
    %sign3A_11 = arith.cmpi sgt, %add3A, %sign3A : i32
    %sign3A_12 = arith.extui %sign3A_11 : i1 to i32
    %sign3A_13 = arith.constant 0 : i32
    %sign3A_14 = arith.cmpi slt, %add3A, %sign3A_13 : i32
    %sign3A_15 = arith.extui %sign3A_14 : i1 to i32
    %sign3A_16 = arith.subi %sign3A_12, %sign3A_15 : i32
    %sign3A_17 = arith.constant 0 : i32
    %sign3A_18 = arith.cmpi sgt, %jit3A_10, %sign3A_17 : i32
    %sign3A_19 = arith.extui %sign3A_18 : i1 to i32
    %sign3A_20 = arith.constant 0 : i32
    %sign3A_21 = arith.cmpi slt, %jit3A_10, %sign3A_20 : i32
    %sign3A_22 = arith.extui %sign3A_21 : i1 to i32
    %sign3A_23 = arith.subi %sign3A_19, %sign3A_22 : i32
    %ne3A_24 = arith.cmpi ne, %sign3A_16, %sign3A_23 : i32
    %rem3A_25 = arith.remsi %add3A, %jit3A_10 : i32
    %ne3A_26 = arith.constant 0 : i32
    %ne3A_27 = arith.cmpi ne, %rem3A_25, %ne3A_26 : i32
    %and3A_28 = arith.andi %ne3A_24, %ne3A_27 : i1
    %sub3A = arith.constant 1 : i32
    %sub3A_29 = arith.subi %div3A, %sub3A : i32
    %select_n3A_30 = arith.select %and3A_28, %sub3A_29, %div3A : i32
    %jit3A_31 = arith.constant 2 : i32
    %eq3A_32 = arith.constant 0 : i32
    %eq3A_33 = arith.cmpi eq, %jit3A_31, %eq3A_32 : i32
    %jit3A_34 = arith.constant 1 : i32
    %select_n3A_35 = arith.select %eq3A_33, %jit3A_34, %jit3A_31 : i32
    %rem3A_36 = arith.remsi %select_n3A_30, %select_n3A_35 : i32
    %ne3A_37 = arith.constant 0 : i32
    %ne3A_38 = arith.cmpi ne, %rem3A_36, %ne3A_37 : i32
    %lt3A_39 = arith.constant 0 : i32
    %lt3A_40 = arith.cmpi slt, %rem3A_36, %lt3A_39 : i32
    %lt3A_41 = arith.constant 0 : i32
    %lt3A_42 = arith.cmpi slt, %select_n3A_35, %lt3A_41 : i32
    %ne3A_43 = arith.xori %lt3A_40, %lt3A_42 : i1
    %and3A_44 = arith.andi %ne3A_43, %ne3A_38 : i1
    %add3A_45 = arith.addi %rem3A_36, %select_n3A_35 : i32
    %select_n3A_46 = arith.select %and3A_44, %add3A_45, %rem3A_36 : i32
    %jit3A_47 = arith.constant 16 : i32
    %div3A_48 = arith.divsi %add3A, %jit3A_47 : i32
    %sign3A_49 = arith.constant 0 : i32
    %sign3A_50 = arith.cmpi sgt, %add3A, %sign3A_49 : i32
    %sign3A_51 = arith.extui %sign3A_50 : i1 to i32
    %sign3A_52 = arith.constant 0 : i32
    %sign3A_53 = arith.cmpi slt, %add3A, %sign3A_52 : i32
    %sign3A_54 = arith.extui %sign3A_53 : i1 to i32
    %sign3A_55 = arith.subi %sign3A_51, %sign3A_54 : i32
    %sign3A_56 = arith.constant 0 : i32
    %sign3A_57 = arith.cmpi sgt, %jit3A_47, %sign3A_56 : i32
    %sign3A_58 = arith.extui %sign3A_57 : i1 to i32
    %sign3A_59 = arith.constant 0 : i32
    %sign3A_60 = arith.cmpi slt, %jit3A_47, %sign3A_59 : i32
    %sign3A_61 = arith.extui %sign3A_60 : i1 to i32
    %sign3A_62 = arith.subi %sign3A_58, %sign3A_61 : i32
    %ne3A_63 = arith.cmpi ne, %sign3A_55, %sign3A_62 : i32
    %rem3A_64 = arith.remsi %add3A, %jit3A_47 : i32
    %ne3A_65 = arith.constant 0 : i32
    %ne3A_66 = arith.cmpi ne, %rem3A_64, %ne3A_65 : i32
    %and3A_67 = arith.andi %ne3A_63, %ne3A_66 : i1
    %sub3A_68 = arith.constant 1 : i32
    %sub3A_69 = arith.subi %div3A_48, %sub3A_68 : i32
    %select_n3A_70 = arith.select %and3A_67, %sub3A_69, %div3A_48 : i32
    %mul3A_71 = arith.constant 2048 : i32
    %mul3A_72 = arith.muli %select_n3A_46, %mul3A_71 : i32
    "tpu.region"() ({
      %run_scoped3A = tpu.sem_alloc : memref<!tpu.dma_semaphore, #tpu.memory_space<semaphore_mem>>
      tpu.enqueue_dma source(%arg2 : memref<65536xi32, #tpu.memory_space<hbm>>) target(%arg5 : memref<65536xi32, #tpu.memory_space<vmem>>) target_semaphore(%run_scoped3A : memref<!tpu.dma_semaphore, #tpu.memory_space<semaphore_mem>>)
      tpu.wait_dma2 semaphore(%run_scoped3A : memref<!tpu.dma_semaphore, #tpu.memory_space<semaphore_mem>>) src(%arg2 : memref<65536xi32, #tpu.memory_space<hbm>>) dst(%arg5 : memref<65536xi32, #tpu.memory_space<vmem>>)
      tpu.yield
    }) : () -> ()
    %add3A_73 = arith.constant 0 : i32
    %add3A_74 = arith.addi %select_n3A_70, %add3A_73 : i32
    %dma_start3A = arith.constant 0 : i32
    %dma_start3A_75 = arith.constant 0 : i32
    %dma_start3A_76 = tpu.memref_slice %arg6[%dma_start3A, %dma_start3A_75] : memref<2x2048xi32, #tpu.memory_space<vmem>> -> memref<1x2048xi32, #tpu.memory_space<vmem>>
    %dma_start3A_77 = tpu.memref_squeeze %dma_start3A_76 : memref<1x2048xi32, #tpu.memory_space<vmem>> -> memref<2048xi32, #tpu.memory_space<vmem>>
    %dma_start3A_78 = tpu.memref_slice %arg3[%add3A_74, %mul3A_72] : memref<200x4096xi32, #tpu.memory_space<hbm>> -> memref<1x2048xi32, #tpu.memory_space<hbm>>
    %dma_start3A_79 = tpu.memref_squeeze %dma_start3A_78 : memref<1x2048xi32, #tpu.memory_space<hbm>> -> memref<2048xi32, #tpu.memory_space<hbm>>
    %dma_start3A_80 = arith.constant 0 : i32
    %dma_start3A_81 = tpu.memref_slice %arg6[%dma_start3A, %dma_start3A_80] : memref<2x2048xi32, #tpu.memory_space<vmem>> -> memref<1x2048xi32, #tpu.memory_space<vmem>>
    %dma_start3A_82 = tpu.memref_squeeze %dma_start3A_81 : memref<1x2048xi32, #tpu.memory_space<vmem>> -> memref<2048xi32, #tpu.memory_space<vmem>>
    %dma_start3A_83 = tpu.memref_slice %arg3[%add3A_74, %mul3A_72] : memref<200x4096xi32, #tpu.memory_space<hbm>> -> memref<1x2048xi32, #tpu.memory_space<hbm>>
    %dma_start3A_84 = tpu.memref_squeeze %dma_start3A_83 : memref<1x2048xi32, #tpu.memory_space<hbm>> -> memref<2048xi32, #tpu.memory_space<hbm>>
    tpu.enqueue_dma source(%dma_start3A_84 : memref<2048xi32, #tpu.memory_space<hbm>>) target(%dma_start3A_82 : memref<2048xi32, #tpu.memory_space<vmem>>) target_semaphore(%arg8 : memref<!tpu.dma_semaphore, #tpu.memory_space<semaphore_mem>>)
    %add3A_85 = arith.constant 2 : i32
    %add3A_86 = arith.addi %select_n3A_70, %add3A_85 : i32
    %dma_start3A_87 = arith.constant 1 : i32
    %dma_start3A_88 = arith.constant 0 : i32
    %dma_start3A_89 = tpu.memref_slice %arg6[%dma_start3A_87, %dma_start3A_88] : memref<2x2048xi32, #tpu.memory_space<vmem>> -> memref<1x2048xi32, #tpu.memory_space<vmem>>
    %dma_start3A_90 = tpu.memref_squeeze %dma_start3A_89 : memref<1x2048xi32, #tpu.memory_space<vmem>> -> memref<2048xi32, #tpu.memory_space<vmem>>
    %dma_start3A_91 = tpu.memref_slice %arg3[%add3A_86, %mul3A_72] : memref<200x4096xi32, #tpu.memory_space<hbm>> -> memref<1x2048xi32, #tpu.memory_space<hbm>>
    %dma_start3A_92 = tpu.memref_squeeze %dma_start3A_91 : memref<1x2048xi32, #tpu.memory_space<hbm>> -> memref<2048xi32, #tpu.memory_space<hbm>>
    %dma_start3A_93 = arith.constant 0 : i32
    %dma_start3A_94 = tpu.memref_slice %arg6[%dma_start3A_87, %dma_start3A_93] : memref<2x2048xi32, #tpu.memory_space<vmem>> -> memref<1x2048xi32, #tpu.memory_space<vmem>>
    %dma_start3A_95 = tpu.memref_squeeze %dma_start3A_94 : memref<1x2048xi32, #tpu.memory_space<vmem>> -> memref<2048xi32, #tpu.memory_space<vmem>>
    %dma_start3A_96 = tpu.memref_slice %arg3[%add3A_86, %mul3A_72] : memref<200x4096xi32, #tpu.memory_space<hbm>> -> memref<1x2048xi32, #tpu.memory_space<hbm>>
    %dma_start3A_97 = tpu.memref_squeeze %dma_start3A_96 : memref<1x2048xi32, #tpu.memory_space<hbm>> -> memref<2048xi32, #tpu.memory_space<hbm>>
    tpu.enqueue_dma source(%dma_start3A_97 : memref<2048xi32, #tpu.memory_space<hbm>>) target(%dma_start3A_95 : memref<2048xi32, #tpu.memory_space<vmem>>) target_semaphore(%arg9 : memref<!tpu.dma_semaphore, #tpu.memory_space<semaphore_mem>>)
    %scan3A = arith.constant 0 : i32
    %scan3A_98 = arith.constant 0 : i32
    %scan3A_99 = arith.constant 50 : i32
    %scan3A_100 = arith.addi %scan3A_98, %scan3A_99 : i32
    %scan3A_101 = arith.constant 1 : i32
    scf.for %scan3A_148 = %scan3A_98 to %scan3A_100 step %scan3A_101  : i32 {
      %mul3A_149 = arith.constant 2 : i32
      %mul3A_150 = arith.muli %scan3A_148, %mul3A_149 : i32
      %add3A_151 = arith.constant 0 : i32
      %add3A_152 = arith.addi %mul3A_150, %add3A_151 : i32
      %ge3A = arith.constant 2 : i32
      %ge3A_153 = arith.cmpi sge, %add3A_152, %ge3A : i32
      %convert_element_type3A = arith.extui %ge3A_153 : i1 to i32
      %cond3A = arith.constant 0 : i32
      %cond3A_154 = arith.cmpi ne, %convert_element_type3A, %cond3A : i32
      scf.if %cond3A_154 {
        %sub3A_259 = arith.constant 2 : i32
        %sub3A_260 = arith.subi %add3A_152, %sub3A_259 : i32
        %mul3A_261 = arith.constant 2 : i32
        %mul3A_262 = arith.muli %mul3A_261, %sub3A_260 : i32
        %add3A_263 = arith.addi %select_n3A_70, %mul3A_262 : i32
        %mul3A_264 = arith.constant 16 : i32
        %mul3A_265 = arith.muli %mul3A_264, %select_n3A_46 : i32
        %dma_wait3A_266 = arith.constant 0 : i32
        %dma_wait3A_267 = arith.constant 0 : i32
        %dma_wait3A_268 = arith.constant 0 : i32
        %dma_wait3A_269 = arith.constant 0 : i32
        %dma_wait3A_270 = tpu.memref_slice %arg7[%dma_wait3A_266, %dma_wait3A_267, %dma_wait3A_268, %dma_wait3A_269] : memref<2x16x8x128xf32, #tpu.memory_space<vmem>> -> memref<1x16x8x128xf32, #tpu.memory_space<vmem>>
        %dma_wait3A_271 = tpu.memref_squeeze %dma_wait3A_270 : memref<1x16x8x128xf32, #tpu.memory_space<vmem>> -> memref<16x8x128xf32, #tpu.memory_space<vmem>>
        %dma_wait3A_272 = arith.constant 0 : i32
        %dma_wait3A_273 = arith.constant 0 : i32
        %dma_wait3A_274 = tpu.memref_slice %arg4[%add3A_263, %select_n3A_9, %mul3A_265, %dma_wait3A_272, %dma_wait3A_273] : memref<200x8x32x8x128xf32, #tpu.memory_space<hbm>> -> memref<1x1x16x8x128xf32, #tpu.memory_space<hbm>>
        %dma_wait3A_275 = tpu.memref_squeeze %dma_wait3A_274 : memref<1x1x16x8x128xf32, #tpu.memory_space<hbm>> -> memref<16x8x128xf32, #tpu.memory_space<hbm>>
        %dma_wait3A_276 = arith.constant 0 : i32
        %dma_wait3A_277 = arith.constant 0 : i32
        %dma_wait3A_278 = tpu.memref_slice %arg4[%add3A_263, %select_n3A_9, %mul3A_265, %dma_wait3A_276, %dma_wait3A_277] : memref<200x8x32x8x128xf32, #tpu.memory_space<hbm>> -> memref<1x1x16x8x128xf32, #tpu.memory_space<hbm>>
        %dma_wait3A_279 = tpu.memref_squeeze %dma_wait3A_278 : memref<1x1x16x8x128xf32, #tpu.memory_space<hbm>> -> memref<16x8x128xf32, #tpu.memory_space<hbm>>
        %dma_wait3A_280 = arith.constant 0 : i32
        %dma_wait3A_281 = arith.constant 0 : i32
        %dma_wait3A_282 = arith.constant 0 : i32
        %dma_wait3A_283 = tpu.memref_slice %arg7[%dma_wait3A_266, %dma_wait3A_280, %dma_wait3A_281, %dma_wait3A_282] : memref<2x16x8x128xf32, #tpu.memory_space<vmem>> -> memref<1x16x8x128xf32, #tpu.memory_space<vmem>>
        %dma_wait3A_284 = tpu.memref_squeeze %dma_wait3A_283 : memref<1x16x8x128xf32, #tpu.memory_space<vmem>> -> memref<16x8x128xf32, #tpu.memory_space<vmem>>
        tpu.wait_dma2 semaphore(%arg10 : memref<!tpu.dma_semaphore, #tpu.memory_space<semaphore_mem>>) src(%dma_wait3A_284 : memref<16x8x128xf32, #tpu.memory_space<vmem>>) dst(%dma_wait3A_279 : memref<16x8x128xf32, #tpu.memory_space<hbm>>)
      } else {
      }
      %mul3A_155 = arith.constant 2 : i32
      %mul3A_156 = arith.muli %mul3A_155, %add3A_152 : i32
      %add3A_157 = arith.addi %select_n3A_70, %mul3A_156 : i32
      %dma_wait3A_158 = arith.constant 0 : i32
      %dma_wait3A_159 = arith.constant 0 : i32
      %dma_wait3A_160 = tpu.memref_slice %arg6[%dma_wait3A_158, %dma_wait3A_159] : memref<2x2048xi32, #tpu.memory_space<vmem>> -> memref<1x2048xi32, #tpu.memory_space<vmem>>
      %dma_wait3A_161 = tpu.memref_squeeze %dma_wait3A_160 : memref<1x2048xi32, #tpu.memory_space<vmem>> -> memref<2048xi32, #tpu.memory_space<vmem>>
      %dma_wait3A_162 = tpu.memref_slice %arg3[%add3A_157, %mul3A_72] : memref<200x4096xi32, #tpu.memory_space<hbm>> -> memref<1x2048xi32, #tpu.memory_space<hbm>>
      %dma_wait3A_163 = tpu.memref_squeeze %dma_wait3A_162 : memref<1x2048xi32, #tpu.memory_space<hbm>> -> memref<2048xi32, #tpu.memory_space<hbm>>
      %dma_wait3A_164 = arith.constant 0 : i32
      %dma_wait3A_165 = tpu.memref_slice %arg6[%dma_wait3A_158, %dma_wait3A_164] : memref<2x2048xi32, #tpu.memory_space<vmem>> -> memref<1x2048xi32, #tpu.memory_space<vmem>>
      %dma_wait3A_166 = tpu.memref_squeeze %dma_wait3A_165 : memref<1x2048xi32, #tpu.memory_space<vmem>> -> memref<2048xi32, #tpu.memory_space<vmem>>
      %dma_wait3A_167 = tpu.memref_slice %arg3[%add3A_157, %mul3A_72] : memref<200x4096xi32, #tpu.memory_space<hbm>> -> memref<1x2048xi32, #tpu.memory_space<hbm>>
      %dma_wait3A_168 = tpu.memref_squeeze %dma_wait3A_167 : memref<1x2048xi32, #tpu.memory_space<hbm>> -> memref<2048xi32, #tpu.memory_space<hbm>>
      tpu.wait_dma2 semaphore(%arg8 : memref<!tpu.dma_semaphore, #tpu.memory_space<semaphore_mem>>) src(%dma_wait3A_168 : memref<2048xi32, #tpu.memory_space<hbm>>) dst(%dma_wait3A_166 : memref<2048xi32, #tpu.memory_space<vmem>>)
      %parallel_loop3A = arith.constant 0 : i32
      %parallel_loop3A_169 = arith.constant 32 : i32
      %parallel_loop3A_170 = arith.constant 1 : i32
      scf.for %parallel_loop3A_259 = %parallel_loop3A to %parallel_loop3A_169 step %parallel_loop3A_170  : i32 {
        %parallel_loop3A_260 = arith.constant 2 : i32
        %parallel_loop3A_261 = arith.divsi %parallel_loop3A_259, %parallel_loop3A_260 : i32
        %parallel_loop3A_262 = arith.constant 0 : i32
        %parallel_loop3A_263 = arith.cmpi sgt, %parallel_loop3A_259, %parallel_loop3A_262 : i32
        %parallel_loop3A_264 = arith.extui %parallel_loop3A_263 : i1 to i32
        %parallel_loop3A_265 = arith.constant 0 : i32
        %parallel_loop3A_266 = arith.cmpi slt, %parallel_loop3A_259, %parallel_loop3A_265 : i32
        %parallel_loop3A_267 = arith.extui %parallel_loop3A_266 : i1 to i32
        %parallel_loop3A_268 = arith.subi %parallel_loop3A_264, %parallel_loop3A_267 : i32
        %parallel_loop3A_269 = arith.constant 0 : i32
        %parallel_loop3A_270 = arith.cmpi sgt, %parallel_loop3A_260, %parallel_loop3A_269 : i32
        %parallel_loop3A_271 = arith.extui %parallel_loop3A_270 : i1 to i32
        %parallel_loop3A_272 = arith.constant 0 : i32
        %parallel_loop3A_273 = arith.cmpi slt, %parallel_loop3A_260, %parallel_loop3A_272 : i32
        %parallel_loop3A_274 = arith.extui %parallel_loop3A_273 : i1 to i32
        %parallel_loop3A_275 = arith.subi %parallel_loop3A_271, %parallel_loop3A_274 : i32
        %parallel_loop3A_276 = arith.cmpi ne, %parallel_loop3A_268, %parallel_loop3A_275 : i32
        %parallel_loop3A_277 = arith.remsi %parallel_loop3A_259, %parallel_loop3A_260 : i32
        %parallel_loop3A_278 = arith.constant 0 : i32
        %parallel_loop3A_279 = arith.cmpi ne, %parallel_loop3A_277, %parallel_loop3A_278 : i32
        %parallel_loop3A_280 = arith.andi %parallel_loop3A_276, %parallel_loop3A_279 : i1
        %parallel_loop3A_281 = arith.constant 1 : i32
        %parallel_loop3A_282 = arith.subi %parallel_loop3A_261, %parallel_loop3A_281 : i32
        %parallel_loop3A_283 = arith.select %parallel_loop3A_280, %parallel_loop3A_282, %parallel_loop3A_261 : i32
        %parallel_loop3A_284 = arith.constant 2 : i32
        %parallel_loop3A_285 = arith.constant 0 : i32
        %parallel_loop3A_286 = arith.cmpi eq, %parallel_loop3A_284, %parallel_loop3A_285 : i32
        %parallel_loop3A_287 = arith.constant 1 : i32
        %parallel_loop3A_288 = arith.select %parallel_loop3A_286, %parallel_loop3A_287, %parallel_loop3A_284 : i32
        %parallel_loop3A_289 = arith.remsi %parallel_loop3A_259, %parallel_loop3A_288 : i32
        %parallel_loop3A_290 = arith.constant 0 : i32
        %parallel_loop3A_291 = arith.cmpi ne, %parallel_loop3A_289, %parallel_loop3A_290 : i32
        %parallel_loop3A_292 = arith.constant 0 : i32
        %parallel_loop3A_293 = arith.cmpi slt, %parallel_loop3A_289, %parallel_loop3A_292 : i32
        %parallel_loop3A_294 = arith.constant 0 : i32
        %parallel_loop3A_295 = arith.cmpi slt, %parallel_loop3A_288, %parallel_loop3A_294 : i32
        %parallel_loop3A_296 = arith.xori %parallel_loop3A_293, %parallel_loop3A_295 : i1
        %parallel_loop3A_297 = arith.andi %parallel_loop3A_296, %parallel_loop3A_291 : i1
        %parallel_loop3A_298 = arith.addi %parallel_loop3A_289, %parallel_loop3A_288 : i32
        %parallel_loop3A_299 = arith.select %parallel_loop3A_297, %parallel_loop3A_298, %parallel_loop3A_289 : i32
        %parallel_loop3A_300 = arith.constant 64 : i32
        %parallel_loop3A_301 = arith.muli %parallel_loop3A_299, %parallel_loop3A_300 : i32
        %parallel_loop3A_302 = arith.constant 0 : i32
        %parallel_loop3A_303 = arith.addi %parallel_loop3A_301, %parallel_loop3A_302 : i32
        %parallel_loop3A_304 = arith.constant 128 : i32
        %parallel_loop3A_305 = arith.muli %parallel_loop3A_283, %parallel_loop3A_304 : i32
        %parallel_loop3A_306 = arith.addi %parallel_loop3A_305, %parallel_loop3A_303 : i32
        %parallel_loop3A_307 = arith.constant 0 : i32
        %parallel_loop3A_308 = arith.index_cast %parallel_loop3A_307 : i32 to index
        %parallel_loop3A_309 = arith.index_cast %parallel_loop3A_306 : i32 to index
        %parallel_loop3A_310 = tpu.vector_load %arg6[%parallel_loop3A_308, %parallel_loop3A_309] {strides = array<i32>} : memref<2x2048xi32, #tpu.memory_space<vmem>>, vector<16xi32>,
        %parallel_loop3A_311 = arith.constant 16 : i32
        %parallel_loop3A_312 = vector.broadcast %parallel_loop3A_311 : i32 to vector<16xi32>
        %parallel_loop3A_313 = arith.shrsi %parallel_loop3A_310, %parallel_loop3A_312 : vector<16xi32>
        %parallel_loop3A_314 = arith.constant 0 : i32
        %parallel_loop3A_315 = vector.broadcast %parallel_loop3A_314 : i32 to vector<16xi32>
        %parallel_loop3A_316 = arith.subi %parallel_loop3A_315, %parallel_loop3A_313 : vector<16xi32>
        %parallel_loop3A_317 = arith.constant -65536 : i32
        %parallel_loop3A_318 = vector.broadcast %parallel_loop3A_317 : i32 to vector<16xi32>
        %parallel_loop3A_319 = arith.andi %parallel_loop3A_316, %parallel_loop3A_318 : vector<16xi32>
        %parallel_loop3A_320 = arith.constant 65535 : i32
        %parallel_loop3A_321 = vector.broadcast %parallel_loop3A_320 : i32 to vector<16xi32>
        %parallel_loop3A_322 = arith.andi %parallel_loop3A_310, %parallel_loop3A_321 : vector<16xi32>
        %parallel_loop3A_323 = arith.constant 5 : i32
        %parallel_loop3A_324 = vector.broadcast %parallel_loop3A_323 : i32 to vector<16xi32>
        %parallel_loop3A_325 = arith.shli %parallel_loop3A_322, %parallel_loop3A_324 : vector<16xi32>
        %parallel_loop3A_326 = arith.constant 31 : i32
        %parallel_loop3A_327 = vector.broadcast %parallel_loop3A_326 : i32 to vector<16xi32>
        %parallel_loop3A_328 = arith.andi %parallel_loop3A_322, %parallel_loop3A_327 : vector<16xi32>
        %parallel_loop3A_329 = arith.constant 4 : i32
        %parallel_loop3A_330 = arith.muli %parallel_loop3A_329, %select_n3A_9 : i32
        %parallel_loop3A_331 = arith.constant 0 : i32
        %parallel_loop3A_332 = arith.addi %parallel_loop3A_330, %parallel_loop3A_331 : i32
        %parallel_loop3A_333 = vector.broadcast %parallel_loop3A_332 : i32 to vector<16xi32>
        %parallel_loop3A_334 = arith.xori %parallel_loop3A_328, %parallel_loop3A_333 : vector<16xi32>
        %parallel_loop3A_335 = arith.addi %parallel_loop3A_325, %parallel_loop3A_334 : vector<16xi32>
        %parallel_loop3A_336 = tpu.vector_load_idx %arg5[%parallel_loop3A_335] : memref<65536xi32, #tpu.memory_space<vmem>>[vector<16xi32>], vector<16xi32>,
        %parallel_loop3A_337 = arith.constant 16 : i32
        %parallel_loop3A_338 = vector.broadcast %parallel_loop3A_337 : i32 to vector<16xi32>
        %parallel_loop3A_339 = arith.shli %parallel_loop3A_336, %parallel_loop3A_338 : vector<16xi32>
        %parallel_loop3A_340 = arith.andi %parallel_loop3A_339, %parallel_loop3A_316 : vector<16xi32>
        %parallel_loop3A_341 = arith.andi %parallel_loop3A_336, %parallel_loop3A_319 : vector<16xi32>
        %parallel_loop3A_342 = vector.bitcast %parallel_loop3A_340 : vector<16xi32> to vector<16xf32>
        %parallel_loop3A_343 = arith.constant 0 : i32
        %parallel_loop3A_344 = arith.constant 0 : i32
        %parallel_loop3A_345 = arith.index_cast %parallel_loop3A_343 : i32 to index
        %parallel_loop3A_346 = arith.index_cast %parallel_loop3A_283 : i32 to index
        %parallel_loop3A_347 = arith.index_cast %parallel_loop3A_344 : i32 to index
        %parallel_loop3A_348 = arith.index_cast %parallel_loop3A_303 : i32 to index
        %parallel_loop3A_349 = tpu.vector_load %arg7[%parallel_loop3A_345, %parallel_loop3A_346, %parallel_loop3A_347, %parallel_loop3A_348] {strides = array<i32>} : memref<2x16x8x128xf32, #tpu.memory_space<vmem>>, vector<16xf32>,
        tpu.vector_store %arg7[%parallel_loop3A_345, %parallel_loop3A_346, %parallel_loop3A_347, %parallel_loop3A_348], %parallel_loop3A_342 {strides = array<i32>} : memref<2x16x8x128xf32, #tpu.memory_space<vmem>>, vector<16xf32>,
        %parallel_loop3A_350 = vector.bitcast %parallel_loop3A_341 : vector<16xi32> to vector<16xf32>
        %parallel_loop3A_351 = arith.constant 0 : i32
        %parallel_loop3A_352 = arith.constant 1 : i32
        %parallel_loop3A_353 = arith.index_cast %parallel_loop3A_351 : i32 to index
        %parallel_loop3A_354 = arith.index_cast %parallel_loop3A_283 : i32 to index
        %parallel_loop3A_355 = arith.index_cast %parallel_loop3A_352 : i32 to index
        %parallel_loop3A_356 = arith.index_cast %parallel_loop3A_303 : i32 to index
        %parallel_loop3A_357 = tpu.vector_load %arg7[%parallel_loop3A_353, %parallel_loop3A_354, %parallel_loop3A_355, %parallel_loop3A_356] {strides = array<i32>} : memref<2x16x8x128xf32, #tpu.memory_space<vmem>>, vector<16xf32>,
        tpu.vector_store %arg7[%parallel_loop3A_353, %parallel_loop3A_354, %parallel_loop3A_355, %parallel_loop3A_356], %parallel_loop3A_350 {strides = array<i32>} : memref<2x16x8x128xf32, #tpu.memory_space<vmem>>, vector<16xf32>,
        %parallel_loop3A_358 = arith.constant 4 : i32
        %parallel_loop3A_359 = arith.muli %parallel_loop3A_358, %select_n3A_9 : i32
        %parallel_loop3A_360 = arith.constant 1 : i32
        %parallel_loop3A_361 = arith.addi %parallel_loop3A_359, %parallel_loop3A_360 : i32
        %parallel_loop3A_362 = vector.broadcast %parallel_loop3A_361 : i32 to vector<16xi32>
        %parallel_loop3A_363 = arith.xori %parallel_loop3A_328, %parallel_loop3A_362 : vector<16xi32>
        %parallel_loop3A_364 = arith.addi %parallel_loop3A_325, %parallel_loop3A_363 : vector<16xi32>
        %parallel_loop3A_365 = tpu.vector_load_idx %arg5[%parallel_loop3A_364] : memref<65536xi32, #tpu.memory_space<vmem>>[vector<16xi32>], vector<16xi32>,
        %parallel_loop3A_366 = arith.constant 16 : i32
        %parallel_loop3A_367 = vector.broadcast %parallel_loop3A_366 : i32 to vector<16xi32>
        %parallel_loop3A_368 = arith.shli %parallel_loop3A_365, %parallel_loop3A_367 : vector<16xi32>
        %parallel_loop3A_369 = arith.andi %parallel_loop3A_368, %parallel_loop3A_316 : vector<16xi32>
        %parallel_loop3A_370 = arith.andi %parallel_loop3A_365, %parallel_loop3A_319 : vector<16xi32>
        %parallel_loop3A_371 = vector.bitcast %parallel_loop3A_369 : vector<16xi32> to vector<16xf32>
        %parallel_loop3A_372 = arith.constant 0 : i32
        %parallel_loop3A_373 = arith.constant 2 : i32
        %parallel_loop3A_374 = arith.index_cast %parallel_loop3A_372 : i32 to index
        %parallel_loop3A_375 = arith.index_cast %parallel_loop3A_283 : i32 to index
        %parallel_loop3A_376 = arith.index_cast %parallel_loop3A_373 : i32 to index
        %parallel_loop3A_377 = arith.index_cast %parallel_loop3A_303 : i32 to index
        %parallel_loop3A_378 = tpu.vector_load %arg7[%parallel_loop3A_374, %parallel_loop3A_375, %parallel_loop3A_376, %parallel_loop3A_377] {strides = array<i32>} : memref<2x16x8x128xf32, #tpu.memory_space<vmem>>, vector<16xf32>,
        tpu.vector_store %arg7[%parallel_loop3A_374, %parallel_loop3A_375, %parallel_loop3A_376, %parallel_loop3A_377], %parallel_loop3A_371 {strides = array<i32>} : memref<2x16x8x128xf32, #tpu.memory_space<vmem>>, vector<16xf32>,
        %parallel_loop3A_379 = vector.bitcast %parallel_loop3A_370 : vector<16xi32> to vector<16xf32>
        %parallel_loop3A_380 = arith.constant 0 : i32
        %parallel_loop3A_381 = arith.constant 3 : i32
        %parallel_loop3A_382 = arith.index_cast %parallel_loop3A_380 : i32 to index
        %parallel_loop3A_383 = arith.index_cast %parallel_loop3A_283 : i32 to index
        %parallel_loop3A_384 = arith.index_cast %parallel_loop3A_381 : i32 to index
        %parallel_loop3A_385 = arith.index_cast %parallel_loop3A_303 : i32 to index
        %parallel_loop3A_386 = tpu.vector_load %arg7[%parallel_loop3A_382, %parallel_loop3A_383, %parallel_loop3A_384, %parallel_loop3A_385] {strides = array<i32>} : memref<2x16x8x128xf32, #tpu.memory_space<vmem>>, vector<16xf32>,
        tpu.vector_store %arg7[%parallel_loop3A_382, %parallel_loop3A_383, %parallel_loop3A_384, %parallel_loop3A_385], %parallel_loop3A_379 {strides = array<i32>} : memref<2x16x8x128xf32, #tpu.memory_space<vmem>>, vector<16xf32>,
        %parallel_loop3A_387 = arith.constant 4 : i32
        %parallel_loop3A_388 = arith.muli %parallel_loop3A_387, %select_n3A_9 : i32
        %parallel_loop3A_389 = arith.constant 2 : i32
        %parallel_loop3A_390 = arith.addi %parallel_loop3A_388, %parallel_loop3A_389 : i32
        %parallel_loop3A_391 = vector.broadcast %parallel_loop3A_390 : i32 to vector<16xi32>
        %parallel_loop3A_392 = arith.xori %parallel_loop3A_328, %parallel_loop3A_391 : vector<16xi32>
        %parallel_loop3A_393 = arith.addi %parallel_loop3A_325, %parallel_loop3A_392 : vector<16xi32>
        %parallel_loop3A_394 = tpu.vector_load_idx %arg5[%parallel_loop3A_393] : memref<65536xi32, #tpu.memory_space<vmem>>[vector<16xi32>], vector<16xi32>,
        %parallel_loop3A_395 = arith.constant 16 : i32
        %parallel_loop3A_396 = vector.broadcast %parallel_loop3A_395 : i32 to vector<16xi32>
        %parallel_loop3A_397 = arith.shli %parallel_loop3A_394, %parallel_loop3A_396 : vector<16xi32>
        %parallel_loop3A_398 = arith.andi %parallel_loop3A_397, %parallel_loop3A_316 : vector<16xi32>
        %parallel_loop3A_399 = arith.andi %parallel_loop3A_394, %parallel_loop3A_319 : vector<16xi32>
        %parallel_loop3A_400 = vector.bitcast %parallel_loop3A_398 : vector<16xi32> to vector<16xf32>
        %parallel_loop3A_401 = arith.constant 0 : i32
        %parallel_loop3A_402 = arith.constant 4 : i32
        %parallel_loop3A_403 = arith.index_cast %parallel_loop3A_401 : i32 to index
        %parallel_loop3A_404 = arith.index_cast %parallel_loop3A_283 : i32 to index
        %parallel_loop3A_405 = arith.index_cast %parallel_loop3A_402 : i32 to index
        %parallel_loop3A_406 = arith.index_cast %parallel_loop3A_303 : i32 to index
        %parallel_loop3A_407 = tpu.vector_load %arg7[%parallel_loop3A_403, %parallel_loop3A_404, %parallel_loop3A_405, %parallel_loop3A_406] {strides = array<i32>} : memref<2x16x8x128xf32, #tpu.memory_space<vmem>>, vector<16xf32>,
        tpu.vector_store %arg7[%parallel_loop3A_403, %parallel_loop3A_404, %parallel_loop3A_405, %parallel_loop3A_406], %parallel_loop3A_400 {strides = array<i32>} : memref<2x16x8x128xf32, #tpu.memory_space<vmem>>, vector<16xf32>,
        %parallel_loop3A_408 = vector.bitcast %parallel_loop3A_399 : vector<16xi32> to vector<16xf32>
        %parallel_loop3A_409 = arith.constant 0 : i32
        %parallel_loop3A_410 = arith.constant 5 : i32
        %parallel_loop3A_411 = arith.index_cast %parallel_loop3A_409 : i32 to index
        %parallel_loop3A_412 = arith.index_cast %parallel_loop3A_283 : i32 to index
        %parallel_loop3A_413 = arith.index_cast %parallel_loop3A_410 : i32 to index
        %parallel_loop3A_414 = arith.index_cast %parallel_loop3A_303 : i32 to index
        %parallel_loop3A_415 = tpu.vector_load %arg7[%parallel_loop3A_411, %parallel_loop3A_412, %parallel_loop3A_413, %parallel_loop3A_414] {strides = array<i32>} : memref<2x16x8x128xf32, #tpu.memory_space<vmem>>, vector<16xf32>,
        tpu.vector_store %arg7[%parallel_loop3A_411, %parallel_loop3A_412, %parallel_loop3A_413, %parallel_loop3A_414], %parallel_loop3A_408 {strides = array<i32>} : memref<2x16x8x128xf32, #tpu.memory_space<vmem>>, vector<16xf32>,
        %parallel_loop3A_416 = arith.constant 4 : i32
        %parallel_loop3A_417 = arith.muli %parallel_loop3A_416, %select_n3A_9 : i32
        %parallel_loop3A_418 = arith.constant 3 : i32
        %parallel_loop3A_419 = arith.addi %parallel_loop3A_417, %parallel_loop3A_418 : i32
        %parallel_loop3A_420 = vector.broadcast %parallel_loop3A_419 : i32 to vector<16xi32>
        %parallel_loop3A_421 = arith.xori %parallel_loop3A_328, %parallel_loop3A_420 : vector<16xi32>
        %parallel_loop3A_422 = arith.addi %parallel_loop3A_325, %parallel_loop3A_421 : vector<16xi32>
        %parallel_loop3A_423 = tpu.vector_load_idx %arg5[%parallel_loop3A_422] : memref<65536xi32, #tpu.memory_space<vmem>>[vector<16xi32>], vector<16xi32>,
        %parallel_loop3A_424 = arith.constant 16 : i32
        %parallel_loop3A_425 = vector.broadcast %parallel_loop3A_424 : i32 to vector<16xi32>
        %parallel_loop3A_426 = arith.shli %parallel_loop3A_423, %parallel_loop3A_425 : vector<16xi32>
        %parallel_loop3A_427 = arith.andi %parallel_loop3A_426, %parallel_loop3A_316 : vector<16xi32>
        %parallel_loop3A_428 = arith.andi %parallel_loop3A_423, %parallel_loop3A_319 : vector<16xi32>
        %parallel_loop3A_429 = vector.bitcast %parallel_loop3A_427 : vector<16xi32> to vector<16xf32>
        %parallel_loop3A_430 = arith.constant 0 : i32
        %parallel_loop3A_431 = arith.constant 6 : i32
        %parallel_loop3A_432 = arith.index_cast %parallel_loop3A_430 : i32 to index
        %parallel_loop3A_433 = arith.index_cast %parallel_loop3A_283 : i32 to index
        %parallel_loop3A_434 = arith.index_cast %parallel_loop3A_431 : i32 to index
        %parallel_loop3A_435 = arith.index_cast %parallel_loop3A_303 : i32 to index
        %parallel_loop3A_436 = tpu.vector_load %arg7[%parallel_loop3A_432, %parallel_loop3A_433, %parallel_loop3A_434, %parallel_loop3A_435] {strides = array<i32>} : memref<2x16x8x128xf32, #tpu.memory_space<vmem>>, vector<16xf32>,
        tpu.vector_store %arg7[%parallel_loop3A_432, %parallel_loop3A_433, %parallel_loop3A_434, %parallel_loop3A_435], %parallel_loop3A_429 {strides = array<i32>} : memref<2x16x8x128xf32, #tpu.memory_space<vmem>>, vector<16xf32>,
        %parallel_loop3A_437 = vector.bitcast %parallel_loop3A_428 : vector<16xi32> to vector<16xf32>
        %parallel_loop3A_438 = arith.constant 0 : i32
        %parallel_loop3A_439 = arith.constant 7 : i32
        %parallel_loop3A_440 = arith.index_cast %parallel_loop3A_438 : i32 to index
        %parallel_loop3A_441 = arith.index_cast %parallel_loop3A_283 : i32 to index
        %parallel_loop3A_442 = arith.index_cast %parallel_loop3A_439 : i32 to index
        %parallel_loop3A_443 = arith.index_cast %parallel_loop3A_303 : i32 to index
        %parallel_loop3A_444 = tpu.vector_load %arg7[%parallel_loop3A_440, %parallel_loop3A_441, %parallel_loop3A_442, %parallel_loop3A_443] {strides = array<i32>} : memref<2x16x8x128xf32, #tpu.memory_space<vmem>>, vector<16xf32>,
        tpu.vector_store %arg7[%parallel_loop3A_440, %parallel_loop3A_441, %parallel_loop3A_442, %parallel_loop3A_443], %parallel_loop3A_437 {strides = array<i32>} : memref<2x16x8x128xf32, #tpu.memory_space<vmem>>, vector<16xf32>,
        %parallel_loop3A_445 = arith.constant 2 : i32
        %parallel_loop3A_446 = arith.constant 0 : i32
        %parallel_loop3A_447 = arith.cmpi eq, %parallel_loop3A_445, %parallel_loop3A_446 : i32
        %parallel_loop3A_448 = arith.constant 1 : i32
        %parallel_loop3A_449 = arith.select %parallel_loop3A_447, %parallel_loop3A_448, %parallel_loop3A_445 : i32
        %parallel_loop3A_450 = arith.remsi %parallel_loop3A_259, %parallel_loop3A_449 : i32
        %parallel_loop3A_451 = arith.constant 0 : i32
        %parallel_loop3A_452 = arith.cmpi ne, %parallel_loop3A_450, %parallel_loop3A_451 : i32
        %parallel_loop3A_453 = arith.constant 0 : i32
        %parallel_loop3A_454 = arith.cmpi slt, %parallel_loop3A_450, %parallel_loop3A_453 : i32
        %parallel_loop3A_455 = arith.constant 0 : i32
        %parallel_loop3A_456 = arith.cmpi slt, %parallel_loop3A_449, %parallel_loop3A_455 : i32
        %parallel_loop3A_457 = arith.xori %parallel_loop3A_454, %parallel_loop3A_456 : i1
        %parallel_loop3A_458 = arith.andi %parallel_loop3A_457, %parallel_loop3A_452 : i1
        %parallel_loop3A_459 = arith.addi %parallel_loop3A_450, %parallel_loop3A_449 : i32
        %parallel_loop3A_460 = arith.select %parallel_loop3A_458, %parallel_loop3A_459, %parallel_loop3A_450 : i32
        %parallel_loop3A_461 = arith.constant 64 : i32
        %parallel_loop3A_462 = arith.muli %parallel_loop3A_460, %parallel_loop3A_461 : i32
        %parallel_loop3A_463 = arith.constant 16 : i32
        %parallel_loop3A_464 = arith.addi %parallel_loop3A_462, %parallel_loop3A_463 : i32
        %parallel_loop3A_465 = arith.constant 128 : i32
        %parallel_loop3A_466 = arith.muli %parallel_loop3A_283, %parallel_loop3A_465 : i32
        %parallel_loop3A_467 = arith.addi %parallel_loop3A_466, %parallel_loop3A_464 : i32
        %parallel_loop3A_468 = arith.constant 0 : i32
        %parallel_loop3A_469 = arith.index_cast %parallel_loop3A_468 : i32 to index
        %parallel_loop3A_470 = arith.index_cast %parallel_loop3A_467 : i32 to index
        %parallel_loop3A_471 = tpu.vector_load %arg6[%parallel_loop3A_469, %parallel_loop3A_470] {strides = array<i32>} : memref<2x2048xi32, #tpu.memory_space<vmem>>, vector<16xi32>,
        %parallel_loop3A_472 = arith.constant 16 : i32
        %parallel_loop3A_473 = vector.broadcast %parallel_loop3A_472 : i32 to vector<16xi32>
        %parallel_loop3A_474 = arith.shrsi %parallel_loop3A_471, %parallel_loop3A_473 : vector<16xi32>
        %parallel_loop3A_475 = arith.constant 0 : i32
        %parallel_loop3A_476 = vector.broadcast %parallel_loop3A_475 : i32 to vector<16xi32>
        %parallel_loop3A_477 = arith.subi %parallel_loop3A_476, %parallel_loop3A_474 : vector<16xi32>
        %parallel_loop3A_478 = arith.constant -65536 : i32
        %parallel_loop3A_479 = vector.broadcast %parallel_loop3A_478 : i32 to vector<16xi32>
        %parallel_loop3A_480 = arith.andi %parallel_loop3A_477, %parallel_loop3A_479 : vector<16xi32>
        %parallel_loop3A_481 = arith.constant 65535 : i32
        %parallel_loop3A_482 = vector.broadcast %parallel_loop3A_481 : i32 to vector<16xi32>
        %parallel_loop3A_483 = arith.andi %parallel_loop3A_471, %parallel_loop3A_482 : vector<16xi32>
        %parallel_loop3A_484 = arith.constant 5 : i32
        %parallel_loop3A_485 = vector.broadcast %parallel_loop3A_484 : i32 to vector<16xi32>
        %parallel_loop3A_486 = arith.shli %parallel_loop3A_483, %parallel_loop3A_485 : vector<16xi32>
        %parallel_loop3A_487 = arith.constant 31 : i32
        %parallel_loop3A_488 = vector.broadcast %parallel_loop3A_487 : i32 to vector<16xi32>
        %parallel_loop3A_489 = arith.andi %parallel_loop3A_483, %parallel_loop3A_488 : vector<16xi32>
        %parallel_loop3A_490 = arith.constant 4 : i32
        %parallel_loop3A_491 = arith.muli %parallel_loop3A_490, %select_n3A_9 : i32
        %parallel_loop3A_492 = arith.constant 0 : i32
        %parallel_loop3A_493 = arith.addi %parallel_loop3A_491, %parallel_loop3A_492 : i32
        %parallel_loop3A_494 = vector.broadcast %parallel_loop3A_493 : i32 to vector<16xi32>
        %parallel_loop3A_495 = arith.xori %parallel_loop3A_489, %parallel_loop3A_494 : vector<16xi32>
        %parallel_loop3A_496 = arith.addi %parallel_loop3A_486, %parallel_loop3A_495 : vector<16xi32>
        %parallel_loop3A_497 = tpu.vector_load_idx %arg5[%parallel_loop3A_496] : memref<65536xi32, #tpu.memory_space<vmem>>[vector<16xi32>], vector<16xi32>,
        %parallel_loop3A_498 = arith.constant 16 : i32
        %parallel_loop3A_499 = vector.broadcast %parallel_loop3A_498 : i32 to vector<16xi32>
        %parallel_loop3A_500 = arith.shli %parallel_loop3A_497, %parallel_loop3A_499 : vector<16xi32>
        %parallel_loop3A_501 = arith.andi %parallel_loop3A_500, %parallel_loop3A_477 : vector<16xi32>
        %parallel_loop3A_502 = arith.andi %parallel_loop3A_497, %parallel_loop3A_480 : vector<16xi32>
        %parallel_loop3A_503 = vector.bitcast %parallel_loop3A_501 : vector<16xi32> to vector<16xf32>
        %parallel_loop3A_504 = arith.constant 0 : i32
        %parallel_loop3A_505 = arith.constant 0 : i32
        %parallel_loop3A_506 = arith.index_cast %parallel_loop3A_504 : i32 to index
        %parallel_loop3A_507 = arith.index_cast %parallel_loop3A_283 : i32 to index
        %parallel_loop3A_508 = arith.index_cast %parallel_loop3A_505 : i32 to index
        %parallel_loop3A_509 = arith.index_cast %parallel_loop3A_464 : i32 to index
        %parallel_loop3A_510 = tpu.vector_load %arg7[%parallel_loop3A_506, %parallel_loop3A_507, %parallel_loop3A_508, %parallel_loop3A_509] {strides = array<i32>} : memref<2x16x8x128xf32, #tpu.memory_space<vmem>>, vector<16xf32>,
        tpu.vector_store %arg7[%parallel_loop3A_506, %parallel_loop3A_507, %parallel_loop3A_508, %parallel_loop3A_509], %parallel_loop3A_503 {strides = array<i32>} : memref<2x16x8x128xf32, #tpu.memory_space<vmem>>, vector<16xf32>,
        %parallel_loop3A_511 = vector.bitcast %parallel_loop3A_502 : vector<16xi32> to vector<16xf32>
        %parallel_loop3A_512 = arith.constant 0 : i32
        %parallel_loop3A_513 = arith.constant 1 : i32
        %parallel_loop3A_514 = arith.index_cast %parallel_loop3A_512 : i32 to index
        %parallel_loop3A_515 = arith.index_cast %parallel_loop3A_283 : i32 to index
        %parallel_loop3A_516 = arith.index_cast %parallel_loop3A_513 : i32 to index
        %parallel_loop3A_517 = arith.index_cast %parallel_loop3A_464 : i32 to index
        %parallel_loop3A_518 = tpu.vector_load %arg7[%parallel_loop3A_514, %parallel_loop3A_515, %parallel_loop3A_516, %parallel_loop3A_517] {strides = array<i32>} : memref<2x16x8x128xf32, #tpu.memory_space<vmem>>, vector<16xf32>,
        tpu.vector_store %arg7[%parallel_loop3A_514, %parallel_loop3A_515, %parallel_loop3A_516, %parallel_loop3A_517], %parallel_loop3A_511 {strides = array<i32>} : memref<2x16x8x128xf32, #tpu.memory_space<vmem>>, vector<16xf32>,
        %parallel_loop3A_519 = arith.constant 4 : i32
        %parallel_loop3A_520 = arith.muli %parallel_loop3A_519, %select_n3A_9 : i32
        %parallel_loop3A_521 = arith.constant 1 : i32
        %parallel_loop3A_522 = arith.addi %parallel_loop3A_520, %parallel_loop3A_521 : i32
        %parallel_loop3A_523 = vector.broadcast %parallel_loop3A_522 : i32 to vector<16xi32>
        %parallel_loop3A_524 = arith.xori %parallel_loop3A_489, %parallel_loop3A_523 : vector<16xi32>
        %parallel_loop3A_525 = arith.addi %parallel_loop3A_486, %parallel_loop3A_524 : vector<16xi32>
        %parallel_loop3A_526 = tpu.vector_load_idx %arg5[%parallel_loop3A_525] : memref<65536xi32, #tpu.memory_space<vmem>>[vector<16xi32>], vector<16xi32>,
        %parallel_loop3A_527 = arith.constant 16 : i32
        %parallel_loop3A_528 = vector.broadcast %parallel_loop3A_527 : i32 to vector<16xi32>
        %parallel_loop3A_529 = arith.shli %parallel_loop3A_526, %parallel_loop3A_528 : vector<16xi32>
        %parallel_loop3A_530 = arith.andi %parallel_loop3A_529, %parallel_loop3A_477 : vector<16xi32>
        %parallel_loop3A_531 = arith.andi %parallel_loop3A_526, %parallel_loop3A_480 : vector<16xi32>
        %parallel_loop3A_532 = vector.bitcast %parallel_loop3A_530 : vector<16xi32> to vector<16xf32>
        %parallel_loop3A_533 = arith.constant 0 : i32
        %parallel_loop3A_534 = arith.constant 2 : i32
        %parallel_loop3A_535 = arith.index_cast %parallel_loop3A_533 : i32 to index
        %parallel_loop3A_536 = arith.index_cast %parallel_loop3A_283 : i32 to index
        %parallel_loop3A_537 = arith.index_cast %parallel_loop3A_534 : i32 to index
        %parallel_loop3A_538 = arith.index_cast %parallel_loop3A_464 : i32 to index
        %parallel_loop3A_539 = tpu.vector_load %arg7[%parallel_loop3A_535, %parallel_loop3A_536, %parallel_loop3A_537, %parallel_loop3A_538] {strides = array<i32>} : memref<2x16x8x128xf32, #tpu.memory_space<vmem>>, vector<16xf32>,
        tpu.vector_store %arg7[%parallel_loop3A_535, %parallel_loop3A_536, %parallel_loop3A_537, %parallel_loop3A_538], %parallel_loop3A_532 {strides = array<i32>} : memref<2x16x8x128xf32, #tpu.memory_space<vmem>>, vector<16xf32>,
        %parallel_loop3A_540 = vector.bitcast %parallel_loop3A_531 : vector<16xi32> to vector<16xf32>
        %parallel_loop3A_541 = arith.constant 0 : i32
        %parallel_loop3A_542 = arith.constant 3 : i32
        %parallel_loop3A_543 = arith.index_cast %parallel_loop3A_541 : i32 to index
        %parallel_loop3A_544 = arith.index_cast %parallel_loop3A_283 : i32 to index
        %parallel_loop3A_545 = arith.index_cast %parallel_loop3A_542 : i32 to index
        %parallel_loop3A_546 = arith.index_cast %parallel_loop3A_464 : i32 to index
        %parallel_loop3A_547 = tpu.vector_load %arg7[%parallel_loop3A_543, %parallel_loop3A_544, %parallel_loop3A_545, %parallel_loop3A_546] {strides = array<i32>} : memref<2x16x8x128xf32, #tpu.memory_space<vmem>>, vector<16xf32>,
        tpu.vector_store %arg7[%parallel_loop3A_543, %parallel_loop3A_544, %parallel_loop3A_545, %parallel_loop3A_546], %parallel_loop3A_540 {strides = array<i32>} : memref<2x16x8x128xf32, #tpu.memory_space<vmem>>, vector<16xf32>,
        %parallel_loop3A_548 = arith.constant 4 : i32
        %parallel_loop3A_549 = arith.muli %parallel_loop3A_548, %select_n3A_9 : i32
        %parallel_loop3A_550 = arith.constant 2 : i32
        %parallel_loop3A_551 = arith.addi %parallel_loop3A_549, %parallel_loop3A_550 : i32
        %parallel_loop3A_552 = vector.broadcast %parallel_loop3A_551 : i32 to vector<16xi32>
        %parallel_loop3A_553 = arith.xori %parallel_loop3A_489, %parallel_loop3A_552 : vector<16xi32>
        %parallel_loop3A_554 = arith.addi %parallel_loop3A_486, %parallel_loop3A_553 : vector<16xi32>
        %parallel_loop3A_555 = tpu.vector_load_idx %arg5[%parallel_loop3A_554] : memref<65536xi32, #tpu.memory_space<vmem>>[vector<16xi32>], vector<16xi32>,
        %parallel_loop3A_556 = arith.constant 16 : i32
        %parallel_loop3A_557 = vector.broadcast %parallel_loop3A_556 : i32 to vector<16xi32>
        %parallel_loop3A_558 = arith.shli %parallel_loop3A_555, %parallel_loop3A_557 : vector<16xi32>
        %parallel_loop3A_559 = arith.andi %parallel_loop3A_558, %parallel_loop3A_477 : vector<16xi32>
        %parallel_loop3A_560 = arith.andi %parallel_loop3A_555, %parallel_loop3A_480 : vector<16xi32>
        %parallel_loop3A_561 = vector.bitcast %parallel_loop3A_559 : vector<16xi32> to vector<16xf32>
        %parallel_loop3A_562 = arith.constant 0 : i32
        %parallel_loop3A_563 = arith.constant 4 : i32
        %parallel_loop3A_564 = arith.index_cast %parallel_loop3A_562 : i32 to index
        %parallel_loop3A_565 = arith.index_cast %parallel_loop3A_283 : i32 to index
        %parallel_loop3A_566 = arith.index_cast %parallel_loop3A_563 : i32 to index
        %parallel_loop3A_567 = arith.index_cast %parallel_loop3A_464 : i32 to index
        %parallel_loop3A_568 = tpu.vector_load %arg7[%parallel_loop3A_564, %parallel_loop3A_565, %parallel_loop3A_566, %parallel_loop3A_567] {strides = array<i32>} : memref<2x16x8x128xf32, #tpu.memory_space<vmem>>, vector<16xf32>,
        tpu.vector_store %arg7[%parallel_loop3A_564, %parallel_loop3A_565, %parallel_loop3A_566, %parallel_loop3A_567], %parallel_loop3A_561 {strides = array<i32>} : memref<2x16x8x128xf32, #tpu.memory_space<vmem>>, vector<16xf32>,
        %parallel_loop3A_569 = vector.bitcast %parallel_loop3A_560 : vector<16xi32> to vector<16xf32>
        %parallel_loop3A_570 = arith.constant 0 : i32
        %parallel_loop3A_571 = arith.constant 5 : i32
        %parallel_loop3A_572 = arith.index_cast %parallel_loop3A_570 : i32 to index
        %parallel_loop3A_573 = arith.index_cast %parallel_loop3A_283 : i32 to index
        %parallel_loop3A_574 = arith.index_cast %parallel_loop3A_571 : i32 to index
        %parallel_loop3A_575 = arith.index_cast %parallel_loop3A_464 : i32 to index
        %parallel_loop3A_576 = tpu.vector_load %arg7[%parallel_loop3A_572, %parallel_loop3A_573, %parallel_loop3A_574, %parallel_loop3A_575] {strides = array<i32>} : memref<2x16x8x128xf32, #tpu.memory_space<vmem>>, vector<16xf32>,
        tpu.vector_store %arg7[%parallel_loop3A_572, %parallel_loop3A_573, %parallel_loop3A_574, %parallel_loop3A_575], %parallel_loop3A_569 {strides = array<i32>} : memref<2x16x8x128xf32, #tpu.memory_space<vmem>>, vector<16xf32>,
        %parallel_loop3A_577 = arith.constant 4 : i32
        %parallel_loop3A_578 = arith.muli %parallel_loop3A_577, %select_n3A_9 : i32
        %parallel_loop3A_579 = arith.constant 3 : i32
        %parallel_loop3A_580 = arith.addi %parallel_loop3A_578, %parallel_loop3A_579 : i32
        %parallel_loop3A_581 = vector.broadcast %parallel_loop3A_580 : i32 to vector<16xi32>
        %parallel_loop3A_582 = arith.xori %parallel_loop3A_489, %parallel_loop3A_581 : vector<16xi32>
        %parallel_loop3A_583 = arith.addi %parallel_loop3A_486, %parallel_loop3A_582 : vector<16xi32>
        %parallel_loop3A_584 = tpu.vector_load_idx %arg5[%parallel_loop3A_583] : memref<65536xi32, #tpu.memory_space<vmem>>[vector<16xi32>], vector<16xi32>,
        %parallel_loop3A_585 = arith.constant 16 : i32
        %parallel_loop3A_586 = vector.broadcast %parallel_loop3A_585 : i32 to vector<16xi32>
        %parallel_loop3A_587 = arith.shli %parallel_loop3A_584, %parallel_loop3A_586 : vector<16xi32>
        %parallel_loop3A_588 = arith.andi %parallel_loop3A_587, %parallel_loop3A_477 : vector<16xi32>
        %parallel_loop3A_589 = arith.andi %parallel_loop3A_584, %parallel_loop3A_480 : vector<16xi32>
        %parallel_loop3A_590 = vector.bitcast %parallel_loop3A_588 : vector<16xi32> to vector<16xf32>
        %parallel_loop3A_591 = arith.constant 0 : i32
        %parallel_loop3A_592 = arith.constant 6 : i32
        %parallel_loop3A_593 = arith.index_cast %parallel_loop3A_591 : i32 to index
        %parallel_loop3A_594 = arith.index_cast %parallel_loop3A_283 : i32 to index
        %parallel_loop3A_595 = arith.index_cast %parallel_loop3A_592 : i32 to index
        %parallel_loop3A_596 = arith.index_cast %parallel_loop3A_464 : i32 to index
        %parallel_loop3A_597 = tpu.vector_load %arg7[%parallel_loop3A_593, %parallel_loop3A_594, %parallel_loop3A_595, %parallel_loop3A_596] {strides = array<i32>} : memref<2x16x8x128xf32, #tpu.memory_space<vmem>>, vector<16xf32>,
        tpu.vector_store %arg7[%parallel_loop3A_593, %parallel_loop3A_594, %parallel_loop3A_595, %parallel_loop3A_596], %parallel_loop3A_590 {strides = array<i32>} : memref<2x16x8x128xf32, #tpu.memory_space<vmem>>, vector<16xf32>,
        %parallel_loop3A_598 = vector.bitcast %parallel_loop3A_589 : vector<16xi32> to vector<16xf32>
        %parallel_loop3A_599 = arith.constant 0 : i32
        %parallel_loop3A_600 = arith.constant 7 : i32
        %parallel_loop3A_601 = arith.index_cast %parallel_loop3A_599 : i32 to index
        %parallel_loop3A_602 = arith.index_cast %parallel_loop3A_283 : i32 to index
        %parallel_loop3A_603 = arith.index_cast %parallel_loop3A_600 : i32 to index
        %parallel_loop3A_604 = arith.index_cast %parallel_loop3A_464 : i32 to index
        %parallel_loop3A_605 = tpu.vector_load %arg7[%parallel_loop3A_601, %parallel_loop3A_602, %parallel_loop3A_603, %parallel_loop3A_604] {strides = array<i32>} : memref<2x16x8x128xf32, #tpu.memory_space<vmem>>, vector<16xf32>,
        tpu.vector_store %arg7[%parallel_loop3A_601, %parallel_loop3A_602, %parallel_loop3A_603, %parallel_loop3A_604], %parallel_loop3A_598 {strides = array<i32>} : memref<2x16x8x128xf32, #tpu.memory_space<vmem>>, vector<16xf32>,
        %parallel_loop3A_606 = arith.constant 2 : i32
        %parallel_loop3A_607 = arith.constant 0 : i32
        %parallel_loop3A_608 = arith.cmpi eq, %parallel_loop3A_606, %parallel_loop3A_607 : i32
        %parallel_loop3A_609 = arith.constant 1 : i32
        %parallel_loop3A_610 = arith.select %parallel_loop3A_608, %parallel_loop3A_609, %parallel_loop3A_606 : i32
        %parallel_loop3A_611 = arith.remsi %parallel_loop3A_259, %parallel_loop3A_610 : i32
        %parallel_loop3A_612 = arith.constant 0 : i32
        %parallel_loop3A_613 = arith.cmpi ne, %parallel_loop3A_611, %parallel_loop3A_612 : i32
        %parallel_loop3A_614 = arith.constant 0 : i32
        %parallel_loop3A_615 = arith.cmpi slt, %parallel_loop3A_611, %parallel_loop3A_614 : i32
        %parallel_loop3A_616 = arith.constant 0 : i32
        %parallel_loop3A_617 = arith.cmpi slt, %parallel_loop3A_610, %parallel_loop3A_616 : i32
        %parallel_loop3A_618 = arith.xori %parallel_loop3A_615, %parallel_loop3A_617 : i1
        %parallel_loop3A_619 = arith.andi %parallel_loop3A_618, %parallel_loop3A_613 : i1
        %parallel_loop3A_620 = arith.addi %parallel_loop3A_611, %parallel_loop3A_610 : i32
        %parallel_loop3A_621 = arith.select %parallel_loop3A_619, %parallel_loop3A_620, %parallel_loop3A_611 : i32
        %parallel_loop3A_622 = arith.constant 64 : i32
        %parallel_loop3A_623 = arith.muli %parallel_loop3A_621, %parallel_loop3A_622 : i32
        %parallel_loop3A_624 = arith.constant 32 : i32
        %parallel_loop3A_625 = arith.addi %parallel_loop3A_623, %parallel_loop3A_624 : i32
        %parallel_loop3A_626 = arith.constant 128 : i32
        %parallel_loop3A_627 = arith.muli %parallel_loop3A_283, %parallel_loop3A_626 : i32
        %parallel_loop3A_628 = arith.addi %parallel_loop3A_627, %parallel_loop3A_625 : i32
        %parallel_loop3A_629 = arith.constant 0 : i32
        %parallel_loop3A_630 = arith.index_cast %parallel_loop3A_629 : i32 to index
        %parallel_loop3A_631 = arith.index_cast %parallel_loop3A_628 : i32 to index
        %parallel_loop3A_632 = tpu.vector_load %arg6[%parallel_loop3A_630, %parallel_loop3A_631] {strides = array<i32>} : memref<2x2048xi32, #tpu.memory_space<vmem>>, vector<16xi32>,
        %parallel_loop3A_633 = arith.constant 16 : i32
        %parallel_loop3A_634 = vector.broadcast %parallel_loop3A_633 : i32 to vector<16xi32>
        %parallel_loop3A_635 = arith.shrsi %parallel_loop3A_632, %parallel_loop3A_634 : vector<16xi32>
        %parallel_loop3A_636 = arith.constant 0 : i32
        %parallel_loop3A_637 = vector.broadcast %parallel_loop3A_636 : i32 to vector<16xi32>
        %parallel_loop3A_638 = arith.subi %parallel_loop3A_637, %parallel_loop3A_635 : vector<16xi32>
        %parallel_loop3A_639 = arith.constant -65536 : i32
        %parallel_loop3A_640 = vector.broadcast %parallel_loop3A_639 : i32 to vector<16xi32>
        %parallel_loop3A_641 = arith.andi %parallel_loop3A_638, %parallel_loop3A_640 : vector<16xi32>
        %parallel_loop3A_642 = arith.constant 65535 : i32
        %parallel_loop3A_643 = vector.broadcast %parallel_loop3A_642 : i32 to vector<16xi32>
        %parallel_loop3A_644 = arith.andi %parallel_loop3A_632, %parallel_loop3A_643 : vector<16xi32>
        %parallel_loop3A_645 = arith.constant 5 : i32
        %parallel_loop3A_646 = vector.broadcast %parallel_loop3A_645 : i32 to vector<16xi32>
        %parallel_loop3A_647 = arith.shli %parallel_loop3A_644, %parallel_loop3A_646 : vector<16xi32>
        %parallel_loop3A_648 = arith.constant 31 : i32
        %parallel_loop3A_649 = vector.broadcast %parallel_loop3A_648 : i32 to vector<16xi32>
        %parallel_loop3A_650 = arith.andi %parallel_loop3A_644, %parallel_loop3A_649 : vector<16xi32>
        %parallel_loop3A_651 = arith.constant 4 : i32
        %parallel_loop3A_652 = arith.muli %parallel_loop3A_651, %select_n3A_9 : i32
        %parallel_loop3A_653 = arith.constant 0 : i32
        %parallel_loop3A_654 = arith.addi %parallel_loop3A_652, %parallel_loop3A_653 : i32
        %parallel_loop3A_655 = vector.broadcast %parallel_loop3A_654 : i32 to vector<16xi32>
        %parallel_loop3A_656 = arith.xori %parallel_loop3A_650, %parallel_loop3A_655 : vector<16xi32>
        %parallel_loop3A_657 = arith.addi %parallel_loop3A_647, %parallel_loop3A_656 : vector<16xi32>
        %parallel_loop3A_658 = tpu.vector_load_idx %arg5[%parallel_loop3A_657] : memref<65536xi32, #tpu.memory_space<vmem>>[vector<16xi32>], vector<16xi32>,
        %parallel_loop3A_659 = arith.constant 16 : i32
        %parallel_loop3A_660 = vector.broadcast %parallel_loop3A_659 : i32 to vector<16xi32>
        %parallel_loop3A_661 = arith.shli %parallel_loop3A_658, %parallel_loop3A_660 : vector<16xi32>
        %parallel_loop3A_662 = arith.andi %parallel_loop3A_661, %parallel_loop3A_638 : vector<16xi32>
        %parallel_loop3A_663 = arith.andi %parallel_loop3A_658, %parallel_loop3A_641 : vector<16xi32>
        %parallel_loop3A_664 = vector.bitcast %parallel_loop3A_662 : vector<16xi32> to vector<16xf32>
        %parallel_loop3A_665 = arith.constant 0 : i32
        %parallel_loop3A_666 = arith.constant 0 : i32
        %parallel_loop3A_667 = arith.index_cast %parallel_loop3A_665 : i32 to index
        %parallel_loop3A_668 = arith.index_cast %parallel_loop3A_283 : i32 to index
        %parallel_loop3A_669 = arith.index_cast %parallel_loop3A_666 : i32 to index
        %parallel_loop3A_670 = arith.index_cast %parallel_loop3A_625 : i32 to index
        %parallel_loop3A_671 = tpu.vector_load %arg7[%parallel_loop3A_667, %parallel_loop3A_668, %parallel_loop3A_669, %parallel_loop3A_670] {strides = array<i32>} : memref<2x16x8x128xf32, #tpu.memory_space<vmem>>, vector<16xf32>,
        tpu.vector_store %arg7[%parallel_loop3A_667, %parallel_loop3A_668, %parallel_loop3A_669, %parallel_loop3A_670], %parallel_loop3A_664 {strides = array<i32>} : memref<2x16x8x128xf32, #tpu.memory_space<vmem>>, vector<16xf32>,
        %parallel_loop3A_672 = vector.bitcast %parallel_loop3A_663 : vector<16xi32> to vector<16xf32>
        %parallel_loop3A_673 = arith.constant 0 : i32
        %parallel_loop3A_674 = arith.constant 1 : i32
        %parallel_loop3A_675 = arith.index_cast %parallel_loop3A_673 : i32 to index
        %parallel_loop3A_676 = arith.index_cast %parallel_loop3A_283 : i32 to index
        %parallel_loop3A_677 = arith.index_cast %parallel_loop3A_674 : i32 to index
        %parallel_loop3A_678 = arith.index_cast %parallel_loop3A_625 : i32 to index
        %parallel_loop3A_679 = tpu.vector_load %arg7[%parallel_loop3A_675, %parallel_loop3A_676, %parallel_loop3A_677, %parallel_loop3A_678] {strides = array<i32>} : memref<2x16x8x128xf32, #tpu.memory_space<vmem>>, vector<16xf32>,
        tpu.vector_store %arg7[%parallel_loop3A_675, %parallel_loop3A_676, %parallel_loop3A_677, %parallel_loop3A_678], %parallel_loop3A_672 {strides = array<i32>} : memref<2x16x8x128xf32, #tpu.memory_space<vmem>>, vector<16xf32>,
        %parallel_loop3A_680 = arith.constant 4 : i32
        %parallel_loop3A_681 = arith.muli %parallel_loop3A_680, %select_n3A_9 : i32
        %parallel_loop3A_682 = arith.constant 1 : i32
        %parallel_loop3A_683 = arith.addi %parallel_loop3A_681, %parallel_loop3A_682 : i32
        %parallel_loop3A_684 = vector.broadcast %parallel_loop3A_683 : i32 to vector<16xi32>
        %parallel_loop3A_685 = arith.xori %parallel_loop3A_650, %parallel_loop3A_684 : vector<16xi32>
        %parallel_loop3A_686 = arith.addi %parallel_loop3A_647, %parallel_loop3A_685 : vector<16xi32>
        %parallel_loop3A_687 = tpu.vector_load_idx %arg5[%parallel_loop3A_686] : memref<65536xi32, #tpu.memory_space<vmem>>[vector<16xi32>], vector<16xi32>,
        %parallel_loop3A_688 = arith.constant 16 : i32
        %parallel_loop3A_689 = vector.broadcast %parallel_loop3A_688 : i32 to vector<16xi32>
        %parallel_loop3A_690 = arith.shli %parallel_loop3A_687, %parallel_loop3A_689 : vector<16xi32>
        %parallel_loop3A_691 = arith.andi %parallel_loop3A_690, %parallel_loop3A_638 : vector<16xi32>
        %parallel_loop3A_692 = arith.andi %parallel_loop3A_687, %parallel_loop3A_641 : vector<16xi32>
        %parallel_loop3A_693 = vector.bitcast %parallel_loop3A_691 : vector<16xi32> to vector<16xf32>
        %parallel_loop3A_694 = arith.constant 0 : i32
        %parallel_loop3A_695 = arith.constant 2 : i32
        %parallel_loop3A_696 = arith.index_cast %parallel_loop3A_694 : i32 to index
        %parallel_loop3A_697 = arith.index_cast %parallel_loop3A_283 : i32 to index
        %parallel_loop3A_698 = arith.index_cast %parallel_loop3A_695 : i32 to index
        %parallel_loop3A_699 = arith.index_cast %parallel_loop3A_625 : i32 to index
        %parallel_loop3A_700 = tpu.vector_load %arg7[%parallel_loop3A_696, %parallel_loop3A_697, %parallel_loop3A_698, %parallel_loop3A_699] {strides = array<i32>} : memref<2x16x8x128xf32, #tpu.memory_space<vmem>>, vector<16xf32>,
        tpu.vector_store %arg7[%parallel_loop3A_696, %parallel_loop3A_697, %parallel_loop3A_698, %parallel_loop3A_699], %parallel_loop3A_693 {strides = array<i32>} : memref<2x16x8x128xf32, #tpu.memory_space<vmem>>, vector<16xf32>,
        %parallel_loop3A_701 = vector.bitcast %parallel_loop3A_692 : vector<16xi32> to vector<16xf32>
        %parallel_loop3A_702 = arith.constant 0 : i32
        %parallel_loop3A_703 = arith.constant 3 : i32
        %parallel_loop3A_704 = arith.index_cast %parallel_loop3A_702 : i32 to index
        %parallel_loop3A_705 = arith.index_cast %parallel_loop3A_283 : i32 to index
        %parallel_loop3A_706 = arith.index_cast %parallel_loop3A_703 : i32 to index
        %parallel_loop3A_707 = arith.index_cast %parallel_loop3A_625 : i32 to index
        %parallel_loop3A_708 = tpu.vector_load %arg7[%parallel_loop3A_704, %parallel_loop3A_705, %parallel_loop3A_706, %parallel_loop3A_707] {strides = array<i32>} : memref<2x16x8x128xf32, #tpu.memory_space<vmem>>, vector<16xf32>,
        tpu.vector_store %arg7[%parallel_loop3A_704, %parallel_loop3A_705, %parallel_loop3A_706, %parallel_loop3A_707], %parallel_loop3A_701 {strides = array<i32>} : memref<2x16x8x128xf32, #tpu.memory_space<vmem>>, vector<16xf32>,
        %parallel_loop3A_709 = arith.constant 4 : i32
        %parallel_loop3A_710 = arith.muli %parallel_loop3A_709, %select_n3A_9 : i32
        %parallel_loop3A_711 = arith.constant 2 : i32
        %parallel_loop3A_712 = arith.addi %parallel_loop3A_710, %parallel_loop3A_711 : i32
        %parallel_loop3A_713 = vector.broadcast %parallel_loop3A_712 : i32 to vector<16xi32>
        %parallel_loop3A_714 = arith.xori %parallel_loop3A_650, %parallel_loop3A_713 : vector<16xi32>
        %parallel_loop3A_715 = arith.addi %parallel_loop3A_647, %parallel_loop3A_714 : vector<16xi32>
        %parallel_loop3A_716 = tpu.vector_load_idx %arg5[%parallel_loop3A_715] : memref<65536xi32, #tpu.memory_space<vmem>>[vector<16xi32>], vector<16xi32>,
        %parallel_loop3A_717 = arith.constant 16 : i32
        %parallel_loop3A_718 = vector.broadcast %parallel_loop3A_717 : i32 to vector<16xi32>
        %parallel_loop3A_719 = arith.shli %parallel_loop3A_716, %parallel_loop3A_718 : vector<16xi32>
        %parallel_loop3A_720 = arith.andi %parallel_loop3A_719, %parallel_loop3A_638 : vector<16xi32>
        %parallel_loop3A_721 = arith.andi %parallel_loop3A_716, %parallel_loop3A_641 : vector<16xi32>
        %parallel_loop3A_722 = vector.bitcast %parallel_loop3A_720 : vector<16xi32> to vector<16xf32>
        %parallel_loop3A_723 = arith.constant 0 : i32
        %parallel_loop3A_724 = arith.constant 4 : i32
        %parallel_loop3A_725 = arith.index_cast %parallel_loop3A_723 : i32 to index
        %parallel_loop3A_726 = arith.index_cast %parallel_loop3A_283 : i32 to index
        %parallel_loop3A_727 = arith.index_cast %parallel_loop3A_724 : i32 to index
        %parallel_loop3A_728 = arith.index_cast %parallel_loop3A_625 : i32 to index
        %parallel_loop3A_729 = tpu.vector_load %arg7[%parallel_loop3A_725, %parallel_loop3A_726, %parallel_loop3A_727, %parallel_loop3A_728] {strides = array<i32>} : memref<2x16x8x128xf32, #tpu.memory_space<vmem>>, vector<16xf32>,
        tpu.vector_store %arg7[%parallel_loop3A_725, %parallel_loop3A_726, %parallel_loop3A_727, %parallel_loop3A_728], %parallel_loop3A_722 {strides = array<i32>} : memref<2x16x8x128xf32, #tpu.memory_space<vmem>>, vector<16xf32>,
        %parallel_loop3A_730 = vector.bitcast %parallel_loop3A_721 : vector<16xi32> to vector<16xf32>
        %parallel_loop3A_731 = arith.constant 0 : i32
        %parallel_loop3A_732 = arith.constant 5 : i32
        %parallel_loop3A_733 = arith.index_cast %parallel_loop3A_731 : i32 to index
        %parallel_loop3A_734 = arith.index_cast %parallel_loop3A_283 : i32 to index
        %parallel_loop3A_735 = arith.index_cast %parallel_loop3A_732 : i32 to index
        %parallel_loop3A_736 = arith.index_cast %parallel_loop3A_625 : i32 to index
        %parallel_loop3A_737 = tpu.vector_load %arg7[%parallel_loop3A_733, %parallel_loop3A_734, %parallel_loop3A_735, %parallel_loop3A_736] {strides = array<i32>} : memref<2x16x8x128xf32, #tpu.memory_space<vmem>>, vector<16xf32>,
        tpu.vector_store %arg7[%parallel_loop3A_733, %parallel_loop3A_734, %parallel_loop3A_735, %parallel_loop3A_736], %parallel_loop3A_730 {strides = array<i32>} : memref<2x16x8x128xf32, #tpu.memory_space<vmem>>, vector<16xf32>,
        %parallel_loop3A_738 = arith.constant 4 : i32
        %parallel_loop3A_739 = arith.muli %parallel_loop3A_738, %select_n3A_9 : i32
        %parallel_loop3A_740 = arith.constant 3 : i32
        %parallel_loop3A_741 = arith.addi %parallel_loop3A_739, %parallel_loop3A_740 : i32
        %parallel_loop3A_742 = vector.broadcast %parallel_loop3A_741 : i32 to vector<16xi32>
        %parallel_loop3A_743 = arith.xori %parallel_loop3A_650, %parallel_loop3A_742 : vector<16xi32>
        %parallel_loop3A_744 = arith.addi %parallel_loop3A_647, %parallel_loop3A_743 : vector<16xi32>
        %parallel_loop3A_745 = tpu.vector_load_idx %arg5[%parallel_loop3A_744] : memref<65536xi32, #tpu.memory_space<vmem>>[vector<16xi32>], vector<16xi32>,
        %parallel_loop3A_746 = arith.constant 16 : i32
        %parallel_loop3A_747 = vector.broadcast %parallel_loop3A_746 : i32 to vector<16xi32>
        %parallel_loop3A_748 = arith.shli %parallel_loop3A_745, %parallel_loop3A_747 : vector<16xi32>
        %parallel_loop3A_749 = arith.andi %parallel_loop3A_748, %parallel_loop3A_638 : vector<16xi32>
        %parallel_loop3A_750 = arith.andi %parallel_loop3A_745, %parallel_loop3A_641 : vector<16xi32>
        %parallel_loop3A_751 = vector.bitcast %parallel_loop3A_749 : vector<16xi32> to vector<16xf32>
        %parallel_loop3A_752 = arith.constant 0 : i32
        %parallel_loop3A_753 = arith.constant 6 : i32
        %parallel_loop3A_754 = arith.index_cast %parallel_loop3A_752 : i32 to index
        %parallel_loop3A_755 = arith.index_cast %parallel_loop3A_283 : i32 to index
        %parallel_loop3A_756 = arith.index_cast %parallel_loop3A_753 : i32 to index
        %parallel_loop3A_757 = arith.index_cast %parallel_loop3A_625 : i32 to index
        %parallel_loop3A_758 = tpu.vector_load %arg7[%parallel_loop3A_754, %parallel_loop3A_755, %parallel_loop3A_756, %parallel_loop3A_757] {strides = array<i32>} : memref<2x16x8x128xf32, #tpu.memory_space<vmem>>, vector<16xf32>,
        tpu.vector_store %arg7[%parallel_loop3A_754, %parallel_loop3A_755, %parallel_loop3A_756, %parallel_loop3A_757], %parallel_loop3A_751 {strides = array<i32>} : memref<2x16x8x128xf32, #tpu.memory_space<vmem>>, vector<16xf32>,
        %parallel_loop3A_759 = vector.bitcast %parallel_loop3A_750 : vector<16xi32> to vector<16xf32>
        %parallel_loop3A_760 = arith.constant 0 : i32
        %parallel_loop3A_761 = arith.constant 7 : i32
        %parallel_loop3A_762 = arith.index_cast %parallel_loop3A_760 : i32 to index
        %parallel_loop3A_763 = arith.index_cast %parallel_loop3A_283 : i32 to index
        %parallel_loop3A_764 = arith.index_cast %parallel_loop3A_761 : i32 to index
        %parallel_loop3A_765 = arith.index_cast %parallel_loop3A_625 : i32 to index
        %parallel_loop3A_766 = tpu.vector_load %arg7[%parallel_loop3A_762, %parallel_loop3A_763, %parallel_loop3A_764, %parallel_loop3A_765] {strides = array<i32>} : memref<2x16x8x128xf32, #tpu.memory_space<vmem>>, vector<16xf32>,
        tpu.vector_store %arg7[%parallel_loop3A_762, %parallel_loop3A_763, %parallel_loop3A_764, %parallel_loop3A_765], %parallel_loop3A_759 {strides = array<i32>} : memref<2x16x8x128xf32, #tpu.memory_space<vmem>>, vector<16xf32>,
        %parallel_loop3A_767 = arith.constant 2 : i32
        %parallel_loop3A_768 = arith.constant 0 : i32
        %parallel_loop3A_769 = arith.cmpi eq, %parallel_loop3A_767, %parallel_loop3A_768 : i32
        %parallel_loop3A_770 = arith.constant 1 : i32
        %parallel_loop3A_771 = arith.select %parallel_loop3A_769, %parallel_loop3A_770, %parallel_loop3A_767 : i32
        %parallel_loop3A_772 = arith.remsi %parallel_loop3A_259, %parallel_loop3A_771 : i32
        %parallel_loop3A_773 = arith.constant 0 : i32
        %parallel_loop3A_774 = arith.cmpi ne, %parallel_loop3A_772, %parallel_loop3A_773 : i32
        %parallel_loop3A_775 = arith.constant 0 : i32
        %parallel_loop3A_776 = arith.cmpi slt, %parallel_loop3A_772, %parallel_loop3A_775 : i32
        %parallel_loop3A_777 = arith.constant 0 : i32
        %parallel_loop3A_778 = arith.cmpi slt, %parallel_loop3A_771, %parallel_loop3A_777 : i32
        %parallel_loop3A_779 = arith.xori %parallel_loop3A_776, %parallel_loop3A_778 : i1
        %parallel_loop3A_780 = arith.andi %parallel_loop3A_779, %parallel_loop3A_774 : i1
        %parallel_loop3A_781 = arith.addi %parallel_loop3A_772, %parallel_loop3A_771 : i32
        %parallel_loop3A_782 = arith.select %parallel_loop3A_780, %parallel_loop3A_781, %parallel_loop3A_772 : i32
        %parallel_loop3A_783 = arith.constant 64 : i32
        %parallel_loop3A_784 = arith.muli %parallel_loop3A_782, %parallel_loop3A_783 : i32
        %parallel_loop3A_785 = arith.constant 48 : i32
        %parallel_loop3A_786 = arith.addi %parallel_loop3A_784, %parallel_loop3A_785 : i32
        %parallel_loop3A_787 = arith.constant 128 : i32
        %parallel_loop3A_788 = arith.muli %parallel_loop3A_283, %parallel_loop3A_787 : i32
        %parallel_loop3A_789 = arith.addi %parallel_loop3A_788, %parallel_loop3A_786 : i32
        %parallel_loop3A_790 = arith.constant 0 : i32
        %parallel_loop3A_791 = arith.index_cast %parallel_loop3A_790 : i32 to index
        %parallel_loop3A_792 = arith.index_cast %parallel_loop3A_789 : i32 to index
        %parallel_loop3A_793 = tpu.vector_load %arg6[%parallel_loop3A_791, %parallel_loop3A_792] {strides = array<i32>} : memref<2x2048xi32, #tpu.memory_space<vmem>>, vector<16xi32>,
        %parallel_loop3A_794 = arith.constant 16 : i32
        %parallel_loop3A_795 = vector.broadcast %parallel_loop3A_794 : i32 to vector<16xi32>
        %parallel_loop3A_796 = arith.shrsi %parallel_loop3A_793, %parallel_loop3A_795 : vector<16xi32>
        %parallel_loop3A_797 = arith.constant 0 : i32
        %parallel_loop3A_798 = vector.broadcast %parallel_loop3A_797 : i32 to vector<16xi32>
        %parallel_loop3A_799 = arith.subi %parallel_loop3A_798, %parallel_loop3A_796 : vector<16xi32>
        %parallel_loop3A_800 = arith.constant -65536 : i32
        %parallel_loop3A_801 = vector.broadcast %parallel_loop3A_800 : i32 to vector<16xi32>
        %parallel_loop3A_802 = arith.andi %parallel_loop3A_799, %parallel_loop3A_801 : vector<16xi32>
        %parallel_loop3A_803 = arith.constant 65535 : i32
        %parallel_loop3A_804 = vector.broadcast %parallel_loop3A_803 : i32 to vector<16xi32>
        %parallel_loop3A_805 = arith.andi %parallel_loop3A_793, %parallel_loop3A_804 : vector<16xi32>
        %parallel_loop3A_806 = arith.constant 5 : i32
        %parallel_loop3A_807 = vector.broadcast %parallel_loop3A_806 : i32 to vector<16xi32>
        %parallel_loop3A_808 = arith.shli %parallel_loop3A_805, %parallel_loop3A_807 : vector<16xi32>
        %parallel_loop3A_809 = arith.constant 31 : i32
        %parallel_loop3A_810 = vector.broadcast %parallel_loop3A_809 : i32 to vector<16xi32>
        %parallel_loop3A_811 = arith.andi %parallel_loop3A_805, %parallel_loop3A_810 : vector<16xi32>
        %parallel_loop3A_812 = arith.constant 4 : i32
        %parallel_loop3A_813 = arith.muli %parallel_loop3A_812, %select_n3A_9 : i32
        %parallel_loop3A_814 = arith.constant 0 : i32
        %parallel_loop3A_815 = arith.addi %parallel_loop3A_813, %parallel_loop3A_814 : i32
        %parallel_loop3A_816 = vector.broadcast %parallel_loop3A_815 : i32 to vector<16xi32>
        %parallel_loop3A_817 = arith.xori %parallel_loop3A_811, %parallel_loop3A_816 : vector<16xi32>
        %parallel_loop3A_818 = arith.addi %parallel_loop3A_808, %parallel_loop3A_817 : vector<16xi32>
        %parallel_loop3A_819 = tpu.vector_load_idx %arg5[%parallel_loop3A_818] : memref<65536xi32, #tpu.memory_space<vmem>>[vector<16xi32>], vector<16xi32>,
        %parallel_loop3A_820 = arith.constant 16 : i32
        %parallel_loop3A_821 = vector.broadcast %parallel_loop3A_820 : i32 to vector<16xi32>
        %parallel_loop3A_822 = arith.shli %parallel_loop3A_819, %parallel_loop3A_821 : vector<16xi32>
        %parallel_loop3A_823 = arith.andi %parallel_loop3A_822, %parallel_loop3A_799 : vector<16xi32>
        %parallel_loop3A_824 = arith.andi %parallel_loop3A_819, %parallel_loop3A_802 : vector<16xi32>
        %parallel_loop3A_825 = vector.bitcast %parallel_loop3A_823 : vector<16xi32> to vector<16xf32>
        %parallel_loop3A_826 = arith.constant 0 : i32
        %parallel_loop3A_827 = arith.constant 0 : i32
        %parallel_loop3A_828 = arith.index_cast %parallel_loop3A_826 : i32 to index
        %parallel_loop3A_829 = arith.index_cast %parallel_loop3A_283 : i32 to index
        %parallel_loop3A_830 = arith.index_cast %parallel_loop3A_827 : i32 to index
        %parallel_loop3A_831 = arith.index_cast %parallel_loop3A_786 : i32 to index
        %parallel_loop3A_832 = tpu.vector_load %arg7[%parallel_loop3A_828, %parallel_loop3A_829, %parallel_loop3A_830, %parallel_loop3A_831] {strides = array<i32>} : memref<2x16x8x128xf32, #tpu.memory_space<vmem>>, vector<16xf32>,
        tpu.vector_store %arg7[%parallel_loop3A_828, %parallel_loop3A_829, %parallel_loop3A_830, %parallel_loop3A_831], %parallel_loop3A_825 {strides = array<i32>} : memref<2x16x8x128xf32, #tpu.memory_space<vmem>>, vector<16xf32>,
        %parallel_loop3A_833 = vector.bitcast %parallel_loop3A_824 : vector<16xi32> to vector<16xf32>
        %parallel_loop3A_834 = arith.constant 0 : i32
        %parallel_loop3A_835 = arith.constant 1 : i32
        %parallel_loop3A_836 = arith.index_cast %parallel_loop3A_834 : i32 to index
        %parallel_loop3A_837 = arith.index_cast %parallel_loop3A_283 : i32 to index
        %parallel_loop3A_838 = arith.index_cast %parallel_loop3A_835 : i32 to index
        %parallel_loop3A_839 = arith.index_cast %parallel_loop3A_786 : i32 to index
        %parallel_loop3A_840 = tpu.vector_load %arg7[%parallel_loop3A_836, %parallel_loop3A_837, %parallel_loop3A_838, %parallel_loop3A_839] {strides = array<i32>} : memref<2x16x8x128xf32, #tpu.memory_space<vmem>>, vector<16xf32>,
        tpu.vector_store %arg7[%parallel_loop3A_836, %parallel_loop3A_837, %parallel_loop3A_838, %parallel_loop3A_839], %parallel_loop3A_833 {strides = array<i32>} : memref<2x16x8x128xf32, #tpu.memory_space<vmem>>, vector<16xf32>,
        %parallel_loop3A_841 = arith.constant 4 : i32
        %parallel_loop3A_842 = arith.muli %parallel_loop3A_841, %select_n3A_9 : i32
        %parallel_loop3A_843 = arith.constant 1 : i32
        %parallel_loop3A_844 = arith.addi %parallel_loop3A_842, %parallel_loop3A_843 : i32
        %parallel_loop3A_845 = vector.broadcast %parallel_loop3A_844 : i32 to vector<16xi32>
        %parallel_loop3A_846 = arith.xori %parallel_loop3A_811, %parallel_loop3A_845 : vector<16xi32>
        %parallel_loop3A_847 = arith.addi %parallel_loop3A_808, %parallel_loop3A_846 : vector<16xi32>
        %parallel_loop3A_848 = tpu.vector_load_idx %arg5[%parallel_loop3A_847] : memref<65536xi32, #tpu.memory_space<vmem>>[vector<16xi32>], vector<16xi32>,
        %parallel_loop3A_849 = arith.constant 16 : i32
        %parallel_loop3A_850 = vector.broadcast %parallel_loop3A_849 : i32 to vector<16xi32>
        %parallel_loop3A_851 = arith.shli %parallel_loop3A_848, %parallel_loop3A_850 : vector<16xi32>
        %parallel_loop3A_852 = arith.andi %parallel_loop3A_851, %parallel_loop3A_799 : vector<16xi32>
        %parallel_loop3A_853 = arith.andi %parallel_loop3A_848, %parallel_loop3A_802 : vector<16xi32>
        %parallel_loop3A_854 = vector.bitcast %parallel_loop3A_852 : vector<16xi32> to vector<16xf32>
        %parallel_loop3A_855 = arith.constant 0 : i32
        %parallel_loop3A_856 = arith.constant 2 : i32
        %parallel_loop3A_857 = arith.index_cast %parallel_loop3A_855 : i32 to index
        %parallel_loop3A_858 = arith.index_cast %parallel_loop3A_283 : i32 to index
        %parallel_loop3A_859 = arith.index_cast %parallel_loop3A_856 : i32 to index
        %parallel_loop3A_860 = arith.index_cast %parallel_loop3A_786 : i32 to index
        %parallel_loop3A_861 = tpu.vector_load %arg7[%parallel_loop3A_857, %parallel_loop3A_858, %parallel_loop3A_859, %parallel_loop3A_860] {strides = array<i32>} : memref<2x16x8x128xf32, #tpu.memory_space<vmem>>, vector<16xf32>,
        tpu.vector_store %arg7[%parallel_loop3A_857, %parallel_loop3A_858, %parallel_loop3A_859, %parallel_loop3A_860], %parallel_loop3A_854 {strides = array<i32>} : memref<2x16x8x128xf32, #tpu.memory_space<vmem>>, vector<16xf32>,
        %parallel_loop3A_862 = vector.bitcast %parallel_loop3A_853 : vector<16xi32> to vector<16xf32>
        %parallel_loop3A_863 = arith.constant 0 : i32
        %parallel_loop3A_864 = arith.constant 3 : i32
        %parallel_loop3A_865 = arith.index_cast %parallel_loop3A_863 : i32 to index
        %parallel_loop3A_866 = arith.index_cast %parallel_loop3A_283 : i32 to index
        %parallel_loop3A_867 = arith.index_cast %parallel_loop3A_864 : i32 to index
        %parallel_loop3A_868 = arith.index_cast %parallel_loop3A_786 : i32 to index
        %parallel_loop3A_869 = tpu.vector_load %arg7[%parallel_loop3A_865, %parallel_loop3A_866, %parallel_loop3A_867, %parallel_loop3A_868] {strides = array<i32>} : memref<2x16x8x128xf32, #tpu.memory_space<vmem>>, vector<16xf32>,
        tpu.vector_store %arg7[%parallel_loop3A_865, %parallel_loop3A_866, %parallel_loop3A_867, %parallel_loop3A_868], %parallel_loop3A_862 {strides = array<i32>} : memref<2x16x8x128xf32, #tpu.memory_space<vmem>>, vector<16xf32>,
        %parallel_loop3A_870 = arith.constant 4 : i32
        %parallel_loop3A_871 = arith.muli %parallel_loop3A_870, %select_n3A_9 : i32
        %parallel_loop3A_872 = arith.constant 2 : i32
        %parallel_loop3A_873 = arith.addi %parallel_loop3A_871, %parallel_loop3A_872 : i32
        %parallel_loop3A_874 = vector.broadcast %parallel_loop3A_873 : i32 to vector<16xi32>
        %parallel_loop3A_875 = arith.xori %parallel_loop3A_811, %parallel_loop3A_874 : vector<16xi32>
        %parallel_loop3A_876 = arith.addi %parallel_loop3A_808, %parallel_loop3A_875 : vector<16xi32>
        %parallel_loop3A_877 = tpu.vector_load_idx %arg5[%parallel_loop3A_876] : memref<65536xi32, #tpu.memory_space<vmem>>[vector<16xi32>], vector<16xi32>,
        %parallel_loop3A_878 = arith.constant 16 : i32
        %parallel_loop3A_879 = vector.broadcast %parallel_loop3A_878 : i32 to vector<16xi32>
        %parallel_loop3A_880 = arith.shli %parallel_loop3A_877, %parallel_loop3A_879 : vector<16xi32>
        %parallel_loop3A_881 = arith.andi %parallel_loop3A_880, %parallel_loop3A_799 : vector<16xi32>
        %parallel_loop3A_882 = arith.andi %parallel_loop3A_877, %parallel_loop3A_802 : vector<16xi32>
        %parallel_loop3A_883 = vector.bitcast %parallel_loop3A_881 : vector<16xi32> to vector<16xf32>
        %parallel_loop3A_884 = arith.constant 0 : i32
        %parallel_loop3A_885 = arith.constant 4 : i32
        %parallel_loop3A_886 = arith.index_cast %parallel_loop3A_884 : i32 to index
        %parallel_loop3A_887 = arith.index_cast %parallel_loop3A_283 : i32 to index
        %parallel_loop3A_888 = arith.index_cast %parallel_loop3A_885 : i32 to index
        %parallel_loop3A_889 = arith.index_cast %parallel_loop3A_786 : i32 to index
        %parallel_loop3A_890 = tpu.vector_load %arg7[%parallel_loop3A_886, %parallel_loop3A_887, %parallel_loop3A_888, %parallel_loop3A_889] {strides = array<i32>} : memref<2x16x8x128xf32, #tpu.memory_space<vmem>>, vector<16xf32>,
        tpu.vector_store %arg7[%parallel_loop3A_886, %parallel_loop3A_887, %parallel_loop3A_888, %parallel_loop3A_889], %parallel_loop3A_883 {strides = array<i32>} : memref<2x16x8x128xf32, #tpu.memory_space<vmem>>, vector<16xf32>,
        %parallel_loop3A_891 = vector.bitcast %parallel_loop3A_882 : vector<16xi32> to vector<16xf32>
        %parallel_loop3A_892 = arith.constant 0 : i32
        %parallel_loop3A_893 = arith.constant 5 : i32
        %parallel_loop3A_894 = arith.index_cast %parallel_loop3A_892 : i32 to index
        %parallel_loop3A_895 = arith.index_cast %parallel_loop3A_283 : i32 to index
        %parallel_loop3A_896 = arith.index_cast %parallel_loop3A_893 : i32 to index
        %parallel_loop3A_897 = arith.index_cast %parallel_loop3A_786 : i32 to index
        %parallel_loop3A_898 = tpu.vector_load %arg7[%parallel_loop3A_894, %parallel_loop3A_895, %parallel_loop3A_896, %parallel_loop3A_897] {strides = array<i32>} : memref<2x16x8x128xf32, #tpu.memory_space<vmem>>, vector<16xf32>,
        tpu.vector_store %arg7[%parallel_loop3A_894, %parallel_loop3A_895, %parallel_loop3A_896, %parallel_loop3A_897], %parallel_loop3A_891 {strides = array<i32>} : memref<2x16x8x128xf32, #tpu.memory_space<vmem>>, vector<16xf32>,
        %parallel_loop3A_899 = arith.constant 4 : i32
        %parallel_loop3A_900 = arith.muli %parallel_loop3A_899, %select_n3A_9 : i32
        %parallel_loop3A_901 = arith.constant 3 : i32
        %parallel_loop3A_902 = arith.addi %parallel_loop3A_900, %parallel_loop3A_901 : i32
        %parallel_loop3A_903 = vector.broadcast %parallel_loop3A_902 : i32 to vector<16xi32>
        %parallel_loop3A_904 = arith.xori %parallel_loop3A_811, %parallel_loop3A_903 : vector<16xi32>
        %parallel_loop3A_905 = arith.addi %parallel_loop3A_808, %parallel_loop3A_904 : vector<16xi32>
        %parallel_loop3A_906 = tpu.vector_load_idx %arg5[%parallel_loop3A_905] : memref<65536xi32, #tpu.memory_space<vmem>>[vector<16xi32>], vector<16xi32>,
        %parallel_loop3A_907 = arith.constant 16 : i32
        %parallel_loop3A_908 = vector.broadcast %parallel_loop3A_907 : i32 to vector<16xi32>
        %parallel_loop3A_909 = arith.shli %parallel_loop3A_906, %parallel_loop3A_908 : vector<16xi32>
        %parallel_loop3A_910 = arith.andi %parallel_loop3A_909, %parallel_loop3A_799 : vector<16xi32>
        %parallel_loop3A_911 = arith.andi %parallel_loop3A_906, %parallel_loop3A_802 : vector<16xi32>
        %parallel_loop3A_912 = vector.bitcast %parallel_loop3A_910 : vector<16xi32> to vector<16xf32>
        %parallel_loop3A_913 = arith.constant 0 : i32
        %parallel_loop3A_914 = arith.constant 6 : i32
        %parallel_loop3A_915 = arith.index_cast %parallel_loop3A_913 : i32 to index
        %parallel_loop3A_916 = arith.index_cast %parallel_loop3A_283 : i32 to index
        %parallel_loop3A_917 = arith.index_cast %parallel_loop3A_914 : i32 to index
        %parallel_loop3A_918 = arith.index_cast %parallel_loop3A_786 : i32 to index
        %parallel_loop3A_919 = tpu.vector_load %arg7[%parallel_loop3A_915, %parallel_loop3A_916, %parallel_loop3A_917, %parallel_loop3A_918] {strides = array<i32>} : memref<2x16x8x128xf32, #tpu.memory_space<vmem>>, vector<16xf32>,
        tpu.vector_store %arg7[%parallel_loop3A_915, %parallel_loop3A_916, %parallel_loop3A_917, %parallel_loop3A_918], %parallel_loop3A_912 {strides = array<i32>} : memref<2x16x8x128xf32, #tpu.memory_space<vmem>>, vector<16xf32>,
        %parallel_loop3A_920 = vector.bitcast %parallel_loop3A_911 : vector<16xi32> to vector<16xf32>
        %parallel_loop3A_921 = arith.constant 0 : i32
        %parallel_loop3A_922 = arith.constant 7 : i32
        %parallel_loop3A_923 = arith.index_cast %parallel_loop3A_921 : i32 to index
        %parallel_loop3A_924 = arith.index_cast %parallel_loop3A_283 : i32 to index
        %parallel_loop3A_925 = arith.index_cast %parallel_loop3A_922 : i32 to index
        %parallel_loop3A_926 = arith.index_cast %parallel_loop3A_786 : i32 to index
        %parallel_loop3A_927 = tpu.vector_load %arg7[%parallel_loop3A_923, %parallel_loop3A_924, %parallel_loop3A_925, %parallel_loop3A_926] {strides = array<i32>} : memref<2x16x8x128xf32, #tpu.memory_space<vmem>>, vector<16xf32>,
        tpu.vector_store %arg7[%parallel_loop3A_923, %parallel_loop3A_924, %parallel_loop3A_925, %parallel_loop3A_926], %parallel_loop3A_920 {strides = array<i32>} : memref<2x16x8x128xf32, #tpu.memory_space<vmem>>, vector<16xf32>,
      } {sc.loop_unroll_factor = 1 : i64, sc.parallel_access}
      %mul3A_171 = arith.constant 2 : i32
      %mul3A_172 = arith.muli %mul3A_171, %add3A_152 : i32
      %add3A_173 = arith.addi %select_n3A_70, %mul3A_172 : i32
      %mul3A_174 = arith.constant 16 : i32
      %mul3A_175 = arith.muli %mul3A_174, %select_n3A_46 : i32
      %dma_start3A_176 = arith.constant 0 : i32
      %dma_start3A_177 = arith.constant 0 : i32
      %dma_start3A_178 = arith.constant 0 : i32
      %dma_start3A_179 = arith.constant 0 : i32
      %dma_start3A_180 = tpu.memref_slice %arg7[%dma_start3A_176, %dma_start3A_177, %dma_start3A_178, %dma_start3A_179] : memref<2x16x8x128xf32, #tpu.memory_space<vmem>> -> memref<1x16x8x128xf32, #tpu.memory_space<vmem>>
      %dma_start3A_181 = tpu.memref_squeeze %dma_start3A_180 : memref<1x16x8x128xf32, #tpu.memory_space<vmem>> -> memref<16x8x128xf32, #tpu.memory_space<vmem>>
      %dma_start3A_182 = arith.constant 0 : i32
      %dma_start3A_183 = arith.constant 0 : i32
      %dma_start3A_184 = tpu.memref_slice %arg4[%add3A_173, %select_n3A_9, %mul3A_175, %dma_start3A_182, %dma_start3A_183] : memref<200x8x32x8x128xf32, #tpu.memory_space<hbm>> -> memref<1x1x16x8x128xf32, #tpu.memory_space<hbm>>
      %dma_start3A_185 = tpu.memref_squeeze %dma_start3A_184 : memref<1x1x16x8x128xf32, #tpu.memory_space<hbm>> -> memref<16x8x128xf32, #tpu.memory_space<hbm>>
      %dma_start3A_186 = arith.constant 0 : i32
      %dma_start3A_187 = arith.constant 0 : i32
      %dma_start3A_188 = tpu.memref_slice %arg4[%add3A_173, %select_n3A_9, %mul3A_175, %dma_start3A_186, %dma_start3A_187] : memref<200x8x32x8x128xf32, #tpu.memory_space<hbm>> -> memref<1x1x16x8x128xf32, #tpu.memory_space<hbm>>
      %dma_start3A_189 = tpu.memref_squeeze %dma_start3A_188 : memref<1x1x16x8x128xf32, #tpu.memory_space<hbm>> -> memref<16x8x128xf32, #tpu.memory_space<hbm>>
      %dma_start3A_190 = arith.constant 0 : i32
      %dma_start3A_191 = arith.constant 0 : i32
      %dma_start3A_192 = arith.constant 0 : i32
      %dma_start3A_193 = tpu.memref_slice %arg7[%dma_start3A_176, %dma_start3A_190, %dma_start3A_191, %dma_start3A_192] : memref<2x16x8x128xf32, #tpu.memory_space<vmem>> -> memref<1x16x8x128xf32, #tpu.memory_space<vmem>>
      %dma_start3A_194 = tpu.memref_squeeze %dma_start3A_193 : memref<1x16x8x128xf32, #tpu.memory_space<vmem>> -> memref<16x8x128xf32, #tpu.memory_space<vmem>>
      tpu.enqueue_dma source(%dma_start3A_194 : memref<16x8x128xf32, #tpu.memory_space<vmem>>) target(%dma_start3A_189 : memref<16x8x128xf32, #tpu.memory_space<hbm>>) target_semaphore(%arg10 : memref<!tpu.dma_semaphore, #tpu.memory_space<semaphore_mem>>)
      %add3A_195 = arith.constant 2 : i32
      %add3A_196 = arith.addi %add3A_152, %add3A_195 : i32
      %lt3A_197 = arith.constant 100 : i32
      %lt3A_198 = arith.cmpi slt, %add3A_196, %lt3A_197 : i32
      %convert_element_type3A_199 = arith.extui %lt3A_198 : i1 to i32
      %cond3A_200 = arith.constant 0 : i32
      %cond3A_201 = arith.cmpi ne, %convert_element_type3A_199, %cond3A_200 : i32
      scf.if %cond3A_201 {
        %add3A_259 = arith.constant 2 : i32
        %add3A_260 = arith.addi %add3A_152, %add3A_259 : i32
        %mul3A_261 = arith.constant 2 : i32
        %mul3A_262 = arith.muli %mul3A_261, %add3A_260 : i32
        %add3A_263 = arith.addi %select_n3A_70, %mul3A_262 : i32
        %dma_start3A_264 = arith.constant 0 : i32
        %dma_start3A_265 = arith.constant 0 : i32
        %dma_start3A_266 = tpu.memref_slice %arg6[%dma_start3A_264, %dma_start3A_265] : memref<2x2048xi32, #tpu.memory_space<vmem>> -> memref<1x2048xi32, #tpu.memory_space<vmem>>
        %dma_start3A_267 = tpu.memref_squeeze %dma_start3A_266 : memref<1x2048xi32, #tpu.memory_space<vmem>> -> memref<2048xi32, #tpu.memory_space<vmem>>
        %dma_start3A_268 = tpu.memref_slice %arg3[%add3A_263, %mul3A_72] : memref<200x4096xi32, #tpu.memory_space<hbm>> -> memref<1x2048xi32, #tpu.memory_space<hbm>>
        %dma_start3A_269 = tpu.memref_squeeze %dma_start3A_268 : memref<1x2048xi32, #tpu.memory_space<hbm>> -> memref<2048xi32, #tpu.memory_space<hbm>>
        %dma_start3A_270 = arith.constant 0 : i32
        %dma_start3A_271 = tpu.memref_slice %arg6[%dma_start3A_264, %dma_start3A_270] : memref<2x2048xi32, #tpu.memory_space<vmem>> -> memref<1x2048xi32, #tpu.memory_space<vmem>>
        %dma_start3A_272 = tpu.memref_squeeze %dma_start3A_271 : memref<1x2048xi32, #tpu.memory_space<vmem>> -> memref<2048xi32, #tpu.memory_space<vmem>>
        %dma_start3A_273 = tpu.memref_slice %arg3[%add3A_263, %mul3A_72] : memref<200x4096xi32, #tpu.memory_space<hbm>> -> memref<1x2048xi32, #tpu.memory_space<hbm>>
        %dma_start3A_274 = tpu.memref_squeeze %dma_start3A_273 : memref<1x2048xi32, #tpu.memory_space<hbm>> -> memref<2048xi32, #tpu.memory_space<hbm>>
        tpu.enqueue_dma source(%dma_start3A_274 : memref<2048xi32, #tpu.memory_space<hbm>>) target(%dma_start3A_272 : memref<2048xi32, #tpu.memory_space<vmem>>) target_semaphore(%arg8 : memref<!tpu.dma_semaphore, #tpu.memory_space<semaphore_mem>>)
      } else {
      }
      %mul3A_202 = arith.constant 2 : i32
      %mul3A_203 = arith.muli %scan3A_148, %mul3A_202 : i32
      %add3A_204 = arith.constant 1 : i32
      %add3A_205 = arith.addi %mul3A_203, %add3A_204 : i32
      %ge3A_206 = arith.constant 2 : i32
      %ge3A_207 = arith.cmpi sge, %add3A_205, %ge3A_206 : i32
      %convert_element_type3A_208 = arith.extui %ge3A_207 : i1 to i32
      %cond3A_209 = arith.constant 0 : i32
      %cond3A_210 = arith.cmpi ne, %convert_element_type3A_208, %cond3A_209 : i32
      scf.if %cond3A_210 {
        %sub3A_259 = arith.constant 2 : i32
        %sub3A_260 = arith.subi %add3A_205, %sub3A_259 : i32
        %mul3A_261 = arith.constant 2 : i32
        %mul3A_262 = arith.muli %mul3A_261, %sub3A_260 : i32
        %add3A_263 = arith.addi %select_n3A_70, %mul3A_262 : i32
        %mul3A_264 = arith.constant 16 : i32
        %mul3A_265 = arith.muli %mul3A_264, %select_n3A_46 : i32
        %dma_wait3A_266 = arith.constant 1 : i32
        %dma_wait3A_267 = arith.constant 0 : i32
        %dma_wait3A_268 = arith.constant 0 : i32
        %dma_wait3A_269 = arith.constant 0 : i32
        %dma_wait3A_270 = tpu.memref_slice %arg7[%dma_wait3A_266, %dma_wait3A_267, %dma_wait3A_268, %dma_wait3A_269] : memref<2x16x8x128xf32, #tpu.memory_space<vmem>> -> memref<1x16x8x128xf32, #tpu.memory_space<vmem>>
        %dma_wait3A_271 = tpu.memref_squeeze %dma_wait3A_270 : memref<1x16x8x128xf32, #tpu.memory_space<vmem>> -> memref<16x8x128xf32, #tpu.memory_space<vmem>>
        %dma_wait3A_272 = arith.constant 0 : i32
        %dma_wait3A_273 = arith.constant 0 : i32
        %dma_wait3A_274 = tpu.memref_slice %arg4[%add3A_263, %select_n3A_9, %mul3A_265, %dma_wait3A_272, %dma_wait3A_273] : memref<200x8x32x8x128xf32, #tpu.memory_space<hbm>> -> memref<1x1x16x8x128xf32, #tpu.memory_space<hbm>>
        %dma_wait3A_275 = tpu.memref_squeeze %dma_wait3A_274 : memref<1x1x16x8x128xf32, #tpu.memory_space<hbm>> -> memref<16x8x128xf32, #tpu.memory_space<hbm>>
        %dma_wait3A_276 = arith.constant 0 : i32
        %dma_wait3A_277 = arith.constant 0 : i32
        %dma_wait3A_278 = tpu.memref_slice %arg4[%add3A_263, %select_n3A_9, %mul3A_265, %dma_wait3A_276, %dma_wait3A_277] : memref<200x8x32x8x128xf32, #tpu.memory_space<hbm>> -> memref<1x1x16x8x128xf32, #tpu.memory_space<hbm>>
        %dma_wait3A_279 = tpu.memref_squeeze %dma_wait3A_278 : memref<1x1x16x8x128xf32, #tpu.memory_space<hbm>> -> memref<16x8x128xf32, #tpu.memory_space<hbm>>
        %dma_wait3A_280 = arith.constant 0 : i32
        %dma_wait3A_281 = arith.constant 0 : i32
        %dma_wait3A_282 = arith.constant 0 : i32
        %dma_wait3A_283 = tpu.memref_slice %arg7[%dma_wait3A_266, %dma_wait3A_280, %dma_wait3A_281, %dma_wait3A_282] : memref<2x16x8x128xf32, #tpu.memory_space<vmem>> -> memref<1x16x8x128xf32, #tpu.memory_space<vmem>>
        %dma_wait3A_284 = tpu.memref_squeeze %dma_wait3A_283 : memref<1x16x8x128xf32, #tpu.memory_space<vmem>> -> memref<16x8x128xf32, #tpu.memory_space<vmem>>
        tpu.wait_dma2 semaphore(%arg11 : memref<!tpu.dma_semaphore, #tpu.memory_space<semaphore_mem>>) src(%dma_wait3A_284 : memref<16x8x128xf32, #tpu.memory_space<vmem>>) dst(%dma_wait3A_279 : memref<16x8x128xf32, #tpu.memory_space<hbm>>)
      } else {
      }
      %mul3A_211 = arith.constant 2 : i32
      %mul3A_212 = arith.muli %mul3A_211, %add3A_205 : i32
      %add3A_213 = arith.addi %select_n3A_70, %mul3A_212 : i32
      %dma_wait3A_214 = arith.constant 1 : i32
      %dma_wait3A_215 = arith.constant 0 : i32
      %dma_wait3A_216 = tpu.memref_slice %arg6[%dma_wait3A_214, %dma_wait3A_215] : memref<2x2048xi32, #tpu.memory_space<vmem>> -> memref<1x2048xi32, #tpu.memory_space<vmem>>
      %dma_wait3A_217 = tpu.memref_squeeze %dma_wait3A_216 : memref<1x2048xi32, #tpu.memory_space<vmem>> -> memref<2048xi32, #tpu.memory_space<vmem>>
      %dma_wait3A_218 = tpu.memref_slice %arg3[%add3A_213, %mul3A_72] : memref<200x4096xi32, #tpu.memory_space<hbm>> -> memref<1x2048xi32, #tpu.memory_space<hbm>>
      %dma_wait3A_219 = tpu.memref_squeeze %dma_wait3A_218 : memref<1x2048xi32, #tpu.memory_space<hbm>> -> memref<2048xi32, #tpu.memory_space<hbm>>
      %dma_wait3A_220 = arith.constant 0 : i32
      %dma_wait3A_221 = tpu.memref_slice %arg6[%dma_wait3A_214, %dma_wait3A_220] : memref<2x2048xi32, #tpu.memory_space<vmem>> -> memref<1x2048xi32, #tpu.memory_space<vmem>>
      %dma_wait3A_222 = tpu.memref_squeeze %dma_wait3A_221 : memref<1x2048xi32, #tpu.memory_space<vmem>> -> memref<2048xi32, #tpu.memory_space<vmem>>
      %dma_wait3A_223 = tpu.memref_slice %arg3[%add3A_213, %mul3A_72] : memref<200x4096xi32, #tpu.memory_space<hbm>> -> memref<1x2048xi32, #tpu.memory_space<hbm>>
      %dma_wait3A_224 = tpu.memref_squeeze %dma_wait3A_223 : memref<1x2048xi32, #tpu.memory_space<hbm>> -> memref<2048xi32, #tpu.memory_space<hbm>>
      tpu.wait_dma2 semaphore(%arg9 : memref<!tpu.dma_semaphore, #tpu.memory_space<semaphore_mem>>) src(%dma_wait3A_224 : memref<2048xi32, #tpu.memory_space<hbm>>) dst(%dma_wait3A_222 : memref<2048xi32, #tpu.memory_space<vmem>>)
      %parallel_loop3A_225 = arith.constant 0 : i32
      %parallel_loop3A_226 = arith.constant 32 : i32
      %parallel_loop3A_227 = arith.constant 1 : i32
      scf.for %parallel_loop3A_259 = %parallel_loop3A_225 to %parallel_loop3A_226 step %parallel_loop3A_227  : i32 {
        %parallel_loop3A_260 = arith.constant 2 : i32
        %parallel_loop3A_261 = arith.divsi %parallel_loop3A_259, %parallel_loop3A_260 : i32
        %parallel_loop3A_262 = arith.constant 0 : i32
        %parallel_loop3A_263 = arith.cmpi sgt, %parallel_loop3A_259, %parallel_loop3A_262 : i32
        %parallel_loop3A_264 = arith.extui %parallel_loop3A_263 : i1 to i32
        %parallel_loop3A_265 = arith.constant 0 : i32
        %parallel_loop3A_266 = arith.cmpi slt, %parallel_loop3A_259, %parallel_loop3A_265 : i32
        %parallel_loop3A_267 = arith.extui %parallel_loop3A_266 : i1 to i32
        %parallel_loop3A_268 = arith.subi %parallel_loop3A_264, %parallel_loop3A_267 : i32
        %parallel_loop3A_269 = arith.constant 0 : i32
        %parallel_loop3A_270 = arith.cmpi sgt, %parallel_loop3A_260, %parallel_loop3A_269 : i32
        %parallel_loop3A_271 = arith.extui %parallel_loop3A_270 : i1 to i32
        %parallel_loop3A_272 = arith.constant 0 : i32
        %parallel_loop3A_273 = arith.cmpi slt, %parallel_loop3A_260, %parallel_loop3A_272 : i32
        %parallel_loop3A_274 = arith.extui %parallel_loop3A_273 : i1 to i32
        %parallel_loop3A_275 = arith.subi %parallel_loop3A_271, %parallel_loop3A_274 : i32
        %parallel_loop3A_276 = arith.cmpi ne, %parallel_loop3A_268, %parallel_loop3A_275 : i32
        %parallel_loop3A_277 = arith.remsi %parallel_loop3A_259, %parallel_loop3A_260 : i32
        %parallel_loop3A_278 = arith.constant 0 : i32
        %parallel_loop3A_279 = arith.cmpi ne, %parallel_loop3A_277, %parallel_loop3A_278 : i32
        %parallel_loop3A_280 = arith.andi %parallel_loop3A_276, %parallel_loop3A_279 : i1
        %parallel_loop3A_281 = arith.constant 1 : i32
        %parallel_loop3A_282 = arith.subi %parallel_loop3A_261, %parallel_loop3A_281 : i32
        %parallel_loop3A_283 = arith.select %parallel_loop3A_280, %parallel_loop3A_282, %parallel_loop3A_261 : i32
        %parallel_loop3A_284 = arith.constant 2 : i32
        %parallel_loop3A_285 = arith.constant 0 : i32
        %parallel_loop3A_286 = arith.cmpi eq, %parallel_loop3A_284, %parallel_loop3A_285 : i32
        %parallel_loop3A_287 = arith.constant 1 : i32
        %parallel_loop3A_288 = arith.select %parallel_loop3A_286, %parallel_loop3A_287, %parallel_loop3A_284 : i32
        %parallel_loop3A_289 = arith.remsi %parallel_loop3A_259, %parallel_loop3A_288 : i32
        %parallel_loop3A_290 = arith.constant 0 : i32
        %parallel_loop3A_291 = arith.cmpi ne, %parallel_loop3A_289, %parallel_loop3A_290 : i32
        %parallel_loop3A_292 = arith.constant 0 : i32
        %parallel_loop3A_293 = arith.cmpi slt, %parallel_loop3A_289, %parallel_loop3A_292 : i32
        %parallel_loop3A_294 = arith.constant 0 : i32
        %parallel_loop3A_295 = arith.cmpi slt, %parallel_loop3A_288, %parallel_loop3A_294 : i32
        %parallel_loop3A_296 = arith.xori %parallel_loop3A_293, %parallel_loop3A_295 : i1
        %parallel_loop3A_297 = arith.andi %parallel_loop3A_296, %parallel_loop3A_291 : i1
        %parallel_loop3A_298 = arith.addi %parallel_loop3A_289, %parallel_loop3A_288 : i32
        %parallel_loop3A_299 = arith.select %parallel_loop3A_297, %parallel_loop3A_298, %parallel_loop3A_289 : i32
        %parallel_loop3A_300 = arith.constant 64 : i32
        %parallel_loop3A_301 = arith.muli %parallel_loop3A_299, %parallel_loop3A_300 : i32
        %parallel_loop3A_302 = arith.constant 0 : i32
        %parallel_loop3A_303 = arith.addi %parallel_loop3A_301, %parallel_loop3A_302 : i32
        %parallel_loop3A_304 = arith.constant 128 : i32
        %parallel_loop3A_305 = arith.muli %parallel_loop3A_283, %parallel_loop3A_304 : i32
        %parallel_loop3A_306 = arith.addi %parallel_loop3A_305, %parallel_loop3A_303 : i32
        %parallel_loop3A_307 = arith.constant 1 : i32
        %parallel_loop3A_308 = arith.index_cast %parallel_loop3A_307 : i32 to index
        %parallel_loop3A_309 = arith.index_cast %parallel_loop3A_306 : i32 to index
        %parallel_loop3A_310 = tpu.vector_load %arg6[%parallel_loop3A_308, %parallel_loop3A_309] {strides = array<i32>} : memref<2x2048xi32, #tpu.memory_space<vmem>>, vector<16xi32>,
        %parallel_loop3A_311 = arith.constant 16 : i32
        %parallel_loop3A_312 = vector.broadcast %parallel_loop3A_311 : i32 to vector<16xi32>
        %parallel_loop3A_313 = arith.shrsi %parallel_loop3A_310, %parallel_loop3A_312 : vector<16xi32>
        %parallel_loop3A_314 = arith.constant 0 : i32
        %parallel_loop3A_315 = vector.broadcast %parallel_loop3A_314 : i32 to vector<16xi32>
        %parallel_loop3A_316 = arith.subi %parallel_loop3A_315, %parallel_loop3A_313 : vector<16xi32>
        %parallel_loop3A_317 = arith.constant -65536 : i32
        %parallel_loop3A_318 = vector.broadcast %parallel_loop3A_317 : i32 to vector<16xi32>
        %parallel_loop3A_319 = arith.andi %parallel_loop3A_316, %parallel_loop3A_318 : vector<16xi32>
        %parallel_loop3A_320 = arith.constant 65535 : i32
        %parallel_loop3A_321 = vector.broadcast %parallel_loop3A_320 : i32 to vector<16xi32>
        %parallel_loop3A_322 = arith.andi %parallel_loop3A_310, %parallel_loop3A_321 : vector<16xi32>
        %parallel_loop3A_323 = arith.constant 5 : i32
        %parallel_loop3A_324 = vector.broadcast %parallel_loop3A_323 : i32 to vector<16xi32>
        %parallel_loop3A_325 = arith.shli %parallel_loop3A_322, %parallel_loop3A_324 : vector<16xi32>
        %parallel_loop3A_326 = arith.constant 31 : i32
        %parallel_loop3A_327 = vector.broadcast %parallel_loop3A_326 : i32 to vector<16xi32>
        %parallel_loop3A_328 = arith.andi %parallel_loop3A_322, %parallel_loop3A_327 : vector<16xi32>
        %parallel_loop3A_329 = arith.constant 4 : i32
        %parallel_loop3A_330 = arith.muli %parallel_loop3A_329, %select_n3A_9 : i32
        %parallel_loop3A_331 = arith.constant 0 : i32
        %parallel_loop3A_332 = arith.addi %parallel_loop3A_330, %parallel_loop3A_331 : i32
        %parallel_loop3A_333 = vector.broadcast %parallel_loop3A_332 : i32 to vector<16xi32>
        %parallel_loop3A_334 = arith.xori %parallel_loop3A_328, %parallel_loop3A_333 : vector<16xi32>
        %parallel_loop3A_335 = arith.addi %parallel_loop3A_325, %parallel_loop3A_334 : vector<16xi32>
        %parallel_loop3A_336 = tpu.vector_load_idx %arg5[%parallel_loop3A_335] : memref<65536xi32, #tpu.memory_space<vmem>>[vector<16xi32>], vector<16xi32>,
        %parallel_loop3A_337 = arith.constant 16 : i32
        %parallel_loop3A_338 = vector.broadcast %parallel_loop3A_337 : i32 to vector<16xi32>
        %parallel_loop3A_339 = arith.shli %parallel_loop3A_336, %parallel_loop3A_338 : vector<16xi32>
        %parallel_loop3A_340 = arith.andi %parallel_loop3A_339, %parallel_loop3A_316 : vector<16xi32>
        %parallel_loop3A_341 = arith.andi %parallel_loop3A_336, %parallel_loop3A_319 : vector<16xi32>
        %parallel_loop3A_342 = vector.bitcast %parallel_loop3A_340 : vector<16xi32> to vector<16xf32>
        %parallel_loop3A_343 = arith.constant 1 : i32
        %parallel_loop3A_344 = arith.constant 0 : i32
        %parallel_loop3A_345 = arith.index_cast %parallel_loop3A_343 : i32 to index
        %parallel_loop3A_346 = arith.index_cast %parallel_loop3A_283 : i32 to index
        %parallel_loop3A_347 = arith.index_cast %parallel_loop3A_344 : i32 to index
        %parallel_loop3A_348 = arith.index_cast %parallel_loop3A_303 : i32 to index
        %parallel_loop3A_349 = tpu.vector_load %arg7[%parallel_loop3A_345, %parallel_loop3A_346, %parallel_loop3A_347, %parallel_loop3A_348] {strides = array<i32>} : memref<2x16x8x128xf32, #tpu.memory_space<vmem>>, vector<16xf32>,
        tpu.vector_store %arg7[%parallel_loop3A_345, %parallel_loop3A_346, %parallel_loop3A_347, %parallel_loop3A_348], %parallel_loop3A_342 {strides = array<i32>} : memref<2x16x8x128xf32, #tpu.memory_space<vmem>>, vector<16xf32>,
        %parallel_loop3A_350 = vector.bitcast %parallel_loop3A_341 : vector<16xi32> to vector<16xf32>
        %parallel_loop3A_351 = arith.constant 1 : i32
        %parallel_loop3A_352 = arith.constant 1 : i32
        %parallel_loop3A_353 = arith.index_cast %parallel_loop3A_351 : i32 to index
        %parallel_loop3A_354 = arith.index_cast %parallel_loop3A_283 : i32 to index
        %parallel_loop3A_355 = arith.index_cast %parallel_loop3A_352 : i32 to index
        %parallel_loop3A_356 = arith.index_cast %parallel_loop3A_303 : i32 to index
        %parallel_loop3A_357 = tpu.vector_load %arg7[%parallel_loop3A_353, %parallel_loop3A_354, %parallel_loop3A_355, %parallel_loop3A_356] {strides = array<i32>} : memref<2x16x8x128xf32, #tpu.memory_space<vmem>>, vector<16xf32>,
        tpu.vector_store %arg7[%parallel_loop3A_353, %parallel_loop3A_354, %parallel_loop3A_355, %parallel_loop3A_356], %parallel_loop3A_350 {strides = array<i32>} : memref<2x16x8x128xf32, #tpu.memory_space<vmem>>, vector<16xf32>,
        %parallel_loop3A_358 = arith.constant 4 : i32
        %parallel_loop3A_359 = arith.muli %parallel_loop3A_358, %select_n3A_9 : i32
        %parallel_loop3A_360 = arith.constant 1 : i32
        %parallel_loop3A_361 = arith.addi %parallel_loop3A_359, %parallel_loop3A_360 : i32
        %parallel_loop3A_362 = vector.broadcast %parallel_loop3A_361 : i32 to vector<16xi32>
        %parallel_loop3A_363 = arith.xori %parallel_loop3A_328, %parallel_loop3A_362 : vector<16xi32>
        %parallel_loop3A_364 = arith.addi %parallel_loop3A_325, %parallel_loop3A_363 : vector<16xi32>
        %parallel_loop3A_365 = tpu.vector_load_idx %arg5[%parallel_loop3A_364] : memref<65536xi32, #tpu.memory_space<vmem>>[vector<16xi32>], vector<16xi32>,
        %parallel_loop3A_366 = arith.constant 16 : i32
        %parallel_loop3A_367 = vector.broadcast %parallel_loop3A_366 : i32 to vector<16xi32>
        %parallel_loop3A_368 = arith.shli %parallel_loop3A_365, %parallel_loop3A_367 : vector<16xi32>
        %parallel_loop3A_369 = arith.andi %parallel_loop3A_368, %parallel_loop3A_316 : vector<16xi32>
        %parallel_loop3A_370 = arith.andi %parallel_loop3A_365, %parallel_loop3A_319 : vector<16xi32>
        %parallel_loop3A_371 = vector.bitcast %parallel_loop3A_369 : vector<16xi32> to vector<16xf32>
        %parallel_loop3A_372 = arith.constant 1 : i32
        %parallel_loop3A_373 = arith.constant 2 : i32
        %parallel_loop3A_374 = arith.index_cast %parallel_loop3A_372 : i32 to index
        %parallel_loop3A_375 = arith.index_cast %parallel_loop3A_283 : i32 to index
        %parallel_loop3A_376 = arith.index_cast %parallel_loop3A_373 : i32 to index
        %parallel_loop3A_377 = arith.index_cast %parallel_loop3A_303 : i32 to index
        %parallel_loop3A_378 = tpu.vector_load %arg7[%parallel_loop3A_374, %parallel_loop3A_375, %parallel_loop3A_376, %parallel_loop3A_377] {strides = array<i32>} : memref<2x16x8x128xf32, #tpu.memory_space<vmem>>, vector<16xf32>,
        tpu.vector_store %arg7[%parallel_loop3A_374, %parallel_loop3A_375, %parallel_loop3A_376, %parallel_loop3A_377], %parallel_loop3A_371 {strides = array<i32>} : memref<2x16x8x128xf32, #tpu.memory_space<vmem>>, vector<16xf32>,
        %parallel_loop3A_379 = vector.bitcast %parallel_loop3A_370 : vector<16xi32> to vector<16xf32>
        %parallel_loop3A_380 = arith.constant 1 : i32
        %parallel_loop3A_381 = arith.constant 3 : i32
        %parallel_loop3A_382 = arith.index_cast %parallel_loop3A_380 : i32 to index
        %parallel_loop3A_383 = arith.index_cast %parallel_loop3A_283 : i32 to index
        %parallel_loop3A_384 = arith.index_cast %parallel_loop3A_381 : i32 to index
        %parallel_loop3A_385 = arith.index_cast %parallel_loop3A_303 : i32 to index
        %parallel_loop3A_386 = tpu.vector_load %arg7[%parallel_loop3A_382, %parallel_loop3A_383, %parallel_loop3A_384, %parallel_loop3A_385] {strides = array<i32>} : memref<2x16x8x128xf32, #tpu.memory_space<vmem>>, vector<16xf32>,
        tpu.vector_store %arg7[%parallel_loop3A_382, %parallel_loop3A_383, %parallel_loop3A_384, %parallel_loop3A_385], %parallel_loop3A_379 {strides = array<i32>} : memref<2x16x8x128xf32, #tpu.memory_space<vmem>>, vector<16xf32>,
        %parallel_loop3A_387 = arith.constant 4 : i32
        %parallel_loop3A_388 = arith.muli %parallel_loop3A_387, %select_n3A_9 : i32
        %parallel_loop3A_389 = arith.constant 2 : i32
        %parallel_loop3A_390 = arith.addi %parallel_loop3A_388, %parallel_loop3A_389 : i32
        %parallel_loop3A_391 = vector.broadcast %parallel_loop3A_390 : i32 to vector<16xi32>
        %parallel_loop3A_392 = arith.xori %parallel_loop3A_328, %parallel_loop3A_391 : vector<16xi32>
        %parallel_loop3A_393 = arith.addi %parallel_loop3A_325, %parallel_loop3A_392 : vector<16xi32>
        %parallel_loop3A_394 = tpu.vector_load_idx %arg5[%parallel_loop3A_393] : memref<65536xi32, #tpu.memory_space<vmem>>[vector<16xi32>], vector<16xi32>,
        %parallel_loop3A_395 = arith.constant 16 : i32
        %parallel_loop3A_396 = vector.broadcast %parallel_loop3A_395 : i32 to vector<16xi32>
        %parallel_loop3A_397 = arith.shli %parallel_loop3A_394, %parallel_loop3A_396 : vector<16xi32>
        %parallel_loop3A_398 = arith.andi %parallel_loop3A_397, %parallel_loop3A_316 : vector<16xi32>
        %parallel_loop3A_399 = arith.andi %parallel_loop3A_394, %parallel_loop3A_319 : vector<16xi32>
        %parallel_loop3A_400 = vector.bitcast %parallel_loop3A_398 : vector<16xi32> to vector<16xf32>
        %parallel_loop3A_401 = arith.constant 1 : i32
        %parallel_loop3A_402 = arith.constant 4 : i32
        %parallel_loop3A_403 = arith.index_cast %parallel_loop3A_401 : i32 to index
        %parallel_loop3A_404 = arith.index_cast %parallel_loop3A_283 : i32 to index
        %parallel_loop3A_405 = arith.index_cast %parallel_loop3A_402 : i32 to index
        %parallel_loop3A_406 = arith.index_cast %parallel_loop3A_303 : i32 to index
        %parallel_loop3A_407 = tpu.vector_load %arg7[%parallel_loop3A_403, %parallel_loop3A_404, %parallel_loop3A_405, %parallel_loop3A_406] {strides = array<i32>} : memref<2x16x8x128xf32, #tpu.memory_space<vmem>>, vector<16xf32>,
        tpu.vector_store %arg7[%parallel_loop3A_403, %parallel_loop3A_404, %parallel_loop3A_405, %parallel_loop3A_406], %parallel_loop3A_400 {strides = array<i32>} : memref<2x16x8x128xf32, #tpu.memory_space<vmem>>, vector<16xf32>,
        %parallel_loop3A_408 = vector.bitcast %parallel_loop3A_399 : vector<16xi32> to vector<16xf32>
        %parallel_loop3A_409 = arith.constant 1 : i32
        %parallel_loop3A_410 = arith.constant 5 : i32
        %parallel_loop3A_411 = arith.index_cast %parallel_loop3A_409 : i32 to index
        %parallel_loop3A_412 = arith.index_cast %parallel_loop3A_283 : i32 to index
        %parallel_loop3A_413 = arith.index_cast %parallel_loop3A_410 : i32 to index
        %parallel_loop3A_414 = arith.index_cast %parallel_loop3A_303 : i32 to index
        %parallel_loop3A_415 = tpu.vector_load %arg7[%parallel_loop3A_411, %parallel_loop3A_412, %parallel_loop3A_413, %parallel_loop3A_414] {strides = array<i32>} : memref<2x16x8x128xf32, #tpu.memory_space<vmem>>, vector<16xf32>,
        tpu.vector_store %arg7[%parallel_loop3A_411, %parallel_loop3A_412, %parallel_loop3A_413, %parallel_loop3A_414], %parallel_loop3A_408 {strides = array<i32>} : memref<2x16x8x128xf32, #tpu.memory_space<vmem>>, vector<16xf32>,
        %parallel_loop3A_416 = arith.constant 4 : i32
        %parallel_loop3A_417 = arith.muli %parallel_loop3A_416, %select_n3A_9 : i32
        %parallel_loop3A_418 = arith.constant 3 : i32
        %parallel_loop3A_419 = arith.addi %parallel_loop3A_417, %parallel_loop3A_418 : i32
        %parallel_loop3A_420 = vector.broadcast %parallel_loop3A_419 : i32 to vector<16xi32>
        %parallel_loop3A_421 = arith.xori %parallel_loop3A_328, %parallel_loop3A_420 : vector<16xi32>
        %parallel_loop3A_422 = arith.addi %parallel_loop3A_325, %parallel_loop3A_421 : vector<16xi32>
        %parallel_loop3A_423 = tpu.vector_load_idx %arg5[%parallel_loop3A_422] : memref<65536xi32, #tpu.memory_space<vmem>>[vector<16xi32>], vector<16xi32>,
        %parallel_loop3A_424 = arith.constant 16 : i32
        %parallel_loop3A_425 = vector.broadcast %parallel_loop3A_424 : i32 to vector<16xi32>
        %parallel_loop3A_426 = arith.shli %parallel_loop3A_423, %parallel_loop3A_425 : vector<16xi32>
        %parallel_loop3A_427 = arith.andi %parallel_loop3A_426, %parallel_loop3A_316 : vector<16xi32>
        %parallel_loop3A_428 = arith.andi %parallel_loop3A_423, %parallel_loop3A_319 : vector<16xi32>
        %parallel_loop3A_429 = vector.bitcast %parallel_loop3A_427 : vector<16xi32> to vector<16xf32>
        %parallel_loop3A_430 = arith.constant 1 : i32
        %parallel_loop3A_431 = arith.constant 6 : i32
        %parallel_loop3A_432 = arith.index_cast %parallel_loop3A_430 : i32 to index
        %parallel_loop3A_433 = arith.index_cast %parallel_loop3A_283 : i32 to index
        %parallel_loop3A_434 = arith.index_cast %parallel_loop3A_431 : i32 to index
        %parallel_loop3A_435 = arith.index_cast %parallel_loop3A_303 : i32 to index
        %parallel_loop3A_436 = tpu.vector_load %arg7[%parallel_loop3A_432, %parallel_loop3A_433, %parallel_loop3A_434, %parallel_loop3A_435] {strides = array<i32>} : memref<2x16x8x128xf32, #tpu.memory_space<vmem>>, vector<16xf32>,
        tpu.vector_store %arg7[%parallel_loop3A_432, %parallel_loop3A_433, %parallel_loop3A_434, %parallel_loop3A_435], %parallel_loop3A_429 {strides = array<i32>} : memref<2x16x8x128xf32, #tpu.memory_space<vmem>>, vector<16xf32>,
        %parallel_loop3A_437 = vector.bitcast %parallel_loop3A_428 : vector<16xi32> to vector<16xf32>
        %parallel_loop3A_438 = arith.constant 1 : i32
        %parallel_loop3A_439 = arith.constant 7 : i32
        %parallel_loop3A_440 = arith.index_cast %parallel_loop3A_438 : i32 to index
        %parallel_loop3A_441 = arith.index_cast %parallel_loop3A_283 : i32 to index
        %parallel_loop3A_442 = arith.index_cast %parallel_loop3A_439 : i32 to index
        %parallel_loop3A_443 = arith.index_cast %parallel_loop3A_303 : i32 to index
        %parallel_loop3A_444 = tpu.vector_load %arg7[%parallel_loop3A_440, %parallel_loop3A_441, %parallel_loop3A_442, %parallel_loop3A_443] {strides = array<i32>} : memref<2x16x8x128xf32, #tpu.memory_space<vmem>>, vector<16xf32>,
        tpu.vector_store %arg7[%parallel_loop3A_440, %parallel_loop3A_441, %parallel_loop3A_442, %parallel_loop3A_443], %parallel_loop3A_437 {strides = array<i32>} : memref<2x16x8x128xf32, #tpu.memory_space<vmem>>, vector<16xf32>,
        %parallel_loop3A_445 = arith.constant 2 : i32
        %parallel_loop3A_446 = arith.constant 0 : i32
        %parallel_loop3A_447 = arith.cmpi eq, %parallel_loop3A_445, %parallel_loop3A_446 : i32
        %parallel_loop3A_448 = arith.constant 1 : i32
        %parallel_loop3A_449 = arith.select %parallel_loop3A_447, %parallel_loop3A_448, %parallel_loop3A_445 : i32
        %parallel_loop3A_450 = arith.remsi %parallel_loop3A_259, %parallel_loop3A_449 : i32
        %parallel_loop3A_451 = arith.constant 0 : i32
        %parallel_loop3A_452 = arith.cmpi ne, %parallel_loop3A_450, %parallel_loop3A_451 : i32
        %parallel_loop3A_453 = arith.constant 0 : i32
        %parallel_loop3A_454 = arith.cmpi slt, %parallel_loop3A_450, %parallel_loop3A_453 : i32
        %parallel_loop3A_455 = arith.constant 0 : i32
        %parallel_loop3A_456 = arith.cmpi slt, %parallel_loop3A_449, %parallel_loop3A_455 : i32
        %parallel_loop3A_457 = arith.xori %parallel_loop3A_454, %parallel_loop3A_456 : i1
        %parallel_loop3A_458 = arith.andi %parallel_loop3A_457, %parallel_loop3A_452 : i1
        %parallel_loop3A_459 = arith.addi %parallel_loop3A_450, %parallel_loop3A_449 : i32
        %parallel_loop3A_460 = arith.select %parallel_loop3A_458, %parallel_loop3A_459, %parallel_loop3A_450 : i32
        %parallel_loop3A_461 = arith.constant 64 : i32
        %parallel_loop3A_462 = arith.muli %parallel_loop3A_460, %parallel_loop3A_461 : i32
        %parallel_loop3A_463 = arith.constant 16 : i32
        %parallel_loop3A_464 = arith.addi %parallel_loop3A_462, %parallel_loop3A_463 : i32
        %parallel_loop3A_465 = arith.constant 128 : i32
        %parallel_loop3A_466 = arith.muli %parallel_loop3A_283, %parallel_loop3A_465 : i32
        %parallel_loop3A_467 = arith.addi %parallel_loop3A_466, %parallel_loop3A_464 : i32
        %parallel_loop3A_468 = arith.constant 1 : i32
        %parallel_loop3A_469 = arith.index_cast %parallel_loop3A_468 : i32 to index
        %parallel_loop3A_470 = arith.index_cast %parallel_loop3A_467 : i32 to index
        %parallel_loop3A_471 = tpu.vector_load %arg6[%parallel_loop3A_469, %parallel_loop3A_470] {strides = array<i32>} : memref<2x2048xi32, #tpu.memory_space<vmem>>, vector<16xi32>,
        %parallel_loop3A_472 = arith.constant 16 : i32
        %parallel_loop3A_473 = vector.broadcast %parallel_loop3A_472 : i32 to vector<16xi32>
        %parallel_loop3A_474 = arith.shrsi %parallel_loop3A_471, %parallel_loop3A_473 : vector<16xi32>
        %parallel_loop3A_475 = arith.constant 0 : i32
        %parallel_loop3A_476 = vector.broadcast %parallel_loop3A_475 : i32 to vector<16xi32>
        %parallel_loop3A_477 = arith.subi %parallel_loop3A_476, %parallel_loop3A_474 : vector<16xi32>
        %parallel_loop3A_478 = arith.constant -65536 : i32
        %parallel_loop3A_479 = vector.broadcast %parallel_loop3A_478 : i32 to vector<16xi32>
        %parallel_loop3A_480 = arith.andi %parallel_loop3A_477, %parallel_loop3A_479 : vector<16xi32>
        %parallel_loop3A_481 = arith.constant 65535 : i32
        %parallel_loop3A_482 = vector.broadcast %parallel_loop3A_481 : i32 to vector<16xi32>
        %parallel_loop3A_483 = arith.andi %parallel_loop3A_471, %parallel_loop3A_482 : vector<16xi32>
        %parallel_loop3A_484 = arith.constant 5 : i32
        %parallel_loop3A_485 = vector.broadcast %parallel_loop3A_484 : i32 to vector<16xi32>
        %parallel_loop3A_486 = arith.shli %parallel_loop3A_483, %parallel_loop3A_485 : vector<16xi32>
        %parallel_loop3A_487 = arith.constant 31 : i32
        %parallel_loop3A_488 = vector.broadcast %parallel_loop3A_487 : i32 to vector<16xi32>
        %parallel_loop3A_489 = arith.andi %parallel_loop3A_483, %parallel_loop3A_488 : vector<16xi32>
        %parallel_loop3A_490 = arith.constant 4 : i32
        %parallel_loop3A_491 = arith.muli %parallel_loop3A_490, %select_n3A_9 : i32
        %parallel_loop3A_492 = arith.constant 0 : i32
        %parallel_loop3A_493 = arith.addi %parallel_loop3A_491, %parallel_loop3A_492 : i32
        %parallel_loop3A_494 = vector.broadcast %parallel_loop3A_493 : i32 to vector<16xi32>
        %parallel_loop3A_495 = arith.xori %parallel_loop3A_489, %parallel_loop3A_494 : vector<16xi32>
        %parallel_loop3A_496 = arith.addi %parallel_loop3A_486, %parallel_loop3A_495 : vector<16xi32>
        %parallel_loop3A_497 = tpu.vector_load_idx %arg5[%parallel_loop3A_496] : memref<65536xi32, #tpu.memory_space<vmem>>[vector<16xi32>], vector<16xi32>,
        %parallel_loop3A_498 = arith.constant 16 : i32
        %parallel_loop3A_499 = vector.broadcast %parallel_loop3A_498 : i32 to vector<16xi32>
        %parallel_loop3A_500 = arith.shli %parallel_loop3A_497, %parallel_loop3A_499 : vector<16xi32>
        %parallel_loop3A_501 = arith.andi %parallel_loop3A_500, %parallel_loop3A_477 : vector<16xi32>
        %parallel_loop3A_502 = arith.andi %parallel_loop3A_497, %parallel_loop3A_480 : vector<16xi32>
        %parallel_loop3A_503 = vector.bitcast %parallel_loop3A_501 : vector<16xi32> to vector<16xf32>
        %parallel_loop3A_504 = arith.constant 1 : i32
        %parallel_loop3A_505 = arith.constant 0 : i32
        %parallel_loop3A_506 = arith.index_cast %parallel_loop3A_504 : i32 to index
        %parallel_loop3A_507 = arith.index_cast %parallel_loop3A_283 : i32 to index
        %parallel_loop3A_508 = arith.index_cast %parallel_loop3A_505 : i32 to index
        %parallel_loop3A_509 = arith.index_cast %parallel_loop3A_464 : i32 to index
        %parallel_loop3A_510 = tpu.vector_load %arg7[%parallel_loop3A_506, %parallel_loop3A_507, %parallel_loop3A_508, %parallel_loop3A_509] {strides = array<i32>} : memref<2x16x8x128xf32, #tpu.memory_space<vmem>>, vector<16xf32>,
        tpu.vector_store %arg7[%parallel_loop3A_506, %parallel_loop3A_507, %parallel_loop3A_508, %parallel_loop3A_509], %parallel_loop3A_503 {strides = array<i32>} : memref<2x16x8x128xf32, #tpu.memory_space<vmem>>, vector<16xf32>,
        %parallel_loop3A_511 = vector.bitcast %parallel_loop3A_502 : vector<16xi32> to vector<16xf32>
        %parallel_loop3A_512 = arith.constant 1 : i32
        %parallel_loop3A_513 = arith.constant 1 : i32
        %parallel_loop3A_514 = arith.index_cast %parallel_loop3A_512 : i32 to index
        %parallel_loop3A_515 = arith.index_cast %parallel_loop3A_283 : i32 to index
        %parallel_loop3A_516 = arith.index_cast %parallel_loop3A_513 : i32 to index
        %parallel_loop3A_517 = arith.index_cast %parallel_loop3A_464 : i32 to index
        %parallel_loop3A_518 = tpu.vector_load %arg7[%parallel_loop3A_514, %parallel_loop3A_515, %parallel_loop3A_516, %parallel_loop3A_517] {strides = array<i32>} : memref<2x16x8x128xf32, #tpu.memory_space<vmem>>, vector<16xf32>,
        tpu.vector_store %arg7[%parallel_loop3A_514, %parallel_loop3A_515, %parallel_loop3A_516, %parallel_loop3A_517], %parallel_loop3A_511 {strides = array<i32>} : memref<2x16x8x128xf32, #tpu.memory_space<vmem>>, vector<16xf32>,
        %parallel_loop3A_519 = arith.constant 4 : i32
        %parallel_loop3A_520 = arith.muli %parallel_loop3A_519, %select_n3A_9 : i32
        %parallel_loop3A_521 = arith.constant 1 : i32
        %parallel_loop3A_522 = arith.addi %parallel_loop3A_520, %parallel_loop3A_521 : i32
        %parallel_loop3A_523 = vector.broadcast %parallel_loop3A_522 : i32 to vector<16xi32>
        %parallel_loop3A_524 = arith.xori %parallel_loop3A_489, %parallel_loop3A_523 : vector<16xi32>
        %parallel_loop3A_525 = arith.addi %parallel_loop3A_486, %parallel_loop3A_524 : vector<16xi32>
        %parallel_loop3A_526 = tpu.vector_load_idx %arg5[%parallel_loop3A_525] : memref<65536xi32, #tpu.memory_space<vmem>>[vector<16xi32>], vector<16xi32>,
        %parallel_loop3A_527 = arith.constant 16 : i32
        %parallel_loop3A_528 = vector.broadcast %parallel_loop3A_527 : i32 to vector<16xi32>
        %parallel_loop3A_529 = arith.shli %parallel_loop3A_526, %parallel_loop3A_528 : vector<16xi32>
        %parallel_loop3A_530 = arith.andi %parallel_loop3A_529, %parallel_loop3A_477 : vector<16xi32>
        %parallel_loop3A_531 = arith.andi %parallel_loop3A_526, %parallel_loop3A_480 : vector<16xi32>
        %parallel_loop3A_532 = vector.bitcast %parallel_loop3A_530 : vector<16xi32> to vector<16xf32>
        %parallel_loop3A_533 = arith.constant 1 : i32
        %parallel_loop3A_534 = arith.constant 2 : i32
        %parallel_loop3A_535 = arith.index_cast %parallel_loop3A_533 : i32 to index
        %parallel_loop3A_536 = arith.index_cast %parallel_loop3A_283 : i32 to index
        %parallel_loop3A_537 = arith.index_cast %parallel_loop3A_534 : i32 to index
        %parallel_loop3A_538 = arith.index_cast %parallel_loop3A_464 : i32 to index
        %parallel_loop3A_539 = tpu.vector_load %arg7[%parallel_loop3A_535, %parallel_loop3A_536, %parallel_loop3A_537, %parallel_loop3A_538] {strides = array<i32>} : memref<2x16x8x128xf32, #tpu.memory_space<vmem>>, vector<16xf32>,
        tpu.vector_store %arg7[%parallel_loop3A_535, %parallel_loop3A_536, %parallel_loop3A_537, %parallel_loop3A_538], %parallel_loop3A_532 {strides = array<i32>} : memref<2x16x8x128xf32, #tpu.memory_space<vmem>>, vector<16xf32>,
        %parallel_loop3A_540 = vector.bitcast %parallel_loop3A_531 : vector<16xi32> to vector<16xf32>
        %parallel_loop3A_541 = arith.constant 1 : i32
        %parallel_loop3A_542 = arith.constant 3 : i32
        %parallel_loop3A_543 = arith.index_cast %parallel_loop3A_541 : i32 to index
        %parallel_loop3A_544 = arith.index_cast %parallel_loop3A_283 : i32 to index
        %parallel_loop3A_545 = arith.index_cast %parallel_loop3A_542 : i32 to index
        %parallel_loop3A_546 = arith.index_cast %parallel_loop3A_464 : i32 to index
        %parallel_loop3A_547 = tpu.vector_load %arg7[%parallel_loop3A_543, %parallel_loop3A_544, %parallel_loop3A_545, %parallel_loop3A_546] {strides = array<i32>} : memref<2x16x8x128xf32, #tpu.memory_space<vmem>>, vector<16xf32>,
        tpu.vector_store %arg7[%parallel_loop3A_543, %parallel_loop3A_544, %parallel_loop3A_545, %parallel_loop3A_546], %parallel_loop3A_540 {strides = array<i32>} : memref<2x16x8x128xf32, #tpu.memory_space<vmem>>, vector<16xf32>,
        %parallel_loop3A_548 = arith.constant 4 : i32
        %parallel_loop3A_549 = arith.muli %parallel_loop3A_548, %select_n3A_9 : i32
        %parallel_loop3A_550 = arith.constant 2 : i32
        %parallel_loop3A_551 = arith.addi %parallel_loop3A_549, %parallel_loop3A_550 : i32
        %parallel_loop3A_552 = vector.broadcast %parallel_loop3A_551 : i32 to vector<16xi32>
        %parallel_loop3A_553 = arith.xori %parallel_loop3A_489, %parallel_loop3A_552 : vector<16xi32>
        %parallel_loop3A_554 = arith.addi %parallel_loop3A_486, %parallel_loop3A_553 : vector<16xi32>
        %parallel_loop3A_555 = tpu.vector_load_idx %arg5[%parallel_loop3A_554] : memref<65536xi32, #tpu.memory_space<vmem>>[vector<16xi32>], vector<16xi32>,
        %parallel_loop3A_556 = arith.constant 16 : i32
        %parallel_loop3A_557 = vector.broadcast %parallel_loop3A_556 : i32 to vector<16xi32>
        %parallel_loop3A_558 = arith.shli %parallel_loop3A_555, %parallel_loop3A_557 : vector<16xi32>
        %parallel_loop3A_559 = arith.andi %parallel_loop3A_558, %parallel_loop3A_477 : vector<16xi32>
        %parallel_loop3A_560 = arith.andi %parallel_loop3A_555, %parallel_loop3A_480 : vector<16xi32>
        %parallel_loop3A_561 = vector.bitcast %parallel_loop3A_559 : vector<16xi32> to vector<16xf32>
        %parallel_loop3A_562 = arith.constant 1 : i32
        %parallel_loop3A_563 = arith.constant 4 : i32
        %parallel_loop3A_564 = arith.index_cast %parallel_loop3A_562 : i32 to index
        %parallel_loop3A_565 = arith.index_cast %parallel_loop3A_283 : i32 to index
        %parallel_loop3A_566 = arith.index_cast %parallel_loop3A_563 : i32 to index
        %parallel_loop3A_567 = arith.index_cast %parallel_loop3A_464 : i32 to index
        %parallel_loop3A_568 = tpu.vector_load %arg7[%parallel_loop3A_564, %parallel_loop3A_565, %parallel_loop3A_566, %parallel_loop3A_567] {strides = array<i32>} : memref<2x16x8x128xf32, #tpu.memory_space<vmem>>, vector<16xf32>,
        tpu.vector_store %arg7[%parallel_loop3A_564, %parallel_loop3A_565, %parallel_loop3A_566, %parallel_loop3A_567], %parallel_loop3A_561 {strides = array<i32>} : memref<2x16x8x128xf32, #tpu.memory_space<vmem>>, vector<16xf32>,
        %parallel_loop3A_569 = vector.bitcast %parallel_loop3A_560 : vector<16xi32> to vector<16xf32>
        %parallel_loop3A_570 = arith.constant 1 : i32
        %parallel_loop3A_571 = arith.constant 5 : i32
        %parallel_loop3A_572 = arith.index_cast %parallel_loop3A_570 : i32 to index
        %parallel_loop3A_573 = arith.index_cast %parallel_loop3A_283 : i32 to index
        %parallel_loop3A_574 = arith.index_cast %parallel_loop3A_571 : i32 to index
        %parallel_loop3A_575 = arith.index_cast %parallel_loop3A_464 : i32 to index
        %parallel_loop3A_576 = tpu.vector_load %arg7[%parallel_loop3A_572, %parallel_loop3A_573, %parallel_loop3A_574, %parallel_loop3A_575] {strides = array<i32>} : memref<2x16x8x128xf32, #tpu.memory_space<vmem>>, vector<16xf32>,
        tpu.vector_store %arg7[%parallel_loop3A_572, %parallel_loop3A_573, %parallel_loop3A_574, %parallel_loop3A_575], %parallel_loop3A_569 {strides = array<i32>} : memref<2x16x8x128xf32, #tpu.memory_space<vmem>>, vector<16xf32>,
        %parallel_loop3A_577 = arith.constant 4 : i32
        %parallel_loop3A_578 = arith.muli %parallel_loop3A_577, %select_n3A_9 : i32
        %parallel_loop3A_579 = arith.constant 3 : i32
        %parallel_loop3A_580 = arith.addi %parallel_loop3A_578, %parallel_loop3A_579 : i32
        %parallel_loop3A_581 = vector.broadcast %parallel_loop3A_580 : i32 to vector<16xi32>
        %parallel_loop3A_582 = arith.xori %parallel_loop3A_489, %parallel_loop3A_581 : vector<16xi32>
        %parallel_loop3A_583 = arith.addi %parallel_loop3A_486, %parallel_loop3A_582 : vector<16xi32>
        %parallel_loop3A_584 = tpu.vector_load_idx %arg5[%parallel_loop3A_583] : memref<65536xi32, #tpu.memory_space<vmem>>[vector<16xi32>], vector<16xi32>,
        %parallel_loop3A_585 = arith.constant 16 : i32
        %parallel_loop3A_586 = vector.broadcast %parallel_loop3A_585 : i32 to vector<16xi32>
        %parallel_loop3A_587 = arith.shli %parallel_loop3A_584, %parallel_loop3A_586 : vector<16xi32>
        %parallel_loop3A_588 = arith.andi %parallel_loop3A_587, %parallel_loop3A_477 : vector<16xi32>
        %parallel_loop3A_589 = arith.andi %parallel_loop3A_584, %parallel_loop3A_480 : vector<16xi32>
        %parallel_loop3A_590 = vector.bitcast %parallel_loop3A_588 : vector<16xi32> to vector<16xf32>
        %parallel_loop3A_591 = arith.constant 1 : i32
        %parallel_loop3A_592 = arith.constant 6 : i32
        %parallel_loop3A_593 = arith.index_cast %parallel_loop3A_591 : i32 to index
        %parallel_loop3A_594 = arith.index_cast %parallel_loop3A_283 : i32 to index
        %parallel_loop3A_595 = arith.index_cast %parallel_loop3A_592 : i32 to index
        %parallel_loop3A_596 = arith.index_cast %parallel_loop3A_464 : i32 to index
        %parallel_loop3A_597 = tpu.vector_load %arg7[%parallel_loop3A_593, %parallel_loop3A_594, %parallel_loop3A_595, %parallel_loop3A_596] {strides = array<i32>} : memref<2x16x8x128xf32, #tpu.memory_space<vmem>>, vector<16xf32>,
        tpu.vector_store %arg7[%parallel_loop3A_593, %parallel_loop3A_594, %parallel_loop3A_595, %parallel_loop3A_596], %parallel_loop3A_590 {strides = array<i32>} : memref<2x16x8x128xf32, #tpu.memory_space<vmem>>, vector<16xf32>,
        %parallel_loop3A_598 = vector.bitcast %parallel_loop3A_589 : vector<16xi32> to vector<16xf32>
        %parallel_loop3A_599 = arith.constant 1 : i32
        %parallel_loop3A_600 = arith.constant 7 : i32
        %parallel_loop3A_601 = arith.index_cast %parallel_loop3A_599 : i32 to index
        %parallel_loop3A_602 = arith.index_cast %parallel_loop3A_283 : i32 to index
        %parallel_loop3A_603 = arith.index_cast %parallel_loop3A_600 : i32 to index
        %parallel_loop3A_604 = arith.index_cast %parallel_loop3A_464 : i32 to index
        %parallel_loop3A_605 = tpu.vector_load %arg7[%parallel_loop3A_601, %parallel_loop3A_602, %parallel_loop3A_603, %parallel_loop3A_604] {strides = array<i32>} : memref<2x16x8x128xf32, #tpu.memory_space<vmem>>, vector<16xf32>,
        tpu.vector_store %arg7[%parallel_loop3A_601, %parallel_loop3A_602, %parallel_loop3A_603, %parallel_loop3A_604], %parallel_loop3A_598 {strides = array<i32>} : memref<2x16x8x128xf32, #tpu.memory_space<vmem>>, vector<16xf32>,
        %parallel_loop3A_606 = arith.constant 2 : i32
        %parallel_loop3A_607 = arith.constant 0 : i32
        %parallel_loop3A_608 = arith.cmpi eq, %parallel_loop3A_606, %parallel_loop3A_607 : i32
        %parallel_loop3A_609 = arith.constant 1 : i32
        %parallel_loop3A_610 = arith.select %parallel_loop3A_608, %parallel_loop3A_609, %parallel_loop3A_606 : i32
        %parallel_loop3A_611 = arith.remsi %parallel_loop3A_259, %parallel_loop3A_610 : i32
        %parallel_loop3A_612 = arith.constant 0 : i32
        %parallel_loop3A_613 = arith.cmpi ne, %parallel_loop3A_611, %parallel_loop3A_612 : i32
        %parallel_loop3A_614 = arith.constant 0 : i32
        %parallel_loop3A_615 = arith.cmpi slt, %parallel_loop3A_611, %parallel_loop3A_614 : i32
        %parallel_loop3A_616 = arith.constant 0 : i32
        %parallel_loop3A_617 = arith.cmpi slt, %parallel_loop3A_610, %parallel_loop3A_616 : i32
        %parallel_loop3A_618 = arith.xori %parallel_loop3A_615, %parallel_loop3A_617 : i1
        %parallel_loop3A_619 = arith.andi %parallel_loop3A_618, %parallel_loop3A_613 : i1
        %parallel_loop3A_620 = arith.addi %parallel_loop3A_611, %parallel_loop3A_610 : i32
        %parallel_loop3A_621 = arith.select %parallel_loop3A_619, %parallel_loop3A_620, %parallel_loop3A_611 : i32
        %parallel_loop3A_622 = arith.constant 64 : i32
        %parallel_loop3A_623 = arith.muli %parallel_loop3A_621, %parallel_loop3A_622 : i32
        %parallel_loop3A_624 = arith.constant 32 : i32
        %parallel_loop3A_625 = arith.addi %parallel_loop3A_623, %parallel_loop3A_624 : i32
        %parallel_loop3A_626 = arith.constant 128 : i32
        %parallel_loop3A_627 = arith.muli %parallel_loop3A_283, %parallel_loop3A_626 : i32
        %parallel_loop3A_628 = arith.addi %parallel_loop3A_627, %parallel_loop3A_625 : i32
        %parallel_loop3A_629 = arith.constant 1 : i32
        %parallel_loop3A_630 = arith.index_cast %parallel_loop3A_629 : i32 to index
        %parallel_loop3A_631 = arith.index_cast %parallel_loop3A_628 : i32 to index
        %parallel_loop3A_632 = tpu.vector_load %arg6[%parallel_loop3A_630, %parallel_loop3A_631] {strides = array<i32>} : memref<2x2048xi32, #tpu.memory_space<vmem>>, vector<16xi32>,
        %parallel_loop3A_633 = arith.constant 16 : i32
        %parallel_loop3A_634 = vector.broadcast %parallel_loop3A_633 : i32 to vector<16xi32>
        %parallel_loop3A_635 = arith.shrsi %parallel_loop3A_632, %parallel_loop3A_634 : vector<16xi32>
        %parallel_loop3A_636 = arith.constant 0 : i32
        %parallel_loop3A_637 = vector.broadcast %parallel_loop3A_636 : i32 to vector<16xi32>
        %parallel_loop3A_638 = arith.subi %parallel_loop3A_637, %parallel_loop3A_635 : vector<16xi32>
        %parallel_loop3A_639 = arith.constant -65536 : i32
        %parallel_loop3A_640 = vector.broadcast %parallel_loop3A_639 : i32 to vector<16xi32>
        %parallel_loop3A_641 = arith.andi %parallel_loop3A_638, %parallel_loop3A_640 : vector<16xi32>
        %parallel_loop3A_642 = arith.constant 65535 : i32
        %parallel_loop3A_643 = vector.broadcast %parallel_loop3A_642 : i32 to vector<16xi32>
        %parallel_loop3A_644 = arith.andi %parallel_loop3A_632, %parallel_loop3A_643 : vector<16xi32>
        %parallel_loop3A_645 = arith.constant 5 : i32
        %parallel_loop3A_646 = vector.broadcast %parallel_loop3A_645 : i32 to vector<16xi32>
        %parallel_loop3A_647 = arith.shli %parallel_loop3A_644, %parallel_loop3A_646 : vector<16xi32>
        %parallel_loop3A_648 = arith.constant 31 : i32
        %parallel_loop3A_649 = vector.broadcast %parallel_loop3A_648 : i32 to vector<16xi32>
        %parallel_loop3A_650 = arith.andi %parallel_loop3A_644, %parallel_loop3A_649 : vector<16xi32>
        %parallel_loop3A_651 = arith.constant 4 : i32
        %parallel_loop3A_652 = arith.muli %parallel_loop3A_651, %select_n3A_9 : i32
        %parallel_loop3A_653 = arith.constant 0 : i32
        %parallel_loop3A_654 = arith.addi %parallel_loop3A_652, %parallel_loop3A_653 : i32
        %parallel_loop3A_655 = vector.broadcast %parallel_loop3A_654 : i32 to vector<16xi32>
        %parallel_loop3A_656 = arith.xori %parallel_loop3A_650, %parallel_loop3A_655 : vector<16xi32>
        %parallel_loop3A_657 = arith.addi %parallel_loop3A_647, %parallel_loop3A_656 : vector<16xi32>
        %parallel_loop3A_658 = tpu.vector_load_idx %arg5[%parallel_loop3A_657] : memref<65536xi32, #tpu.memory_space<vmem>>[vector<16xi32>], vector<16xi32>,
        %parallel_loop3A_659 = arith.constant 16 : i32
        %parallel_loop3A_660 = vector.broadcast %parallel_loop3A_659 : i32 to vector<16xi32>
        %parallel_loop3A_661 = arith.shli %parallel_loop3A_658, %parallel_loop3A_660 : vector<16xi32>
        %parallel_loop3A_662 = arith.andi %parallel_loop3A_661, %parallel_loop3A_638 : vector<16xi32>
        %parallel_loop3A_663 = arith.andi %parallel_loop3A_658, %parallel_loop3A_641 : vector<16xi32>
        %parallel_loop3A_664 = vector.bitcast %parallel_loop3A_662 : vector<16xi32> to vector<16xf32>
        %parallel_loop3A_665 = arith.constant 1 : i32
        %parallel_loop3A_666 = arith.constant 0 : i32
        %parallel_loop3A_667 = arith.index_cast %parallel_loop3A_665 : i32 to index
        %parallel_loop3A_668 = arith.index_cast %parallel_loop3A_283 : i32 to index
        %parallel_loop3A_669 = arith.index_cast %parallel_loop3A_666 : i32 to index
        %parallel_loop3A_670 = arith.index_cast %parallel_loop3A_625 : i32 to index
        %parallel_loop3A_671 = tpu.vector_load %arg7[%parallel_loop3A_667, %parallel_loop3A_668, %parallel_loop3A_669, %parallel_loop3A_670] {strides = array<i32>} : memref<2x16x8x128xf32, #tpu.memory_space<vmem>>, vector<16xf32>,
        tpu.vector_store %arg7[%parallel_loop3A_667, %parallel_loop3A_668, %parallel_loop3A_669, %parallel_loop3A_670], %parallel_loop3A_664 {strides = array<i32>} : memref<2x16x8x128xf32, #tpu.memory_space<vmem>>, vector<16xf32>,
        %parallel_loop3A_672 = vector.bitcast %parallel_loop3A_663 : vector<16xi32> to vector<16xf32>
        %parallel_loop3A_673 = arith.constant 1 : i32
        %parallel_loop3A_674 = arith.constant 1 : i32
        %parallel_loop3A_675 = arith.index_cast %parallel_loop3A_673 : i32 to index
        %parallel_loop3A_676 = arith.index_cast %parallel_loop3A_283 : i32 to index
        %parallel_loop3A_677 = arith.index_cast %parallel_loop3A_674 : i32 to index
        %parallel_loop3A_678 = arith.index_cast %parallel_loop3A_625 : i32 to index
        %parallel_loop3A_679 = tpu.vector_load %arg7[%parallel_loop3A_675, %parallel_loop3A_676, %parallel_loop3A_677, %parallel_loop3A_678] {strides = array<i32>} : memref<2x16x8x128xf32, #tpu.memory_space<vmem>>, vector<16xf32>,
        tpu.vector_store %arg7[%parallel_loop3A_675, %parallel_loop3A_676, %parallel_loop3A_677, %parallel_loop3A_678], %parallel_loop3A_672 {strides = array<i32>} : memref<2x16x8x128xf32, #tpu.memory_space<vmem>>, vector<16xf32>,
        %parallel_loop3A_680 = arith.constant 4 : i32
        %parallel_loop3A_681 = arith.muli %parallel_loop3A_680, %select_n3A_9 : i32
        %parallel_loop3A_682 = arith.constant 1 : i32
        %parallel_loop3A_683 = arith.addi %parallel_loop3A_681, %parallel_loop3A_682 : i32
        %parallel_loop3A_684 = vector.broadcast %parallel_loop3A_683 : i32 to vector<16xi32>
        %parallel_loop3A_685 = arith.xori %parallel_loop3A_650, %parallel_loop3A_684 : vector<16xi32>
        %parallel_loop3A_686 = arith.addi %parallel_loop3A_647, %parallel_loop3A_685 : vector<16xi32>
        %parallel_loop3A_687 = tpu.vector_load_idx %arg5[%parallel_loop3A_686] : memref<65536xi32, #tpu.memory_space<vmem>>[vector<16xi32>], vector<16xi32>,
        %parallel_loop3A_688 = arith.constant 16 : i32
        %parallel_loop3A_689 = vector.broadcast %parallel_loop3A_688 : i32 to vector<16xi32>
        %parallel_loop3A_690 = arith.shli %parallel_loop3A_687, %parallel_loop3A_689 : vector<16xi32>
        %parallel_loop3A_691 = arith.andi %parallel_loop3A_690, %parallel_loop3A_638 : vector<16xi32>
        %parallel_loop3A_692 = arith.andi %parallel_loop3A_687, %parallel_loop3A_641 : vector<16xi32>
        %parallel_loop3A_693 = vector.bitcast %parallel_loop3A_691 : vector<16xi32> to vector<16xf32>
        %parallel_loop3A_694 = arith.constant 1 : i32
        %parallel_loop3A_695 = arith.constant 2 : i32
        %parallel_loop3A_696 = arith.index_cast %parallel_loop3A_694 : i32 to index
        %parallel_loop3A_697 = arith.index_cast %parallel_loop3A_283 : i32 to index
        %parallel_loop3A_698 = arith.index_cast %parallel_loop3A_695 : i32 to index
        %parallel_loop3A_699 = arith.index_cast %parallel_loop3A_625 : i32 to index
        %parallel_loop3A_700 = tpu.vector_load %arg7[%parallel_loop3A_696, %parallel_loop3A_697, %parallel_loop3A_698, %parallel_loop3A_699] {strides = array<i32>} : memref<2x16x8x128xf32, #tpu.memory_space<vmem>>, vector<16xf32>,
        tpu.vector_store %arg7[%parallel_loop3A_696, %parallel_loop3A_697, %parallel_loop3A_698, %parallel_loop3A_699], %parallel_loop3A_693 {strides = array<i32>} : memref<2x16x8x128xf32, #tpu.memory_space<vmem>>, vector<16xf32>,
        %parallel_loop3A_701 = vector.bitcast %parallel_loop3A_692 : vector<16xi32> to vector<16xf32>
        %parallel_loop3A_702 = arith.constant 1 : i32
        %parallel_loop3A_703 = arith.constant 3 : i32
        %parallel_loop3A_704 = arith.index_cast %parallel_loop3A_702 : i32 to index
        %parallel_loop3A_705 = arith.index_cast %parallel_loop3A_283 : i32 to index
        %parallel_loop3A_706 = arith.index_cast %parallel_loop3A_703 : i32 to index
        %parallel_loop3A_707 = arith.index_cast %parallel_loop3A_625 : i32 to index
        %parallel_loop3A_708 = tpu.vector_load %arg7[%parallel_loop3A_704, %parallel_loop3A_705, %parallel_loop3A_706, %parallel_loop3A_707] {strides = array<i32>} : memref<2x16x8x128xf32, #tpu.memory_space<vmem>>, vector<16xf32>,
        tpu.vector_store %arg7[%parallel_loop3A_704, %parallel_loop3A_705, %parallel_loop3A_706, %parallel_loop3A_707], %parallel_loop3A_701 {strides = array<i32>} : memref<2x16x8x128xf32, #tpu.memory_space<vmem>>, vector<16xf32>,
        %parallel_loop3A_709 = arith.constant 4 : i32
        %parallel_loop3A_710 = arith.muli %parallel_loop3A_709, %select_n3A_9 : i32
        %parallel_loop3A_711 = arith.constant 2 : i32
        %parallel_loop3A_712 = arith.addi %parallel_loop3A_710, %parallel_loop3A_711 : i32
        %parallel_loop3A_713 = vector.broadcast %parallel_loop3A_712 : i32 to vector<16xi32>
        %parallel_loop3A_714 = arith.xori %parallel_loop3A_650, %parallel_loop3A_713 : vector<16xi32>
        %parallel_loop3A_715 = arith.addi %parallel_loop3A_647, %parallel_loop3A_714 : vector<16xi32>
        %parallel_loop3A_716 = tpu.vector_load_idx %arg5[%parallel_loop3A_715] : memref<65536xi32, #tpu.memory_space<vmem>>[vector<16xi32>], vector<16xi32>,
        %parallel_loop3A_717 = arith.constant 16 : i32
        %parallel_loop3A_718 = vector.broadcast %parallel_loop3A_717 : i32 to vector<16xi32>
        %parallel_loop3A_719 = arith.shli %parallel_loop3A_716, %parallel_loop3A_718 : vector<16xi32>
        %parallel_loop3A_720 = arith.andi %parallel_loop3A_719, %parallel_loop3A_638 : vector<16xi32>
        %parallel_loop3A_721 = arith.andi %parallel_loop3A_716, %parallel_loop3A_641 : vector<16xi32>
        %parallel_loop3A_722 = vector.bitcast %parallel_loop3A_720 : vector<16xi32> to vector<16xf32>
        %parallel_loop3A_723 = arith.constant 1 : i32
        %parallel_loop3A_724 = arith.constant 4 : i32
        %parallel_loop3A_725 = arith.index_cast %parallel_loop3A_723 : i32 to index
        %parallel_loop3A_726 = arith.index_cast %parallel_loop3A_283 : i32 to index
        %parallel_loop3A_727 = arith.index_cast %parallel_loop3A_724 : i32 to index
        %parallel_loop3A_728 = arith.index_cast %parallel_loop3A_625 : i32 to index
        %parallel_loop3A_729 = tpu.vector_load %arg7[%parallel_loop3A_725, %parallel_loop3A_726, %parallel_loop3A_727, %parallel_loop3A_728] {strides = array<i32>} : memref<2x16x8x128xf32, #tpu.memory_space<vmem>>, vector<16xf32>,
        tpu.vector_store %arg7[%parallel_loop3A_725, %parallel_loop3A_726, %parallel_loop3A_727, %parallel_loop3A_728], %parallel_loop3A_722 {strides = array<i32>} : memref<2x16x8x128xf32, #tpu.memory_space<vmem>>, vector<16xf32>,
        %parallel_loop3A_730 = vector.bitcast %parallel_loop3A_721 : vector<16xi32> to vector<16xf32>
        %parallel_loop3A_731 = arith.constant 1 : i32
        %parallel_loop3A_732 = arith.constant 5 : i32
        %parallel_loop3A_733 = arith.index_cast %parallel_loop3A_731 : i32 to index
        %parallel_loop3A_734 = arith.index_cast %parallel_loop3A_283 : i32 to index
        %parallel_loop3A_735 = arith.index_cast %parallel_loop3A_732 : i32 to index
        %parallel_loop3A_736 = arith.index_cast %parallel_loop3A_625 : i32 to index
        %parallel_loop3A_737 = tpu.vector_load %arg7[%parallel_loop3A_733, %parallel_loop3A_734, %parallel_loop3A_735, %parallel_loop3A_736] {strides = array<i32>} : memref<2x16x8x128xf32, #tpu.memory_space<vmem>>, vector<16xf32>,
        tpu.vector_store %arg7[%parallel_loop3A_733, %parallel_loop3A_734, %parallel_loop3A_735, %parallel_loop3A_736], %parallel_loop3A_730 {strides = array<i32>} : memref<2x16x8x128xf32, #tpu.memory_space<vmem>>, vector<16xf32>,
        %parallel_loop3A_738 = arith.constant 4 : i32
        %parallel_loop3A_739 = arith.muli %parallel_loop3A_738, %select_n3A_9 : i32
        %parallel_loop3A_740 = arith.constant 3 : i32
        %parallel_loop3A_741 = arith.addi %parallel_loop3A_739, %parallel_loop3A_740 : i32
        %parallel_loop3A_742 = vector.broadcast %parallel_loop3A_741 : i32 to vector<16xi32>
        %parallel_loop3A_743 = arith.xori %parallel_loop3A_650, %parallel_loop3A_742 : vector<16xi32>
        %parallel_loop3A_744 = arith.addi %parallel_loop3A_647, %parallel_loop3A_743 : vector<16xi32>
        %parallel_loop3A_745 = tpu.vector_load_idx %arg5[%parallel_loop3A_744] : memref<65536xi32, #tpu.memory_space<vmem>>[vector<16xi32>], vector<16xi32>,
        %parallel_loop3A_746 = arith.constant 16 : i32
        %parallel_loop3A_747 = vector.broadcast %parallel_loop3A_746 : i32 to vector<16xi32>
        %parallel_loop3A_748 = arith.shli %parallel_loop3A_745, %parallel_loop3A_747 : vector<16xi32>
        %parallel_loop3A_749 = arith.andi %parallel_loop3A_748, %parallel_loop3A_638 : vector<16xi32>
        %parallel_loop3A_750 = arith.andi %parallel_loop3A_745, %parallel_loop3A_641 : vector<16xi32>
        %parallel_loop3A_751 = vector.bitcast %parallel_loop3A_749 : vector<16xi32> to vector<16xf32>
        %parallel_loop3A_752 = arith.constant 1 : i32
        %parallel_loop3A_753 = arith.constant 6 : i32
        %parallel_loop3A_754 = arith.index_cast %parallel_loop3A_752 : i32 to index
        %parallel_loop3A_755 = arith.index_cast %parallel_loop3A_283 : i32 to index
        %parallel_loop3A_756 = arith.index_cast %parallel_loop3A_753 : i32 to index
        %parallel_loop3A_757 = arith.index_cast %parallel_loop3A_625 : i32 to index
        %parallel_loop3A_758 = tpu.vector_load %arg7[%parallel_loop3A_754, %parallel_loop3A_755, %parallel_loop3A_756, %parallel_loop3A_757] {strides = array<i32>} : memref<2x16x8x128xf32, #tpu.memory_space<vmem>>, vector<16xf32>,
        tpu.vector_store %arg7[%parallel_loop3A_754, %parallel_loop3A_755, %parallel_loop3A_756, %parallel_loop3A_757], %parallel_loop3A_751 {strides = array<i32>} : memref<2x16x8x128xf32, #tpu.memory_space<vmem>>, vector<16xf32>,
        %parallel_loop3A_759 = vector.bitcast %parallel_loop3A_750 : vector<16xi32> to vector<16xf32>
        %parallel_loop3A_760 = arith.constant 1 : i32
        %parallel_loop3A_761 = arith.constant 7 : i32
        %parallel_loop3A_762 = arith.index_cast %parallel_loop3A_760 : i32 to index
        %parallel_loop3A_763 = arith.index_cast %parallel_loop3A_283 : i32 to index
        %parallel_loop3A_764 = arith.index_cast %parallel_loop3A_761 : i32 to index
        %parallel_loop3A_765 = arith.index_cast %parallel_loop3A_625 : i32 to index
        %parallel_loop3A_766 = tpu.vector_load %arg7[%parallel_loop3A_762, %parallel_loop3A_763, %parallel_loop3A_764, %parallel_loop3A_765] {strides = array<i32>} : memref<2x16x8x128xf32, #tpu.memory_space<vmem>>, vector<16xf32>,
        tpu.vector_store %arg7[%parallel_loop3A_762, %parallel_loop3A_763, %parallel_loop3A_764, %parallel_loop3A_765], %parallel_loop3A_759 {strides = array<i32>} : memref<2x16x8x128xf32, #tpu.memory_space<vmem>>, vector<16xf32>,
        %parallel_loop3A_767 = arith.constant 2 : i32
        %parallel_loop3A_768 = arith.constant 0 : i32
        %parallel_loop3A_769 = arith.cmpi eq, %parallel_loop3A_767, %parallel_loop3A_768 : i32
        %parallel_loop3A_770 = arith.constant 1 : i32
        %parallel_loop3A_771 = arith.select %parallel_loop3A_769, %parallel_loop3A_770, %parallel_loop3A_767 : i32
        %parallel_loop3A_772 = arith.remsi %parallel_loop3A_259, %parallel_loop3A_771 : i32
        %parallel_loop3A_773 = arith.constant 0 : i32
        %parallel_loop3A_774 = arith.cmpi ne, %parallel_loop3A_772, %parallel_loop3A_773 : i32
        %parallel_loop3A_775 = arith.constant 0 : i32
        %parallel_loop3A_776 = arith.cmpi slt, %parallel_loop3A_772, %parallel_loop3A_775 : i32
        %parallel_loop3A_777 = arith.constant 0 : i32
        %parallel_loop3A_778 = arith.cmpi slt, %parallel_loop3A_771, %parallel_loop3A_777 : i32
        %parallel_loop3A_779 = arith.xori %parallel_loop3A_776, %parallel_loop3A_778 : i1
        %parallel_loop3A_780 = arith.andi %parallel_loop3A_779, %parallel_loop3A_774 : i1
        %parallel_loop3A_781 = arith.addi %parallel_loop3A_772, %parallel_loop3A_771 : i32
        %parallel_loop3A_782 = arith.select %parallel_loop3A_780, %parallel_loop3A_781, %parallel_loop3A_772 : i32
        %parallel_loop3A_783 = arith.constant 64 : i32
        %parallel_loop3A_784 = arith.muli %parallel_loop3A_782, %parallel_loop3A_783 : i32
        %parallel_loop3A_785 = arith.constant 48 : i32
        %parallel_loop3A_786 = arith.addi %parallel_loop3A_784, %parallel_loop3A_785 : i32
        %parallel_loop3A_787 = arith.constant 128 : i32
        %parallel_loop3A_788 = arith.muli %parallel_loop3A_283, %parallel_loop3A_787 : i32
        %parallel_loop3A_789 = arith.addi %parallel_loop3A_788, %parallel_loop3A_786 : i32
        %parallel_loop3A_790 = arith.constant 1 : i32
        %parallel_loop3A_791 = arith.index_cast %parallel_loop3A_790 : i32 to index
        %parallel_loop3A_792 = arith.index_cast %parallel_loop3A_789 : i32 to index
        %parallel_loop3A_793 = tpu.vector_load %arg6[%parallel_loop3A_791, %parallel_loop3A_792] {strides = array<i32>} : memref<2x2048xi32, #tpu.memory_space<vmem>>, vector<16xi32>,
        %parallel_loop3A_794 = arith.constant 16 : i32
        %parallel_loop3A_795 = vector.broadcast %parallel_loop3A_794 : i32 to vector<16xi32>
        %parallel_loop3A_796 = arith.shrsi %parallel_loop3A_793, %parallel_loop3A_795 : vector<16xi32>
        %parallel_loop3A_797 = arith.constant 0 : i32
        %parallel_loop3A_798 = vector.broadcast %parallel_loop3A_797 : i32 to vector<16xi32>
        %parallel_loop3A_799 = arith.subi %parallel_loop3A_798, %parallel_loop3A_796 : vector<16xi32>
        %parallel_loop3A_800 = arith.constant -65536 : i32
        %parallel_loop3A_801 = vector.broadcast %parallel_loop3A_800 : i32 to vector<16xi32>
        %parallel_loop3A_802 = arith.andi %parallel_loop3A_799, %parallel_loop3A_801 : vector<16xi32>
        %parallel_loop3A_803 = arith.constant 65535 : i32
        %parallel_loop3A_804 = vector.broadcast %parallel_loop3A_803 : i32 to vector<16xi32>
        %parallel_loop3A_805 = arith.andi %parallel_loop3A_793, %parallel_loop3A_804 : vector<16xi32>
        %parallel_loop3A_806 = arith.constant 5 : i32
        %parallel_loop3A_807 = vector.broadcast %parallel_loop3A_806 : i32 to vector<16xi32>
        %parallel_loop3A_808 = arith.shli %parallel_loop3A_805, %parallel_loop3A_807 : vector<16xi32>
        %parallel_loop3A_809 = arith.constant 31 : i32
        %parallel_loop3A_810 = vector.broadcast %parallel_loop3A_809 : i32 to vector<16xi32>
        %parallel_loop3A_811 = arith.andi %parallel_loop3A_805, %parallel_loop3A_810 : vector<16xi32>
        %parallel_loop3A_812 = arith.constant 4 : i32
        %parallel_loop3A_813 = arith.muli %parallel_loop3A_812, %select_n3A_9 : i32
        %parallel_loop3A_814 = arith.constant 0 : i32
        %parallel_loop3A_815 = arith.addi %parallel_loop3A_813, %parallel_loop3A_814 : i32
        %parallel_loop3A_816 = vector.broadcast %parallel_loop3A_815 : i32 to vector<16xi32>
        %parallel_loop3A_817 = arith.xori %parallel_loop3A_811, %parallel_loop3A_816 : vector<16xi32>
        %parallel_loop3A_818 = arith.addi %parallel_loop3A_808, %parallel_loop3A_817 : vector<16xi32>
        %parallel_loop3A_819 = tpu.vector_load_idx %arg5[%parallel_loop3A_818] : memref<65536xi32, #tpu.memory_space<vmem>>[vector<16xi32>], vector<16xi32>,
        %parallel_loop3A_820 = arith.constant 16 : i32
        %parallel_loop3A_821 = vector.broadcast %parallel_loop3A_820 : i32 to vector<16xi32>
        %parallel_loop3A_822 = arith.shli %parallel_loop3A_819, %parallel_loop3A_821 : vector<16xi32>
        %parallel_loop3A_823 = arith.andi %parallel_loop3A_822, %parallel_loop3A_799 : vector<16xi32>
        %parallel_loop3A_824 = arith.andi %parallel_loop3A_819, %parallel_loop3A_802 : vector<16xi32>
        %parallel_loop3A_825 = vector.bitcast %parallel_loop3A_823 : vector<16xi32> to vector<16xf32>
        %parallel_loop3A_826 = arith.constant 1 : i32
        %parallel_loop3A_827 = arith.constant 0 : i32
        %parallel_loop3A_828 = arith.index_cast %parallel_loop3A_826 : i32 to index
        %parallel_loop3A_829 = arith.index_cast %parallel_loop3A_283 : i32 to index
        %parallel_loop3A_830 = arith.index_cast %parallel_loop3A_827 : i32 to index
        %parallel_loop3A_831 = arith.index_cast %parallel_loop3A_786 : i32 to index
        %parallel_loop3A_832 = tpu.vector_load %arg7[%parallel_loop3A_828, %parallel_loop3A_829, %parallel_loop3A_830, %parallel_loop3A_831] {strides = array<i32>} : memref<2x16x8x128xf32, #tpu.memory_space<vmem>>, vector<16xf32>,
        tpu.vector_store %arg7[%parallel_loop3A_828, %parallel_loop3A_829, %parallel_loop3A_830, %parallel_loop3A_831], %parallel_loop3A_825 {strides = array<i32>} : memref<2x16x8x128xf32, #tpu.memory_space<vmem>>, vector<16xf32>,
        %parallel_loop3A_833 = vector.bitcast %parallel_loop3A_824 : vector<16xi32> to vector<16xf32>
        %parallel_loop3A_834 = arith.constant 1 : i32
        %parallel_loop3A_835 = arith.constant 1 : i32
        %parallel_loop3A_836 = arith.index_cast %parallel_loop3A_834 : i32 to index
        %parallel_loop3A_837 = arith.index_cast %parallel_loop3A_283 : i32 to index
        %parallel_loop3A_838 = arith.index_cast %parallel_loop3A_835 : i32 to index
        %parallel_loop3A_839 = arith.index_cast %parallel_loop3A_786 : i32 to index
        %parallel_loop3A_840 = tpu.vector_load %arg7[%parallel_loop3A_836, %parallel_loop3A_837, %parallel_loop3A_838, %parallel_loop3A_839] {strides = array<i32>} : memref<2x16x8x128xf32, #tpu.memory_space<vmem>>, vector<16xf32>,
        tpu.vector_store %arg7[%parallel_loop3A_836, %parallel_loop3A_837, %parallel_loop3A_838, %parallel_loop3A_839], %parallel_loop3A_833 {strides = array<i32>} : memref<2x16x8x128xf32, #tpu.memory_space<vmem>>, vector<16xf32>,
        %parallel_loop3A_841 = arith.constant 4 : i32
        %parallel_loop3A_842 = arith.muli %parallel_loop3A_841, %select_n3A_9 : i32
        %parallel_loop3A_843 = arith.constant 1 : i32
        %parallel_loop3A_844 = arith.addi %parallel_loop3A_842, %parallel_loop3A_843 : i32
        %parallel_loop3A_845 = vector.broadcast %parallel_loop3A_844 : i32 to vector<16xi32>
        %parallel_loop3A_846 = arith.xori %parallel_loop3A_811, %parallel_loop3A_845 : vector<16xi32>
        %parallel_loop3A_847 = arith.addi %parallel_loop3A_808, %parallel_loop3A_846 : vector<16xi32>
        %parallel_loop3A_848 = tpu.vector_load_idx %arg5[%parallel_loop3A_847] : memref<65536xi32, #tpu.memory_space<vmem>>[vector<16xi32>], vector<16xi32>,
        %parallel_loop3A_849 = arith.constant 16 : i32
        %parallel_loop3A_850 = vector.broadcast %parallel_loop3A_849 : i32 to vector<16xi32>
        %parallel_loop3A_851 = arith.shli %parallel_loop3A_848, %parallel_loop3A_850 : vector<16xi32>
        %parallel_loop3A_852 = arith.andi %parallel_loop3A_851, %parallel_loop3A_799 : vector<16xi32>
        %parallel_loop3A_853 = arith.andi %parallel_loop3A_848, %parallel_loop3A_802 : vector<16xi32>
        %parallel_loop3A_854 = vector.bitcast %parallel_loop3A_852 : vector<16xi32> to vector<16xf32>
        %parallel_loop3A_855 = arith.constant 1 : i32
        %parallel_loop3A_856 = arith.constant 2 : i32
        %parallel_loop3A_857 = arith.index_cast %parallel_loop3A_855 : i32 to index
        %parallel_loop3A_858 = arith.index_cast %parallel_loop3A_283 : i32 to index
        %parallel_loop3A_859 = arith.index_cast %parallel_loop3A_856 : i32 to index
        %parallel_loop3A_860 = arith.index_cast %parallel_loop3A_786 : i32 to index
        %parallel_loop3A_861 = tpu.vector_load %arg7[%parallel_loop3A_857, %parallel_loop3A_858, %parallel_loop3A_859, %parallel_loop3A_860] {strides = array<i32>} : memref<2x16x8x128xf32, #tpu.memory_space<vmem>>, vector<16xf32>,
        tpu.vector_store %arg7[%parallel_loop3A_857, %parallel_loop3A_858, %parallel_loop3A_859, %parallel_loop3A_860], %parallel_loop3A_854 {strides = array<i32>} : memref<2x16x8x128xf32, #tpu.memory_space<vmem>>, vector<16xf32>,
        %parallel_loop3A_862 = vector.bitcast %parallel_loop3A_853 : vector<16xi32> to vector<16xf32>
        %parallel_loop3A_863 = arith.constant 1 : i32
        %parallel_loop3A_864 = arith.constant 3 : i32
        %parallel_loop3A_865 = arith.index_cast %parallel_loop3A_863 : i32 to index
        %parallel_loop3A_866 = arith.index_cast %parallel_loop3A_283 : i32 to index
        %parallel_loop3A_867 = arith.index_cast %parallel_loop3A_864 : i32 to index
        %parallel_loop3A_868 = arith.index_cast %parallel_loop3A_786 : i32 to index
        %parallel_loop3A_869 = tpu.vector_load %arg7[%parallel_loop3A_865, %parallel_loop3A_866, %parallel_loop3A_867, %parallel_loop3A_868] {strides = array<i32>} : memref<2x16x8x128xf32, #tpu.memory_space<vmem>>, vector<16xf32>,
        tpu.vector_store %arg7[%parallel_loop3A_865, %parallel_loop3A_866, %parallel_loop3A_867, %parallel_loop3A_868], %parallel_loop3A_862 {strides = array<i32>} : memref<2x16x8x128xf32, #tpu.memory_space<vmem>>, vector<16xf32>,
        %parallel_loop3A_870 = arith.constant 4 : i32
        %parallel_loop3A_871 = arith.muli %parallel_loop3A_870, %select_n3A_9 : i32
        %parallel_loop3A_872 = arith.constant 2 : i32
        %parallel_loop3A_873 = arith.addi %parallel_loop3A_871, %parallel_loop3A_872 : i32
        %parallel_loop3A_874 = vector.broadcast %parallel_loop3A_873 : i32 to vector<16xi32>
        %parallel_loop3A_875 = arith.xori %parallel_loop3A_811, %parallel_loop3A_874 : vector<16xi32>
        %parallel_loop3A_876 = arith.addi %parallel_loop3A_808, %parallel_loop3A_875 : vector<16xi32>
        %parallel_loop3A_877 = tpu.vector_load_idx %arg5[%parallel_loop3A_876] : memref<65536xi32, #tpu.memory_space<vmem>>[vector<16xi32>], vector<16xi32>,
        %parallel_loop3A_878 = arith.constant 16 : i32
        %parallel_loop3A_879 = vector.broadcast %parallel_loop3A_878 : i32 to vector<16xi32>
        %parallel_loop3A_880 = arith.shli %parallel_loop3A_877, %parallel_loop3A_879 : vector<16xi32>
        %parallel_loop3A_881 = arith.andi %parallel_loop3A_880, %parallel_loop3A_799 : vector<16xi32>
        %parallel_loop3A_882 = arith.andi %parallel_loop3A_877, %parallel_loop3A_802 : vector<16xi32>
        %parallel_loop3A_883 = vector.bitcast %parallel_loop3A_881 : vector<16xi32> to vector<16xf32>
        %parallel_loop3A_884 = arith.constant 1 : i32
        %parallel_loop3A_885 = arith.constant 4 : i32
        %parallel_loop3A_886 = arith.index_cast %parallel_loop3A_884 : i32 to index
        %parallel_loop3A_887 = arith.index_cast %parallel_loop3A_283 : i32 to index
        %parallel_loop3A_888 = arith.index_cast %parallel_loop3A_885 : i32 to index
        %parallel_loop3A_889 = arith.index_cast %parallel_loop3A_786 : i32 to index
        %parallel_loop3A_890 = tpu.vector_load %arg7[%parallel_loop3A_886, %parallel_loop3A_887, %parallel_loop3A_888, %parallel_loop3A_889] {strides = array<i32>} : memref<2x16x8x128xf32, #tpu.memory_space<vmem>>, vector<16xf32>,
        tpu.vector_store %arg7[%parallel_loop3A_886, %parallel_loop3A_887, %parallel_loop3A_888, %parallel_loop3A_889], %parallel_loop3A_883 {strides = array<i32>} : memref<2x16x8x128xf32, #tpu.memory_space<vmem>>, vector<16xf32>,
        %parallel_loop3A_891 = vector.bitcast %parallel_loop3A_882 : vector<16xi32> to vector<16xf32>
        %parallel_loop3A_892 = arith.constant 1 : i32
        %parallel_loop3A_893 = arith.constant 5 : i32
        %parallel_loop3A_894 = arith.index_cast %parallel_loop3A_892 : i32 to index
        %parallel_loop3A_895 = arith.index_cast %parallel_loop3A_283 : i32 to index
        %parallel_loop3A_896 = arith.index_cast %parallel_loop3A_893 : i32 to index
        %parallel_loop3A_897 = arith.index_cast %parallel_loop3A_786 : i32 to index
        %parallel_loop3A_898 = tpu.vector_load %arg7[%parallel_loop3A_894, %parallel_loop3A_895, %parallel_loop3A_896, %parallel_loop3A_897] {strides = array<i32>} : memref<2x16x8x128xf32, #tpu.memory_space<vmem>>, vector<16xf32>,
        tpu.vector_store %arg7[%parallel_loop3A_894, %parallel_loop3A_895, %parallel_loop3A_896, %parallel_loop3A_897], %parallel_loop3A_891 {strides = array<i32>} : memref<2x16x8x128xf32, #tpu.memory_space<vmem>>, vector<16xf32>,
        %parallel_loop3A_899 = arith.constant 4 : i32
        %parallel_loop3A_900 = arith.muli %parallel_loop3A_899, %select_n3A_9 : i32
        %parallel_loop3A_901 = arith.constant 3 : i32
        %parallel_loop3A_902 = arith.addi %parallel_loop3A_900, %parallel_loop3A_901 : i32
        %parallel_loop3A_903 = vector.broadcast %parallel_loop3A_902 : i32 to vector<16xi32>
        %parallel_loop3A_904 = arith.xori %parallel_loop3A_811, %parallel_loop3A_903 : vector<16xi32>
        %parallel_loop3A_905 = arith.addi %parallel_loop3A_808, %parallel_loop3A_904 : vector<16xi32>
        %parallel_loop3A_906 = tpu.vector_load_idx %arg5[%parallel_loop3A_905] : memref<65536xi32, #tpu.memory_space<vmem>>[vector<16xi32>], vector<16xi32>,
        %parallel_loop3A_907 = arith.constant 16 : i32
        %parallel_loop3A_908 = vector.broadcast %parallel_loop3A_907 : i32 to vector<16xi32>
        %parallel_loop3A_909 = arith.shli %parallel_loop3A_906, %parallel_loop3A_908 : vector<16xi32>
        %parallel_loop3A_910 = arith.andi %parallel_loop3A_909, %parallel_loop3A_799 : vector<16xi32>
        %parallel_loop3A_911 = arith.andi %parallel_loop3A_906, %parallel_loop3A_802 : vector<16xi32>
        %parallel_loop3A_912 = vector.bitcast %parallel_loop3A_910 : vector<16xi32> to vector<16xf32>
        %parallel_loop3A_913 = arith.constant 1 : i32
        %parallel_loop3A_914 = arith.constant 6 : i32
        %parallel_loop3A_915 = arith.index_cast %parallel_loop3A_913 : i32 to index
        %parallel_loop3A_916 = arith.index_cast %parallel_loop3A_283 : i32 to index
        %parallel_loop3A_917 = arith.index_cast %parallel_loop3A_914 : i32 to index
        %parallel_loop3A_918 = arith.index_cast %parallel_loop3A_786 : i32 to index
        %parallel_loop3A_919 = tpu.vector_load %arg7[%parallel_loop3A_915, %parallel_loop3A_916, %parallel_loop3A_917, %parallel_loop3A_918] {strides = array<i32>} : memref<2x16x8x128xf32, #tpu.memory_space<vmem>>, vector<16xf32>,
        tpu.vector_store %arg7[%parallel_loop3A_915, %parallel_loop3A_916, %parallel_loop3A_917, %parallel_loop3A_918], %parallel_loop3A_912 {strides = array<i32>} : memref<2x16x8x128xf32, #tpu.memory_space<vmem>>, vector<16xf32>,
        %parallel_loop3A_920 = vector.bitcast %parallel_loop3A_911 : vector<16xi32> to vector<16xf32>
        %parallel_loop3A_921 = arith.constant 1 : i32
        %parallel_loop3A_922 = arith.constant 7 : i32
        %parallel_loop3A_923 = arith.index_cast %parallel_loop3A_921 : i32 to index
        %parallel_loop3A_924 = arith.index_cast %parallel_loop3A_283 : i32 to index
        %parallel_loop3A_925 = arith.index_cast %parallel_loop3A_922 : i32 to index
        %parallel_loop3A_926 = arith.index_cast %parallel_loop3A_786 : i32 to index
        %parallel_loop3A_927 = tpu.vector_load %arg7[%parallel_loop3A_923, %parallel_loop3A_924, %parallel_loop3A_925, %parallel_loop3A_926] {strides = array<i32>} : memref<2x16x8x128xf32, #tpu.memory_space<vmem>>, vector<16xf32>,
        tpu.vector_store %arg7[%parallel_loop3A_923, %parallel_loop3A_924, %parallel_loop3A_925, %parallel_loop3A_926], %parallel_loop3A_920 {strides = array<i32>} : memref<2x16x8x128xf32, #tpu.memory_space<vmem>>, vector<16xf32>,
      } {sc.loop_unroll_factor = 1 : i64, sc.parallel_access}
      %mul3A_228 = arith.constant 2 : i32
      %mul3A_229 = arith.muli %mul3A_228, %add3A_205 : i32
      %add3A_230 = arith.addi %select_n3A_70, %mul3A_229 : i32
      %mul3A_231 = arith.constant 16 : i32
      %mul3A_232 = arith.muli %mul3A_231, %select_n3A_46 : i32
      %dma_start3A_233 = arith.constant 1 : i32
      %dma_start3A_234 = arith.constant 0 : i32
      %dma_start3A_235 = arith.constant 0 : i32
      %dma_start3A_236 = arith.constant 0 : i32
      %dma_start3A_237 = tpu.memref_slice %arg7[%dma_start3A_233, %dma_start3A_234, %dma_start3A_235, %dma_start3A_236] : memref<2x16x8x128xf32, #tpu.memory_space<vmem>> -> memref<1x16x8x128xf32, #tpu.memory_space<vmem>>
      %dma_start3A_238 = tpu.memref_squeeze %dma_start3A_237 : memref<1x16x8x128xf32, #tpu.memory_space<vmem>> -> memref<16x8x128xf32, #tpu.memory_space<vmem>>
      %dma_start3A_239 = arith.constant 0 : i32
      %dma_start3A_240 = arith.constant 0 : i32
      %dma_start3A_241 = tpu.memref_slice %arg4[%add3A_230, %select_n3A_9, %mul3A_232, %dma_start3A_239, %dma_start3A_240] : memref<200x8x32x8x128xf32, #tpu.memory_space<hbm>> -> memref<1x1x16x8x128xf32, #tpu.memory_space<hbm>>
      %dma_start3A_242 = tpu.memref_squeeze %dma_start3A_241 : memref<1x1x16x8x128xf32, #tpu.memory_space<hbm>> -> memref<16x8x128xf32, #tpu.memory_space<hbm>>
      %dma_start3A_243 = arith.constant 0 : i32
      %dma_start3A_244 = arith.constant 0 : i32
      %dma_start3A_245 = tpu.memref_slice %arg4[%add3A_230, %select_n3A_9, %mul3A_232, %dma_start3A_243, %dma_start3A_244] : memref<200x8x32x8x128xf32, #tpu.memory_space<hbm>> -> memref<1x1x16x8x128xf32, #tpu.memory_space<hbm>>
      %dma_start3A_246 = tpu.memref_squeeze %dma_start3A_245 : memref<1x1x16x8x128xf32, #tpu.memory_space<hbm>> -> memref<16x8x128xf32, #tpu.memory_space<hbm>>
      %dma_start3A_247 = arith.constant 0 : i32
      %dma_start3A_248 = arith.constant 0 : i32
      %dma_start3A_249 = arith.constant 0 : i32
      %dma_start3A_250 = tpu.memref_slice %arg7[%dma_start3A_233, %dma_start3A_247, %dma_start3A_248, %dma_start3A_249] : memref<2x16x8x128xf32, #tpu.memory_space<vmem>> -> memref<1x16x8x128xf32, #tpu.memory_space<vmem>>
      %dma_start3A_251 = tpu.memref_squeeze %dma_start3A_250 : memref<1x16x8x128xf32, #tpu.memory_space<vmem>> -> memref<16x8x128xf32, #tpu.memory_space<vmem>>
      tpu.enqueue_dma source(%dma_start3A_251 : memref<16x8x128xf32, #tpu.memory_space<vmem>>) target(%dma_start3A_246 : memref<16x8x128xf32, #tpu.memory_space<hbm>>) target_semaphore(%arg11 : memref<!tpu.dma_semaphore, #tpu.memory_space<semaphore_mem>>)
      %add3A_252 = arith.constant 2 : i32
      %add3A_253 = arith.addi %add3A_205, %add3A_252 : i32
      %lt3A_254 = arith.constant 100 : i32
      %lt3A_255 = arith.cmpi slt, %add3A_253, %lt3A_254 : i32
      %convert_element_type3A_256 = arith.extui %lt3A_255 : i1 to i32
      %cond3A_257 = arith.constant 0 : i32
      %cond3A_258 = arith.cmpi ne, %convert_element_type3A_256, %cond3A_257 : i32
      scf.if %cond3A_258 {
        %add3A_259 = arith.constant 2 : i32
        %add3A_260 = arith.addi %add3A_205, %add3A_259 : i32
        %mul3A_261 = arith.constant 2 : i32
        %mul3A_262 = arith.muli %mul3A_261, %add3A_260 : i32
        %add3A_263 = arith.addi %select_n3A_70, %mul3A_262 : i32
        %dma_start3A_264 = arith.constant 1 : i32
        %dma_start3A_265 = arith.constant 0 : i32
        %dma_start3A_266 = tpu.memref_slice %arg6[%dma_start3A_264, %dma_start3A_265] : memref<2x2048xi32, #tpu.memory_space<vmem>> -> memref<1x2048xi32, #tpu.memory_space<vmem>>
        %dma_start3A_267 = tpu.memref_squeeze %dma_start3A_266 : memref<1x2048xi32, #tpu.memory_space<vmem>> -> memref<2048xi32, #tpu.memory_space<vmem>>
        %dma_start3A_268 = tpu.memref_slice %arg3[%add3A_263, %mul3A_72] : memref<200x4096xi32, #tpu.memory_space<hbm>> -> memref<1x2048xi32, #tpu.memory_space<hbm>>
        %dma_start3A_269 = tpu.memref_squeeze %dma_start3A_268 : memref<1x2048xi32, #tpu.memory_space<hbm>> -> memref<2048xi32, #tpu.memory_space<hbm>>
        %dma_start3A_270 = arith.constant 0 : i32
        %dma_start3A_271 = tpu.memref_slice %arg6[%dma_start3A_264, %dma_start3A_270] : memref<2x2048xi32, #tpu.memory_space<vmem>> -> memref<1x2048xi32, #tpu.memory_space<vmem>>
        %dma_start3A_272 = tpu.memref_squeeze %dma_start3A_271 : memref<1x2048xi32, #tpu.memory_space<vmem>> -> memref<2048xi32, #tpu.memory_space<vmem>>
        %dma_start3A_273 = tpu.memref_slice %arg3[%add3A_263, %mul3A_72] : memref<200x4096xi32, #tpu.memory_space<hbm>> -> memref<1x2048xi32, #tpu.memory_space<hbm>>
        %dma_start3A_274 = tpu.memref_squeeze %dma_start3A_273 : memref<1x2048xi32, #tpu.memory_space<hbm>> -> memref<2048xi32, #tpu.memory_space<hbm>>
        tpu.enqueue_dma source(%dma_start3A_274 : memref<2048xi32, #tpu.memory_space<hbm>>) target(%dma_start3A_272 : memref<2048xi32, #tpu.memory_space<vmem>>) target_semaphore(%arg9 : memref<!tpu.dma_semaphore, #tpu.memory_space<semaphore_mem>>)
      } else {
      }
    }
    %scan3A_102 = arith.constant 50 : i32
    %add3A_103 = arith.constant 196 : i32
    %add3A_104 = arith.addi %select_n3A_70, %add3A_103 : i32
    %mul3A_105 = arith.constant 16 : i32
    %mul3A_106 = arith.muli %mul3A_105, %select_n3A_46 : i32
    %dma_wait3A = arith.constant 0 : i32
    %dma_wait3A_107 = arith.constant 0 : i32
    %dma_wait3A_108 = arith.constant 0 : i32
    %dma_wait3A_109 = arith.constant 0 : i32
    %dma_wait3A_110 = tpu.memref_slice %arg7[%dma_wait3A, %dma_wait3A_107, %dma_wait3A_108, %dma_wait3A_109] : memref<2x16x8x128xf32, #tpu.memory_space<vmem>> -> memref<1x16x8x128xf32, #tpu.memory_space<vmem>>
    %dma_wait3A_111 = tpu.memref_squeeze %dma_wait3A_110 : memref<1x16x8x128xf32, #tpu.memory_space<vmem>> -> memref<16x8x128xf32, #tpu.memory_space<vmem>>
    %dma_wait3A_112 = arith.constant 0 : i32
    %dma_wait3A_113 = arith.constant 0 : i32
    %dma_wait3A_114 = tpu.memref_slice %arg4[%add3A_104, %select_n3A_9, %mul3A_106, %dma_wait3A_112, %dma_wait3A_113] : memref<200x8x32x8x128xf32, #tpu.memory_space<hbm>> -> memref<1x1x16x8x128xf32, #tpu.memory_space<hbm>>
    %dma_wait3A_115 = tpu.memref_squeeze %dma_wait3A_114 : memref<1x1x16x8x128xf32, #tpu.memory_space<hbm>> -> memref<16x8x128xf32, #tpu.memory_space<hbm>>
    %dma_wait3A_116 = arith.constant 0 : i32
    %dma_wait3A_117 = arith.constant 0 : i32
    %dma_wait3A_118 = tpu.memref_slice %arg4[%add3A_104, %select_n3A_9, %mul3A_106, %dma_wait3A_116, %dma_wait3A_117] : memref<200x8x32x8x128xf32, #tpu.memory_space<hbm>> -> memref<1x1x16x8x128xf32, #tpu.memory_space<hbm>>
    %dma_wait3A_119 = tpu.memref_squeeze %dma_wait3A_118 : memref<1x1x16x8x128xf32, #tpu.memory_space<hbm>> -> memref<16x8x128xf32, #tpu.memory_space<hbm>>
    %dma_wait3A_120 = arith.constant 0 : i32
    %dma_wait3A_121 = arith.constant 0 : i32
    %dma_wait3A_122 = arith.constant 0 : i32
    %dma_wait3A_123 = tpu.memref_slice %arg7[%dma_wait3A, %dma_wait3A_120, %dma_wait3A_121, %dma_wait3A_122] : memref<2x16x8x128xf32, #tpu.memory_space<vmem>> -> memref<1x16x8x128xf32, #tpu.memory_space<vmem>>
    %dma_wait3A_124 = tpu.memref_squeeze %dma_wait3A_123 : memref<1x16x8x128xf32, #tpu.memory_space<vmem>> -> memref<16x8x128xf32, #tpu.memory_space<vmem>>
    tpu.wait_dma2 semaphore(%arg10 : memref<!tpu.dma_semaphore, #tpu.memory_space<semaphore_mem>>) src(%dma_wait3A_124 : memref<16x8x128xf32, #tpu.memory_space<vmem>>) dst(%dma_wait3A_119 : memref<16x8x128xf32, #tpu.memory_space<hbm>>)
    %add3A_125 = arith.constant 198 : i32
    %add3A_126 = arith.addi %select_n3A_70, %add3A_125 : i32
    %mul3A_127 = arith.constant 16 : i32
    %mul3A_128 = arith.muli %mul3A_127, %select_n3A_46 : i32
    %dma_wait3A_129 = arith.constant 1 : i32
    %dma_wait3A_130 = arith.constant 0 : i32
    %dma_wait3A_131 = arith.constant 0 : i32
    %dma_wait3A_132 = arith.constant 0 : i32
    %dma_wait3A_133 = tpu.memref_slice %arg7[%dma_wait3A_129, %dma_wait3A_130, %dma_wait3A_131, %dma_wait3A_132] : memref<2x16x8x128xf32, #tpu.memory_space<vmem>> -> memref<1x16x8x128xf32, #tpu.memory_space<vmem>>
    %dma_wait3A_134 = tpu.memref_squeeze %dma_wait3A_133 : memref<1x16x8x128xf32, #tpu.memory_space<vmem>> -> memref<16x8x128xf32, #tpu.memory_space<vmem>>
    %dma_wait3A_135 = arith.constant 0 : i32
    %dma_wait3A_136 = arith.constant 0 : i32
    %dma_wait3A_137 = tpu.memref_slice %arg4[%add3A_126, %select_n3A_9, %mul3A_128, %dma_wait3A_135, %dma_wait3A_136] : memref<200x8x32x8x128xf32, #tpu.memory_space<hbm>> -> memref<1x1x16x8x128xf32, #tpu.memory_space<hbm>>
    %dma_wait3A_138 = tpu.memref_squeeze %dma_wait3A_137 : memref<1x1x16x8x128xf32, #tpu.memory_space<hbm>> -> memref<16x8x128xf32, #tpu.memory_space<hbm>>
    %dma_wait3A_139 = arith.constant 0 : i32
    %dma_wait3A_140 = arith.constant 0 : i32
    %dma_wait3A_141 = tpu.memref_slice %arg4[%add3A_126, %select_n3A_9, %mul3A_128, %dma_wait3A_139, %dma_wait3A_140] : memref<200x8x32x8x128xf32, #tpu.memory_space<hbm>> -> memref<1x1x16x8x128xf32, #tpu.memory_space<hbm>>
    %dma_wait3A_142 = tpu.memref_squeeze %dma_wait3A_141 : memref<1x1x16x8x128xf32, #tpu.memory_space<hbm>> -> memref<16x8x128xf32, #tpu.memory_space<hbm>>
    %dma_wait3A_143 = arith.constant 0 : i32
    %dma_wait3A_144 = arith.constant 0 : i32
    %dma_wait3A_145 = arith.constant 0 : i32
    %dma_wait3A_146 = tpu.memref_slice %arg7[%dma_wait3A_129, %dma_wait3A_143, %dma_wait3A_144, %dma_wait3A_145] : memref<2x16x8x128xf32, #tpu.memory_space<vmem>> -> memref<1x16x8x128xf32, #tpu.memory_space<vmem>>
    %dma_wait3A_147 = tpu.memref_squeeze %dma_wait3A_146 : memref<1x16x8x128xf32, #tpu.memory_space<vmem>> -> memref<16x8x128xf32, #tpu.memory_space<vmem>>
    tpu.wait_dma2 semaphore(%arg11 : memref<!tpu.dma_semaphore, #tpu.memory_space<semaphore_mem>>) src(%dma_wait3A_147 : memref<16x8x128xf32, #tpu.memory_space<vmem>>) dst(%dma_wait3A_142 : memref<16x8x128xf32, #tpu.memory_space<hbm>>)
    return
  }
}

</mosaic_0001>

<sc_bundles>
// kernel: gather_offload_async_start
scs
__scs_entry_jumppad:
0x0: {  	(pc) =	sbr.rel $0x88, $3  }
0x1: {  	(tag) =	ssettag $0x0;
	lr =	simm.s32 $0x1  }
0x2: {  	[smem:$0x3F9E] =	sst lr;
	_ =	strace $0xD0000000  }
0x3: {  	_ = 	snop  }
0x4: {  	_ = 	snop  }
0x5: {  	_ = 	snop  }
0x6: {  	_ = 	snop  }
0x7: {  	_ = 	snop  }
__scs_overlays_trampoline_lowered:
0x8: {  	[smem:$0x3FAD] =	sst s0  }
0x9: {  	[smem:$0x3FAE] =	sst s1  }
0xa: {  	[smem:$0x3FAF] =	sst s2  }
0xb: {  	[smem:$0x3FB0] =	sst s3  }
0xc: {  	[smem:$0x3FB1] =	sst s4  }
0xd: {  	[smem:$0x3FB2] =	sst s5  }
0xe: {  	[smem:$0x3FB3] =	sst s6  }
0xf: {  	[smem:$0x3FB4] =	sst s7  }
0x10: {  	[smem:$0x3FB5] =	sst s8  }
0x11: {  	[smem:$0x3FB6] =	sst s9;
	s0 =	simm.s32 @!p0 $0x0  }
0x12: {  	s1 =	sld [smem:$0x3F9C];
	s0 =	simm.s32 @p0 $0x1  }
0x13: {  	[smem:$0x3FB7] =	sst s0;
	s0 =	simm.s32 @!p1 $0x0  }
0x14: {  	s2 =	sld [smem:$0x3F9B];
	s0 =	simm.s32 @p1 $0x1  }
0x15: {  	[smem:$0x3FB8] =	sst s0;
	s0 =	simm.s32 @!p2 $0x0  }
0x16: {  	s3 =	sld [smem:$0x3FDB];
	s0 =	simm.s32 @p2 $0x1  }
0x17: {  	s4 =	simm.s32 $0x1BF5;
	[smem:$0x3FBA] =	sst s0  }
0x18: {  	s0 =	sld [smem:$0x3F9D];
	_ =	swait.ge [sflag:s4], $0x0  }
0x19: {  	s7 =	sld [smem:$0x3F9E]  }
0x1a: {  	s8 =	sadd.s32 $0xFFFFE003, lr  }
0x1b: {  	s9 =	sadd.s32 $0xFFFFFEF7, lr;
	s5 =	simm.s32 $0xFFFFFFFF;
	p2 =	slt.u32 s8, $0xFFFFF086  }
0x1c: {  	p1 =	slt.u32 s9, $0xF7A;
	s5 =	simm.s32 @!p2 $0x0  }
0x1d: {  	s5 =	simm.s32 @p1 $0x1;
	p0 =	seq.s32 s7, s2  }
0x1e: {  	s7 =	smul.u32 @!p0 $0xF7A, s2;
	p2 =	seq.s32 @!p0 s5, $0x0  }
0x1f: {  	s9 =	smul.u32 $0xF7A, s1;
	s8 =	simm.s32 @!p0 $0x1BF5;
	p2 =	por !p2, p0  }
0x20: {  	[sflag:s8] =	ssyncset.s32 @!p0 $0xFFFFF086;
	s6 =	sadd.s32 @!p0 s3, s7;
	s7 =	simm.s32 @!p0 $0x108  }
0x21: {  	s3 =	sadd.s32 s3, s9;
	s6 =	sadd.s32 @!p0 $0x88, s6;
	s7 =	simm.s32 @p2 $0x1082  }
0x22: {  	[simem:s7], [sflag:s8] =	dma.local @!p0 [hbm:s6], $0xF7A  }
0x23: {  	s9 =	sor.u32 $0xD0000000, s2;
	s6 =	simm.s32 $0x108;
	_ =	swait.ge @!p0 [sflag:s8], $0x0  }
0x24: {  	s3 =	sadd.s32 $0x88, s3;
	s6 =	simm.s32 @!p1 $0x1082;
	[sflag:s4] =	ssyncset.s32 $0xFFFFF086  }
0x25: {  	[simem:s6], [sflag:s4] =	dma.local [hbm:s3], $0xF7A  }
0x26: {  	[smem:$0x3F9E] =	sst s1;
	(tag) =	ssettag s2;
	_ =	strace s9  }
0x27: {  	s1 =	sld [smem:$0x3FAE]  }
0x28: {  	s2 =	sld [smem:$0x3FAF]  }
0x29: {  	s4 =	sld [smem:$0x3FB1]  }
0x2a: {  	p0 =	seq.s32 s5, $0x0;
	s5 =	sld [smem:$0x3FB2]  }
0x2b: {  	s6 =	sld [smem:$0x3FB3]  }
0x2c: {  	s7 =	sld [smem:$0x3FB4]  }
0x2d: {  	s3 =	simm.s32 $0x108;
	s8 =	sld [smem:$0x3FB5]  }
0x2e: {  	s3 =	simm.s32 @!p0 $0x1082;
	s9 =	sld [smem:$0x3FB6]  }
0x2f: {  	lr =	sadd.s32 s0, s3;
	s0 =	sld [smem:$0x3FAD]  }
0x30: {  	s3 =	sld [smem:$0x3FB0]  }
0x31: {  	[smem:$0x3FB9] =	sst s10  }
0x32: {  	s10 =	sld [smem:$0x3FB7];
	_ =	sdelay $0x3  }
0x33: {  	p0 =	seq.s32 s10, $0x1;
	s10 =	sld [smem:$0x3FB9];
	_ =	sdelay $0x3  }
0x34: {  	[smem:$0x3FB9] =	sst s10  }
0x35: {  	s10 =	sld [smem:$0x3FB8];
	_ =	sdelay $0x3  }
0x36: {  	p1 =	seq.s32 s10, $0x1;
	s10 =	sld [smem:$0x3FB9];
	_ =	sdelay $0x3  }
0x37: {  	[smem:$0x3FB9] =	sst s10  }
0x38: {  	s10 =	sld [smem:$0x3FBA]  }
0x39: {  	_ = 	snop;
	(pc) =	sbr.ind lr, $3  }
0x3a: {  	_ = 	snop  }
0x3b: {  	_ = 	snop  }
0x3c: {  	p2 =	seq.s32 s10, $0x1;
	s10 =	sld [smem:$0x3FB9]  }
0x3d: {  	_ =	shalt  }
0x3e: {  	_ =	shalt  }
0x3f: {  	_ =	shalt  }
0x40: {  	_ =	shalt  }
0x41: {  	_ =	shalt  }
0x42: {  	_ =	shalt  }
0x43: {  	_ =	shalt  }
0x44: {  	_ =	shalt  }
0x45: {  	_ =	shalt  }
0x46: {  	_ =	shalt  }
0x47: {  	_ =	shalt  }
0x48: {  	_ =	shalt  }
0x49: {  	_ =	shalt  }
0x4a: {  	_ =	shalt  }
0x4b: {  	_ =	shalt  }
0x4c: {  	_ =	shalt  }
0x4d: {  	_ =	shalt  }
0x4e: {  	_ =	shalt  }
0x4f: {  	_ =	shalt  }
0x50: {  	_ =	shalt  }
0x51: {  	_ =	shalt  }
0x52: {  	_ =	shalt  }
0x53: {  	_ =	shalt  }
0x54: {  	_ =	shalt  }
0x55: {  	_ =	shalt  }
0x56: {  	_ =	shalt  }
0x57: {  	_ =	shalt  }
0x58: {  	_ =	shalt  }
0x59: {  	_ =	shalt  }
0x5a: {  	_ =	shalt  }
0x5b: {  	_ =	shalt  }
0x5c: {  	_ =	shalt  }
0x5d: {  	_ =	shalt  }
0x5e: {  	_ =	shalt  }
0x5f: {  	_ =	shalt  }
0x60: {  	_ =	shalt  }
0x61: {  	_ =	shalt  }
0x62: {  	_ =	shalt  }
0x63: {  	_ =	shalt  }
0x64: {  	_ =	shalt  }
0x65: {  	_ =	shalt  }
0x66: {  	_ =	shalt  }
0x67: {  	_ =	shalt  }
0x68: {  	_ =	shalt  }
0x69: {  	_ =	shalt  }
0x6a: {  	_ =	shalt  }
0x6b: {  	_ =	shalt  }
0x6c: {  	_ =	shalt  }
0x6d: {  	_ =	shalt  }
0x6e: {  	_ =	shalt  }
0x6f: {  	_ =	shalt  }
0x70: {  	_ =	shalt  }
0x71: {  	_ =	shalt  }
0x72: {  	_ =	shalt  }
0x73: {  	_ =	shalt  }
0x74: {  	_ =	shalt  }
0x75: {  	_ =	shalt  }
0x76: {  	_ =	shalt  }
0x77: {  	_ =	shalt  }
0x78: {  	_ =	shalt  }
0x79: {  	_ =	shalt  }
0x7a: {  	_ =	shalt  }
0x7b: {  	_ =	shalt  }
0x7c: {  	_ =	shalt  }
0x7d: {  	_ =	shalt  }
0x7e: {  	_ =	shalt  }
0x7f: {  	_ =	shalt  }
0x80: {  	_ =	shalt  }
0x81: {  	_ =	shalt  }
0x82: {  	_ =	shalt  }
0x83: {  	_ =	shalt  }
0x84: {  	_ =	shalt  }
0x85: {  	_ =	shalt  }
0x86: {  	_ =	shalt  }
0x87: {  	_ =	shalt  }
.Lfunc_end0:
.L_simem_size_0:
called_computation_lowered:
.L_overlay_start_0:
0x88: {  	s2 =	sld [smem:$0x3FD9]  }
0x89: {  	s3 =	sld [smem:$0x3FFE];
	_ =	sdelay $0x1  }
0x8a: {  	s1 =	srdreg.scid  }
0x8b: {  	s0 =	sand.u32 $0x1, s1  }
0x8c: {  	s16 =	sshll.u32 s0, $0xA;
	s2 =	sadd.s32 s3, s2  }
0x8d: {  	s2 =	sadd.s32 s2, s16  }
0x8e: {  	[smem:$0x3FC5] =	sst s2  }
0x8f: {  	_ = 	snop  }
0x90: {  	(tm) =	ssettm $0x1  }
0x91: {  	s17 =	sld [smem:$0x3FFB];
	_ =	sdelay $0x3  }
0x92: {  	_ =	strace s17  }
0x93: {  	s2 =	sld [smem:$0x3FFC];
	_ =	sdelay $0x3  }
0x94: {  	_ =	strace s2  }
0x95: {  	s2 =	sld [smem:$0x3FFD];
	_ =	sdelay $0x3  }
0x96: {  	_ =	strace s2  }
0x97: {  	_ =	strace $0x8FFFFFFF  }
0x98: {  	s18 =	sld [smem:$0x3FDB];
	_ =	sdelay $0x1  }
0x99: {  	s19 =	simm.s32 $_scs_section_size  }
0x9a: {  	s4 =	simm.s32 $_size__tile_overlayer_lowered;
	s5 =	simm.s32 $_tile_overlayer_lowered  }
0x9b: {  	s22 =	simm.s32 $0x1BFF;
	s21 =	sshll.u32 s5, $0x1;
	s2 =	sadd.s32 s19, s18  }
0x9c: {  	s6 =	simm.s32 $0x0;
	s20 =	sshll.u32 s4, $0x1;
	s4 =	sadd.s32 s21, s2  }
0x9d: {  	[timem:s6], [sflag:s22] =	dma.local [hbm:s4], s20  }
0x9e: {  	_ =	swait.ge [sflag:s22], s20  }
0x9f: {  	s3 =	ssub.s32 $0x0, s20;
	[sflag:s22] =	ssyncset.done $0x0  }
0xa0: {  	[sflag:s22] =	ssyncadd.s32 s3;
	_ =	sdelay $0x1  }
0xa1: {  	s23 =	simm.s32 $0x1B8B  }
0xa2: {  	_ =	swait.ge [sflag:s23], $0x1  }
0xa3: {  	[sflag:s23] =	ssyncset.done $0x0  }
0xa4: {  	s25 =	simm.s32 $0x1B8E;
	s24 =	sld [smem:$0x3FFE];
	[sflag:s23] =	ssyncadd.s32 $0xFFFFFFFF  }
0xa5: {  	s26 =	simm.s32 $execute0_lowered;
	[smem:$0x3FD2] =	sst s25  }
0xa6: {  	s4 =	sshll.u32 s26, $0x1;
	_ =	strace $0x80000046;
	[dreg:$0x1] =	wrdreg $0xFFFFFFFF  }
0xa7: {  	s28 =	simm.s32 $_size_execute0_lowered;
	s2 =	sadd.s32 s2, s4;
	[dreg:$0x0] =	wrdreg $0x0  }
0xa8: {  	s4 =	sshll.u32 s28, $0x1;
	[dreg:$0x2] =	wrdreg s2  }
0xa9: {  	[dreg:$0x3] =	wrdreg s4  }
0xaa: {  	[dreg:$0x4] =	wrdreg $0xC0  }
0xab: {  	_ =	task [dreg:s6], $0x5FFFF  }
0xac: {  	[dreg:$0x1] =	wrdreg $0xFFFFFFFF  }
0xad: {  	[dreg:$0x0] =	wrdreg $0x60  }
0xae: {  	[dreg:$0x2] =	wrdreg s24  }
0xaf: {  	[dreg:$0x3] =	wrdreg $0x9  }
0xb0: {  	_ =	task.clear_ibuf [dreg:s6], $0x4FFFF;
	_ =	strace $0x90000046  }
0xb1: {  	s29 =	simm.s32 $0x9;
	_ =	strace $0x80000048  }
0xb2: {  	_ =	swait.ge [sflag:s29], $0x1  }
0xb3: {  	[sflag:s29] =	ssyncadd.s32 $0xFFFFFFFF  }
0xb4: {  	_ =	strace $0x90000048  }
0xb5: {  	_ =	sfence  }
0xb6: {  	s30 =	sld [smem:$0x0];
	_ =	sdelay $0x2  }
0xb7: {  	s31 =	sshll.u32 s1, $0xD;
	s1 =	sshrl.u32 s1, $0x2  }
0xb8: {  	s3 =	sand.u32 $0x4000, s31;
	s1 =	sadd.s32 s1, s30  }
0xb9: {  	s0 =	sor.u32 s3, s0;
	s1 =	sshll.u32 s1, $0x11  }
0xba: {  	s0 =	sor.u32 s1, s0  }
0xbb: {  	s0 =	sadd.s32 $0x8F2B, s0  }
0xbc: {  	[sflag:s0] =	ssyncadd.remote.s32 $0x1  }
0xbd: {  	_ =	sfence.sel $0xFFFF  }
0xbe: {  	[dreg:$0x0] =	wrdreg $0xFFFFFFFF;
	(pc) =	sbr.abs _section_cstart, $3  }
0xbf: {  	[dreg:$0x1] =	wrdreg $0xFFFFFFFF  }
0xc0: {  	_ =	task.clear_ibuf [dreg:s6], $0x2FFFF;
	_ =	strace $0x9FFFFFFF  }
0xc1: {  	(tm) =	ssettm $0x7FFFFFFF  }
tec
execute0_lowered:
.L_overlay_start_1:
0x0: {  	(tag) =	ssettag $0x1  }
0x1: {  	s0 =	srdreg.scid;
	s5 =	rddreg [dreg:$0x0]  }
0x2: {  	s1 =	stileid.u32;
	s6 =	simm.s32 $0x1;
	s9 =	simm.s32 $0x1  }
0x3: {  	s10 =	simm.s32 $0x3;
	s13 =	simm.s32 $0x0;
	s2 =	sshll.u32 s0, $0xA  }
0x4: {  	s12 =	simm.s32 $0x0;
	s3 =	sshll.u32 s1, $0xB;
	s2 =	sand.u32 $0x400, s2  }
0x5: {  	s0 =	rddreg [dreg:$0x1];
	_ =	strace $0x80000047;
	s2 =	sor.u32 s3, s2  }
0x6: {  	s4 =	sadd.s32 $0xE00, s5;
	[sflag:s6] =	ssyncpa.u1 $0x0;
	s8 =	ssub.s32 $0x10000, s2  }
.Ltmp0:
0x7: {  	s3 =	sadd.s32 $0x6E00, s5;
	s7 =	sand.u32 $0x7C00, s8;
	(pc) =	sbr.rel .LBB2_1-.Ltmp0, $4  }
0x8: {  	s5 =	sadd.s32 $0x8E00, s5;
	s11 =	smov.u32 s2;
	p0 =	sne.s32 s7, $0x0  }
0x9: {  	s8 =	sshrl.u32 s8, $0xF;
	s7 =	simm.s32 $0x2;
	s9 =	simm.s32 @!p0 $0x0  }
0xa: {  	[sflag:s7] =	ssyncpa.u1 $0x0;
	p0 =	por $0x0, $0x0;
	s8 =	sadd.s32 s9, s8  }
0xb: {  	vm0 =	vmmov $0xffff;
	[sflag:s10] =	ssyncpa.u1 $0x0;
	s10 =	simm.s32 $0x0;
	s9 =	sadd.s32 $0x1, s8  }
.LBB2_4:
0xc: {  	vm1 =	veq.s32 v0, $0x80000000;
	v63 =	vand.u32 $0x7FF, v0;
	v2 =	vand.u32 $0x1F, v2  }
0xd: {  	v0 =	vsel vm1, $0xFFFFFFFF, v63;
	v2 =	vsel vm1, $0xFFFFFFFF, v2  }
0xe: {  	v3 =	vshll.u32 v2, $0xB;
	v4 =	vshll.u32 v0, $0x3  }
0xf: {  	v2 =	vshll.u32 v2, $0x7;
	v3 =	vand.u32 $0xFFFFC000, v3;
	v4 =	vand.u32 $0xFFFFFC00, v4  }
0x10: {  	v2 =	vand.u32 $0x380, v2;
	v3 =	vadd.s32 v4, v3  }
0x11: {  	v0 =	vand.u32 $0x7F, v0;
	v2 =	vor.u32 v2, v3  }
0x12: {  	v0 =	vor.u32 v0, v2;
	_ =	sdelay $0x1  }
0x13: {  	(ifvalue) =	ssetifvalue $0x7FFFFFFF;
	s14 =	sadd.s32 $0x10, s14  }
0x14: {  	[tilespmem:s14], [sflag:$0x1] =	stream.indirect_vreg.gather [hbm4b:s3+s10], $0x1, v1, vm0, $0x4038;
	[tilespmem:$0x1000] =	vst v63  }
0x15: {  	(ifvalue) =	ssetifvalue $0x7FFFFFFF;
	s14 =	sadd.s32 $0x10, s14  }
0x16: {  	[tilespmem:s14], [sflag:$0x1] =	stream.indirect_vreg.gather [hbm4b:s3+s10], $0x1, v0, vm0, $0x4038;
	[tilespmem:$0x1000] =	vst v63  }
0x17: {  	_ =	swait.ge [sflag:s6], $0x400  }
0x18: {  	s30 =	sshrl.u32 s13, $0x3;
	[sflag:s6] =	ssyncset.done $0x0  }
0x19: {  	s31 =	sand.u32 $0x7, s13;
	s14 =	sadd.s32 s5, s30;
	[sflag:s6] =	ssyncadd.s32 $0xFFFFFC00  }
0x1a: {  	[hbm4b:s14+s31] =	stream.linear.scatter [tilespmem:s15], [sflag:$0x3], $0x400, $0x38;
	[tilespmem:$0x1000] =	vst v63  }
.LBB2_5:
0x1b: {  	s15 =	sadd.s32 $0x8000, s11  }
0x1c: {  	p2 =	sgt.s32 s15, $0xFFFF  }
0x1d: {  	s15 =	smov.u32 @p2 s2;
	p2 =	sne.s32 s12, s9  }
.Ltmp1:
0x1e: {  	p1 =	slt.u32 s12, $0x2;
	(pc) =	sbr.rel @!p2 .LBB2_6-.Ltmp1, $4  }
0x1f: {  	s14 =	simm.s32 @!p1 $0x3  }
0x20: {  	s16 =	sadd.s32 $0x1, s12;
	_ =	swait.ge @!p1 [sflag:s14], $0x400  }
0x21: {  	s13 =	smov.u32 s11;
	p0 =	por !p0, !p0;
	[sflag:s14] =	ssyncset.done @!p1 $0x0  }
0x22: {  	s12 =	smov.u32 s16;
	s11 =	smov.u32 s15;
	[sflag:s14] =	ssyncadd.s32 @!p1 $0xFFFFFC00  }
.LBB2_1:
0x23: {  	p1 =	sge.u32 s12, s8  }
0x24: {  	s14 =	sxor.u32 @!p1 $0xFFFFFFFF, s12  }
0x25: {  	s31 =	sadd.s32 $0xFFFFFFFF, s12;
	s15 =	sshrl.u32 @!p1 s11, $0x3;
	s14 =	sshll.u32 @!p1 s14, $0xA  }
0x26: {  	s16 =	sand.u32 @!p1 $0x7, s11;
	s15 =	sadd.s32 @!p1 s4, s15;
	s14 =	sand.u32 @!p1 $0x400, s14  }
0x27: {  	[tilespmem:s14], [sflag:$0x2] =	stream.linear.gather @!p1 [hbm4b:s15+s16], $0x400, $0x38;
	[tilespmem:$0x1000] =	vst v63  }
0x28: {  	p1 =	sge.u32 s31, s8  }
.Ltmp2:
0x29: {  	_ = 	snop;
	(pc) =	sbr.rel @p1 .LBB2_5-.Ltmp2, $1  }
0x2a: {  	_ =	sdelay $0x3  }
0x2b: {  	s14 =	simm.s32 $0x1  }
0x2c: {  	_ =	swait.ge [sflag:s7], $0x400;
	s14 =	simm.s32 @!p0 $0x0  }
0x2d: {  	[sflag:s7] =	ssyncset.done $0x0;
	s14 =	sshll.u32 s14, $0xA  }
0x2e: {  	[sflag:s7] =	ssyncadd.s32 $0xFFFFFC00;
	(ifvalue) =	ssetifvalue $0x7FFFFFFF;
	v0 =	vld.msk [tilespmem:s14+$0x0 ss:$0x1], $0xffff;
	_ =	sdelay $0x4  }
0x2f: {  	s15 =	sadd.s32 $0x10, s14;
	v1 =	vshrl.u32 v0, $0xB  }
0x30: {  	v2 =	vld.msk [tilespmem:s15+$0x0 ss:$0x1], $0xffff;
	vm1 =	veq.s32 v0, $0x80000000;
	v0 =	vand.u32 $0x7FF, v0;
	v1 =	vand.u32 $0x1F, v1  }
0x31: {  	v0 =	vsel vm1, $0xFFFFFFFF, v0;
	v1 =	vsel vm1, $0xFFFFFFFF, v1  }
0x32: {  	v4 =	vshll.u32 v0, $0x3;
	v3 =	vshll.u32 v1, $0xB  }
0x33: {  	v4 =	vand.u32 $0xFFFFFC00, v4;
	v1 =	vshll.u32 v1, $0x7;
	v3 =	vand.u32 $0xFFFFC000, v3  }
0x34: {  	v0 =	vand.u32 $0x7F, v0;
	v1 =	vand.u32 $0x380, v1;
	v3 =	vadd.s32 v4, v3  }
0x35: {  	vm1 =	veq.s32 v2, $0x80000000;
	v1 =	vor.u32 v1, v3;
	v3 =	vshrl.u32 v2, $0xB  }
0x36: {  	s17 =	sadd.s32 $0x10, s15;
	v2 =	vand.u32 $0x7FF, v2;
	v1 =	vor.u32 v0, v1;
	v3 =	vand.u32 $0x1F, v3  }
0x37: {  	v0 =	vld.msk [tilespmem:s17+$0x0 ss:$0x1], $0xffff;
	v2 =	vsel vm1, $0xFFFFFFFF, v2;
	v3 =	vsel vm1, $0xFFFFFFFF, v3  }
0x38: {  	v5 =	vshll.u32 v2, $0x3;
	v63 =	vshll.u32 v3, $0xB  }
0x39: {  	s31 =	sshll.u32 s12, $0xA;
	v5 =	vand.u32 $0xFFFFFC00, v5;
	v3 =	vshll.u32 v3, $0x7;
	v4 =	vand.u32 $0xFFFFC000, v63  }
0x3a: {  	s14 =	sor.u32 $0x800, s14;
	s15 =	sand.u32 $0x400, s31;
	(ifvalue) =	ssetifvalue $0x7FFFFFFF;
	v3 =	vand.u32 $0x380, v3;
	v4 =	vadd.s32 v5, v4  }
0x3b: {  	[tilespmem:s14], [sflag:$0x1] =	stream.indirect_vreg.gather [hbm4b:s3+s10], $0x1, v1, vm0, $0x4038;
	v1 =	vand.u32 $0x7F, v2;
	v3 =	vor.u32 v3, v4;
	[tilespmem:$0x1000] =	vst v63  }
0x3c: {  	s16 =	simm.s32 $0x20;
	s15 =	sor.u32 $0x800, s15;
	s17 =	sadd.s32 $0x10, s17;
	v2 =	vshrl.u32 v0, $0xB;
	v1 =	vor.u32 v1, v3  }
.LBB2_3:
0x3d: {  	s16 =	sadd.s32 $0x10, s16;
	vm1 =	veq.s32 v0, $0x80000000;
	v3 =	vand.u32 $0x7FF, v0;
	v0 =	vld.msk [tilespmem:s17+$0x0 ss:$0x1], $0xffff;
	v2 =	vand.u32 $0x1F, v2  }
0x3e: {  	p1 =	slt.u32 s16, $0x3F0;
	v3 =	vsel vm1, $0xFFFFFFFF, v3;
	v2 =	vsel vm1, $0xFFFFFFFF, v2  }
.Ltmp3:
0x3f: {  	v4 =	vshll.u32 v2, $0xB;
	v5 =	vshll.u32 v3, $0x3;
	(pc) =	sbr.rel @p1 .LBB2_3-.Ltmp3, $4  }
0x40: {  	s14 =	sadd.s32 $0x10, s14;
	v2 =	vshll.u32 v2, $0x7;
	v4 =	vand.u32 $0xFFFFC000, v4;
	v5 =	vand.u32 $0xFFFFFC00, v5;
	(ifvalue) =	ssetifvalue $0x7FFFFFFF  }
0x41: {  	v2 =	vand.u32 $0x380, v2;
	v4 =	vadd.s32 v5, v4;
	[tilespmem:s14], [sflag:$0x1] =	stream.indirect_vreg.gather [hbm4b:s3+s10], $0x1, v1, vm0, $0x4038;
	[tilespmem:$0x1000] =	vst v63  }
0x42: {  	v1 =	vand.u32 $0x7F, v3;
	v3 =	vor.u32 v2, v4  }
0x43: {  	s17 =	sadd.s32 $0x10, s17;
	v2 =	vshrl.u32 v0, $0xB;
	v1 =	vor.u32 v1, v3  }
.Ltmp4:
0x44: {  	_ = 	snop;
	(pc) =	sbr.rel .LBB2_4-.Ltmp4, $1  }
0x45: {  	_ =	sdelay $0x3  }
.LBB2_6:
0x46: {  	_ =	sfence.sel $0x180000  }
0x47: {  	s2 =	simm.s32 $0x2;
	[bflag:$0x0] =	sbarrier.arrive $0xFFFF  }
0x48: {  	s30 =	simm.s32 $0x3;
	[sflag:s2] =	ssyncpa.u1 $0x1  }
0x49: {  	s31 =	simm.s32 $0x1;
	[sflag:s30] =	ssyncpa.u1 $0x1  }
0x4a: {  	[sflag:s31] =	ssyncpa.u1 $0x1  }
0x4b: {  	p0 =	sne.s32 s1, $0x0;
	_ =	strace $0x90000047  }
0x4c: {  	s0 =	sadd.s32 @!p0 $0x100000, s0;
	[bflag:$0x2] =	sbarrier.arrive $0xFFFF  }
0x4d: {  	[sflag:s0] =	ssyncadd.tile.s32 @!p0 $0x1;
	_ =	shalt  }
.Lfunc_end2:
_tile_overlayer_lowered:
.L_overlay_start_2:
0x4e: {  	(tag) =	ssettag $0x2  }
0x4f: {  	s0 =	rddreg [dreg:$0x0];
	s2 =	stileid.u32  }
0x50: {  	s1 =	rddreg [dreg:$0x1];
	p0 =	sne.s32 s2, $0x0  }
0x51: {  	s3 =	rddreg [dreg:$0x2];
	[bflag:$0x3] =	sbarrier.arrive $0xFFFF;
	s2 =	simm.s32 @!p0 $0x1C01  }
0x52: {  	[timem:s3], [sflag:s2] =	dma.local @!p0 [hbm:s0], s1  }
0x53: {  	s0 =	simm.s32 @!p0 $0x1  }
0x54: {  	_ =	swait.ge @!p0 [sflag:s0], s1  }
0x55: {  	s1 =	ssub.s32 @!p0 $0x0, s1;
	[sflag:s0] =	ssyncset.done @!p0 $0x0  }
0x56: {  	[sflag:s0] =	ssyncadd.s32 @!p0 s1  }
0x57: {  	[bflag:$0x3] =	sbarrier.arrive $0xFFFF  }
0x58: {  	_ =	shalt  }

// kernel: kernel.3.cloned.1.call-start
scs
__scs_entry_jumppad:
0x0: {  	(pc) =	sbr.rel $0x88, $3  }
0x1: {  	(tag) =	ssettag $0x0;
	lr =	simm.s32 $0x1  }
0x2: {  	[smem:$0x3F9E] =	sst lr;
	_ =	strace $0xD0000000  }
0x3: {  	_ = 	snop  }
0x4: {  	_ = 	snop  }
0x5: {  	_ = 	snop  }
0x6: {  	_ = 	snop  }
0x7: {  	_ = 	snop  }
__scs_overlays_trampoline_lowered:
0x8: {  	[smem:$0x3FAD] =	sst s0  }
0x9: {  	[smem:$0x3FAE] =	sst s1  }
0xa: {  	[smem:$0x3FAF] =	sst s2  }
0xb: {  	[smem:$0x3FB0] =	sst s3  }
0xc: {  	[smem:$0x3FB1] =	sst s4  }
0xd: {  	[smem:$0x3FB2] =	sst s5  }
0xe: {  	[smem:$0x3FB3] =	sst s6  }
0xf: {  	[smem:$0x3FB4] =	sst s7  }
0x10: {  	[smem:$0x3FB5] =	sst s8  }
0x11: {  	[smem:$0x3FB6] =	sst s9;
	s0 =	simm.s32 @!p0 $0x0  }
0x12: {  	s1 =	sld [smem:$0x3F9C];
	s0 =	simm.s32 @p0 $0x1  }
0x13: {  	[smem:$0x3FB7] =	sst s0;
	s0 =	simm.s32 @!p1 $0x0  }
0x14: {  	s2 =	sld [smem:$0x3F9B];
	s0 =	simm.s32 @p1 $0x1  }
0x15: {  	[smem:$0x3FB8] =	sst s0;
	s0 =	simm.s32 @!p2 $0x0  }
0x16: {  	s3 =	sld [smem:$0x3FDB];
	s0 =	simm.s32 @p2 $0x1  }
0x17: {  	s4 =	simm.s32 $0x1BF5;
	[smem:$0x3FBA] =	sst s0  }
0x18: {  	s0 =	sld [smem:$0x3F9D];
	_ =	swait.ge [sflag:s4], $0x0  }
0x19: {  	s7 =	sld [smem:$0x3F9E]  }
0x1a: {  	s8 =	sadd.s32 $0xFFFFE003, lr  }
0x1b: {  	s9 =	sadd.s32 $0xFFFFFEF7, lr;
	s5 =	simm.s32 $0xFFFFFFFF;
	p2 =	slt.u32 s8, $0xFFFFF086  }
0x1c: {  	p1 =	slt.u32 s9, $0xF7A;
	s5 =	simm.s32 @!p2 $0x0  }
0x1d: {  	s5 =	simm.s32 @p1 $0x1;
	p0 =	seq.s32 s7, s2  }
0x1e: {  	s7 =	smul.u32 @!p0 $0xF7A, s2;
	p2 =	seq.s32 @!p0 s5, $0x0  }
0x1f: {  	s9 =	smul.u32 $0xF7A, s1;
	s8 =	simm.s32 @!p0 $0x1BF5;
	p2 =	por !p2, p0  }
0x20: {  	[sflag:s8] =	ssyncset.s32 @!p0 $0xFFFFF086;
	s6 =	sadd.s32 @!p0 s3, s7;
	s7 =	simm.s32 @!p0 $0x108  }
0x21: {  	s3 =	sadd.s32 s3, s9;
	s6 =	sadd.s32 @!p0 $0x88, s6;
	s7 =	simm.s32 @p2 $0x1082  }
0x22: {  	[simem:s7], [sflag:s8] =	dma.local @!p0 [hbm:s6], $0xF7A  }
0x23: {  	s9 =	sor.u32 $0xD0000000, s2;
	s6 =	simm.s32 $0x108;
	_ =	swait.ge @!p0 [sflag:s8], $0x0  }
0x24: {  	s3 =	sadd.s32 $0x88, s3;
	s6 =	simm.s32 @!p1 $0x1082;
	[sflag:s4] =	ssyncset.s32 $0xFFFFF086  }
0x25: {  	[simem:s6], [sflag:s4] =	dma.local [hbm:s3], $0xF7A  }
0x26: {  	[smem:$0x3F9E] =	sst s1;
	(tag) =	ssettag s2;
	_ =	strace s9  }
0x27: {  	s1 =	sld [smem:$0x3FAE]  }
0x28: {  	s2 =	sld [smem:$0x3FAF]  }
0x29: {  	s4 =	sld [smem:$0x3FB1]  }
0x2a: {  	p0 =	seq.s32 s5, $0x0;
	s5 =	sld [smem:$0x3FB2]  }
0x2b: {  	s6 =	sld [smem:$0x3FB3]  }
0x2c: {  	s7 =	sld [smem:$0x3FB4]  }
0x2d: {  	s3 =	simm.s32 $0x108;
	s8 =	sld [smem:$0x3FB5]  }
0x2e: {  	s3 =	simm.s32 @!p0 $0x1082;
	s9 =	sld [smem:$0x3FB6]  }
0x2f: {  	lr =	sadd.s32 s0, s3;
	s0 =	sld [smem:$0x3FAD]  }
0x30: {  	s3 =	sld [smem:$0x3FB0]  }
0x31: {  	[smem:$0x3FB9] =	sst s10  }
0x32: {  	s10 =	sld [smem:$0x3FB7];
	_ =	sdelay $0x3  }
0x33: {  	p0 =	seq.s32 s10, $0x1;
	s10 =	sld [smem:$0x3FB9];
	_ =	sdelay $0x3  }
0x34: {  	[smem:$0x3FB9] =	sst s10  }
0x35: {  	s10 =	sld [smem:$0x3FB8];
	_ =	sdelay $0x3  }
0x36: {  	p1 =	seq.s32 s10, $0x1;
	s10 =	sld [smem:$0x3FB9];
	_ =	sdelay $0x3  }
0x37: {  	[smem:$0x3FB9] =	sst s10  }
0x38: {  	s10 =	sld [smem:$0x3FBA]  }
0x39: {  	_ = 	snop;
	(pc) =	sbr.ind lr, $3  }
0x3a: {  	_ = 	snop  }
0x3b: {  	_ = 	snop  }
0x3c: {  	p2 =	seq.s32 s10, $0x1;
	s10 =	sld [smem:$0x3FB9]  }
0x3d: {  	_ =	shalt  }
0x3e: {  	_ =	shalt  }
0x3f: {  	_ =	shalt  }
0x40: {  	_ =	shalt  }
0x41: {  	_ =	shalt  }
0x42: {  	_ =	shalt  }
0x43: {  	_ =	shalt  }
0x44: {  	_ =	shalt  }
0x45: {  	_ =	shalt  }
0x46: {  	_ =	shalt  }
0x47: {  	_ =	shalt  }
0x48: {  	_ =	shalt  }
0x49: {  	_ =	shalt  }
0x4a: {  	_ =	shalt  }
0x4b: {  	_ =	shalt  }
0x4c: {  	_ =	shalt  }
0x4d: {  	_ =	shalt  }
0x4e: {  	_ =	shalt  }
0x4f: {  	_ =	shalt  }
0x50: {  	_ =	shalt  }
0x51: {  	_ =	shalt  }
0x52: {  	_ =	shalt  }
0x53: {  	_ =	shalt  }
0x54: {  	_ =	shalt  }
0x55: {  	_ =	shalt  }
0x56: {  	_ =	shalt  }
0x57: {  	_ =	shalt  }
0x58: {  	_ =	shalt  }
0x59: {  	_ =	shalt  }
0x5a: {  	_ =	shalt  }
0x5b: {  	_ =	shalt  }
0x5c: {  	_ =	shalt  }
0x5d: {  	_ =	shalt  }
0x5e: {  	_ =	shalt  }
0x5f: {  	_ =	shalt  }
0x60: {  	_ =	shalt  }
0x61: {  	_ =	shalt  }
0x62: {  	_ =	shalt  }
0x63: {  	_ =	shalt  }
0x64: {  	_ =	shalt  }
0x65: {  	_ =	shalt  }
0x66: {  	_ =	shalt  }
0x67: {  	_ =	shalt  }
0x68: {  	_ =	shalt  }
0x69: {  	_ =	shalt  }
0x6a: {  	_ =	shalt  }
0x6b: {  	_ =	shalt  }
0x6c: {  	_ =	shalt  }
0x6d: {  	_ =	shalt  }
0x6e: {  	_ =	shalt  }
0x6f: {  	_ =	shalt  }
0x70: {  	_ =	shalt  }
0x71: {  	_ =	shalt  }
0x72: {  	_ =	shalt  }
0x73: {  	_ =	shalt  }
0x74: {  	_ =	shalt  }
0x75: {  	_ =	shalt  }
0x76: {  	_ =	shalt  }
0x77: {  	_ =	shalt  }
0x78: {  	_ =	shalt  }
0x79: {  	_ =	shalt  }
0x7a: {  	_ =	shalt  }
0x7b: {  	_ =	shalt  }
0x7c: {  	_ =	shalt  }
0x7d: {  	_ =	shalt  }
0x7e: {  	_ =	shalt  }
0x7f: {  	_ =	shalt  }
0x80: {  	_ =	shalt  }
0x81: {  	_ =	shalt  }
0x82: {  	_ =	shalt  }
0x83: {  	_ =	shalt  }
0x84: {  	_ =	shalt  }
0x85: {  	_ =	shalt  }
0x86: {  	_ =	shalt  }
0x87: {  	_ =	shalt  }
.Lfunc_end0:
.L_simem_size_0:
called_computation.1_lowered:
.L_overlay_start_0:
0x88: {  	s2 =	sld [smem:$0x3FD9]  }
0x89: {  	s3 =	sld [smem:$0x3FFE];
	_ =	sdelay $0x1  }
0x8a: {  	s1 =	srdreg.scid  }
0x8b: {  	s0 =	sand.u32 $0x1, s1  }
0x8c: {  	s17 =	sshll.u32 s0, $0xA;
	s2 =	sadd.s32 s3, s2  }
0x8d: {  	s2 =	sadd.s32 s2, s17  }
0x8e: {  	[smem:$0x3FC5] =	sst s2  }
0x8f: {  	_ = 	snop  }
0x90: {  	s2 =	sld [smem:$0x3FD0];
	(tm) =	ssettm $0x1  }
0x91: {  	s18 =	sld [smem:$0x3FFB];
	_ =	sdelay $0x3  }
0x92: {  	_ =	strace s18  }
0x93: {  	s3 =	sld [smem:$0x3FFC];
	_ =	sdelay $0x3  }
0x94: {  	_ =	strace s3  }
0x95: {  	s3 =	sld [smem:$0x3FFD];
	_ =	sdelay $0x3  }
0x96: {  	_ =	strace s3  }
0x97: {  	_ =	strace $0x8FFFFFFF  }
0x98: {  	s19 =	sld [smem:$0x3FDB];
	_ =	sdelay $0x1  }
0x99: {  	s4 =	simm.s32 $_scs_section_size  }
0x9a: {  	s5 =	simm.s32 $_size__tile_overlayer_lowered;
	s6 =	simm.s32 $_tile_overlayer_lowered  }
0x9b: {  	s22 =	simm.s32 $0x1BFF;
	s21 =	sshll.u32 s6, $0x1;
	s3 =	sadd.s32 s4, s19  }
0x9c: {  	s7 =	simm.s32 $0x0;
	s20 =	sshll.u32 s5, $0x1;
	s5 =	sadd.s32 s21, s3  }
0x9d: {  	[timem:s7], [sflag:s22] =	dma.local [hbm:s5], s20  }
0x9e: {  	_ =	swait.ge [sflag:s22], s20  }
0x9f: {  	s4 =	ssub.s32 $0x0, s20;
	[sflag:s22] =	ssyncset.done $0x0  }
0xa0: {  	[sflag:s22] =	ssyncadd.s32 s4;
	_ =	sdelay $0x1  }
0xa1: {  	s23 =	simm.s32 $0x1B8B  }
0xa2: {  	_ =	swait.ge [sflag:s23], $0x1  }
0xa3: {  	[sflag:s23] =	ssyncset.done $0x0  }
0xa4: {  	s25 =	simm.s32 $0x1B8E;
	s24 =	sld [smem:$0x3FFE];
	[sflag:s23] =	ssyncadd.s32 $0xFFFFFFFF  }
0xa5: {  	s26 =	simm.s32 $execute0_lowered;
	[smem:$0x3FD2] =	sst s25  }
0xa6: {  	s5 =	sshll.u32 s26, $0x1;
	_ =	strace $0x80000049;
	[dreg:$0x1] =	wrdreg $0xFFFFFFFF  }
0xa7: {  	s28 =	simm.s32 $_size_execute0_lowered;
	s3 =	sadd.s32 s3, s5;
	[dreg:$0x0] =	wrdreg $0x0  }
0xa8: {  	s5 =	sshll.u32 s28, $0x1;
	[dreg:$0x2] =	wrdreg s3  }
0xa9: {  	[dreg:$0x3] =	wrdreg s5  }
0xaa: {  	[dreg:$0x4] =	wrdreg $0xC0  }
0xab: {  	_ =	task [dreg:s7], $0x5FFFF  }
0xac: {  	[dreg:$0x1] =	wrdreg $0xFFFFFFFF  }
0xad: {  	[dreg:$0x0] =	wrdreg $0x60  }
0xae: {  	[dreg:$0x2] =	wrdreg s24  }
0xaf: {  	[dreg:$0x3] =	wrdreg s2  }
0xb0: {  	[dreg:$0x4] =	wrdreg $0x9  }
0xb1: {  	_ =	task.clear_ibuf [dreg:s7], $0x5FFFF;
	_ =	strace $0x90000049  }
0xb2: {  	s29 =	simm.s32 $0x9;
	_ =	strace $0x8000004B  }
0xb3: {  	_ =	swait.ge [sflag:s29], $0x1  }
0xb4: {  	[sflag:s29] =	ssyncadd.s32 $0xFFFFFFFF  }
0xb5: {  	_ =	strace $0x9000004B  }
0xb6: {  	_ =	sfence  }
0xb7: {  	s30 =	sld [smem:$0x0];
	_ =	sdelay $0x2  }
0xb8: {  	s31 =	sshll.u32 s1, $0xD;
	s1 =	sshrl.u32 s1, $0x2  }
0xb9: {  	s3 =	sand.u32 $0x4000, s31;
	s1 =	sadd.s32 s1, s30  }
0xba: {  	s0 =	sor.u32 s3, s0;
	s1 =	sshll.u32 s1, $0x11  }
0xbb: {  	s0 =	sor.u32 s1, s0  }
0xbc: {  	s0 =	sadd.s32 $0x8F2B, s0  }
0xbd: {  	[sflag:s0] =	ssyncadd.remote.s32 $0x1  }
0xbe: {  	_ =	sfence.sel $0xFFFF  }
0xbf: {  	[dreg:$0x0] =	wrdreg $0xFFFFFFFF;
	(pc) =	sbr.abs _section_cstart, $3  }
0xc0: {  	[dreg:$0x1] =	wrdreg $0xFFFFFFFF  }
0xc1: {  	_ =	task.clear_ibuf [dreg:s7], $0x2FFFF;
	_ =	strace $0x9FFFFFFF  }
0xc2: {  	(tm) =	ssettm $0x7FFFFFFF  }
0xc3: {  	_ =	shalt  }
tec
execute0_lowered:
.L_overlay_start_1:
0x0: {  	(tag) =	ssettag $0x1  }
0x1: {  	s0 =	rddreg [dreg:$0x0]  }
0x2: {  	s3 =	simm.s32 $0x0;
	s6 =	stileid.u32;
	s2 =	srdreg.scid  }
0x3: {  	[smem:$0x7FF] =	sst s3;
	s1 =	sadd.s32 $0xE00, s0;
	s9 =	sadd.s32 $0xAE00, s0  }
0x4: {  	s22 =	sand.u32 $0x4, s6;
	s23 =	sshrl.u32 s6, $0x3;
	s2 =	sand.u32 $0x1, s2  }
0x5: {  	s6 =	sshll.u32 s6, $0x1;
	_ =	strace $0x8000004A;
	[smem:$0x7F6] =	sst s1  }
0x6: {  	s4 =	sshll.u32 s22, $0x9;
	s5 =	sshll.u32 s23, $0xC;
	s24 =	ssub.s32 $0x2, s2  }
0x7: {  	s6 =	sand.u32 $0x6, s6;
	[smem:$0x7F7] =	sst s9;
	s0 =	sshll.u32 s22, $0xC  }
0x8: {  	s1 =	sshll.u32 s23, $0x12;
	s4 =	sor.u32 s4, s5;
	s8 =	sshrl.u32 s24, $0x1  }
0x9: {  	s2 =	sor.u32 s2, s6;
	s7 =	sshrl.u32 s4, $0x3;
	s5 =	ssub.s32 s24, s8  }
0xa: {  	s26 =	sshll.u32 s2, $0x2;
	s28 =	sor.u32 $0x4000, s4;
	s4 =	sor.u32 $0x6000, s4  }
0xb: {  	s31 =	sshll.u32 s2, $0xF;
	s2 =	sshllo.u32 s2, $0x2;
	[smem:$0x7FA] =	sst s28  }
.Ltmp0:
0xc: {  	s25 =	sadd.s32 s9, s7;
	[smem:$0x7FB] =	sst s4;
	(pc) =	sbr.rel .LBB2_1-.Ltmp0, $4  }
0xd: {  	s29 =	sor.u32 $0x1, s26;
	s5 =	smax.u32 s5, $0x1;
	[smem:$0x7F8] =	sst s25  }
0xe: {  	s0 =	sor.u32 s0, s31;
	s6 =	sadd.s32 $0x400, s25;
	[smem:$0x7FC] =	sst s5  }
0xf: {  	s30 =	sor.u32 $0x2, s26;
	v0 =	vmov s26;
	s0 =	sor.u32 s0, s1;
	[smem:$0x7F9] =	sst s6  }
0x10: {  	v3 =	vmov s2;
	s2 =	simm.s32 $0x0;
	v1 =	vmov s29;
	v2 =	vmov s30;
	[smem:$0x7FD] =	sst s0  }
.LBB2_8:
0x11: {  	s0 =	simm.s32 $0x3  }
0x12: {  	_ =	swait.ge [sflag:s0], $0x4000  }
0x13: {  	[sflag:s0] =	ssyncset.done $0x0  }
0x14: {  	s1 =	simm.s32 $0x4;
	[sflag:s0] =	ssyncadd.s32 $0xFFFFC000  }
0x15: {  	_ =	swait.ge [sflag:s1], $0x4000  }
0x16: {  	s2 =	sld [smem:$0x7F5]  }
0x17: {  	s31 =	sld [smem:$0x7FC];
	_ =	sdelay $0x1  }
0x18: {  	s2 =	sadd.s32 $0x1, s2  }
0x19: {  	p0 =	sne.s32 s2, s31  }
.Ltmp1:
0x1a: {  	_ = 	snop;
	(pc) =	sbr.rel @!p0 .LBB2_9-.Ltmp1, $3  }
0x1b: {  	_ =	sdelay $0x1  }
0x1c: {  	[sflag:s1] =	ssyncset.done $0x0  }
0x1d: {  	[sflag:s1] =	ssyncadd.s32 $0xFFFFC000  }
.LBB2_1:
0x1e: {  	s0 =	sld [smem:$0x7F6];
	_ =	sdelay $0x1  }
0x1f: {  	[smem:$0x7F5] =	sst s2;
	s28 =	simm.s32 $0x5  }
0x20: {  	[tilespmem:s3], [sflag:$0x5] =	stream.linear.gather [hbm4b:s0+s3], $0x10000, $0x38;
	[tilespmem:$0x19000] =	vst v63  }
0x21: {  	_ =	swait.ge [sflag:s28], $0x10000  }
0x22: {  	s29 =	sld [smem:$0x7F8]  }
0x23: {  	[sflag:s28] =	ssyncset.done $0x0  }
0x24: {  	s1 =	simm.s32 $0x10000;
	s30 =	sld [smem:$0x7F9];
	[sflag:s28] =	ssyncadd.s32 $0xFFFF0000  }
0x25: {  	[tilespmem:s1], [sflag:$0x1] =	stream.linear.gather [hbm4b:s29+s3], $0x800, $0x38;
	[tilespmem:$0x19000] =	vst v63  }
0x26: {  	s31 =	simm.s32 $0x10800;
	s0 =	simm.s32 $0x0  }
0x27: {  	[tilespmem:s31], [sflag:$0x2] =	stream.linear.gather [hbm4b:s30+s3], $0x800, $0x38;
	[tilespmem:$0x19000] =	vst v63  }
.LBB2_2:
0x28: {  	p0 =	seq.s32 s0, $0x0  }
0x29: {  	[smem:$0x7F3] =	sst s0;
	s0 =	simm.s32 @!p0 $0x3  }
0x2a: {  	_ =	swait.ge @!p0 [sflag:s0], $0x4000  }
0x2b: {  	[sflag:s0] =	ssyncset.done @!p0 $0x0  }
0x2c: {  	s8 =	simm.s32 $0x0;
	s2 =	simm.s32 $0x1;
	[sflag:s0] =	ssyncadd.s32 @!p0 $0xFFFFC000  }
0x2d: {  	s1 =	simm.s32 $0x0;
	s0 =	sand.u32 $0x3FFFFF80, s8;
	_ =	swait.ge [sflag:s2], $0x800  }
0x2e: {  	s5 =	sand.u32 $0x40, s1;
	s6 =	sadd.s32 $0x10000, s0;
	[sflag:s2] =	ssyncset.done $0x0  }
0x2f: {  	s1 =	sor.u32 s5, s6;
	[sflag:s2] =	ssyncadd.s32 $0xFFFFF800  }
0x30: {  	v4 =	vld [tilespmem:s1+$0x0];
	_ =	sdelay $0x4  }
0x31: {  	v5 =	vshll.u32 v4, $0x5;
	v6 =	vand.u32 $0x1F, v4  }
0x32: {  	v7 =	vxor.u32 v0, v6;
	v8 =	vand.u32 $0x1FFFF8, v5  }
0x33: {  	v7 =	vor.u32 v8, v7;
	_ =	sdelay $0x4  }
0x34: {  	v7 =	vld.idx.msk [tilespmem:v7+s3+$0x0], $0xffff;
	_ =	sdelay $0x2  }
0x35: {  	s9 =	simm.s32 $0x0  }
0x36: {  	s1 =	sand.u32 $0xFFFFFC00, s9;
	v4 =	vshra.s32 v4, $0x10;
	v5 =	vand.u32 $0x1FFFE0, v5;
	v8 =	vxor.u32 v1, v6  }
0x37: {  	s15 =	sadd.s32 $0x11000, s1;
	v4 =	vsub.s32 $0x0, v4;
	v8 =	vor.u32 v8, v5;
	v9 =	vshll.u32 v7, $0x10  }
0x38: {  	s10 =	sor.u32 s5, s15;
	v9 =	vand.u32 v4, v9  }
0x39: {  	s7 =	sadd.s32 $0x11080, s1;
	v10 =	vand.u32 $0xFFFF0000, v4;
	[tilespmem:s10+$0x0] =	vst v9  }
0x3a: {  	s11 =	sor.u32 s5, s7;
	v7 =	vand.u32 v7, v10;
	[smem:$0x7E4] =	sst s7  }
0x3b: {  	[tilespmem:s11+$0x0] =	vst v7  }
0x3c: {  	v7 =	vld.idx.msk [tilespmem:v8+s3+$0x0], $0xffff;
	_ =	sdelay $0x2  }
0x3d: {  	v8 =	vxor.u32 v2, v6  }
0x3e: {  	v8 =	vor.u32 v8, v5  }
0x3f: {  	s21 =	sadd.s32 $0x11100, s1;
	v9 =	vshll.u32 v7, $0x10  }
0x40: {  	s17 =	sadd.s32 $0x11180, s1;
	s12 =	sor.u32 s5, s21;
	v9 =	vand.u32 v4, v9  }
0x41: {  	s13 =	sor.u32 s5, s17;
	v7 =	vand.u32 v10, v7;
	[tilespmem:s12+$0x0] =	vst v9  }
0x42: {  	[tilespmem:s13+$0x0] =	vst v7  }
0x43: {  	v7 =	vld.idx.msk [tilespmem:v8+s3+$0x0], $0xffff;
	_ =	sdelay $0x2  }
0x44: {  	s14 =	simm.s32 $0x40;
	v6 =	vxor.u32 v3, v6  }
0x45: {  	s4 =	simm.s32 $0x40;
	s2 =	sand.u32 $0x3FFFFF80, s14;
	v5 =	vor.u32 v6, v5  }
0x46: {  	s26 =	sand.u32 $0x40, s4;
	s29 =	sadd.s32 $0x10000, s2;
	s25 =	sadd.s32 $0x11200, s1;
	v6 =	vshll.u32 v7, $0x10  }
0x47: {  	s2 =	sor.u32 s26, s29;
	s30 =	sadd.s32 $0x11280, s1;
	s16 =	sor.u32 s5, s25;
	v6 =	vand.u32 v4, v6  }
0x48: {  	s18 =	sor.u32 s5, s30;
	v8 =	vld [tilespmem:s2+$0x0];
	v7 =	vand.u32 v10, v7;
	[tilespmem:s16+$0x0] =	vst v6  }
0x49: {  	[tilespmem:s18+$0x0] =	vst v7  }
0x4a: {  	v5 =	vld.idx.msk [tilespmem:v5+s3+$0x0], $0xffff;
	_ =	sdelay $0x2  }
0x4b: {  	v6 =	vshll.u32 v8, $0x5;
	v7 =	vand.u32 $0x1F, v8  }
0x4c: {  	v11 =	vand.u32 $0x1FFFF8, v6;
	v9 =	vxor.u32 v0, v7  }
0x4d: {  	s31 =	sadd.s32 $0x11300, s1;
	v9 =	vor.u32 v11, v9;
	v11 =	vshll.u32 v5, $0x10  }
0x4e: {  	s19 =	sor.u32 s5, s31;
	v4 =	vand.u32 v4, v11  }
0x4f: {  	s22 =	sadd.s32 $0x11380, s1;
	[tilespmem:s19+$0x0] =	vst v4  }
0x50: {  	s20 =	sor.u32 s5, s22;
	v5 =	vand.u32 v10, v5;
	[dreg:$0x3] =	wrdreg s22  }
0x51: {  	s1 =	sor.u32 $0x10, s5;
	[tilespmem:s20+$0x0] =	vst v5  }
0x52: {  	s23 =	sor.u32 s1, s6;
	[smem:$0x7EA] =	sst s6  }
0x53: {  	s8 =	simm.s32 $0x0;
	v4 =	vld [tilespmem:s23+$0x0]  }
0x54: {  	v5 =	vld.idx.msk [tilespmem:v9+s8+$0x0], $0xffff;
	_ =	sdelay $0x1  }
0x55: {  	v8 =	vshra.s32 v8, $0x10  }
0x56: {  	s24 =	simm.s32 $0x200;
	v6 =	vand.u32 $0x1FFFE0, v6;
	v8 =	vsub.s32 $0x0, v8;
	v9 =	vxor.u32 v1, v7  }
0x57: {  	s2 =	sand.u32 $0xFFFFFC00, s24;
	v15 =	vand.u32 $0xFFFF0000, v8;
	v9 =	vor.u32 v9, v6  }
0x58: {  	s20 =	sadd.s32 $0x11000, s2;
	v10 =	vshll.u32 v4, $0x5;
	v11 =	vand.u32 $0x1F, v4;
	v12 =	vshll.u32 v5, $0x10  }
0x59: {  	s10 =	sadd.s32 $0x11080, s2;
	s0 =	sor.u32 s26, s20;
	[dreg:$0x11] =	wrdreg s20;
	v13 =	vxor.u32 v0, v11;
	v14 =	vand.u32 $0x1FFFF8, v10;
	v12 =	vand.u32 v8, v12  }
0x5a: {  	s3 =	sor.u32 s26, s10;
	v5 =	vand.u32 v5, v15;
	v13 =	vor.u32 v14, v13;
	[tilespmem:s0+$0x0] =	vst v12  }
0x5b: {  	[tilespmem:s3+$0x0] =	vst v5  }
0x5c: {  	v5 =	vld.idx.msk [tilespmem:v9+s8+$0x0], $0xffff;
	_ =	sdelay $0x2  }
0x5d: {  	v12 =	vxor.u32 v2, v7;
	v9 =	vld.idx.msk [tilespmem:v13+s8+$0x0], $0xffff  }
0x5e: {  	s13 =	sadd.s32 $0x11100, s2;
	v12 =	vor.u32 v12, v6  }
0x5f: {  	s9 =	sadd.s32 $0x11180, s2;
	[smem:$0x7F1] =	sst s13;
	v13 =	vshll.u32 v5, $0x10  }
0x60: {  	s11 =	smov.u32 s6;
	s6 =	sor.u32 s26, s13;
	v10 =	vand.u32 $0x1FFFE0, v10;
	v14 =	vxor.u32 v1, v11;
	[smem:$0x7F2] =	sst s9;
	v13 =	vand.u32 v8, v13  }
0x61: {  	s12 =	sor.u32 s26, s9;
	v4 =	vshra.s32 v4, $0x10;
	v14 =	vor.u32 v14, v10;
	v5 =	vand.u32 v15, v5;
	[tilespmem:s6+$0x0] =	vst v13  }
0x62: {  	v4 =	vsub.s32 $0x0, v4;
	v13 =	vshll.u32 v9, $0x10;
	[tilespmem:s12+$0x0] =	vst v5  }
0x63: {  	s14 =	sor.u32 s1, s15;
	v16 =	vand.u32 $0xFFFF0000, v4;
	v5 =	vand.u32 v4, v13;
	v12 =	vld.idx.msk [tilespmem:v12+s8+$0x0], $0xffff  }
0x64: {  	s16 =	simm.s32 $0x80;
	s18 =	sor.u32 s1, s7;
	v9 =	vand.u32 v9, v16;
	[tilespmem:s14+$0x0] =	vst v5  }
0x65: {  	s19 =	simm.s32 $0x80;
	s6 =	sand.u32 $0x3FFFFF80, s16;
	[tilespmem:s18+$0x0] =	vst v9  }
0x66: {  	s28 =	sand.u32 $0x40, s19;
	v7 =	vxor.u32 v3, v7;
	s18 =	sadd.s32 $0x10000, s6;
	v5 =	vld.idx.msk [tilespmem:v14+s8+$0x0], $0xffff  }
0x67: {  	v6 =	vor.u32 v7, v6;
	s23 =	sor.u32 s28, s18  }
0x68: {  	s16 =	sadd.s32 $0x11200, s2;
	v9 =	vld [tilespmem:s23+$0x0];
	v7 =	vshll.u32 v12, $0x10  }
0x69: {  	s24 =	sor.u32 s26, s16;
	v13 =	vxor.u32 v2, v11;
	s14 =	sadd.s32 $0x11280, s2;
	v7 =	vand.u32 v8, v7  }
0x6a: {  	v13 =	vor.u32 v13, v10;
	s0 =	sor.u32 s26, s14;
	v12 =	vand.u32 v15, v12;
	[tilespmem:s24+$0x0] =	vst v7  }
0x6b: {  	v14 =	vshll.u32 v5, $0x10;
	[tilespmem:s0+$0x0] =	vst v12  }
0x6c: {  	s3 =	sor.u32 s1, s21;
	v7 =	vand.u32 v4, v14;
	v6 =	vld.idx.msk [tilespmem:v6+s8+$0x0], $0xffff  }
0x6d: {  	s6 =	sor.u32 s1, s17;
	v5 =	vand.u32 v16, v5;
	v12 =	vshll.u32 v9, $0x5;
	v14 =	vand.u32 $0x1F, v9;
	[tilespmem:s3+$0x0] =	vst v7  }
0x6e: {  	v7 =	vxor.u32 v0, v14;
	v17 =	vand.u32 $0x1FFFF8, v12;
	[tilespmem:s6+$0x0] =	vst v5  }
0x6f: {  	v5 =	vor.u32 v17, v7;
	v7 =	vld.idx.msk [tilespmem:v13+s8+$0x0], $0xffff;
	_ =	sdelay $0x1  }
0x70: {  	s12 =	sadd.s32 $0x11300, s2;
	v13 =	vshll.u32 v6, $0x10  }
0x71: {  	s19 =	sadd.s32 $0x11380, s2;
	s7 =	sor.u32 s26, s12;
	v8 =	vand.u32 v8, v13  }
0x72: {  	s4 =	sor.u32 $0x10, s26;
	v11 =	vxor.u32 v3, v11;
	s2 =	sor.u32 s26, s19;
	v6 =	vand.u32 v15, v6;
	[tilespmem:s7+$0x0] =	vst v8  }
0x73: {  	s9 =	sor.u32 s4, s29;
	v10 =	vor.u32 v11, v10;
	v5 =	vld.idx.msk [tilespmem:v5+s8+$0x0], $0xffff;
	v8 =	vshll.u32 v7, $0x10;
	[tilespmem:s2+$0x0] =	vst v6  }
0x74: {  	v6 =	vand.u32 v4, v8;
	v8 =	vld [tilespmem:s9+$0x0]  }
0x75: {  	s23 =	sor.u32 s1, s25  }
0x76: {  	s24 =	sor.u32 s1, s30;
	s0 =	simm.s32 $0x400;
	v7 =	vand.u32 v16, v7;
	[tilespmem:s23+$0x0] =	vst v6;
	v6 =	vshra.s32 v9, $0x10  }
0x77: {  	s6 =	sand.u32 $0xFFFFFC00, s0;
	v9 =	vand.u32 $0x1FFFE0, v12;
	[tilespmem:s24+$0x0] =	vst v7;
	v7 =	vxor.u32 v1, v14;
	v11 =	vsub.s32 $0x0, v6  }
0x78: {  	s9 =	sadd.s32 $0x11000, s6;
	v10 =	vld.idx.msk [tilespmem:v10+s8+$0x0], $0xffff;
	v6 =	vor.u32 v7, v9;
	v7 =	vshll.u32 v5, $0x10;
	v12 =	vand.u32 $0xFFFF0000, v11  }
0x79: {  	s0 =	sadd.s32 $0x11080, s6;
	s3 =	sor.u32 s28, s9;
	v7 =	vand.u32 v11, v7;
	v13 =	vshll.u32 v8, $0x5;
	v15 =	vand.u32 $0x1F, v8  }
0x7a: {  	s7 =	sor.u32 s28, s0;
	v5 =	vand.u32 v5, v12;
	[tilespmem:s3+$0x0] =	vst v7;
	v7 =	vxor.u32 v0, v15;
	v17 =	vand.u32 $0x1FFFF8, v13  }
0x7b: {  	[tilespmem:s7+$0x0] =	vst v5;
	v5 =	vor.u32 v17, v7;
	_ =	sdelay $0x1  }
0x7c: {  	v7 =	vshll.u32 v10, $0x10;
	v6 =	vld.idx.msk [tilespmem:v6+s8+$0x0], $0xffff  }
0x7d: {  	s23 =	sor.u32 s1, s31;
	v4 =	vand.u32 v4, v7  }
0x7e: {  	s2 =	sor.u32 $0x20, s5;
	s1 =	sor.u32 s1, s22;
	[tilespmem:s23+$0x0] =	vst v4;
	v4 =	vand.u32 v16, v10  }
0x7f: {  	s24 =	sor.u32 s2, s11;
	[tilespmem:s1+$0x0] =	vst v4;
	v4 =	vld.idx.msk [tilespmem:v5+s8+$0x0], $0xffff  }
0x80: {  	v13 =	vand.u32 $0x1FFFE0, v13;
	v10 =	vld [tilespmem:s24+$0x0];
	v5 =	vxor.u32 v2, v14  }
0x81: {  	s22 =	sadd.s32 $0x11100, s6;
	v16 =	vand.u32 v12, v6;
	v5 =	vor.u32 v5, v9;
	v7 =	vshll.u32 v6, $0x10  }
0x82: {  	s11 =	sor.u32 s28, s22;
	s3 =	simm.s32 $0xC0;
	s23 =	sadd.s32 $0x11180, s6;
	v6 =	vshra.s32 v8, $0x10;
	v8 =	vxor.u32 v1, v15;
	v17 =	vand.u32 v11, v7  }
0x83: {  	s7 =	sand.u32 $0x3FFFFF80, s3;
	s3 =	sor.u32 s28, s23;
	s24 =	simm.s32 $0xC0;
	v6 =	vsub.s32 $0x0, v6;
	v8 =	vor.u32 v8, v13;
	[tilespmem:s11+$0x0] =	vst v17  }
0x84: {  	v7 =	vand.u32 $0xFFFF0000, v6;
	[tilespmem:s3+$0x0] =	vst v16;
	s3 =	sand.u32 $0x40, s24;
	s24 =	sadd.s32 $0x10000, s7;
	v17 =	vshll.u32 v4, $0x10  }
0x85: {  	s1 =	smov.u32 s10;
	s11 =	sor.u32 s4, s20;
	v18 =	vshll.u32 v10, $0x5;
	v19 =	vand.u32 $0x1F, v10;
	[smem:$0x7EF] =	sst s24;
	v16 =	vand.u32 v6, v17  }
0x86: {  	v4 =	vand.u32 v4, v7;
	s20 =	sor.u32 s3, s24;
	s24 =	sor.u32 s4, s1;
	v17 =	vxor.u32 v0, v19;
	v20 =	vand.u32 $0x1FFFF8, v18;
	v5 =	vld.idx.msk [tilespmem:v5+s8+$0x0], $0xffff;
	[tilespmem:s11+$0x0] =	vst v16  }
0x87: {  	v16 =	vor.u32 v20, v17;
	[tilespmem:s24+$0x0] =	vst v4  }
0x88: {  	v8 =	vld.idx.msk [tilespmem:v8+s8+$0x0], $0xffff;
	_ =	sdelay $0x1  }
0x89: {  	v4 =	vxor.u32 v3, v14  }
0x8a: {  	v17 =	vld [tilespmem:s20+$0x0];
	s20 =	sadd.s32 $0x11200, s6;
	v9 =	vor.u32 v4, v9;
	v4 =	vshll.u32 v5, $0x10  }
0x8b: {  	s10 =	sor.u32 s28, s20;
	s24 =	sadd.s32 $0x11280, s6;
	v14 =	vld.idx.msk [tilespmem:v16+s8+$0x0], $0xffff;
	v4 =	vand.u32 v11, v4  }
0x8c: {  	s11 =	sor.u32 s28, s24;
	v5 =	vand.u32 v12, v5;
	[tilespmem:s10+$0x0] =	vst v4;
	v21 =	vshll.u32 v8, $0x10  }
0x8d: {  	s13 =	sor.u32 s4, s13;
	[tilespmem:s11+$0x0] =	vst v5;
	v21 =	vand.u32 v6, v21  }
0x8e: {  	[tilespmem:s13+$0x0] =	vst v21  }
0x8f: {  	v10 =	vshra.s32 v10, $0x10;
	s7 =	sld [smem:$0x7F2]  }
0x90: {  	v22 =	vsub.s32 $0x0, v10;
	v10 =	vshll.u32 v14, $0x10  }
0x91: {  	v16 =	vxor.u32 v2, v15;
	s10 =	sor.u32 s2, s15;
	v10 =	vand.u32 v22, v10  }
0x92: {  	v16 =	vor.u32 v16, v13;
	v8 =	vand.u32 v7, v8;
	[tilespmem:s10+$0x0] =	vst v10;
	s7 =	sor.u32 s4, s7  }
0x93: {  	v9 =	vld.idx.msk [tilespmem:v9+s8+$0x0], $0xffff;
	[tilespmem:s7+$0x0] =	vst v8  }
0x94: {  	v18 =	vand.u32 $0x1FFFE0, v18;
	v5 =	vxor.u32 v1, v19;
	s13 =	sld [smem:$0x7E4]  }
0x95: {  	v5 =	vor.u32 v5, v18  }
0x96: {  	v20 =	vshll.u32 v17, $0x5;
	v4 =	vand.u32 $0x1F, v17;
	v8 =	vand.u32 $0xFFFF0000, v22  }
0x97: {  	v23 =	vand.u32 $0x1FFFF8, v20;
	v21 =	vxor.u32 v0, v4;
	v16 =	vld.idx.msk [tilespmem:v16+s8+$0x0], $0xffff;
	v14 =	vand.u32 v14, v8;
	s11 =	sor.u32 s2, s13  }
0x98: {  	v10 =	vor.u32 v23, v21;
	s10 =	sadd.s32 $0x11300, s6;
	[tilespmem:s11+$0x0] =	vst v14;
	v14 =	vshll.u32 v9, $0x10  }
0x99: {  	s7 =	sor.u32 s28, s10;
	v11 =	vand.u32 v11, v14  }
0x9a: {  	v15 =	vxor.u32 v3, v15;
	s11 =	sadd.s32 $0x11380, s6;
	v5 =	vld.idx.msk [tilespmem:v5+s8+$0x0], $0xffff;
	[tilespmem:s7+$0x0] =	vst v11  }
0x9b: {  	v13 =	vor.u32 v15, v13;
	v9 =	vand.u32 v12, v9;
	s7 =	sor.u32 s28, s11;
	[smem:$0x7E5] =	sst s28;
	s28 =	sor.u32 $0x10, s28  }
0x9c: {  	v11 =	vshll.u32 v16, $0x10;
	[tilespmem:s7+$0x0] =	vst v9;
	s7 =	sor.u32 s28, s18  }
0x9d: {  	v11 =	vand.u32 v6, v11;
	v9 =	vld.idx.msk [tilespmem:v10+s8+$0x0], $0xffff;
	[dreg:$0x1d] =	wrdreg s18;
	s18 =	smov.u32 s16;
	s16 =	sor.u32 s4, s16  }
0x9e: {  	[tilespmem:s16+$0x0] =	vst v11;
	v11 =	vand.u32 v7, v16;
	s16 =	smov.u32 s14;
	s14 =	sor.u32 s4, s14  }
0x9f: {  	v10 =	vxor.u32 v2, v19;
	v12 =	vld [tilespmem:s7+$0x0];
	[tilespmem:s14+$0x0] =	vst v11;
	v11 =	vshll.u32 v5, $0x10  }
0xa0: {  	v10 =	vor.u32 v10, v18;
	s7 =	sor.u32 s2, s21;
	v11 =	vand.u32 v22, v11;
	v13 =	vld.idx.msk [tilespmem:v13+s8+$0x0], $0xffff;
	[dreg:$0xc] =	wrdreg s21  }
0xa1: {  	[tilespmem:s7+$0x0] =	vst v11  }
0xa2: {  	v14 =	vshra.s32 v17, $0x10;
	v5 =	vand.u32 v8, v5;
	s14 =	simm.s32 $0x600;
	s21 =	sor.u32 s2, s17;
	[dreg:$0xa] =	wrdreg s17  }
0xa3: {  	v15 =	vand.u32 $0x1FFFE0, v20;
	v11 =	vxor.u32 v1, v4;
	s17 =	sand.u32 $0xFFFFFC00, s14;
	[tilespmem:s21+$0x0] =	vst v5;
	v5 =	vsub.s32 $0x0, v14  }
0xa4: {  	s7 =	smov.u32 s10;
	v14 =	vor.u32 v11, v15;
	v11 =	vshll.u32 v9, $0x10;
	v20 =	vshll.u32 v12, $0x5;
	s6 =	sadd.s32 $0x11000, s17  }
0xa5: {  	v16 =	vand.u32 $0x1F, v12;
	s10 =	sadd.s32 $0x11080, s17;
	v17 =	vand.u32 v5, v11;
	v10 =	vld.idx.msk [tilespmem:v10+s8+$0x0], $0xffff;
	v11 =	vand.u32 $0xFFFF0000, v5;
	[smem:$0x7E6] =	sst s6;
	s6 =	sor.u32 s3, s6  }
0xa6: {  	v21 =	vxor.u32 v0, v16;
	v23 =	vand.u32 $0x1FFFF8, v20;
	s14 =	sor.u32 s3, s10;
	[tilespmem:s6+$0x0] =	vst v17;
	v9 =	vand.u32 v9, v11  }
0xa7: {  	v17 =	vor.u32 v23, v21;
	v21 =	vshll.u32 v13, $0x10;
	[tilespmem:s14+$0x0] =	vst v9  }
0xa8: {  	s21 =	sor.u32 s4, s12;
	v6 =	vand.u32 v6, v21;
	[dreg:$0x1a] =	wrdreg s12  }
0xa9: {  	[tilespmem:s21+$0x0] =	vst v6  }
0xaa: {  	s4 =	sor.u32 s4, s19;
	v7 =	vand.u32 v7, v13;
	v6 =	vld.idx.msk [tilespmem:v14+s8+$0x0], $0xffff;
	[dreg:$0xf] =	wrdreg s26  }
0xab: {  	v9 =	vxor.u32 v3, v19;
	s26 =	sor.u32 $0x20, s26;
	[tilespmem:s4+$0x0] =	vst v7  }
0xac: {  	v9 =	vor.u32 v9, v18;
	v7 =	vshll.u32 v10, $0x10;
	s12 =	sor.u32 s26, s29;
	[dreg:$0x12] =	wrdreg s29  }
0xad: {  	s14 =	sor.u32 s2, s25;
	v7 =	vand.u32 v22, v7;
	v13 =	vld [tilespmem:s12+$0x0];
	[dreg:$0x8] =	wrdreg s25  }
0xae: {  	s21 =	smov.u32 s19;
	s19 =	simm.s32 $0x100;
	[tilespmem:s14+$0x0] =	vst v7  }
0xaf: {  	v10 =	vand.u32 v8, v10;
	s4 =	sand.u32 $0x3FFFFF80, s19;
	s25 =	sor.u32 s2, s30;
	v7 =	vld.idx.msk [tilespmem:v17+s8+$0x0], $0xffff;
	[dreg:$0x7] =	wrdreg s30  }
0xb0: {  	v14 =	vxor.u32 v2, v4;
	s4 =	sadd.s32 $0x10000, s4;
	[tilespmem:s25+$0x0] =	vst v10  }
0xb1: {  	v14 =	vor.u32 v14, v15;
	s12 =	sadd.s32 $0x11100, s17;
	s30 =	simm.s32 $0x100;
	v10 =	vshra.s32 v12, $0x10;
	v12 =	vshll.u32 v6, $0x10;
	v17 =	vld.idx.msk [tilespmem:v9+s8+$0x0], $0xffff;
	[smem:$0x7E7] =	sst s4  }
0xb2: {  	s6 =	sor.u32 s3, s12;
	s19 =	sand.u32 $0x40, s30;
	v12 =	vand.u32 v5, v12;
	[smem:$0x7E8] =	sst s12  }
0xb3: {  	s14 =	sadd.s32 $0x11180, s17;
	s4 =	sor.u32 s19, s4;
	[tilespmem:s6+$0x0] =	vst v12  }
0xb4: {  	v6 =	vand.u32 v11, v6;
	s25 =	sor.u32 s3, s14;
	v19 =	vld [tilespmem:s4+$0x0];
	[smem:$0x7E9] =	sst s14  }
0xb5: {  	v10 =	vsub.s32 $0x0, v10;
	[tilespmem:s25+$0x0] =	vst v6;
	v6 =	vshll.u32 v7, $0x10  }
0xb6: {  	s6 =	sor.u32 s28, s9;
	v6 =	vand.u32 v10, v6;
	v25 =	vld.idx.msk [tilespmem:v14+s8+$0x0], $0xffff;
	[dreg:$0x17] =	wrdreg s9  }
0xb7: {  	v12 =	vand.u32 $0xFFFF0000, v10;
	[tilespmem:s6+$0x0] =	vst v6  }
0xb8: {  	s9 =	sor.u32 s28, s0;
	v6 =	vand.u32 v7, v12;
	[dreg:$0x19] =	wrdreg s0  }
0xb9: {  	v14 =	vshll.u32 v17, $0x10;
	[tilespmem:s9+$0x0] =	vst v6  }
0xba: {  	v18 =	vand.u32 $0x1FFFE0, v20;
	v9 =	vxor.u32 v1, v16;
	s12 =	sor.u32 s2, s31;
	v6 =	vand.u32 v22, v14;
	[dreg:$0x5] =	wrdreg s31  }
0xbb: {  	v20 =	vor.u32 v9, v18;
	v21 =	vshll.u32 v13, $0x5;
	v9 =	vand.u32 $0x1F, v13;
	[tilespmem:s12+$0x0] =	vst v6  }
0xbc: {  	v23 =	vxor.u32 v0, v9;
	v24 =	vand.u32 $0x1FFFF8, v21;
	s14 =	rddreg [dreg:$0x3]  }
0xbd: {  	v7 =	vor.u32 v24, v23;
	v8 =	vand.u32 v8, v17;
	s2 =	sor.u32 s2, s14  }
0xbe: {  	[tilespmem:s2+$0x0] =	vst v8  }
0xbf: {  	s25 =	sld [smem:$0x7EA]  }
0xc0: {  	v4 =	vxor.u32 v3, v4;
	v6 =	vld.idx.msk [tilespmem:v20+s8+$0x0], $0xffff  }
0xc1: {  	s5 =	sor.u32 $0x30, s5;
	v4 =	vor.u32 v4, v15;
	v17 =	vshll.u32 v19, $0x5;
	v14 =	vand.u32 $0x1F, v19  }
0xc2: {  	v22 =	vand.u32 $0x1FFFF8, v17;
	v15 =	vshll.u32 v25, $0x10;
	v23 =	vld.idx.msk [tilespmem:v7+s8+$0x0], $0xffff;
	v8 =	vxor.u32 v0, v14;
	s2 =	sadd.s32 $0x11200, s17;
	s0 =	sor.u32 s5, s25  }
0xc3: {  	v22 =	vor.u32 v22, v8;
	v8 =	vand.u32 v5, v15;
	v20 =	vld [tilespmem:s0+$0x0];
	[smem:$0x7EB] =	sst s2;
	s0 =	sor.u32 s3, s2  }
0xc4: {  	s4 =	sadd.s32 $0x11280, s17;
	[tilespmem:s0+$0x0] =	vst v8  }
0xc5: {  	s6 =	sor.u32 s3, s4;
	v15 =	vand.u32 v11, v25;
	v8 =	vshll.u32 v6, $0x10;
	[smem:$0x7EC] =	sst s4  }
0xc6: {  	s9 =	sor.u32 s28, s22;
	v7 =	vxor.u32 v2, v16;
	v8 =	vand.u32 v10, v8;
	[tilespmem:s6+$0x0] =	vst v15  }
0xc7: {  	v25 =	vor.u32 v7, v18;
	v7 =	vshra.s32 v13, $0x10;
	v13 =	vand.u32 $0x1FFFE0, v21;
	[tilespmem:s9+$0x0] =	vst v8  }
0xc8: {  	s12 =	sor.u32 s28, s23;
	v24 =	vand.u32 v12, v6;
	v7 =	vsub.s32 $0x0, v7;
	v6 =	vxor.u32 v1, v9;
	v4 =	vld.idx.msk [tilespmem:v4+s8+$0x0], $0xffff;
	[dreg:$0x1e] =	wrdreg s23  }
0xc9: {  	v21 =	vor.u32 v6, v13;
	v26 =	vshll.u32 v20, $0x5;
	v6 =	vand.u32 $0x1F, v20;
	[tilespmem:s12+$0x0] =	vst v24  }
0xca: {  	v15 =	vshll.u32 v23, $0x10;
	v27 =	vxor.u32 v0, v6;
	v28 =	vand.u32 $0x1FFFF8, v26;
	s0 =	rddreg [dreg:$0x11]  }
0xcb: {  	v8 =	vand.u32 $0xFFFF0000, v7;
	v15 =	vand.u32 v7, v15;
	v24 =	vld.idx.msk [tilespmem:v22+s8+$0x0], $0xffff;
	v22 =	vor.u32 v28, v27;
	s0 =	sor.u32 s26, s0  }
0xcc: {  	s14 =	sor.u32 s26, s1;
	[tilespmem:s0+$0x0] =	vst v15;
	v15 =	vand.u32 v23, v8  }
0xcd: {  	s23 =	sadd.s32 $0x11300, s17;
	v23 =	vld.idx.msk [tilespmem:v25+s8+$0x0], $0xffff;
	[tilespmem:s14+$0x0] =	vst v15;
	v27 =	vshll.u32 v4, $0x10  }
0xce: {  	s9 =	sor.u32 s3, s23;
	v21 =	vld.idx.msk [tilespmem:v21+s8+$0x0], $0xffff;
	v5 =	vand.u32 v5, v27;
	[smem:$0x7ED] =	sst s23  }
0xcf: {  	s25 =	sadd.s32 $0x11380, s17;
	[tilespmem:s9+$0x0] =	vst v5  }
0xd0: {  	s12 =	sor.u32 s3, s25;
	v4 =	vand.u32 v11, v4;
	v27 =	vld.idx.msk [tilespmem:v22+s8+$0x0], $0xffff;
	[smem:$0x7EE] =	sst s25  }
0xd1: {  	s6 =	smov.u32 s22;
	s22 =	simm.s32 $0x800;
	[tilespmem:s12+$0x0] =	vst v4  }
0xd2: {  	v19 =	vshra.s32 v19, $0x10;
	s2 =	sand.u32 $0xFFFFFC00, s22;
	s17 =	sld [smem:$0x7EF]  }
0xd3: {  	s29 =	sadd.s32 $0x11000, s2;
	v15 =	vsub.s32 $0x0, v19;
	v5 =	vshll.u32 v24, $0x10  }
0xd4: {  	s31 =	sor.u32 $0x10, s3;
	s14 =	sor.u32 s19, s29;
	v4 =	vand.u32 v15, v5  }
0xd5: {  	v5 =	vshll.u32 v23, $0x10;
	[tilespmem:s14+$0x0] =	vst v4;
	s4 =	sor.u32 s31, s17  }
0xd6: {  	s23 =	sor.u32 s28, s20;
	v4 =	vand.u32 v10, v5;
	v22 =	vld [tilespmem:s4+$0x0];
	[smem:$0x7F0] =	sst s20  }
0xd7: {  	[tilespmem:s23+$0x0] =	vst v4  }
0xd8: {  	v5 =	vand.u32 v12, v23;
	[dreg:$0x14] =	wrdreg s24;
	s24 =	sor.u32 s28, s24  }
0xd9: {  	[tilespmem:s24+$0x0] =	vst v5  }
0xda: {  	s0 =	sld [smem:$0x7F1]  }
0xdb: {  	v16 =	vxor.u32 v3, v16  }
0xdc: {  	v16 =	vor.u32 v16, v18;
	v4 =	vshll.u32 v21, $0x10  }
0xdd: {  	v4 =	vand.u32 v7, v4;
	s9 =	smov.u32 s0;
	s0 =	sor.u32 s26, s0  }
0xde: {  	[tilespmem:s0+$0x0] =	vst v4  }
0xdf: {  	v5 =	vshra.s32 v20, $0x10;
	s0 =	sld [smem:$0x7F2]  }
0xe0: {  	v20 =	vshll.u32 v27, $0x10;
	v5 =	vsub.s32 $0x0, v5  }
0xe1: {  	s25 =	sor.u32 s5, s15;
	v23 =	vld.idx.msk [tilespmem:v16+s8+$0x0], $0xffff;
	v16 =	vand.u32 v5, v20  }
0xe2: {  	v11 =	vxor.u32 v2, v9;
	v4 =	vand.u32 v8, v21;
	[tilespmem:s25+$0x0] =	vst v16;
	s14 =	smov.u32 s0;
	s0 =	sor.u32 s26, s0  }
0xe3: {  	v63 =	vor.u32 v11, v13;
	[tilespmem:s0+$0x0] =	vst v4  }
0xe4: {  	s0 =	sld [smem:$0x7F3]  }
0xe5: {  	v19 =	vand.u32 $0x1FFFE0, v17;
	v17 =	vxor.u32 v1, v14  }
0xe6: {  	s22 =	smov.u32 s3;
	v25 =	vor.u32 v17, v19;
	v11 =	vand.u32 $0x1FFFE0, v26;
	v17 =	vxor.u32 v1, v6  }
0xe7: {  	v18 =	vand.u32 $0xFFFF0000, v15;
	v17 =	vor.u32 v17, v11;
	s3 =	smov.u32 s17;
	s24 =	sor.u32 s5, s13;
	v4 =	vand.u32 $0xFFFF0000, v5;
	s0 =	sshll.u32 s0, $0xE  }
0xe8: {  	s13 =	simm.s32 $0x5;
	v26 =	vshll.u32 v22, $0x5;
	v16 =	vand.u32 $0x1F, v22;
	v20 =	vld.idx.msk [tilespmem:v63+s8+$0x0], $0xffff;
	v21 =	vand.u32 v27, v4;
	[smem:$0x7F4] =	sst s0;
	s0 =	sadd.s32 $0x11080, s2  }
.LBB2_3:
0xe9: {  	s4 =	sor.u32 s19, s0;
	s8 =	sld [smem:$0x7E6]  }
0xea: {  	[tilespmem:s24+$0x0] =	vst v21;
	s23 =	simm.s32 $0x0;
	s24 =	smov.u32 s29;
	s12 =	rddreg [dreg:$0x19]  }
0xeb: {  	s17 =	smov.u32 s0;
	s20 =	sor.u32 s28, s7;
	[smem:$0x7E6] =	sst s24  }
0xec: {  	v27 =	vxor.u32 v0, v16;
	v28 =	vand.u32 $0x1FFFF8, v26;
	s29 =	sshll.u32 s13, $0x6;
	s30 =	sadd.s32 $0x40, s30;
	[smem:$0x7E2] =	sst s17  }
0xed: {  	v24 =	vand.u32 v24, v18;
	v21 =	vor.u32 v28, v27;
	s15 =	smov.u32 s12;
	s24 =	sor.u32 s28, s11;
	s17 =	sld [smem:$0x7E5]  }
0xee: {  	[tilespmem:s4+$0x0] =	vst v24;
	s12 =	rddreg [dreg:$0x1d];
	s25 =	smov.u32 s8;
	s8 =	smov.u32 s1  }
0xef: {  	s28 =	smov.u32 s31;
	s31 =	sor.u32 s26, s18;
	v24 =	vld.idx.msk [tilespmem:v25+s23+$0x0], $0xffff;
	v25 =	vshll.u32 v23, $0x10;
	[smem:$0x7E3] =	sst s8  }
0xf0: {  	v17 =	vld.idx.msk [tilespmem:v17+s23+$0x0], $0xffff;
	v10 =	vand.u32 v10, v25;
	s8 =	smov.u32 s10;
	s4 =	sor.u32 $0x20, s17;
	s10 =	sand.u32 $0x3FFFFF80, s29  }
0xf1: {  	v9 =	vxor.u32 v3, v9;
	v12 =	vand.u32 v12, v23;
	[tilespmem:s20+$0x0] =	vst v10;
	s29 =	sand.u32 $0x40, s30;
	s20 =	rddreg [dreg:$0xc];
	s1 =	sor.u32 s4, s12  }
0xf2: {  	v9 =	vor.u32 v9, v13;
	s0 =	sadd.s32 $0x10000, s10;
	[dreg:$0x19] =	wrdreg s8;
	v21 =	vld.idx.msk [tilespmem:v21+s23+$0x0], $0xffff;
	[tilespmem:s24+$0x0] =	vst v12;
	s24 =	smov.u32 s11  }
0xf3: {  	v10 =	vshll.u32 v20, $0x10;
	s11 =	smov.u32 s7;
	s7 =	rddreg [dreg:$0xa];
	v23 =	vld [tilespmem:s1+$0x0];
	s1 =	sor.u32 s5, s20  }
0xf4: {  	v13 =	vxor.u32 v2, v6;
	v10 =	vand.u32 v7, v10;
	s10 =	sor.u32 s5, s7;
	s20 =	smov.u32 s9;
	s7 =	sld [smem:$0x7E8]  }
0xf5: {  	v13 =	vor.u32 v13, v11;
	v20 =	vand.u32 v8, v20;
	[tilespmem:s31+$0x0] =	vst v10;
	s31 =	sor.u32 s26, s16;
	v10 =	vshll.u32 v17, $0x10;
	s9 =	sadd.s32 $0x11100, s2;
	[dreg:$0xc] =	wrdreg s20  }
0xf6: {  	v22 =	vshra.s32 v22, $0x10;
	v12 =	vxor.u32 v2, v14;
	[tilespmem:s31+$0x0] =	vst v20;
	v10 =	vand.u32 v5, v10;
	s31 =	sor.u32 s29, s0;
	[smem:$0x7E8] =	sst s9  }
0xf7: {  	v25 =	vand.u32 v18, v24;
	v27 =	vor.u32 v12, v19;
	v12 =	vshll.u32 v24, $0x10;
	v24 =	vld.idx.msk [tilespmem:v9+s23+$0x0], $0xffff;
	[tilespmem:s1+$0x0] =	vst v10;
	s1 =	smov.u32 s6;
	s6 =	smov.u32 s14;
	s14 =	sld [smem:$0x7E9]  }
0xf8: {  	s20 =	sor.u32 s19, s9;
	s9 =	rddreg [dreg:$0x1e];
	v9 =	vand.u32 v4, v17;
	v10 =	vsub.s32 $0x0, v22;
	v20 =	vld [tilespmem:s31+$0x0];
	s31 =	sadd.s32 $0x11180, s2  }
0xf9: {  	v17 =	vand.u32 $0x1FFFE0, v26;
	v22 =	vxor.u32 v1, v16;
	[tilespmem:s10+$0x0] =	vst v9;
	s10 =	smov.u32 s7;
	v9 =	vand.u32 v15, v12;
	[dreg:$0xa] =	wrdreg s6;
	s7 =	sor.u32 s19, s31  }
0xfa: {  	v22 =	vor.u32 v22, v17;
	v13 =	vld.idx.msk [tilespmem:v13+s23+$0x0], $0xffff;
	[tilespmem:s20+$0x0] =	vst v9;
	v26 =	vshll.u32 v21, $0x10;
	s20 =	smov.u32 s9;
	s9 =	smov.u32 s14;
	s14 =	smov.u32 s31  }
0xfb: {  	v12 =	vand.u32 $0xFFFF0000, v10;
	[tilespmem:s7+$0x0] =	vst v25;
	v25 =	vand.u32 v10, v26;
	s7 =	sor.u32 s28, s25;
	[smem:$0x7E9] =	sst s14  }
0xfc: {  	s6 =	sor.u32 s28, s8;
	v21 =	vand.u32 v21, v12;
	v27 =	vld.idx.msk [tilespmem:v27+s23+$0x0], $0xffff;
	[tilespmem:s7+$0x0] =	vst v25;
	s14 =	rddreg [dreg:$0x1a]  }
0xfd: {  	v58 =	vshll.u32 v23, $0x5;
	v9 =	vand.u32 $0x1F, v23;
	s7 =	rddreg [dreg:$0xf];
	[tilespmem:s6+$0x0] =	vst v21;
	v21 =	vshll.u32 v24, $0x10  }
0xfe: {  	v26 =	vxor.u32 v0, v9;
	v29 =	vand.u32 $0x1FFFF8, v58;
	[dreg:$0x1e] =	wrdreg s9;
	s8 =	sor.u32 s26, s14;
	s6 =	sor.u32 s26, s21;
	v7 =	vand.u32 v7, v21  }
0xff: {  	v25 =	vor.u32 v29, v26;
	v8 =	vand.u32 v8, v24;
	s26 =	smov.u32 s4;
	s4 =	sor.u32 $0x30, s7;
	v22 =	vld.idx.msk [tilespmem:v22+s23+$0x0], $0xffff;
	[tilespmem:s8+$0x0] =	vst v7;
	s8 =	rddreg [dreg:$0x8]  }
0x100: {  	[tilespmem:s6+$0x0] =	vst v8;
	s7 =	sor.u32 s5, s8;
	s6 =	smov.u32 s17;
	s8 =	rddreg [dreg:$0x7]  }
0x101: {  	[dreg:$0xf] =	wrdreg s6  }
0x102: {  	v7 =	vshll.u32 v13, $0x10;
	s17 =	smov.u32 s22;
	s6 =	rddreg [dreg:$0x12]  }
0x103: {  	v7 =	vand.u32 v5, v7;
	s22 =	smov.u32 s3;
	[smem:$0x7E5] =	sst s17  }
0x104: {  	[dreg:$0x1d] =	wrdreg s22;
	v25 =	vld.idx.msk [tilespmem:v25+s23+$0x0], $0xffff;
	[tilespmem:s7+$0x0] =	vst v7;
	s7 =	sor.u32 s5, s8;
	s8 =	smov.u32 s12  }
0x105: {  	[dreg:$0x12] =	wrdreg s8  }
0x106: {  	v6 =	vxor.u32 v3, v6;
	s17 =	smov.u32 s19;
	s22 =	smov.u32 s0;
	s8 =	sld [smem:$0x7E7]  }
0x107: {  	v6 =	vor.u32 v6, v11;
	v26 =	vshll.u32 v20, $0x5;
	v11 =	vand.u32 $0x1F, v20;
	s31 =	sor.u32 s4, s6;
	s6 =	smov.u32 s18;
	[smem:$0x7E7] =	sst s22  }
0x108: {  	v21 =	vxor.u32 v0, v11;
	v13 =	vand.u32 v4, v13;
	v8 =	vand.u32 $0x1FFFF8, v26;
	s19 =	smov.u32 s29;
	s0 =	sor.u32 s28, s10;
	[dreg:$0x8] =	wrdreg s6  }
0x109: {  	v24 =	vor.u32 v8, v21;
	v21 =	vld [tilespmem:s31+$0x0];
	[tilespmem:s7+$0x0] =	vst v13;
	s7 =	sadd.s32 $0x11200, s2;
	s6 =	smov.u32 s10;
	s10 =	sld [smem:$0x7EB]  }
0x10a: {  	s29 =	sor.u32 s17, s7;
	s22 =	smov.u32 s7;
	s7 =	sld [smem:$0x7EC]  }
0x10b: {  	v7 =	vshll.u32 v27, $0x10;
	s31 =	sadd.s32 $0x11280, s2;
	[smem:$0x7EB] =	sst s22  }
0x10c: {  	v7 =	vand.u32 v15, v7;
	s22 =	smov.u32 s16;
	s12 =	smov.u32 s8;
	s8 =	sld [smem:$0x7F0]  }
0x10d: {  	v59 =	vxor.u32 v3, v14;
	v14 =	vmov v11;
	v11 =	vand.u32 v18, v27;
	v60 =	vld.idx.msk [tilespmem:v6+s23+$0x0], $0xffff;
	s3 =	sor.u32 s17, s31;
	[tilespmem:s29+$0x0] =	vst v7;
	[dreg:$0x7] =	wrdreg s22  }
0x10e: {  	v19 =	vor.u32 v59, v19;
	[tilespmem:s3+$0x0] =	vst v11;
	s3 =	rddreg [dreg:$0x14];
	s22 =	smov.u32 s31  }
0x10f: {  	[smem:$0x7EC] =	sst s22;
	s22 =	smov.u32 s14  }
0x110: {  	v8 =	vxor.u32 v2, v16;
	s14 =	rddreg [dreg:$0x3];
	s18 =	smov.u32 s8;
	s8 =	smov.u32 s10  }
0x111: {  	v27 =	vor.u32 v8, v17;
	v8 =	vshra.s32 v23, $0x10;
	v6 =	vshll.u32 v22, $0x10;
	s10 =	sor.u32 s28, s9;
	s9 =	smov.u32 s7;
	s7 =	rddreg [dreg:$0x5]  }
0x112: {  	v23 =	vxor.u32 v1, v9;
	v13 =	vand.u32 $0x1FFFE0, v58;
	v6 =	vand.u32 v10, v6;
	[dreg:$0x5] =	wrdreg s22  }
0x113: {  	p0 =	sne.s32 s13, $0x1F;
	v22 =	vand.u32 v12, v22;
	v7 =	vsub.s32 $0x0, v8;
	v11 =	vor.u32 v23, v13;
	v23 =	vld.idx.msk [tilespmem:v19+s23+$0x0], $0xffff;
	[tilespmem:s0+$0x0] =	vst v6;
	s22 =	sld [smem:$0x7ED]  }
0x114: {  	v8 =	vand.u32 $0xFFFF0000, v7;
	s31 =	sor.u32 $0x10, s17;
	v19 =	vshll.u32 v25, $0x10;
	s16 =	smov.u32 s3;
	[tilespmem:s10+$0x0] =	vst v22;
	s10 =	rddreg [dreg:$0x17]  }
0x115: {  	s3 =	sor.u32 s26, s15;
	v61 =	vshll.u32 v21, $0x5;
	v6 =	vand.u32 $0x1F, v21;
	v19 =	vand.u32 v7, v19;
	[smem:$0x7F0] =	sst s8;
	s0 =	sor.u32 s26, s10  }
0x116: {  	v25 =	vand.u32 v25, v8;
	v30 =	vand.u32 $0x1FFFF8, v61;
	v22 =	vxor.u32 v0, v6;
	[dreg:$0x14] =	wrdreg s9;
	v24 =	vld.idx.msk [tilespmem:v24+s23+$0x0], $0xffff;
	[tilespmem:s0+$0x0] =	vst v19;
	s0 =	sor.u32 s5, s7;
	s7 =	smov.u32 s22  }
0x117: {  	v22 =	vor.u32 v30, v22;
	v19 =	vshll.u32 v60, $0x10;
	s22 =	sld [smem:$0x7EE];
	v27 =	vld.idx.msk [tilespmem:v27+s23+$0x0], $0xffff;
	[tilespmem:s3+$0x0] =	vst v25;
	s3 =	smov.u32 s11;
	s11 =	smov.u32 s21  }
0x118: {  	v5 =	vand.u32 v5, v19;
	v19 =	vshra.s32 v20, $0x10;
	s21 =	smov.u32 s24;
	s24 =	sadd.s32 $0x11380, s2;
	[dreg:$0x1a] =	wrdreg s3  }
0x119: {  	v4 =	vand.u32 v4, v60;
	[tilespmem:s0+$0x0] =	vst v5;
	s0 =	sor.u32 s5, s14;
	s5 =	smov.u32 s4;
	v5 =	vsub.s32 $0x0, v19;
	s3 =	sshll.u32 s13, $0xB  }
0x11a: {  	[dreg:$0x3] =	wrdreg s11;
	v19 =	vand.u32 $0x1FFFE0, v26;
	s14 =	sadd.s32 $0x11300, s2;
	v20 =	vld.idx.msk [tilespmem:v11+s23+$0x0], $0xffff;
	[tilespmem:s0+$0x0] =	vst v4;
	s0 =	sshra.s32 s3, $0x2;
	v4 =	vxor.u32 v1, v14;
	v11 =	vshll.u32 v23, $0x10  }
0x11b: {  	v18 =	vand.u32 v18, v23;
	[smem:$0x7EE] =	sst s24;
	s4 =	sor.u32 s17, s14;
	v25 =	vor.u32 v4, v19;
	v4 =	vand.u32 v15, v11;
	s2 =	sand.u32 $0xFFFFFC00, s0  }
0x11c: {  	s11 =	smov.u32 s22;
	v11 =	vxor.u32 v3, v16;
	v62 =	vld.idx.msk [tilespmem:v22+s23+$0x0], $0xffff;
	v16 =	vshll.u32 v24, $0x10;
	v15 =	vmov v5;
	s29 =	sadd.s32 $0x11000, s2;
	[tilespmem:s4+$0x0] =	vst v4;
	s4 =	sor.u32 s17, s24  }
0x11d: {  	[smem:$0x7ED] =	sst s14;
	s22 =	smov.u32 s17;
	v4 =	vor.u32 v11, v17;
	v5 =	vand.u32 v15, v16;
	s14 =	sor.u32 s19, s29;
	[tilespmem:s4+$0x0] =	vst v18  }
0x11e: {  	s3 =	smov.u32 s12;
	s17 =	sor.u32 s31, s12;
	v16 =	vxor.u32 v2, v9;
	s24 =	sor.u32 s28, s8;
	v11 =	vshll.u32 v27, $0x10;
	[tilespmem:s14+$0x0] =	vst v5  }
0x11f: {  	s8 =	sor.u32 s26, s1;
	v17 =	vand.u32 v12, v27;
	v27 =	vor.u32 v16, v13;
	s4 =	sor.u32 s28, s9;
	s9 =	smov.u32 s1;
	v5 =	vand.u32 v10, v11;
	v22 =	vld [tilespmem:s17+$0x0]  }
.Ltmp2:
0x120: {  	v16 =	vxor.u32 v1, v6;
	s1 =	smov.u32 s15;
	s15 =	rddreg [dreg:$0x11];
	v11 =	vand.u32 $0x1FFFE0, v61;
	[tilespmem:s24+$0x0] =	vst v5;
	v5 =	vshll.u32 v20, $0x10;
	(pc) =	sbr.rel @p0 .LBB2_3-.Ltmp2, $4  }
0x121: {  	s12 =	sor.u32 s26, s20;
	v18 =	vshra.s32 v21, $0x10;
	s24 =	smov.u32 s25;
	s25 =	sld [smem:$0x7E3];
	[tilespmem:s4+$0x0] =	vst v17;
	v5 =	vand.u32 v7, v5;
	v17 =	vor.u32 v16, v11  }
0x122: {  	s14 =	smov.u32 s20;
	s20 =	smov.u32 s10;
	s10 =	sld [smem:$0x7E2];
	v16 =	vshll.u32 v62, $0x10;
	v23 =	vld.idx.msk [tilespmem:v4+s23+$0x0], $0xffff;
	v4 =	vand.u32 v8, v20;
	[tilespmem:s8+$0x0] =	vst v5;
	v5 =	vsub.s32 $0x0, v18  }
0x123: {  	s13 =	sadd.s32 $0x1, s13;
	s17 =	sor.u32 s5, s15;
	[dreg:$0x11] =	wrdreg s20;
	v18 =	vand.u32 $0xFFFF0000, v15;
	[tilespmem:s12+$0x0] =	vst v4;
	v4 =	vand.u32 $0xFFFF0000, v5;
	v63 =	vand.u32 v5, v16  }
0x124: {  	s0 =	sadd.s32 $0x11080, s2;
	[dreg:$0x17] =	wrdreg s24;
	s24 =	sor.u32 s5, s25;
	v20 =	vld.idx.msk [tilespmem:v27+s23+$0x0], $0xffff;
	v21 =	vand.u32 v62, v4;
	[tilespmem:s17+$0x0] =	vst v63;
	v26 =	vshll.u32 v22, $0x5;
	v16 =	vand.u32 $0x1F, v22  }
0x125: {  	_ =	sdelay $0x1  }
0x126: {  	v24 =	vand.u32 v24, v18;
	s4 =	sor.u32 s19, s0  }
0x127: {  	s20 =	simm.s32 $0x0;
	[tilespmem:s4+$0x0] =	vst v24  }
0x128: {  	v24 =	vld.idx.msk [tilespmem:v25+s20+$0x0], $0xffff;
	_ =	sdelay $0x3  }
0x129: {  	v25 =	vxor.u32 v2, v14  }
0x12a: {  	s12 =	sadd.s32 $0x11100, s2;
	v25 =	vor.u32 v25, v19;
	v27 =	vshll.u32 v24, $0x10  }
0x12b: {  	s13 =	sor.u32 s19, s12;
	v27 =	vand.u32 v15, v27  }
0x12c: {  	s23 =	sadd.s32 $0x11180, s2;
	[tilespmem:s13+$0x0] =	vst v27  }
0x12d: {  	s15 =	sor.u32 s19, s23;
	v24 =	vand.u32 v18, v24;
	[smem:$0x7DD] =	sst s23  }
0x12e: {  	[tilespmem:s15+$0x0] =	vst v24  }
0x12f: {  	v24 =	vld.idx.msk [tilespmem:v25+s20+$0x0], $0xffff;
	_ =	sdelay $0x2  }
0x130: {  	v14 =	vxor.u32 v3, v14  }
0x131: {  	v14 =	vor.u32 v14, v19  }
0x132: {  	s15 =	sadd.s32 $0x11200, s2;
	v19 =	vshll.u32 v24, $0x10  }
0x133: {  	s13 =	sadd.s32 $0x11280, s2;
	s17 =	sor.u32 s19, s15;
	[smem:$0x7D9] =	sst s15;
	v19 =	vand.u32 v15, v19  }
0x134: {  	s25 =	sor.u32 s19, s13;
	[tilespmem:s17+$0x0] =	vst v19;
	v19 =	vand.u32 v18, v24  }
0x135: {  	[tilespmem:s25+$0x0] =	vst v19  }
0x136: {  	v14 =	vld.idx.msk [tilespmem:v14+s20+$0x0], $0xffff;
	_ =	sdelay $0x4  }
0x137: {  	s25 =	sadd.s32 $0x11300, s2;
	v19 =	vshll.u32 v14, $0x10  }
0x138: {  	s4 =	sor.u32 s19, s25;
	[smem:$0x7DA] =	sst s25;
	v15 =	vand.u32 v15, v19  }
0x139: {  	s17 =	sadd.s32 $0x11380, s2;
	[tilespmem:s4+$0x0] =	vst v15  }
0x13a: {  	s8 =	sor.u32 s19, s17;
	v14 =	vand.u32 v18, v14;
	[smem:$0x7DB] =	sst s17  }
0x13b: {  	[tilespmem:s8+$0x0] =	vst v14  }
0x13c: {  	s30 =	sld [smem:$0x7E7];
	_ =	sdelay $0x1  }
0x13d: {  	s2 =	sor.u32 $0x10, s19  }
0x13e: {  	s8 =	sor.u32 s2, s30  }
0x13f: {  	v14 =	vld [tilespmem:s8+$0x0];
	_ =	sdelay $0x2  }
0x140: {  	v18 =	vand.u32 $0x1FFFF8, v26;
	v15 =	vxor.u32 v0, v16  }
0x141: {  	v15 =	vor.u32 v18, v15  }
0x142: {  	v18 =	vshll.u32 v14, $0x5;
	v19 =	vand.u32 $0x1F, v14  }
0x143: {  	v24 =	vxor.u32 v0, v19;
	v25 =	vand.u32 $0x1FFFF8, v18  }
0x144: {  	v24 =	vor.u32 v25, v24;
	_ =	sdelay $0x1  }
0x145: {  	v15 =	vld.idx.msk [tilespmem:v15+s20+$0x0], $0xffff;
	_ =	sdelay $0x2  }
0x146: {  	s8 =	sld [smem:$0x7E6];
	v25 =	vand.u32 $0x1FFFE0, v26;
	v26 =	vxor.u32 v1, v16;
	v24 =	vld.idx.msk [tilespmem:v24+s20+$0x0], $0xffff  }
0x147: {  	v22 =	vshra.s32 v22, $0x10;
	v26 =	vor.u32 v26, v25  }
0x148: {  	v22 =	vsub.s32 $0x0, v22;
	v28 =	vshll.u32 v15, $0x10  }
0x149: {  	v27 =	vand.u32 $0xFFFF0000, v22;
	s4 =	sor.u32 s31, s8;
	v28 =	vand.u32 v22, v28  }
0x14a: {  	s8 =	sor.u32 s31, s10;
	v15 =	vand.u32 v15, v27;
	v14 =	vshra.s32 v14, $0x10;
	[tilespmem:s4+$0x0] =	vst v28  }
0x14b: {  	v14 =	vsub.s32 $0x0, v14;
	[tilespmem:s8+$0x0] =	vst v15;
	v15 =	vshll.u32 v24, $0x10  }
0x14c: {  	v43 =	vand.u32 $0xFFFF0000, v14;
	s8 =	sor.u32 s2, s29;
	v26 =	vld.idx.msk [tilespmem:v26+s20+$0x0], $0xffff;
	v15 =	vand.u32 v14, v15  }
0x14d: {  	v18 =	vand.u32 $0x1FFFE0, v18;
	v29 =	vxor.u32 v1, v19;
	[tilespmem:s8+$0x0] =	vst v15;
	v15 =	vand.u32 v24, v43;
	s8 =	sor.u32 s2, s0  }
0x14e: {  	v42 =	vor.u32 v29, v18;
	[tilespmem:s8+$0x0] =	vst v15  }
0x14f: {  	s4 =	sld [smem:$0x7E8];
	_ =	sdelay $0x1  }
0x150: {  	v44 =	vshll.u32 v26, $0x10  }
0x151: {  	v28 =	vand.u32 v22, v44;
	s4 =	sor.u32 s31, s4  }
0x152: {  	v15 =	vxor.u32 v2, v16;
	v24 =	vld.idx.msk [tilespmem:v42+s20+$0x0], $0xffff;
	[tilespmem:s4+$0x0] =	vst v28  }
0x153: {  	v15 =	vor.u32 v15, v25;
	s4 =	sld [smem:$0x7E9];
	_ =	sdelay $0x2  }
0x154: {  	v26 =	vand.u32 v27, v26;
	s4 =	sor.u32 s31, s4  }
0x155: {  	[tilespmem:s4+$0x0] =	vst v26;
	v26 =	vshll.u32 v24, $0x10  }
0x156: {  	s8 =	sor.u32 s2, s12;
	v15 =	vld.idx.msk [tilespmem:v15+s20+$0x0], $0xffff;
	v26 =	vand.u32 v14, v26;
	[smem:$0x7DC] =	sst s12  }
0x157: {  	v30 =	vxor.u32 v2, v19;
	v24 =	vand.u32 v43, v24;
	[tilespmem:s8+$0x0] =	vst v26;
	s8 =	sor.u32 s2, s23  }
0x158: {  	v45 =	vor.u32 v30, v18;
	[tilespmem:s8+$0x0] =	vst v24  }
0x159: {  	s4 =	sld [smem:$0x7EB]  }
0x15a: {  	v16 =	vxor.u32 v3, v16  }
0x15b: {  	v16 =	vor.u32 v16, v25;
	v25 =	vshll.u32 v15, $0x10  }
0x15c: {  	v25 =	vand.u32 v22, v25;
	s4 =	sor.u32 s31, s4  }
0x15d: {  	v24 =	vld.idx.msk [tilespmem:v45+s20+$0x0], $0xffff;
	[tilespmem:s4+$0x0] =	vst v25  }
0x15e: {  	s8 =	sld [smem:$0x7EC];
	_ =	sdelay $0x2  }
0x15f: {  	v15 =	vand.u32 v27, v15;
	s23 =	sor.u32 s31, s8  }
0x160: {  	[tilespmem:s23+$0x0] =	vst v15;
	v15 =	vshll.u32 v24, $0x10  }
0x161: {  	s15 =	sor.u32 s2, s15;
	v15 =	vand.u32 v14, v15  }
0x162: {  	v19 =	vxor.u32 v3, v19;
	[tilespmem:s15+$0x0] =	vst v15  }
0x163: {  	v18 =	vor.u32 v19, v18;
	v19 =	vand.u32 v43, v24;
	s23 =	sor.u32 s2, s13;
	v16 =	vld.idx.msk [tilespmem:v16+s20+$0x0], $0xffff;
	v15 =	vshll.u32 v23, $0x10;
	[smem:$0x7E0] =	sst s13  }
0x164: {  	s15 =	smov.u32 s13;
	v10 =	vand.u32 v10, v15;
	s13 =	sor.u32 s28, s7;
	[tilespmem:s23+$0x0] =	vst v19  }
0x165: {  	[tilespmem:s13+$0x0] =	vst v10  }
0x166: {  	s23 =	sld [smem:$0x7E5]  }
0x167: {  	s4 =	sor.u32 s28, s11;
	v10 =	vand.u32 v12, v23  }
0x168: {  	[tilespmem:s4+$0x0] =	vst v10  }
0x169: {  	s13 =	sor.u32 $0x20, s23;
	s23 =	sld [smem:$0x7ED]  }
0x16a: {  	s4 =	rddreg [dreg:$0x1d]  }
0x16b: {  	v15 =	vshll.u32 v16, $0x10;
	s4 =	sor.u32 s13, s4  }
0x16c: {  	v15 =	vand.u32 v22, v15;
	v10 =	vld [tilespmem:s4+$0x0];
	s4 =	sor.u32 s31, s23  }
0x16d: {  	v12 =	vld.idx.msk [tilespmem:v18+s20+$0x0], $0xffff;
	[tilespmem:s4+$0x0] =	vst v15  }
0x16e: {  	s4 =	sld [smem:$0x7EE];
	_ =	sdelay $0x2  }
0x16f: {  	v15 =	vand.u32 v27, v16;
	s4 =	sor.u32 s31, s4  }
0x170: {  	[tilespmem:s4+$0x0] =	vst v15;
	v15 =	vshll.u32 v12, $0x10  }
0x171: {  	s25 =	sor.u32 s2, s25;
	v14 =	vand.u32 v14, v15  }
0x172: {  	s2 =	sor.u32 s2, s17;
	v12 =	vand.u32 v43, v12;
	v15 =	vand.u32 $0x1F, v10;
	[tilespmem:s25+$0x0] =	vst v14;
	v14 =	vshll.u32 v10, $0x5  }
0x173: {  	s28 =	sor.u32 $0x20, s22;
	[tilespmem:s2+$0x0] =	vst v12;
	v12 =	vxor.u32 v0, v15;
	v18 =	vand.u32 $0x1FFFF8, v14  }
0x174: {  	s23 =	smov.u32 s22;
	s22 =	sor.u32 s28, s3;
	v12 =	vor.u32 v18, v12  }
0x175: {  	v16 =	vld [tilespmem:s22+$0x0]  }
0x176: {  	s25 =	sor.u32 $0x20, s19  }
0x177: {  	s22 =	sor.u32 s25, s30  }
0x178: {  	v19 =	vld [tilespmem:s22+$0x0]  }
0x179: {  	v12 =	vld.idx.msk [tilespmem:v12+s20+$0x0], $0xffff  }
0x17a: {  	v18 =	vshll.u32 v16, $0x5;
	v22 =	vand.u32 $0x1F, v16  }
0x17b: {  	v23 =	vxor.u32 v0, v22;
	v24 =	vand.u32 $0x1FFFF8, v18  }
0x17c: {  	v10 =	vshra.s32 v10, $0x10;
	v23 =	vor.u32 v24, v23  }
0x17d: {  	v10 =	vsub.s32 $0x0, v10;
	v24 =	vshll.u32 v19, $0x5;
	v25 =	vand.u32 $0x1F, v19  }
0x17e: {  	s22 =	rddreg [dreg:$0x17];
	v26 =	vxor.u32 v0, v25;
	v27 =	vand.u32 $0x1FFFF8, v24;
	v46 =	vshll.u32 v12, $0x10  }
0x17f: {  	s4 =	sor.u32 s13, s22;
	v26 =	vor.u32 v27, v26;
	v28 =	vand.u32 v10, v46  }
0x180: {  	[tilespmem:s4+$0x0] =	vst v28  }
0x181: {  	v14 =	vand.u32 $0x1FFFE0, v14;
	v47 =	vand.u32 $0xFFFF0000, v10;
	v27 =	vxor.u32 v1, v15;
	v23 =	vld.idx.msk [tilespmem:v23+s20+$0x0], $0xffff;
	s31 =	rddreg [dreg:$0x19]  }
0x182: {  	v27 =	vor.u32 v27, v14;
	v12 =	vand.u32 v12, v47;
	s17 =	sor.u32 s13, s31  }
0x183: {  	[tilespmem:s17+$0x0] =	vst v12  }
0x184: {  	v26 =	vld.idx.msk [tilespmem:v26+s20+$0x0], $0xffff;
	s2 =	sld [smem:$0x7E6]  }
0x185: {  	v16 =	vshra.s32 v16, $0x10  }
0x186: {  	v16 =	vsub.s32 $0x0, v16;
	v31 =	vshll.u32 v23, $0x10  }
0x187: {  	v9 =	vxor.u32 v3, v9;
	v50 =	vand.u32 $0xFFFF0000, v16;
	v31 =	vand.u32 v16, v31;
	v27 =	vld.idx.msk [tilespmem:v27+s20+$0x0], $0xffff;
	s2 =	sor.u32 s28, s2  }
0x188: {  	v18 =	vand.u32 $0x1FFFE0, v18;
	v19 =	vshra.s32 v19, $0x10;
	s4 =	sor.u32 s28, s10;
	v23 =	vand.u32 v23, v50;
	[tilespmem:s2+$0x0] =	vst v31  }
0x189: {  	v48 =	vxor.u32 v1, v22;
	v19 =	vsub.s32 $0x0, v19;
	[tilespmem:s4+$0x0] =	vst v23;
	v23 =	vshll.u32 v26, $0x10  }
0x18a: {  	v49 =	vor.u32 v48, v18;
	v52 =	vand.u32 $0xFFFF0000, v19;
	s17 =	sor.u32 s25, s29;
	[smem:$0x7DE] =	sst s18;
	v23 =	vand.u32 v19, v23  }
0x18b: {  	v24 =	vand.u32 $0x1FFFE0, v24;
	s10 =	sor.u32 s26, s18;
	v12 =	vshll.u32 v20, $0x10;
	s18 =	sor.u32 s25, s0;
	[tilespmem:s17+$0x0] =	vst v23;
	v23 =	vand.u32 v26, v52  }
0x18c: {  	v32 =	vxor.u32 v1, v25;
	v12 =	vand.u32 v7, v12;
	[tilespmem:s18+$0x0] =	vst v23;
	v23 =	vshll.u32 v27, $0x10  }
0x18d: {  	v9 =	vor.u32 v9, v13;
	v51 =	vor.u32 v32, v24;
	s4 =	sor.u32 s13, s6;
	[tilespmem:s10+$0x0] =	vst v12;
	v13 =	vand.u32 v10, v23  }
0x18e: {  	[tilespmem:s4+$0x0] =	vst v13  }
0x18f: {  	s17 =	rddreg [dreg:$0x1e]  }
0x190: {  	s10 =	smov.u32 s6;
	v13 =	vand.u32 v47, v27;
	s6 =	sor.u32 s13, s17  }
0x191: {  	v28 =	vld.idx.msk [tilespmem:v49+s20+$0x0], $0xffff;
	[tilespmem:s6+$0x0] =	vst v13  }
0x192: {  	s18 =	sor.u32 s26, s16;
	v26 =	vld.idx.msk [tilespmem:v51+s20+$0x0], $0xffff;
	v13 =	vand.u32 v8, v20;
	[smem:$0x7DF] =	sst s16  }
0x193: {  	[tilespmem:s18+$0x0] =	vst v13  }
0x194: {  	s6 =	sld [smem:$0x7E8];
	_ =	sdelay $0x1  }
0x195: {  	v20 =	vshll.u32 v28, $0x10  }
0x196: {  	v13 =	vand.u32 v16, v20;
	s4 =	sor.u32 s28, s6  }
0x197: {  	[tilespmem:s4+$0x0] =	vst v13  }
0x198: {  	s18 =	sld [smem:$0x7E9];
	_ =	sdelay $0x2  }
0x199: {  	v12 =	vxor.u32 v2, v15;
	v13 =	vand.u32 v50, v28;
	s16 =	sor.u32 s28, s18  }
0x19a: {  	v12 =	vor.u32 v12, v14;
	[tilespmem:s16+$0x0] =	vst v13;
	v13 =	vshll.u32 v26, $0x10  }
0x19b: {  	s4 =	sor.u32 s25, s12;
	v13 =	vand.u32 v19, v13  }
0x19c: {  	[tilespmem:s4+$0x0] =	vst v13  }
0x19d: {  	s2 =	sld [smem:$0x7DD];
	_ =	sdelay $0x1  }
0x19e: {  	v15 =	vxor.u32 v3, v15;
	v12 =	vld.idx.msk [tilespmem:v12+s20+$0x0], $0xffff  }
0x19f: {  	v13 =	vor.u32 v15, v14;
	v14 =	vand.u32 v52, v26;
	[tilespmem:s24+$0x0] =	vst v21;
	s2 =	sor.u32 s25, s2  }
0x1a0: {  	[tilespmem:s2+$0x0] =	vst v14  }
0x1a1: {  	s30 =	sld [smem:$0x7F0];
	_ =	sdelay $0x1  }
0x1a2: {  	v23 =	vxor.u32 v2, v22;
	v14 =	vshll.u32 v12, $0x10  }
0x1a3: {  	v23 =	vor.u32 v23, v18;
	v9 =	vld.idx.msk [tilespmem:v9+s20+$0x0], $0xffff;
	v14 =	vand.u32 v10, v14;
	s12 =	sor.u32 s13, s30  }
0x1a4: {  	[tilespmem:s12+$0x0] =	vst v14  }
0x1a5: {  	s2 =	rddreg [dreg:$0x14]  }
0x1a6: {  	v12 =	vand.u32 v47, v12;
	s2 =	sor.u32 s13, s2  }
0x1a7: {  	[tilespmem:s2+$0x0] =	vst v12  }
0x1a8: {  	v20 =	vxor.u32 v2, v25;
	v23 =	vld.idx.msk [tilespmem:v23+s20+$0x0], $0xffff;
	v14 =	vshll.u32 v9, $0x10;
	s2 =	rddreg [dreg:$0x1a]  }
0x1a9: {  	v20 =	vor.u32 v20, v24;
	v7 =	vand.u32 v7, v14;
	s2 =	sor.u32 s26, s2  }
0x1aa: {  	[tilespmem:s2+$0x0] =	vst v7  }
0x1ab: {  	s24 =	sld [smem:$0x7EB];
	_ =	sdelay $0x1  }
0x1ac: {  	v8 =	vand.u32 v8, v9;
	s4 =	sor.u32 s28, s8;
	s8 =	sor.u32 s26, s21;
	v12 =	vshll.u32 v23, $0x10  }
0x1ad: {  	v20 =	vld.idx.msk [tilespmem:v20+s20+$0x0], $0xffff;
	v12 =	vand.u32 v16, v12;
	[tilespmem:s8+$0x0] =	vst v8;
	s16 =	sor.u32 s28, s24  }
0x1ae: {  	[tilespmem:s16+$0x0] =	vst v12;
	v12 =	vand.u32 v50, v23  }
0x1af: {  	[tilespmem:s4+$0x0] =	vst v12  }
0x1b0: {  	v7 =	vld.idx.msk [tilespmem:v13+s20+$0x0], $0xffff;
	s16 =	sld [smem:$0x7D9];
	_ =	sdelay $0x1  }
0x1b1: {  	v15 =	vxor.u32 v3, v22;
	v9 =	vshll.u32 v20, $0x10  }
0x1b2: {  	v15 =	vor.u32 v15, v18;
	v9 =	vand.u32 v19, v9;
	s12 =	sor.u32 s25, s16  }
0x1b3: {  	s15 =	sor.u32 s25, s15;
	v12 =	vld.idx.msk [tilespmem:v17+s20+$0x0], $0xffff;
	s2 =	rddreg [dreg:$0xf];
	[tilespmem:s12+$0x0] =	vst v9;
	v9 =	vand.u32 v52, v20  }
0x1b4: {  	s26 =	smov.u32 s7;
	s4 =	rddreg [dreg:$0x12];
	[tilespmem:s15+$0x0] =	vst v9;
	v9 =	vshll.u32 v7, $0x10  }
0x1b5: {  	s7 =	sor.u32 s13, s26;
	v9 =	vand.u32 v10, v9  }
0x1b6: {  	s8 =	sor.u32 s13, s11;
	s2 =	sor.u32 $0x30, s2;
	v7 =	vand.u32 v47, v7;
	[tilespmem:s7+$0x0] =	vst v9  }
0x1b7: {  	v13 =	vxor.u32 v3, v25;
	v8 =	vld.idx.msk [tilespmem:v15+s20+$0x0], $0xffff;
	s4 =	sor.u32 s2, s4;
	s7 =	sld [smem:$0x7E5];
	[tilespmem:s8+$0x0] =	vst v7  }
0x1b8: {  	v13 =	vor.u32 v13, v24;
	v14 =	vld [tilespmem:s4+$0x0];
	v9 =	vshll.u32 v12, $0x10;
	s4 =	rddreg [dreg:$0xc]  }
0x1b9: {  	v9 =	vand.u32 v5, v9;
	s4 =	sor.u32 s5, s4  }
0x1ba: {  	s12 =	rddreg [dreg:$0x1d];
	[tilespmem:s4+$0x0] =	vst v9  }
0x1bb: {  	s8 =	sld [smem:$0x7ED];
	_ =	sdelay $0x1  }
0x1bc: {  	v10 =	vld.idx.msk [tilespmem:v13+s20+$0x0], $0xffff;
	v13 =	vshll.u32 v8, $0x10  }
0x1bd: {  	v13 =	vand.u32 v16, v13;
	s15 =	sor.u32 s28, s8  }
0x1be: {  	s13 =	sor.u32 $0x30, s7;
	[tilespmem:s15+$0x0] =	vst v13  }
0x1bf: {  	s7 =	sor.u32 s13, s12;
	s12 =	sld [smem:$0x7EE];
	_ =	sdelay $0x2  }
0x1c0: {  	v8 =	vand.u32 v50, v8;
	v9 =	vld [tilespmem:s7+$0x0];
	s7 =	sor.u32 s28, s12  }
0x1c1: {  	[tilespmem:s7+$0x0] =	vst v8  }
0x1c2: {  	s4 =	rddreg [dreg:$0xa]  }
0x1c3: {  	v13 =	vand.u32 v4, v12;
	s15 =	sor.u32 $0x30, s23;
	s4 =	sor.u32 s5, s4  }
0x1c4: {  	s3 =	sor.u32 s15, s3;
	[tilespmem:s4+$0x0] =	vst v13  }
0x1c5: {  	v16 =	vld [tilespmem:s3+$0x0];
	s3 =	sld [smem:$0x7DA];
	_ =	sdelay $0x1  }
0x1c6: {  	v15 =	vshll.u32 v10, $0x10  }
0x1c7: {  	v15 =	vand.u32 v19, v15;
	s23 =	sor.u32 s25, s3  }
0x1c8: {  	[tilespmem:s23+$0x0] =	vst v15  }
0x1c9: {  	s23 =	sld [smem:$0x7DB]  }
0x1ca: {  	v7 =	vxor.u32 v2, v6  }
0x1cb: {  	v7 =	vor.u32 v7, v11  }
0x1cc: {  	v10 =	vand.u32 v52, v10;
	s25 =	sor.u32 s25, s23  }
0x1cd: {  	v12 =	vand.u32 $0x1F, v14;
	v8 =	vshll.u32 v14, $0x5;
	[tilespmem:s25+$0x0] =	vst v10  }
0x1ce: {  	v17 =	vand.u32 $0x1FFFF8, v8;
	v13 =	vxor.u32 v0, v12;
	s4 =	sld [smem:$0x7E7]  }
0x1cf: {  	v17 =	vor.u32 v17, v13;
	v15 =	vand.u32 $0x1F, v9;
	v10 =	vshll.u32 v9, $0x5  }
0x1d0: {  	s7 =	smov.u32 s11;
	s11 =	sor.u32 $0x30, s19;
	v18 =	vld.idx.msk [tilespmem:v7+s20+$0x0], $0xffff;
	v7 =	vxor.u32 v0, v15;
	v13 =	vand.u32 $0x1FFFF8, v10  }
0x1d1: {  	v7 =	vor.u32 v13, v7;
	s4 =	sor.u32 s11, s4  }
0x1d2: {  	v6 =	vxor.u32 v3, v6;
	v19 =	vld [tilespmem:s4+$0x0]  }
0x1d3: {  	v23 =	vor.u32 v6, v11  }
0x1d4: {  	v14 =	vshra.s32 v14, $0x10;
	v20 =	vshll.u32 v16, $0x5;
	v17 =	vld.idx.msk [tilespmem:v17+s20+$0x0], $0xffff;
	v13 =	vand.u32 $0x1F, v16  }
0x1d5: {  	v25 =	vand.u32 $0x1FFFE0, v8;
	v22 =	vand.u32 $0x1FFFF8, v20;
	v21 =	vxor.u32 v0, v13  }
0x1d6: {  	v8 =	vxor.u32 v1, v12;
	v6 =	vshll.u32 v18, $0x10;
	s25 =	rddreg [dreg:$0x8];
	v21 =	vor.u32 v22, v21;
	v26 =	vld.idx.msk [tilespmem:v7+s20+$0x0], $0xffff  }
0x1d7: {  	v22 =	vand.u32 v5, v6;
	s4 =	sor.u32 s5, s25;
	v24 =	vshll.u32 v19, $0x5;
	v11 =	vand.u32 $0x1F, v19  }
0x1d8: {  	v53 =	vor.u32 v8, v25;
	[tilespmem:s4+$0x0] =	vst v22;
	v6 =	vxor.u32 v0, v11;
	v7 =	vand.u32 $0x1FFFF8, v24  }
0x1d9: {  	v8 =	vshll.u32 v17, $0x10;
	s4 =	rddreg [dreg:$0x11];
	v27 =	vor.u32 v7, v6;
	v7 =	vsub.s32 $0x0, v14  }
0x1da: {  	s4 =	sor.u32 s2, s4;
	v6 =	vand.u32 $0xFFFF0000, v7;
	v14 =	vand.u32 v7, v8;
	v8 =	vshra.s32 v9, $0x10  }
0x1db: {  	s1 =	sor.u32 s2, s1;
	v22 =	vshll.u32 v26, $0x10;
	v17 =	vand.u32 v17, v6;
	v8 =	vsub.s32 $0x0, v8;
	[tilespmem:s4+$0x0] =	vst v14  }
0x1dc: {  	s19 =	sor.u32 s13, s22;
	v21 =	vld.idx.msk [tilespmem:v21+s20+$0x0], $0xffff;
	v9 =	vand.u32 $0xFFFF0000, v8;
	v22 =	vand.u32 v8, v22;
	[tilespmem:s1+$0x0] =	vst v17  }
0x1dd: {  	s22 =	sor.u32 s13, s31;
	v26 =	vand.u32 v26, v9;
	[tilespmem:s19+$0x0] =	vst v22  }
0x1de: {  	[tilespmem:s22+$0x0] =	vst v26  }
0x1df: {  	v20 =	vand.u32 $0x1FFFE0, v20;
	v54 =	vand.u32 $0x1FFFE0, v10;
	v10 =	vxor.u32 v1, v15;
	v27 =	vld.idx.msk [tilespmem:v27+s20+$0x0], $0xffff;
	s25 =	sld [smem:$0x7E6]  }
0x1e0: {  	v55 =	vor.u32 v10, v54;
	v10 =	vxor.u32 v1, v13;
	v14 =	vshra.s32 v16, $0x10  }
0x1e1: {  	v16 =	vor.u32 v10, v20;
	v10 =	vsub.s32 $0x0, v14;
	v17 =	vshll.u32 v21, $0x10  }
0x1e2: {  	v17 =	vand.u32 v10, v17;
	s1 =	sor.u32 s15, s25  }
0x1e3: {  	v19 =	vshra.s32 v19, $0x10;
	[tilespmem:s1+$0x0] =	vst v17  }
0x1e4: {  	v19 =	vsub.s32 $0x0, v19;
	v57 =	vshll.u32 v27, $0x10;
	s19 =	sld [smem:$0x7E2]  }
0x1e5: {  	v58 =	vand.u32 $0xFFFF0000, v19;
	v22 =	vld.idx.msk [tilespmem:v53+s20+$0x0], $0xffff;
	s25 =	sor.u32 s11, s29;
	v28 =	vand.u32 v19, v57  }
0x1e6: {  	v14 =	vand.u32 $0xFFFF0000, v10;
	v27 =	vand.u32 v27, v58;
	s1 =	sor.u32 s11, s0;
	[tilespmem:s25+$0x0] =	vst v28  }
0x1e7: {  	v21 =	vand.u32 v21, v14;
	v17 =	vld.idx.msk [tilespmem:v55+s20+$0x0], $0xffff;
	[tilespmem:s1+$0x0] =	vst v27;
	s22 =	sor.u32 s15, s19  }
0x1e8: {  	[tilespmem:s22+$0x0] =	vst v21  }
0x1e9: {  	v24 =	vand.u32 $0x1FFFE0, v24;
	v56 =	vxor.u32 v1, v11;
	v16 =	vld.idx.msk [tilespmem:v16+s20+$0x0], $0xffff;
	s0 =	rddreg [dreg:$0x7]  }
0x1ea: {  	v18 =	vand.u32 v4, v18;
	v26 =	vor.u32 v56, v24;
	v27 =	vshll.u32 v22, $0x10;
	s0 =	sor.u32 s5, s0  }
0x1eb: {  	s4 =	sor.u32 s2, s9;
	[tilespmem:s0+$0x0] =	vst v18;
	v18 =	vand.u32 v7, v27  }
0x1ec: {  	s9 =	sor.u32 s2, s14;
	[tilespmem:s4+$0x0] =	vst v18;
	v18 =	vand.u32 v6, v22;
	v22 =	vshll.u32 v17, $0x10  }
0x1ed: {  	s14 =	sor.u32 s13, s10;
	[tilespmem:s9+$0x0] =	vst v18;
	v22 =	vand.u32 v8, v22  }
0x1ee: {  	s17 =	sor.u32 s13, s17;
	v59 =	vxor.u32 v2, v15;
	v17 =	vand.u32 v9, v17;
	[tilespmem:s14+$0x0] =	vst v22;
	v22 =	vshll.u32 v16, $0x10  }
0x1ef: {  	v26 =	vld.idx.msk [tilespmem:v26+s20+$0x0], $0xffff;
	s19 =	sor.u32 s15, s6;
	v27 =	vor.u32 v59, v54;
	[tilespmem:s17+$0x0] =	vst v17;
	v17 =	vand.u32 v10, v22  }
0x1f0: {  	s22 =	sor.u32 s15, s18;
	v16 =	vand.u32 v14, v16;
	[tilespmem:s19+$0x0] =	vst v17  }
0x1f1: {  	[tilespmem:s22+$0x0] =	vst v16  }
0x1f2: {  	s0 =	sld [smem:$0x7DC];
	_ =	sdelay $0x1  }
0x1f3: {  	v17 =	vld.idx.msk [tilespmem:v27+s20+$0x0], $0xffff;
	v27 =	vshll.u32 v26, $0x10  }
0x1f4: {  	v16 =	vand.u32 v19, v27;
	s0 =	sor.u32 s11, s0  }
0x1f5: {  	v21 =	vxor.u32 v2, v12;
	[tilespmem:s0+$0x0] =	vst v16  }
0x1f6: {  	v21 =	vor.u32 v21, v25;
	v18 =	vld.idx.msk [tilespmem:v23+s20+$0x0], $0xffff;
	s0 =	sld [smem:$0x7DD];
	_ =	sdelay $0x1  }
0x1f7: {  	v12 =	vxor.u32 v3, v12  }
0x1f8: {  	v12 =	vor.u32 v12, v25;
	v25 =	vand.u32 v58, v26;
	s0 =	sor.u32 s11, s0  }
0x1f9: {  	[tilespmem:s0+$0x0] =	vst v25  }
0x1fa: {  	v21 =	vld.idx.msk [tilespmem:v21+s20+$0x0], $0xffff;
	v16 =	vshll.u32 v18, $0x10;
	s0 =	rddreg [dreg:$0x5]  }
0x1fb: {  	v5 =	vand.u32 v5, v16;
	s0 =	sor.u32 s5, s0  }
0x1fc: {  	[tilespmem:s0+$0x0] =	vst v5  }
0x1fd: {  	s0 =	sld [smem:$0x7DE]  }
0x1fe: {  	v60 =	vxor.u32 v2, v13  }
0x1ff: {  	v23 =	vor.u32 v60, v20;
	v16 =	vshll.u32 v21, $0x10  }
0x200: {  	v5 =	vand.u32 v7, v16;
	s0 =	sor.u32 s2, s0  }
0x201: {  	[tilespmem:s0+$0x0] =	vst v5  }
0x202: {  	s0 =	sld [smem:$0x7DF];
	_ =	sdelay $0x1  }
0x203: {  	v61 =	vxor.u32 v2, v11;
	v23 =	vld.idx.msk [tilespmem:v23+s20+$0x0], $0xffff  }
0x204: {  	v22 =	vor.u32 v61, v24;
	v5 =	vand.u32 v6, v21;
	v21 =	vshll.u32 v17, $0x10;
	s0 =	sor.u32 s2, s0  }
0x205: {  	s25 =	sor.u32 s13, s30;
	[tilespmem:s0+$0x0] =	vst v5;
	v5 =	vand.u32 v8, v21  }
0x206: {  	[tilespmem:s25+$0x0] =	vst v5  }
0x207: {  	s0 =	rddreg [dreg:$0x14]  }
0x208: {  	v15 =	vxor.u32 v3, v15;
	v5 =	vld.idx.msk [tilespmem:v12+s20+$0x0], $0xffff;
	v12 =	vand.u32 v9, v17;
	v17 =	vshll.u32 v23, $0x10;
	s0 =	sor.u32 s13, s0  }
0x209: {  	v15 =	vor.u32 v15, v54;
	s1 =	sor.u32 s15, s24;
	v16 =	vld.idx.msk [tilespmem:v22+s20+$0x0], $0xffff;
	[tilespmem:s0+$0x0] =	vst v12;
	v12 =	vand.u32 v10, v17  }
0x20a: {  	[tilespmem:s1+$0x0] =	vst v12  }
0x20b: {  	s0 =	sld [smem:$0x7EC];
	_ =	sdelay $0x2  }
0x20c: {  	v17 =	vshll.u32 v16, $0x10;
	v12 =	vld.idx.msk [tilespmem:v15+s20+$0x0], $0xffff;
	v15 =	vand.u32 v14, v23;
	s0 =	sor.u32 s15, s0  }
0x20d: {  	v13 =	vxor.u32 v3, v13;
	s4 =	sor.u32 s11, s16;
	[tilespmem:s0+$0x0] =	vst v15;
	v15 =	vand.u32 v19, v17  }
0x20e: {  	v13 =	vor.u32 v13, v20;
	[tilespmem:s4+$0x0] =	vst v15  }
0x20f: {  	s0 =	sld [smem:$0x7E0]  }
0x210: {  	s6 =	rddreg [dreg:$0x3]  }
0x211: {  	v4 =	vand.u32 v4, v18;
	s1 =	sor.u32 s5, s6  }
0x212: {  	v15 =	vand.u32 v58, v16;
	[tilespmem:s1+$0x0] =	vst v4;
	s0 =	sor.u32 s11, s0  }
0x213: {  	v11 =	vxor.u32 v3, v11;
	v13 =	vld.idx.msk [tilespmem:v13+s20+$0x0], $0xffff;
	[tilespmem:s0+$0x0] =	vst v15  }
0x214: {  	v11 =	vor.u32 v11, v24;
	v15 =	vshll.u32 v5, $0x10;
	s0 =	rddreg [dreg:$0x1a]  }
0x215: {  	v4 =	vand.u32 v7, v15;
	s0 =	sor.u32 s2, s0  }
0x216: {  	s9 =	sor.u32 s2, s21;
	[tilespmem:s0+$0x0] =	vst v4;
	v4 =	vand.u32 v6, v5;
	v5 =	vshll.u32 v12, $0x10  }
0x217: {  	s10 =	sor.u32 s13, s26;
	[tilespmem:s9+$0x0] =	vst v4;
	v4 =	vand.u32 v8, v5  }
0x218: {  	s14 =	sor.u32 s13, s7;
	v5 =	vshll.u32 v13, $0x10;
	[tilespmem:s10+$0x0] =	vst v4;
	v4 =	vand.u32 v9, v12  }
0x219: {  	s16 =	sor.u32 s15, s8;
	v7 =	vld.idx.msk [tilespmem:v11+s20+$0x0], $0xffff;
	[tilespmem:s14+$0x0] =	vst v4;
	v4 =	vand.u32 v10, v5  }
0x21a: {  	s17 =	sor.u32 s15, s12;
	[tilespmem:s16+$0x0] =	vst v4;
	v4 =	vand.u32 v14, v13  }
0x21b: {  	s4 =	sld [smem:$0x7F3];
	[tilespmem:s17+$0x0] =	vst v4  }
0x21c: {  	s1 =	sld [smem:$0x7FD];
	_ =	sdelay $0x1  }
0x21d: {  	v5 =	vshll.u32 v7, $0x10;
	s18 =	sshll.u32 s4, $0x14  }
0x21e: {  	s19 =	sor.u32 s11, s3;
	v4 =	vand.u32 v19, v5;
	[smem:$0x7E1] =	sst s18;
	s1 =	sor.u32 s1, s18  }
0x21f: {  	s21 =	sor.u32 s11, s23;
	s22 =	rddreg [dreg:$0x1];
	[tilespmem:s19+$0x0] =	vst v4;
	v4 =	vand.u32 v58, v7;
	s1 =	sshrl.u32 s1, $0x3  }
0x220: {  	s23 =	simm.s32 $0x11000;
	[tilespmem:s21+$0x0] =	vst v4;
	s0 =	sadd.s32 s22, s1  }
0x221: {  	[hbm4b:s0+s20] =	stream.linear.scatter [tilespmem:s23], [sflag:$0x3], $0x4000, $0x38;
	[tilespmem:$0x19000] =	vst v63  }
0x222: {  	s0 =	sld [smem:$0x7FA]  }
0x223: {  	s1 =	sld [smem:$0x7F4];
	_ =	sdelay $0x1  }
0x224: {  	p0 =	seq.s32 s4, $0x31  }
0x225: {  	s0 =	sadd.s32 @!p0 s0, s1;
	s1 =	sld [smem:$0x7F7];
	_ =	sdelay $0x1  }
0x226: {  	s2 =	simm.s32 @!p0 $0x10000;
	p1 =	seq.s32 @!p0 s4, $0x0;
	s0 =	sshrl.u32 @!p0 s0, $0x3  }
0x227: {  	p1 =	por p0, !p1;
	s0 =	sadd.s32 @!p0 s1, s0;
	s1 =	simm.s32 @!p0 $0x0  }
0x228: {  	[tilespmem:s2], [sflag:$0x1] =	stream.linear.gather @!p0 [hbm4b:s0+s1], $0x800, $0x38;
	[tilespmem:$0x19000] =	vst v63  }
0x229: {  	s0 =	simm.s32 @p1 $0x4  }
0x22a: {  	_ =	swait.ge @p1 [sflag:s0], $0x4000  }
0x22b: {  	[sflag:s0] =	ssyncset.done @p1 $0x0  }
0x22c: {  	s24 =	simm.s32 $0x0;
	s25 =	simm.s32 $0x2;
	[sflag:s0] =	ssyncadd.s32 @p1 $0xFFFFC000  }
0x22d: {  	s26 =	simm.s32 $0x0;
	s0 =	sand.u32 $0x3FFFFF80, s24;
	_ =	swait.ge [sflag:s25], $0x800  }
0x22e: {  	s12 =	sand.u32 $0x40, s26;
	s2 =	sadd.s32 $0x10000, s0;
	[sflag:s25] =	ssyncset.done $0x0  }
0x22f: {  	s1 =	sor.u32 s12, s2;
	[sflag:s25] =	ssyncadd.s32 $0xFFFFF800  }
0x230: {  	v4 =	vld [tilespmem:s1+$0x800];
	_ =	sdelay $0x4  }
0x231: {  	v5 =	vshll.u32 v4, $0x5;
	v6 =	vand.u32 $0x1F, v4  }
0x232: {  	v7 =	vxor.u32 v0, v6;
	v8 =	vand.u32 $0x1FFFF8, v5  }
0x233: {  	v7 =	vor.u32 v8, v7;
	_ =	sdelay $0x3  }
0x234: {  	s3 =	simm.s32 $0x0  }
0x235: {  	v7 =	vld.idx.msk [tilespmem:v7+s3+$0x0], $0xffff;
	_ =	sdelay $0x2  }
0x236: {  	s7 =	simm.s32 $0x0;
	v5 =	vand.u32 $0x1FFFE0, v5;
	v8 =	vxor.u32 v1, v6  }
0x237: {  	s1 =	sand.u32 $0xFFFFFC00, s7;
	v4 =	vshra.s32 v4, $0x10;
	v8 =	vor.u32 v8, v5  }
0x238: {  	s31 =	sadd.s32 $0x15000, s1;
	v4 =	vsub.s32 $0x0, v4;
	v9 =	vshll.u32 v7, $0x10  }
0x239: {  	s29 =	sadd.s32 $0x15080, s1;
	s8 =	sor.u32 s12, s31;
	v10 =	vand.u32 $0xFFFF0000, v4;
	v9 =	vand.u32 v4, v9  }
0x23a: {  	s9 =	sor.u32 s12, s29;
	v7 =	vand.u32 v7, v10;
	[tilespmem:s8+$0x0] =	vst v9  }
0x23b: {  	[tilespmem:s9+$0x0] =	vst v7  }
0x23c: {  	v7 =	vld.idx.msk [tilespmem:v8+s3+$0x0], $0xffff;
	_ =	sdelay $0x2  }
0x23d: {  	v8 =	vxor.u32 v2, v6  }
0x23e: {  	v8 =	vor.u32 v8, v5  }
0x23f: {  	s25 =	sadd.s32 $0x15100, s1;
	v9 =	vshll.u32 v7, $0x10  }
0x240: {  	s28 =	sadd.s32 $0x15180, s1;
	s10 =	sor.u32 s12, s25;
	v9 =	vand.u32 v4, v9  }
0x241: {  	s11 =	sor.u32 s12, s28;
	v7 =	vand.u32 v10, v7;
	[tilespmem:s10+$0x0] =	vst v9  }
0x242: {  	[tilespmem:s11+$0x0] =	vst v7  }
0x243: {  	v7 =	vld.idx.msk [tilespmem:v8+s3+$0x0], $0xffff;
	_ =	sdelay $0x1  }
0x244: {  	s13 =	simm.s32 $0x40  }
0x245: {  	s4 =	sand.u32 $0x3FFFFF80, s13  }
0x246: {  	s22 =	sadd.s32 $0x10000, s4;
	v6 =	vxor.u32 v3, v6  }
0x247: {  	s14 =	simm.s32 $0x40;
	s20 =	sadd.s32 $0x15200, s1;
	v5 =	vor.u32 v6, v5;
	[dreg:$0x10] =	wrdreg s22;
	v6 =	vshll.u32 v7, $0x10  }
0x248: {  	s26 =	sand.u32 $0x40, s14;
	s15 =	sor.u32 s12, s20;
	[dreg:$0x9] =	wrdreg s20;
	v6 =	vand.u32 v4, v6  }
0x249: {  	s4 =	sor.u32 s26, s22;
	s13 =	sadd.s32 $0x15280, s1;
	[tilespmem:s15+$0x0] =	vst v6  }
0x24a: {  	s16 =	sor.u32 s12, s13;
	v8 =	vld [tilespmem:s4+$0x800];
	v7 =	vand.u32 v10, v7;
	[dreg:$0x13] =	wrdreg s13  }
0x24b: {  	[tilespmem:s16+$0x0] =	vst v7  }
0x24c: {  	v5 =	vld.idx.msk [tilespmem:v5+s3+$0x0], $0xffff;
	_ =	sdelay $0x2  }
0x24d: {  	v6 =	vshll.u32 v8, $0x5;
	v7 =	vand.u32 $0x1F, v8  }
0x24e: {  	v11 =	vand.u32 $0x1FFFF8, v6;
	v9 =	vxor.u32 v0, v7  }
0x24f: {  	s11 =	sadd.s32 $0x15300, s1;
	v9 =	vor.u32 v11, v9;
	v11 =	vshll.u32 v5, $0x10  }
0x250: {  	s17 =	sor.u32 s12, s11;
	[dreg:$0x6] =	wrdreg s11;
	v4 =	vand.u32 v4, v11  }
0x251: {  	s10 =	sadd.s32 $0x15380, s1;
	[tilespmem:s17+$0x0] =	vst v4  }
0x252: {  	s18 =	sor.u32 s12, s10;
	v5 =	vand.u32 v10, v5;
	[dreg:$0x4] =	wrdreg s10  }
0x253: {  	[tilespmem:s18+$0x0] =	vst v5  }
0x254: {  	s1 =	sor.u32 $0x10, s12;
	[smem:$0x7CE] =	sst s2  }
0x255: {  	s19 =	sor.u32 s1, s2;
	v5 =	vld.idx.msk [tilespmem:v9+s3+$0x0], $0xffff  }
0x256: {  	v4 =	vld [tilespmem:s19+$0x800];
	_ =	sdelay $0x1  }
0x257: {  	s21 =	simm.s32 $0x200;
	v6 =	vand.u32 $0x1FFFE0, v6;
	v8 =	vshra.s32 v8, $0x10;
	v9 =	vxor.u32 v1, v7  }
0x258: {  	s4 =	sand.u32 $0xFFFFFC00, s21;
	v8 =	vsub.s32 $0x0, v8;
	v9 =	vor.u32 v9, v6  }
0x259: {  	s15 =	sadd.s32 $0x15000, s4;
	v15 =	vand.u32 $0xFFFF0000, v8;
	v12 =	vshll.u32 v5, $0x10  }
0x25a: {  	s8 =	sadd.s32 $0x15080, s4;
	s23 =	sor.u32 s26, s15;
	v10 =	vshll.u32 v4, $0x5;
	v11 =	vand.u32 $0x1F, v4;
	v12 =	vand.u32 v8, v12  }
0x25b: {  	s24 =	sor.u32 s26, s8;
	v5 =	vand.u32 v5, v15;
	v13 =	vxor.u32 v0, v11;
	v14 =	vand.u32 $0x1FFFF8, v10;
	[tilespmem:s23+$0x0] =	vst v12  }
0x25c: {  	v13 =	vor.u32 v14, v13;
	[tilespmem:s24+$0x0] =	vst v5  }
0x25d: {  	v5 =	vld.idx.msk [tilespmem:v9+s3+$0x0], $0xffff;
	_ =	sdelay $0x3  }
0x25e: {  	v9 =	vld.idx.msk [tilespmem:v13+s3+$0x0], $0xffff  }
0x25f: {  	s17 =	sadd.s32 $0x15100, s4;
	v13 =	vshll.u32 v5, $0x10  }
0x260: {  	s0 =	sor.u32 s26, s17;
	v12 =	vxor.u32 v2, v7;
	[smem:$0x7D5] =	sst s17;
	v13 =	vand.u32 v8, v13  }
0x261: {  	s18 =	sadd.s32 $0x15180, s4;
	v4 =	vshra.s32 v4, $0x10;
	v12 =	vor.u32 v12, v6;
	[tilespmem:s0+$0x0] =	vst v13  }
0x262: {  	s9 =	smov.u32 s2;
	s2 =	sor.u32 s26, s18;
	v10 =	vand.u32 $0x1FFFE0, v10;
	v14 =	vxor.u32 v1, v11;
	v5 =	vand.u32 v15, v5;
	[smem:$0x7D6] =	sst s18  }
0x263: {  	v4 =	vsub.s32 $0x0, v4;
	v14 =	vor.u32 v14, v10;
	v13 =	vshll.u32 v9, $0x10;
	[tilespmem:s2+$0x0] =	vst v5  }
0x264: {  	s6 =	sor.u32 s1, s31;
	v5 =	vand.u32 v4, v13;
	[smem:$0x7D7] =	sst s31  }
0x265: {  	v16 =	vand.u32 $0xFFFF0000, v4;
	[tilespmem:s6+$0x0] =	vst v5  }
0x266: {  	s7 =	simm.s32 $0x80;
	s14 =	sor.u32 s1, s29;
	v9 =	vand.u32 v9, v16;
	v12 =	vld.idx.msk [tilespmem:v12+s3+$0x0], $0xffff;
	[smem:$0x7D8] =	sst s29  }
0x267: {  	s16 =	simm.s32 $0x80;
	s6 =	sand.u32 $0x3FFFFF80, s7;
	[tilespmem:s14+$0x0] =	vst v9  }
0x268: {  	s23 =	sand.u32 $0x40, s16;
	s0 =	sadd.s32 $0x10000, s6;
	v5 =	vld.idx.msk [tilespmem:v14+s3+$0x0], $0xffff  }
0x269: {  	v7 =	vxor.u32 v3, v7;
	s6 =	sor.u32 s23, s0  }
0x26a: {  	v6 =	vor.u32 v7, v6;
	v9 =	vld [tilespmem:s6+$0x800]  }
0x26b: {  	s16 =	sadd.s32 $0x15200, s4;
	v13 =	vxor.u32 v2, v11;
	v7 =	vshll.u32 v12, $0x10  }
0x26c: {  	s19 =	sor.u32 s26, s16;
	v13 =	vor.u32 v13, v10;
	s14 =	sadd.s32 $0x15280, s4;
	v7 =	vand.u32 v8, v7  }
0x26d: {  	s21 =	sor.u32 s26, s14;
	v12 =	vand.u32 v15, v12;
	[tilespmem:s19+$0x0] =	vst v7;
	v14 =	vshll.u32 v5, $0x10  }
0x26e: {  	s24 =	sor.u32 s1, s25;
	[tilespmem:s21+$0x0] =	vst v12;
	v7 =	vand.u32 v4, v14  }
0x26f: {  	s2 =	sor.u32 s1, s28;
	v12 =	vshll.u32 v9, $0x5;
	v5 =	vand.u32 v16, v5;
	v14 =	vand.u32 $0x1F, v9;
	v6 =	vld.idx.msk [tilespmem:v6+s3+$0x0], $0xffff;
	[tilespmem:s24+$0x0] =	vst v7  }
0x270: {  	v17 =	vand.u32 $0x1FFFF8, v12;
	v7 =	vxor.u32 v0, v14;
	[tilespmem:s2+$0x0] =	vst v5  }
0x271: {  	v5 =	vor.u32 v17, v7;
	v7 =	vld.idx.msk [tilespmem:v13+s3+$0x0], $0xffff;
	_ =	sdelay $0x2  }
0x272: {  	v11 =	vxor.u32 v3, v11;
	s19 =	sadd.s32 $0x15300, s4;
	v13 =	vshll.u32 v6, $0x10  }
0x273: {  	v10 =	vor.u32 v11, v10;
	s5 =	sor.u32 s26, s19;
	s21 =	sadd.s32 $0x15380, s4;
	v8 =	vand.u32 v8, v13  }
0x274: {  	s6 =	sor.u32 $0x10, s26;
	s4 =	sor.u32 s26, s21;
	v6 =	vand.u32 v15, v6;
	[tilespmem:s5+$0x0] =	vst v8;
	v8 =	vshll.u32 v7, $0x10  }
0x275: {  	s20 =	sor.u32 s1, s20;
	s7 =	sor.u32 s6, s22;
	v5 =	vld.idx.msk [tilespmem:v5+s3+$0x0], $0xffff;
	[tilespmem:s4+$0x0] =	vst v6;
	v6 =	vand.u32 v4, v8  }
0x276: {  	s22 =	sor.u32 s1, s13;
	v7 =	vand.u32 v16, v7;
	v8 =	vld [tilespmem:s7+$0x800];
	[tilespmem:s20+$0x0] =	vst v6  }
0x277: {  	[tilespmem:s22+$0x0] =	vst v7  }
0x278: {  	s24 =	simm.s32 $0x400;
	v6 =	vshra.s32 v9, $0x10;
	v9 =	vand.u32 $0x1FFFE0, v12;
	v7 =	vxor.u32 v1, v14;
	v10 =	vld.idx.msk [tilespmem:v10+s3+$0x0], $0xffff  }
0x279: {  	s7 =	sand.u32 $0xFFFFFC00, s24;
	v11 =	vsub.s32 $0x0, v6;
	v6 =	vor.u32 v7, v9  }
0x27a: {  	s13 =	sadd.s32 $0x15000, s7;
	v7 =	vshll.u32 v5, $0x10;
	v12 =	vand.u32 $0xFFFF0000, v11  }
0x27b: {  	s2 =	sor.u32 s23, s13;
	s22 =	sadd.s32 $0x15080, s7;
	v7 =	vand.u32 v11, v7;
	v13 =	vshll.u32 v8, $0x5;
	v15 =	vand.u32 $0x1F, v8  }
0x27c: {  	s5 =	sor.u32 s23, s22;
	v5 =	vand.u32 v5, v12;
	[tilespmem:s2+$0x0] =	vst v7;
	v7 =	vxor.u32 v0, v15;
	v17 =	vand.u32 $0x1FFFF8, v13  }
0x27d: {  	[tilespmem:s5+$0x0] =	vst v5;
	v5 =	vor.u32 v17, v7;
	v7 =	vshll.u32 v10, $0x10  }
0x27e: {  	s11 =	sor.u32 s1, s11;
	v6 =	vld.idx.msk [tilespmem:v6+s3+$0x0], $0xffff;
	v4 =	vand.u32 v4, v7  }
0x27f: {  	s1 =	sor.u32 s1, s10;
	s4 =	sor.u32 $0x20, s12;
	[tilespmem:s11+$0x0] =	vst v4;
	v4 =	vand.u32 v16, v10  }
0x280: {  	s20 =	sor.u32 s4, s9;
	[tilespmem:s1+$0x0] =	vst v4  }
0x281: {  	v10 =	vld [tilespmem:s20+$0x800];
	[smem:$0x7D1] =	sst s8  }
0x282: {  	v4 =	vld.idx.msk [tilespmem:v5+s3+$0x0], $0xffff;
	v5 =	vxor.u32 v2, v14  }
0x283: {  	s30 =	sadd.s32 $0x15100, s7;
	v7 =	vshll.u32 v6, $0x10;
	v5 =	vor.u32 v5, v9  }
0x284: {  	s24 =	simm.s32 $0xC0;
	v13 =	vand.u32 $0x1FFFE0, v13;
	s1 =	sor.u32 s23, s30;
	s20 =	sadd.s32 $0x15180, s7;
	v17 =	vand.u32 v11, v7  }
0x285: {  	s9 =	sand.u32 $0x3FFFFF80, s24;
	v16 =	vand.u32 v12, v6;
	v6 =	vshra.s32 v8, $0x10;
	v8 =	vxor.u32 v1, v15;
	s5 =	sor.u32 s23, s20;
	[tilespmem:s1+$0x0] =	vst v17  }
0x286: {  	s11 =	sadd.s32 $0x10000, s9;
	v6 =	vsub.s32 $0x0, v6;
	v8 =	vor.u32 v8, v13;
	[tilespmem:s5+$0x0] =	vst v16  }
0x287: {  	v18 =	vshll.u32 v10, $0x5;
	v19 =	vand.u32 $0x1F, v10;
	[smem:$0x7D4] =	sst s11;
	v17 =	vshll.u32 v4, $0x10  }
0x288: {  	s24 =	sor.u32 s6, s15;
	v20 =	vand.u32 $0x1FFFF8, v18;
	v16 =	vand.u32 v6, v17;
	v17 =	vxor.u32 v0, v19;
	v5 =	vld.idx.msk [tilespmem:v5+s3+$0x0], $0xffff  }
0x289: {  	v7 =	vand.u32 $0xFFFF0000, v6;
	[tilespmem:s24+$0x0] =	vst v16;
	v16 =	vor.u32 v20, v17  }
0x28a: {  	s2 =	simm.s32 $0xC0;
	s8 =	sor.u32 s6, s8;
	v4 =	vand.u32 v4, v7  }
0x28b: {  	s2 =	sand.u32 $0x40, s2;
	[tilespmem:s8+$0x0] =	vst v4;
	v4 =	vxor.u32 v3, v14  }
0x28c: {  	s5 =	sor.u32 s2, s11;
	v8 =	vld.idx.msk [tilespmem:v8+s3+$0x0], $0xffff;
	v9 =	vor.u32 v4, v9  }
0x28d: {  	v17 =	vld [tilespmem:s5+$0x800];
	s24 =	sadd.s32 $0x15200, s7;
	v4 =	vshll.u32 v5, $0x10  }
0x28e: {  	s5 =	sadd.s32 $0x15280, s7;
	s10 =	sor.u32 s23, s24;
	v14 =	vld.idx.msk [tilespmem:v16+s3+$0x0], $0xffff;
	v4 =	vand.u32 v11, v4  }
0x28f: {  	s11 =	sor.u32 s23, s5;
	v5 =	vand.u32 v12, v5;
	v16 =	vxor.u32 v2, v15;
	[tilespmem:s10+$0x0] =	vst v4  }
0x290: {  	v10 =	vshra.s32 v10, $0x10;
	v16 =	vor.u32 v16, v13;
	[tilespmem:s11+$0x0] =	vst v5  }
0x291: {  	v18 =	vand.u32 $0x1FFFE0, v18;
	v22 =	vsub.s32 $0x0, v10;
	v21 =	vshll.u32 v8, $0x10;
	v9 =	vld.idx.msk [tilespmem:v9+s3+$0x0], $0xffff  }
0x292: {  	s17 =	sor.u32 s6, s17;
	v20 =	vshll.u32 v17, $0x5;
	v4 =	vand.u32 $0x1F, v17;
	v21 =	vand.u32 v6, v21  }
0x293: {  	s18 =	sor.u32 s6, s18;
	v5 =	vxor.u32 v1, v19;
	v8 =	vand.u32 v7, v8;
	[tilespmem:s17+$0x0] =	vst v21;
	v10 =	vshll.u32 v14, $0x10  }
0x294: {  	s1 =	sor.u32 s4, s31;
	v5 =	vor.u32 v5, v18;
	[tilespmem:s18+$0x0] =	vst v8;
	v8 =	vand.u32 $0xFFFF0000, v22;
	v10 =	vand.u32 v22, v10  }
0x295: {  	s8 =	sor.u32 s4, s29;
	v23 =	vand.u32 $0x1FFFF8, v20;
	v21 =	vxor.u32 v0, v4;
	v16 =	vld.idx.msk [tilespmem:v16+s3+$0x0], $0xffff;
	v14 =	vand.u32 v14, v8;
	[tilespmem:s1+$0x0] =	vst v10  }
0x296: {  	s9 =	sadd.s32 $0x15300, s7;
	v10 =	vor.u32 v23, v21;
	[tilespmem:s8+$0x0] =	vst v14;
	v14 =	vshll.u32 v9, $0x10  }
0x297: {  	s11 =	sor.u32 s23, s9;
	v11 =	vand.u32 v11, v14  }
0x298: {  	s10 =	sadd.s32 $0x15380, s7;
	[tilespmem:s11+$0x0] =	vst v11  }
0x299: {  	v15 =	vxor.u32 v3, v15;
	s18 =	sor.u32 s23, s10;
	v9 =	vand.u32 v12, v9;
	v5 =	vld.idx.msk [tilespmem:v5+s3+$0x0], $0xffff;
	[smem:$0x7C9] =	sst s23  }
0x29a: {  	v13 =	vor.u32 v15, v13;
	s17 =	simm.s32 $0x0;
	v11 =	vshll.u32 v16, $0x10;
	[tilespmem:s18+$0x0] =	vst v9  }
0x29b: {  	s29 =	sor.u32 $0x10, s23;
	s8 =	sor.u32 s6, s16;
	v9 =	vld.idx.msk [tilespmem:v10+s17+$0x0], $0xffff;
	v11 =	vand.u32 v6, v11;
	[dreg:$0x1f] =	wrdreg s0  }
0x29c: {  	s0 =	sor.u32 s29, s0;
	[tilespmem:s8+$0x0] =	vst v11  }
0x29d: {  	s3 =	smov.u32 s9;
	s9 =	sor.u32 s6, s14;
	v12 =	vld [tilespmem:s0+$0x800];
	v11 =	vand.u32 v7, v16;
	[smem:$0x7CA] =	sst s14  }
0x29e: {  	[tilespmem:s9+$0x0] =	vst v11;
	v11 =	vshll.u32 v5, $0x10  }
0x29f: {  	s1 =	smov.u32 s10;
	s10 =	sor.u32 s4, s25;
	v10 =	vxor.u32 v2, v19;
	v11 =	vand.u32 v22, v11;
	v13 =	vld.idx.msk [tilespmem:v13+s17+$0x0], $0xffff;
	[dreg:$0xd] =	wrdreg s25  }
0x2a0: {  	v15 =	vand.u32 $0x1FFFE0, v20;
	s11 =	simm.s32 $0x600;
	v10 =	vor.u32 v10, v18;
	[tilespmem:s10+$0x0] =	vst v11  }
0x2a1: {  	v14 =	vshra.s32 v17, $0x10;
	s14 =	sor.u32 s4, s28;
	v5 =	vand.u32 v8, v5;
	s25 =	sand.u32 $0xFFFFFC00, s11;
	v11 =	vxor.u32 v1, v4;
	[dreg:$0xb] =	wrdreg s28  }
0x2a2: {  	[tilespmem:s14+$0x0] =	vst v5;
	v5 =	vsub.s32 $0x0, v14;
	v14 =	vor.u32 v11, v15;
	v11 =	vshll.u32 v9, $0x10;
	s14 =	sadd.s32 $0x15000, s25  }
0x2a3: {  	s10 =	smov.u32 s16;
	v17 =	vand.u32 v5, v11;
	s16 =	sor.u32 s2, s14  }
0x2a4: {  	s18 =	sadd.s32 $0x15080, s25;
	v20 =	vshll.u32 v12, $0x5;
	v16 =	vand.u32 $0x1F, v12;
	v11 =	vand.u32 $0xFFFF0000, v5;
	[tilespmem:s16+$0x0] =	vst v17  }
0x2a5: {  	s23 =	sor.u32 s2, s18;
	v21 =	vxor.u32 v0, v16;
	v23 =	vand.u32 $0x1FFFF8, v20;
	v10 =	vld.idx.msk [tilespmem:v10+s17+$0x0], $0xffff;
	v9 =	vand.u32 v9, v11;
	[smem:$0x7CB] =	sst s18  }
0x2a6: {  	v17 =	vor.u32 v23, v21;
	v21 =	vshll.u32 v13, $0x10;
	[tilespmem:s23+$0x0] =	vst v9  }
0x2a7: {  	s0 =	sor.u32 s6, s19;
	v6 =	vand.u32 v6, v21;
	[dreg:$0x15] =	wrdreg s19  }
0x2a8: {  	[tilespmem:s0+$0x0] =	vst v6  }
0x2a9: {  	v6 =	vld.idx.msk [tilespmem:v14+s17+$0x0], $0xffff;
	[dreg:$0x1c] =	wrdreg s21  }
0x2aa: {  	s6 =	sor.u32 s6, s21;
	v7 =	vand.u32 v7, v13;
	[dreg:$0xe] =	wrdreg s26  }
0x2ab: {  	[tilespmem:s6+$0x0] =	vst v7  }
0x2ac: {  	v9 =	vxor.u32 v3, v19;
	v7 =	vshll.u32 v10, $0x10;
	s8 =	rddreg [dreg:$0x9]  }
0x2ad: {  	v9 =	vor.u32 v9, v18;
	v7 =	vand.u32 v22, v7;
	s9 =	sor.u32 s4, s8  }
0x2ae: {  	s6 =	rddreg [dreg:$0x10];
	[tilespmem:s9+$0x0] =	vst v7  }
0x2af: {  	s11 =	simm.s32 $0x100;
	s28 =	sor.u32 $0x20, s26;
	s16 =	rddreg [dreg:$0x13]  }
0x2b0: {  	v14 =	vxor.u32 v2, v4;
	v10 =	vand.u32 v8, v10;
	s7 =	sor.u32 s28, s6;
	s6 =	sand.u32 $0x3FFFFF80, s11;
	v7 =	vld.idx.msk [tilespmem:v17+s17+$0x0], $0xffff;
	s18 =	sor.u32 s4, s16  }
0x2b1: {  	s31 =	simm.s32 $0x100;
	v14 =	vor.u32 v14, v15;
	s21 =	sadd.s32 $0x15100, s25;
	v13 =	vld [tilespmem:s7+$0x800];
	s19 =	sadd.s32 $0x10000, s6;
	[tilespmem:s18+$0x0] =	vst v10;
	v10 =	vshra.s32 v12, $0x10;
	v12 =	vshll.u32 v6, $0x10  }
0x2b2: {  	s23 =	sor.u32 s2, s21;
	s7 =	sand.u32 $0x40, s31;
	v17 =	vld.idx.msk [tilespmem:v9+s17+$0x0], $0xffff;
	v12 =	vand.u32 v5, v12;
	[smem:$0x7CC] =	sst s19  }
0x2b3: {  	s26 =	sadd.s32 $0x15180, s25;
	s6 =	sor.u32 s7, s19;
	[tilespmem:s23+$0x0] =	vst v12  }
0x2b4: {  	s0 =	sor.u32 s2, s26;
	v6 =	vand.u32 v11, v6;
	v19 =	vld [tilespmem:s6+$0x800];
	[smem:$0x7CD] =	sst s26  }
0x2b5: {  	v10 =	vsub.s32 $0x0, v10;
	[tilespmem:s0+$0x0] =	vst v6;
	v6 =	vshll.u32 v7, $0x10  }
0x2b6: {  	s8 =	sor.u32 s29, s13;
	v6 =	vand.u32 v10, v6;
	v25 =	vld.idx.msk [tilespmem:v14+s17+$0x0], $0xffff;
	[dreg:$0x18] =	wrdreg s13  }
0x2b7: {  	v12 =	vand.u32 $0xFFFF0000, v10;
	[tilespmem:s8+$0x0] =	vst v6  }
0x2b8: {  	s9 =	sor.u32 s29, s22;
	v6 =	vand.u32 v7, v12;
	[dreg:$0x1b] =	wrdreg s22  }
0x2b9: {  	[tilespmem:s9+$0x0] =	vst v6  }
0x2ba: {  	v14 =	vshll.u32 v17, $0x10;
	s11 =	rddreg [dreg:$0x6]  }
0x2bb: {  	v18 =	vand.u32 $0x1FFFE0, v20;
	v9 =	vxor.u32 v1, v16;
	v6 =	vand.u32 v22, v14;
	s13 =	sor.u32 s4, s11  }
0x2bc: {  	v20 =	vor.u32 v9, v18;
	v21 =	vshll.u32 v13, $0x5;
	v9 =	vand.u32 $0x1F, v13;
	[tilespmem:s13+$0x0] =	vst v6  }
0x2bd: {  	v23 =	vxor.u32 v0, v9;
	v24 =	vand.u32 $0x1FFFF8, v21;
	s16 =	rddreg [dreg:$0x4]  }
0x2be: {  	v7 =	vor.u32 v24, v23;
	v8 =	vand.u32 v8, v17;
	s4 =	sor.u32 s4, s16  }
0x2bf: {  	[tilespmem:s4+$0x0] =	vst v8  }
0x2c0: {  	s18 =	sld [smem:$0x7CE]  }
0x2c1: {  	v4 =	vxor.u32 v3, v4;
	v6 =	vld.idx.msk [tilespmem:v20+s17+$0x0], $0xffff  }
0x2c2: {  	v4 =	vor.u32 v4, v15;
	s19 =	sor.u32 $0x30, s12;
	v17 =	vshll.u32 v19, $0x5;
	v14 =	vand.u32 $0x1F, v19  }
0x2c3: {  	s22 =	sadd.s32 $0x15200, s25;
	v22 =	vand.u32 $0x1FFFF8, v17;
	v15 =	vshll.u32 v25, $0x10;
	v23 =	vld.idx.msk [tilespmem:v7+s17+$0x0], $0xffff;
	v8 =	vxor.u32 v0, v14;
	s0 =	sor.u32 s19, s18  }
0x2c4: {  	v22 =	vor.u32 v22, v8;
	v8 =	vand.u32 v5, v15;
	v20 =	vld [tilespmem:s0+$0x800];
	[smem:$0x7CF] =	sst s22;
	s0 =	sor.u32 s2, s22  }
0x2c5: {  	s23 =	sadd.s32 $0x15280, s25;
	[tilespmem:s0+$0x0] =	vst v8  }
0x2c6: {  	s26 =	sor.u32 s2, s23;
	v15 =	vand.u32 v11, v25;
	v8 =	vshll.u32 v6, $0x10;
	[smem:$0x7D0] =	sst s23  }
0x2c7: {  	v7 =	vxor.u32 v2, v16;
	s4 =	sor.u32 s29, s30;
	v8 =	vand.u32 v10, v8;
	[tilespmem:s26+$0x0] =	vst v15  }
0x2c8: {  	v25 =	vor.u32 v7, v18;
	v7 =	vshra.s32 v13, $0x10;
	[tilespmem:s4+$0x0] =	vst v8  }
0x2c9: {  	s6 =	sor.u32 s29, s20;
	v24 =	vand.u32 v12, v6;
	v7 =	vsub.s32 $0x0, v7;
	v15 =	vshll.u32 v23, $0x10;
	v4 =	vld.idx.msk [tilespmem:v4+s17+$0x0], $0xffff;
	[dreg:$0x16] =	wrdreg s20  }
0x2ca: {  	s9 =	sor.u32 s28, s15;
	v15 =	vand.u32 v7, v15;
	[tilespmem:s6+$0x0] =	vst v24  }
0x2cb: {  	v13 =	vand.u32 $0x1FFFE0, v21;
	v6 =	vxor.u32 v1, v9;
	[tilespmem:s9+$0x0] =	vst v15  }
0x2cc: {  	v21 =	vor.u32 v6, v13;
	v26 =	vshll.u32 v20, $0x5;
	v6 =	vand.u32 $0x1F, v20;
	s0 =	sld [smem:$0x7D1]  }
0x2cd: {  	v27 =	vxor.u32 v0, v6;
	v62 =	vand.u32 $0x1FFFF8, v26  }
0x2ce: {  	v8 =	vand.u32 $0xFFFF0000, v7;
	v24 =	vld.idx.msk [tilespmem:v22+s17+$0x0], $0xffff;
	v22 =	vor.u32 v62, v27  }
0x2cf: {  	v15 =	vand.u32 v23, v8;
	v23 =	vld.idx.msk [tilespmem:v25+s17+$0x0], $0xffff;
	s9 =	smov.u32 s0;
	s0 =	sor.u32 s28, s0  }
0x2d0: {  	s12 =	sadd.s32 $0x15300, s25;
	v27 =	vshll.u32 v4, $0x10;
	[tilespmem:s0+$0x0] =	vst v15  }
0x2d1: {  	s11 =	simm.s32 $0x800;
	s16 =	sor.u32 s2, s12;
	v5 =	vand.u32 v5, v27;
	v21 =	vld.idx.msk [tilespmem:v21+s17+$0x0], $0xffff;
	[smem:$0x7D2] =	sst s12  }
0x2d2: {  	s8 =	smov.u32 s30;
	v19 =	vshra.s32 v19, $0x10;
	s13 =	sand.u32 $0xFFFFFC00, s11;
	s6 =	sadd.s32 $0x15380, s25;
	[tilespmem:s16+$0x0] =	vst v5  }
0x2d3: {  	s30 =	sadd.s32 $0x15000, s13;
	s18 =	sor.u32 s2, s6;
	v4 =	vand.u32 v11, v4;
	v15 =	vsub.s32 $0x0, v19;
	v27 =	vld.idx.msk [tilespmem:v22+s17+$0x0], $0xffff;
	v5 =	vshll.u32 v24, $0x10;
	[smem:$0x7D3] =	sst s2  }
0x2d4: {  	s20 =	sor.u32 s7, s30;
	[tilespmem:s18+$0x0] =	vst v4;
	v4 =	vand.u32 v15, v5;
	v5 =	vshll.u32 v23, $0x10  }
0x2d5: {  	s23 =	sor.u32 s29, s24;
	s22 =	sld [smem:$0x7D4];
	[tilespmem:s20+$0x0] =	vst v4;
	v4 =	vand.u32 v10, v5  }
0x2d6: {  	s25 =	sor.u32 s29, s5;
	v5 =	vand.u32 v12, v23;
	[tilespmem:s23+$0x0] =	vst v4  }
0x2d7: {  	[tilespmem:s25+$0x0] =	vst v5  }
0x2d8: {  	s0 =	sld [smem:$0x7D5];
	_ =	sdelay $0x1  }
0x2d9: {  	v4 =	vshll.u32 v21, $0x10  }
0x2da: {  	v4 =	vand.u32 v7, v4;
	s12 =	smov.u32 s0;
	s0 =	sor.u32 s28, s0  }
0x2db: {  	[tilespmem:s0+$0x0] =	vst v4  }
0x2dc: {  	s0 =	sld [smem:$0x7D6]  }
0x2dd: {  	v16 =	vxor.u32 v3, v16  }
0x2de: {  	v16 =	vor.u32 v16, v18  }
0x2df: {  	v4 =	vand.u32 v8, v21;
	s0 =	sor.u32 s28, s0  }
0x2e0: {  	[tilespmem:s0+$0x0] =	vst v4  }
0x2e1: {  	s0 =	sld [smem:$0x7D7]  }
0x2e2: {  	s26 =	sor.u32 $0x10, s2;
	v5 =	vshra.s32 v20, $0x10  }
0x2e3: {  	v11 =	vxor.u32 v2, v9;
	v20 =	vshll.u32 v27, $0x10;
	s2 =	sor.u32 s26, s22;
	v5 =	vsub.s32 $0x0, v5;
	v23 =	vld.idx.msk [tilespmem:v16+s17+$0x0], $0xffff  }
0x2e4: {  	v63 =	vor.u32 v11, v13;
	v22 =	vld [tilespmem:s2+$0x800];
	v16 =	vand.u32 v5, v20;
	s0 =	sor.u32 s19, s0  }
0x2e5: {  	[tilespmem:s0+$0x0] =	vst v16  }
0x2e6: {  	v19 =	vand.u32 $0x1FFFE0, v17;
	v17 =	vxor.u32 v1, v14;
	s0 =	sld [smem:$0x7D8]  }
0x2e7: {  	v11 =	vand.u32 $0x1FFFE0, v26;
	v25 =	vor.u32 v17, v19;
	v17 =	vxor.u32 v1, v6  }
0x2e8: {  	s11 =	smov.u32 s7;
	s4 =	simm.s32 $0x5;
	v18 =	vand.u32 $0xFFFF0000, v15;
	v17 =	vor.u32 v17, v11;
	s18 =	smov.u32 s5;
	v4 =	vand.u32 $0xFFFF0000, v5  }
0x2e9: {  	s20 =	smov.u32 s19;
	s2 =	sadd.s32 $0x15080, s13;
	v26 =	vshll.u32 v22, $0x5;
	v20 =	vld.idx.msk [tilespmem:v63+s17+$0x0], $0xffff;
	v21 =	vand.u32 v27, v4;
	v16 =	vand.u32 $0x1F, v22;
	s0 =	sor.u32 s19, s0  }
.LBB2_5:
0x2ea: {  	[smem:$0x7C4] =	sst s18  }
0x2eb: {  	[smem:$0x7C7] =	sst s15  }
0x2ec: {  	[smem:$0x7C6] =	sst s6  }
0x2ed: {  	s23 =	smov.u32 s11;
	s25 =	sor.u32 s11, s2;
	s7 =	rddreg [dreg:$0x1b]  }
0x2ee: {  	s17 =	simm.s32 $0x0;
	s6 =	smov.u32 s9;
	s9 =	sld [smem:$0x7CB]  }
0x2ef: {  	[tilespmem:s0+$0x0] =	vst v21;
	s5 =	smov.u32 s30;
	s11 =	smov.u32 s2;
	s0 =	sld [smem:$0x7C9]  }
0x2f0: {  	s15 =	sor.u32 s29, s3;
	s18 =	sor.u32 s29, s1;
	[smem:$0x7C5] =	sst s5  }
0x2f1: {  	v24 =	vand.u32 v24, v18;
	v27 =	vxor.u32 v0, v16;
	v28 =	vand.u32 $0x1FFFF8, v26;
	s29 =	smov.u32 s26;
	s19 =	sshll.u32 s4, $0x6;
	[smem:$0x7C8] =	sst s6  }
0x2f2: {  	s31 =	sadd.s32 $0x40, s31;
	[tilespmem:s25+$0x0] =	vst v24;
	v21 =	vor.u32 v28, v27;
	s25 =	smov.u32 s24;
	[smem:$0x7CB] =	sst s11  }
0x2f3: {  	s22 =	smov.u32 s7;
	s24 =	rddreg [dreg:$0x1f];
	s7 =	sor.u32 s28, s10;
	v17 =	vld.idx.msk [tilespmem:v17+s17+$0x0], $0xffff  }
0x2f4: {  	v9 =	vxor.u32 v3, v9;
	s6 =	sand.u32 $0x3FFFFF80, s19;
	s26 =	sand.u32 $0x40, s31;
	s19 =	rddreg [dreg:$0xb];
	v24 =	vld.idx.msk [tilespmem:v25+s17+$0x0], $0xffff;
	v25 =	vshll.u32 v23, $0x10  }
0x2f5: {  	v9 =	vor.u32 v9, v13;
	s16 =	smov.u32 s14;
	s14 =	smov.u32 s9;
	v10 =	vand.u32 v10, v25;
	s9 =	sld [smem:$0x7CA]  }
0x2f6: {  	v12 =	vand.u32 v12, v23;
	s2 =	sadd.s32 $0x10000, s6;
	s30 =	sor.u32 $0x20, s0;
	[tilespmem:s15+$0x0] =	vst v10;
	v10 =	vshll.u32 v20, $0x10;
	s15 =	rddreg [dreg:$0xd]  }
0x2f7: {  	s6 =	smov.u32 s21;
	s5 =	sor.u32 s30, s24;
	[dreg:$0x1b] =	wrdreg s14;
	v10 =	vand.u32 v7, v10;
	v21 =	vld.idx.msk [tilespmem:v21+s17+$0x0], $0xffff;
	[tilespmem:s18+$0x0] =	vst v12  }
0x2f8: {  	v13 =	vxor.u32 v2, v6;
	v20 =	vand.u32 v8, v20;
	s11 =	sor.u32 s28, s9;
	v23 =	vld [tilespmem:s5+$0x800];
	[tilespmem:s7+$0x0] =	vst v10;
	v10 =	vshll.u32 v17, $0x10;
	s7 =	sor.u32 s20, s15;
	s15 =	sld [smem:$0x7D6]  }
0x2f9: {  	v13 =	vor.u32 v13, v11;
	s18 =	smov.u32 s10;
	v12 =	vxor.u32 v2, v14;
	s5 =	smov.u32 s8;
	s8 =	rddreg [dreg:$0xe];
	[tilespmem:s11+$0x0] =	vst v20;
	v10 =	vand.u32 v5, v10  }
0x2fa: {  	v25 =	vand.u32 v18, v24;
	v27 =	vor.u32 v12, v19;
	v12 =	vshll.u32 v24, $0x10;
	v24 =	vld.idx.msk [tilespmem:v9+s17+$0x0], $0xffff;
	[tilespmem:s7+$0x0] =	vst v10;
	s7 =	sor.u32 s20, s19;
	s19 =	smov.u32 s12;
	s12 =	rddreg [dreg:$0x16]  }
0x2fb: {  	s11 =	sadd.s32 $0x15100, s13;
	[dreg:$0xd] =	wrdreg s19;
	s19 =	smov.u32 s15  }
0x2fc: {  	s10 =	sor.u32 s26, s2;
	v9 =	vand.u32 v4, v17;
	s21 =	sor.u32 s23, s11;
	[dreg:$0xb] =	wrdreg s19  }
0x2fd: {  	v22 =	vshra.s32 v22, $0x10;
	v20 =	vld [tilespmem:s10+$0x800];
	[tilespmem:s7+$0x0] =	vst v9;
	v9 =	vand.u32 v15, v12;
	s10 =	sadd.s32 $0x15180, s13;
	s15 =	smov.u32 s12;
	s19 =	sld [smem:$0x7CD]  }
0x2fe: {  	v10 =	vsub.s32 $0x0, v22;
	v17 =	vand.u32 $0x1FFFE0, v26;
	v22 =	vxor.u32 v1, v16;
	v13 =	vld.idx.msk [tilespmem:v13+s17+$0x0], $0xffff;
	[tilespmem:s21+$0x0] =	vst v9;
	s21 =	sor.u32 s23, s10;
	[smem:$0x7D6] =	sst s15  }
0x2ff: {  	v22 =	vor.u32 v22, v17;
	v26 =	vshll.u32 v21, $0x10;
	[tilespmem:s21+$0x0] =	vst v25;
	s21 =	smov.u32 s10;
	s10 =	rddreg [dreg:$0x9]  }
0x300: {  	v12 =	vand.u32 $0xFFFF0000, v10;
	s7 =	sor.u32 s29, s16;
	v25 =	vand.u32 v10, v26;
	[smem:$0x7CD] =	sst s21  }
0x301: {  	s14 =	sor.u32 s29, s14;
	v21 =	vand.u32 v21, v12;
	v58 =	vshll.u32 v23, $0x5;
	v9 =	vand.u32 $0x1F, v23;
	v27 =	vld.idx.msk [tilespmem:v27+s17+$0x0], $0xffff;
	[tilespmem:s7+$0x0] =	vst v25;
	s7 =	sor.u32 s20, s10;
	s10 =	rddreg [dreg:$0x10]  }
0x302: {  	v26 =	vxor.u32 v0, v9;
	v29 =	vand.u32 $0x1FFFF8, v58;
	[tilespmem:s14+$0x0] =	vst v21;
	v21 =	vshll.u32 v24, $0x10;
	s14 =	rddreg [dreg:$0x15]  }
0x303: {  	s12 =	smov.u32 s19;
	s19 =	smov.u32 s16;
	v25 =	vor.u32 v29, v26;
	v7 =	vand.u32 v7, v21;
	s16 =	sor.u32 s28, s14  }
0x304: {  	v22 =	vld.idx.msk [tilespmem:v22+s17+$0x0], $0xffff;
	[tilespmem:s16+$0x0] =	vst v7;
	s16 =	rddreg [dreg:$0x1c]  }
0x305: {  	v6 =	vxor.u32 v3, v6;
	v8 =	vand.u32 v8, v24;
	[dreg:$0x16] =	wrdreg s12;
	s21 =	sor.u32 s28, s16  }
0x306: {  	v6 =	vor.u32 v6, v11;
	v7 =	vshll.u32 v13, $0x10;
	[tilespmem:s21+$0x0] =	vst v8;
	s21 =	smov.u32 s0;
	s0 =	sld [smem:$0x7D3]  }
0x307: {  	v26 =	vshll.u32 v20, $0x5;
	v11 =	vand.u32 $0x1F, v20;
	s28 =	smov.u32 s30;
	s30 =	sor.u32 $0x30, s8;
	v7 =	vand.u32 v5, v7;
	[dreg:$0xe] =	wrdreg s21  }
0x308: {  	v21 =	vxor.u32 v0, v11;
	v8 =	vand.u32 $0x1FFFF8, v26;
	s10 =	sor.u32 s30, s10;
	v25 =	vld.idx.msk [tilespmem:v25+s17+$0x0], $0xffff;
	[tilespmem:s7+$0x0] =	vst v7;
	s21 =	rddreg [dreg:$0x13]  }
0x309: {  	v24 =	vor.u32 v8, v21;
	v21 =	vld [tilespmem:s10+$0x800];
	s10 =	smov.u32 s24;
	s24 =	sld [smem:$0x7D4]  }
0x30a: {  	[dreg:$0x10] =	wrdreg s10  }
0x30b: {  	s7 =	sor.u32 s20, s21;
	s21 =	smov.u32 s0;
	s10 =	sld [smem:$0x7CC]  }
0x30c: {  	s8 =	smov.u32 s6;
	[smem:$0x7C9] =	sst s21;
	s21 =	smov.u32 s23  }
0x30d: {  	v13 =	vand.u32 v4, v13;
	s23 =	smov.u32 s26;
	s26 =	smov.u32 s24;
	[smem:$0x7D3] =	sst s21  }
0x30e: {  	[tilespmem:s7+$0x0] =	vst v13;
	s7 =	sadd.s32 $0x15200, s13;
	s24 =	smov.u32 s2;
	[dreg:$0x1f] =	wrdreg s26  }
0x30f: {  	v7 =	vshll.u32 v27, $0x10;
	s2 =	sor.u32 s29, s6;
	s6 =	smov.u32 s1;
	[smem:$0x7CC] =	sst s24  }
0x310: {  	v59 =	vxor.u32 v3, v14;
	v7 =	vand.u32 v15, v7;
	s0 =	smov.u32 s10;
	s10 =	sor.u32 s21, s7;
	[dreg:$0x1c] =	wrdreg s6  }
0x311: {  	v19 =	vor.u32 v59, v19;
	v60 =	vld.idx.msk [tilespmem:v6+s17+$0x0], $0xffff;
	[tilespmem:s10+$0x0] =	vst v7;
	s10 =	smov.u32 s18;
	s18 =	smov.u32 s22;
	s22 =	sld [smem:$0x7CF]  }
0x312: {  	s26 =	sadd.s32 $0x15280, s13;
	[smem:$0x7D4] =	sst s0  }
0x313: {  	v14 =	vmov v11;
	v11 =	vand.u32 v18, v27;
	v8 =	vxor.u32 v2, v16;
	[dreg:$0x9] =	wrdreg s10;
	s10 =	smov.u32 s25;
	s25 =	smov.u32 s7  }
0x314: {  	v27 =	vor.u32 v8, v17;
	v8 =	vshra.s32 v23, $0x10;
	v6 =	vshll.u32 v22, $0x10;
	s24 =	sor.u32 s21, s26;
	[smem:$0x7CF] =	sst s25  }
0x315: {  	v23 =	vxor.u32 v1, v9;
	v13 =	vand.u32 $0x1FFFE0, v58;
	v6 =	vand.u32 v10, v6;
	[tilespmem:s24+$0x0] =	vst v11;
	s24 =	smov.u32 s22;
	s22 =	sld [smem:$0x7C4]  }
0x316: {  	v11 =	vor.u32 v23, v13;
	v23 =	vld.idx.msk [tilespmem:v19+s17+$0x0], $0xffff;
	[tilespmem:s2+$0x0] =	vst v6;
	s2 =	sor.u32 s29, s12;
	s12 =	smov.u32 s9;
	s9 =	sld [smem:$0x7D0]  }
0x317: {  	[dreg:$0x13] =	wrdreg s12  }
0x318: {  	s25 =	smov.u32 s22;
	s22 =	rddreg [dreg:$0x18]  }
0x319: {  	v22 =	vand.u32 v12, v22;
	v7 =	vsub.s32 $0x0, v8;
	v19 =	vshll.u32 v25, $0x10;
	s12 =	smov.u32 s9;
	[smem:$0x7CA] =	sst s25;
	s25 =	smov.u32 s26  }
0x31a: {  	[tilespmem:s2+$0x0] =	vst v22;
	v19 =	vand.u32 v7, v19;
	s9 =	smov.u32 s18;
	s7 =	sor.u32 s28, s22;
	[smem:$0x7D0] =	sst s25  }
0x31b: {  	v24 =	vld.idx.msk [tilespmem:v24+s17+$0x0], $0xffff;
	s26 =	smov.u32 s3;
	[tilespmem:s7+$0x0] =	vst v19;
	s7 =	sor.u32 s28, s18;
	s18 =	rddreg [dreg:$0x6]  }
0x31c: {  	v61 =	vshll.u32 v21, $0x5;
	v6 =	vand.u32 $0x1F, v21;
	s25 =	smov.u32 s14;
	[dreg:$0x15] =	wrdreg s26  }
0x31d: {  	p1 =	sne.s32 s4, $0x1F;
	v8 =	vand.u32 $0xFFFF0000, v7;
	v30 =	vand.u32 $0x1FFFF8, v61;
	v22 =	vxor.u32 v0, v6;
	[dreg:$0x6] =	wrdreg s25  }
0x31e: {  	s15 =	sor.u32 s28, s15;
	v25 =	vand.u32 v25, v8;
	v22 =	vor.u32 v30, v22;
	v19 =	vshll.u32 v60, $0x10;
	s2 =	sor.u32 s20, s18;
	s18 =	sld [smem:$0x7D2]  }
0x31f: {  	s6 =	sadd.s32 $0x15380, s13;
	s26 =	smov.u32 s16;
	v27 =	vld.idx.msk [tilespmem:v27+s17+$0x0], $0xffff;
	[tilespmem:s7+$0x0] =	vst v25;
	v5 =	vand.u32 v5, v19;
	v19 =	vshra.s32 v20, $0x10;
	s7 =	rddreg [dreg:$0x4]  }
0x320: {  	v4 =	vand.u32 v4, v60;
	[dreg:$0x4] =	wrdreg s26;
	[tilespmem:s2+$0x0] =	vst v5;
	s2 =	sor.u32 s20, s7;
	v5 =	vsub.s32 $0x0, v19;
	s20 =	sshll.u32 s4, $0xB  }
0x321: {  	v19 =	vand.u32 $0x1FFFE0, v26;
	v20 =	vld.idx.msk [tilespmem:v11+s17+$0x0], $0xffff;
	[tilespmem:s2+$0x0] =	vst v4;
	s16 =	sshra.s32 s20, $0x2;
	v4 =	vxor.u32 v1, v14;
	v11 =	vshll.u32 v23, $0x10;
	s3 =	smov.u32 s18;
	s18 =	sadd.s32 $0x15300, s13  }
0x322: {  	v18 =	vand.u32 v18, v23;
	s20 =	sld [smem:$0x7C6];
	v25 =	vor.u32 v4, v19;
	v4 =	vand.u32 v15, v11;
	s13 =	sand.u32 $0xFFFFFC00, s16;
	s26 =	sor.u32 s21, s18  }
0x323: {  	s25 =	smov.u32 s30;
	v11 =	vxor.u32 v3, v16;
	v62 =	vld.idx.msk [tilespmem:v22+s17+$0x0], $0xffff;
	v16 =	vshll.u32 v24, $0x10;
	s16 =	sor.u32 s21, s6;
	v15 =	vmov v5;
	s30 =	sadd.s32 $0x15000, s13;
	[tilespmem:s26+$0x0] =	vst v4  }
0x324: {  	[smem:$0x7D2] =	sst s18;
	v5 =	vand.u32 v15, v16;
	s26 =	sor.u32 $0x10, s21;
	v4 =	vor.u32 v11, v17;
	s18 =	sor.u32 s23, s30;
	[tilespmem:s16+$0x0] =	vst v18  }
0x325: {  	s14 =	sld [smem:$0x7C5];
	v16 =	vxor.u32 v2, v9;
	s1 =	smov.u32 s20;
	v11 =	vshll.u32 v27, $0x10;
	s20 =	sor.u32 s26, s0;
	[tilespmem:s18+$0x0] =	vst v5  }
0x326: {  	s21 =	smov.u32 s11;
	s11 =	smov.u32 s23;
	v17 =	vand.u32 v12, v27;
	s23 =	sor.u32 s29, s24;
	v27 =	vor.u32 v16, v13;
	v5 =	vand.u32 v10, v11;
	v22 =	vld [tilespmem:s20+$0x800]  }
.Ltmp3:
0x327: {  	v16 =	vxor.u32 v1, v6;
	s0 =	sor.u32 s29, s12;
	s16 =	sld [smem:$0x7C7];
	v11 =	vand.u32 $0x1FFFE0, v61;
	[tilespmem:s23+$0x0] =	vst v5;
	v5 =	vshll.u32 v20, $0x10;
	(pc) =	sbr.rel @p1 .LBB2_5-.Ltmp3, $4  }
0x328: {  	s7 =	sor.u32 s28, s5;
	s4 =	sadd.s32 $0x1, s4;
	v18 =	vshra.s32 v21, $0x10;
	s23 =	sld [smem:$0x7C8];
	[tilespmem:s0+$0x0] =	vst v17;
	v5 =	vand.u32 v7, v5;
	v17 =	vor.u32 v16, v11  }
0x329: {  	s2 =	sadd.s32 $0x15080, s13;
	s18 =	smov.u32 s12;
	s12 =	smov.u32 s5;
	v16 =	vshll.u32 v62, $0x10;
	v23 =	vld.idx.msk [tilespmem:v4+s17+$0x0], $0xffff;
	v4 =	vand.u32 v8, v20;
	[tilespmem:s7+$0x0] =	vst v5;
	v5 =	vsub.s32 $0x0, v18  }
0x32a: {  	s20 =	sor.u32 s25, s16;
	v18 =	vand.u32 $0xFFFF0000, v15;
	[tilespmem:s15+$0x0] =	vst v4;
	v4 =	vand.u32 $0xFFFF0000, v5;
	v63 =	vand.u32 v5, v16;
	s15 =	smov.u32 s22;
	s22 =	smov.u32 s19  }
0x32b: {  	s0 =	sor.u32 s25, s23;
	[dreg:$0x18] =	wrdreg s22;
	v20 =	vld.idx.msk [tilespmem:v27+s17+$0x0], $0xffff;
	v21 =	vand.u32 v62, v4;
	[tilespmem:s20+$0x0] =	vst v63;
	s20 =	smov.u32 s25;
	v26 =	vshll.u32 v22, $0x5;
	v16 =	vand.u32 $0x1F, v22  }
0x32c: {  	_ =	sdelay $0x1  }
0x32d: {  	v24 =	vand.u32 v24, v18;
	s4 =	sor.u32 s11, s2  }
0x32e: {  	s22 =	simm.s32 $0x0;
	[tilespmem:s4+$0x0] =	vst v24  }
0x32f: {  	v24 =	vld.idx.msk [tilespmem:v25+s22+$0x0], $0xffff;
	_ =	sdelay $0x2  }
0x330: {  	v39 =	vxor.u32 v2, v14  }
0x331: {  	v25 =	vor.u32 v39, v19  }
0x332: {  	s17 =	sadd.s32 $0x15100, s13;
	v27 =	vshll.u32 v24, $0x10  }
0x333: {  	s31 =	sadd.s32 $0x15180, s13;
	s23 =	sor.u32 s11, s17;
	v27 =	vand.u32 v15, v27  }
0x334: {  	s25 =	sor.u32 s11, s31;
	v24 =	vand.u32 v18, v24;
	[tilespmem:s23+$0x0] =	vst v27  }
0x335: {  	[tilespmem:s25+$0x0] =	vst v24  }
0x336: {  	v24 =	vld.idx.msk [tilespmem:v25+s22+$0x0], $0xffff;
	_ =	sdelay $0x2  }
0x337: {  	v40 =	vxor.u32 v3, v14  }
0x338: {  	v14 =	vor.u32 v40, v19  }
0x339: {  	s25 =	sadd.s32 $0x15200, s13;
	v41 =	vshll.u32 v24, $0x10  }
0x33a: {  	s19 =	sadd.s32 $0x15280, s13;
	s5 =	sor.u32 s11, s25;
	[smem:$0x7C2] =	sst s25;
	v19 =	vand.u32 v15, v41  }
0x33b: {  	s7 =	sor.u32 s11, s19;
	v42 =	vand.u32 v18, v24;
	[tilespmem:s5+$0x0] =	vst v19  }
0x33c: {  	[tilespmem:s7+$0x0] =	vst v42  }
0x33d: {  	v14 =	vld.idx.msk [tilespmem:v14+s22+$0x0], $0xffff;
	_ =	sdelay $0x4  }
0x33e: {  	s16 =	sadd.s32 $0x15300, s13;
	v43 =	vshll.u32 v14, $0x10  }
0x33f: {  	s5 =	sadd.s32 $0x15380, s13;
	s13 =	sor.u32 s11, s16;
	[smem:$0x7BE] =	sst s16;
	v44 =	vand.u32 v15, v43  }
0x340: {  	[tilespmem:s13+$0x0] =	vst v44  }
0x341: {  	s23 =	sor.u32 s11, s5;
	v14 =	vand.u32 v18, v14;
	[smem:$0x7BF] =	sst s5  }
0x342: {  	v45 =	vxor.u32 v0, v16;
	v46 =	vand.u32 $0x1FFFF8, v26;
	[tilespmem:s23+$0x0] =	vst v14  }
0x343: {  	v15 =	vor.u32 v46, v45;
	s23 =	sld [smem:$0x7CC];
	_ =	sdelay $0x1  }
0x344: {  	s13 =	sor.u32 $0x10, s11  }
0x345: {  	s7 =	sor.u32 s13, s23  }
0x346: {  	v14 =	vld [tilespmem:s7+$0x800]  }
0x347: {  	v15 =	vld.idx.msk [tilespmem:v15+s22+$0x0], $0xffff;
	_ =	sdelay $0x2  }
0x348: {  	v22 =	vshra.s32 v22, $0x10  }
0x349: {  	v22 =	vsub.s32 $0x0, v22;
	v47 =	vshll.u32 v14, $0x5;
	v48 =	vand.u32 $0x1F, v14  }
0x34a: {  	v28 =	vshll.u32 v15, $0x10;
	v49 =	vxor.u32 v0, v48;
	v50 =	vand.u32 $0x1FFFF8, v47  }
0x34b: {  	s7 =	sor.u32 s26, s14;
	v28 =	vand.u32 v22, v28;
	v24 =	vor.u32 v50, v49  }
0x34c: {  	v51 =	vand.u32 $0x1FFFE0, v26;
	v52 =	vxor.u32 v1, v16;
	[tilespmem:s7+$0x0] =	vst v28  }
0x34d: {  	v26 =	vor.u32 v52, v51;
	s4 =	sld [smem:$0x7CB];
	_ =	sdelay $0x1  }
0x34e: {  	v53 =	vand.u32 $0xFFFF0000, v22  }
0x34f: {  	v15 =	vand.u32 v15, v53;
	s4 =	sor.u32 s26, s4;
	v24 =	vld.idx.msk [tilespmem:v24+s22+$0x0], $0xffff  }
0x350: {  	[tilespmem:s4+$0x0] =	vst v15  }
0x351: {  	v26 =	vld.idx.msk [tilespmem:v26+s22+$0x0], $0xffff  }
0x352: {  	v18 =	vand.u32 $0x1FFFE0, v47;
	v29 =	vxor.u32 v1, v48  }
0x353: {  	v14 =	vshra.s32 v14, $0x10;
	v54 =	vor.u32 v29, v18  }
0x354: {  	v14 =	vsub.s32 $0x0, v14;
	v55 =	vshll.u32 v24, $0x10  }
0x355: {  	s7 =	sor.u32 s13, s30;
	v56 =	vand.u32 $0xFFFF0000, v14;
	v15 =	vand.u32 v14, v55  }
0x356: {  	v60 =	vshll.u32 v26, $0x10;
	v57 =	vand.u32 v24, v56;
	[tilespmem:s7+$0x0] =	vst v15;
	s7 =	sor.u32 s13, s2  }
0x357: {  	v28 =	vand.u32 v22, v60;
	[tilespmem:s7+$0x0] =	vst v57;
	s7 =	sor.u32 s26, s21  }
0x358: {  	v58 =	vxor.u32 v2, v16;
	v59 =	vld.idx.msk [tilespmem:v54+s22+$0x0], $0xffff;
	[tilespmem:s7+$0x0] =	vst v28  }
0x359: {  	v15 =	vor.u32 v58, v51;
	s4 =	sld [smem:$0x7CD];
	_ =	sdelay $0x2  }
0x35a: {  	v26 =	vand.u32 v53, v26;
	s4 =	sor.u32 s26, s4  }
0x35b: {  	[tilespmem:s4+$0x0] =	vst v26;
	v62 =	vshll.u32 v59, $0x10  }
0x35c: {  	v30 =	vxor.u32 v2, v48;
	s7 =	sor.u32 s13, s17;
	v15 =	vld.idx.msk [tilespmem:v15+s22+$0x0], $0xffff;
	v26 =	vand.u32 v14, v62;
	[smem:$0x7C0] =	sst s17  }
0x35d: {  	v61 =	vor.u32 v30, v18;
	v24 =	vand.u32 v56, v59;
	[tilespmem:s7+$0x0] =	vst v26;
	s7 =	sor.u32 s13, s31  }
0x35e: {  	[tilespmem:s7+$0x0] =	vst v24  }
0x35f: {  	s4 =	sld [smem:$0x7CF];
	_ =	sdelay $0x1  }
0x360: {  	v28 =	vshll.u32 v15, $0x10  }
0x361: {  	v24 =	vld.idx.msk [tilespmem:v61+s22+$0x0], $0xffff;
	v25 =	vand.u32 v22, v28;
	s4 =	sor.u32 s26, s4  }
0x362: {  	[tilespmem:s4+$0x0] =	vst v25  }
0x363: {  	v63 =	vxor.u32 v3, v16;
	s4 =	sld [smem:$0x7D0]  }
0x364: {  	v16 =	vor.u32 v63, v51;
	_ =	sdelay $0x1  }
0x365: {  	v15 =	vand.u32 v53, v15;
	v30 =	vshll.u32 v24, $0x10;
	s4 =	sor.u32 s26, s4  }
0x366: {  	s25 =	sor.u32 s13, s25;
	[tilespmem:s4+$0x0] =	vst v15;
	v15 =	vand.u32 v14, v30  }
0x367: {  	[tilespmem:s25+$0x0] =	vst v15  }
0x368: {  	s7 =	sor.u32 s13, s19;
	v32 =	vand.u32 v56, v24;
	v16 =	vld.idx.msk [tilespmem:v16+s22+$0x0], $0xffff;
	[smem:$0x7C3] =	sst s19  }
0x369: {  	v31 =	vshll.u32 v23, $0x10;
	[tilespmem:s7+$0x0] =	vst v32  }
0x36a: {  	v10 =	vand.u32 v10, v31;
	s25 =	sor.u32 s29, s3;
	[smem:$0x7BC] =	sst s3  }
0x36b: {  	[tilespmem:s25+$0x0] =	vst v10  }
0x36c: {  	v33 =	vand.u32 v12, v23;
	v19 =	vxor.u32 v3, v48;
	s7 =	sor.u32 s29, s1;
	[smem:$0x7BD] =	sst s1  }
0x36d: {  	v18 =	vor.u32 v19, v18;
	s1 =	sld [smem:$0x7C9];
	[tilespmem:s7+$0x0] =	vst v33  }
0x36e: {  	s7 =	sld [smem:$0x7D2];
	_ =	sdelay $0x1  }
0x36f: {  	v35 =	vshll.u32 v16, $0x10  }
0x370: {  	v15 =	vand.u32 v22, v35;
	s29 =	rddreg [dreg:$0x1f];
	s4 =	sor.u32 $0x20, s1;
	s25 =	sor.u32 s26, s7  }
0x371: {  	v36 =	vand.u32 v53, v16;
	v34 =	vld.idx.msk [tilespmem:v18+s22+$0x0], $0xffff;
	s3 =	sor.u32 s4, s29;
	s26 =	sor.u32 s26, s6;
	[tilespmem:s25+$0x0] =	vst v15  }
0x372: {  	v10 =	vld [tilespmem:s3+$0x800];
	s3 =	sld [smem:$0x7D3];
	[tilespmem:s26+$0x0] =	vst v36  }
0x373: {  	s26 =	sld [smem:$0x7D4];
	_ =	sdelay $0x1  }
0x374: {  	s25 =	sor.u32 $0x20, s3  }
0x375: {  	s7 =	sor.u32 s25, s26  }
0x376: {  	v37 =	vshll.u32 v34, $0x10;
	v38 =	vld [tilespmem:s7+$0x800]  }
0x377: {  	s16 =	sor.u32 s13, s16;
	v14 =	vand.u32 v14, v37;
	v39 =	vshll.u32 v10, $0x5;
	v40 =	vand.u32 $0x1F, v10  }
0x378: {  	v12 =	vand.u32 v56, v34;
	[tilespmem:s16+$0x0] =	vst v14;
	s16 =	sor.u32 s13, s5;
	v41 =	vxor.u32 v0, v40;
	v42 =	vand.u32 $0x1FFFF8, v39  }
0x379: {  	[tilespmem:s16+$0x0] =	vst v12;
	v12 =	vor.u32 v42, v41;
	_ =	sdelay $0x1  }
0x37a: {  	s13 =	sor.u32 $0x20, s11;
	v43 =	vshll.u32 v38, $0x5;
	v44 =	vand.u32 $0x1F, v38  }
0x37b: {  	s5 =	sor.u32 s13, s23;
	v45 =	vxor.u32 v0, v44;
	v46 =	vand.u32 $0x1FFFF8, v43  }
0x37c: {  	v19 =	vld [tilespmem:s5+$0x800];
	v23 =	vor.u32 v46, v45  }
0x37d: {  	v12 =	vld.idx.msk [tilespmem:v12+s22+$0x0], $0xffff;
	_ =	sdelay $0x2  }
0x37e: {  	v10 =	vshra.s32 v10, $0x10  }
0x37f: {  	v10 =	vsub.s32 $0x0, v10;
	v47 =	vshll.u32 v19, $0x5;
	v48 =	vand.u32 $0x1F, v19;
	v23 =	vld.idx.msk [tilespmem:v23+s22+$0x0], $0xffff  }
0x380: {  	s16 =	rddreg [dreg:$0x18];
	v49 =	vxor.u32 v0, v48;
	v50 =	vand.u32 $0x1FFFF8, v47;
	v52 =	vshll.u32 v12, $0x10  }
0x381: {  	s5 =	sor.u32 s4, s16;
	v26 =	vor.u32 v50, v49;
	v28 =	vand.u32 v10, v52  }
0x382: {  	v14 =	vand.u32 $0x1FFFE0, v39;
	v51 =	vxor.u32 v1, v40;
	[tilespmem:s5+$0x0] =	vst v28  }
0x383: {  	v27 =	vor.u32 v51, v14;
	v29 =	vand.u32 $0xFFFF0000, v10;
	v16 =	vshra.s32 v38, $0x10;
	s7 =	rddreg [dreg:$0x1b]  }
0x384: {  	v16 =	vsub.s32 $0x0, v16;
	v12 =	vand.u32 v12, v29;
	s16 =	sor.u32 s4, s7;
	v31 =	vshll.u32 v23, $0x10  }
0x385: {  	s5 =	sor.u32 s25, s14;
	[tilespmem:s16+$0x0] =	vst v12;
	v31 =	vand.u32 v16, v31  }
0x386: {  	v26 =	vld.idx.msk [tilespmem:v26+s22+$0x0], $0xffff;
	[tilespmem:s5+$0x0] =	vst v31  }
0x387: {  	s16 =	sld [smem:$0x7CB]  }
0x388: {  	v55 =	vshll.u32 v20, $0x10;
	v19 =	vshra.s32 v19, $0x10;
	v24 =	vand.u32 $0x1FFFE0, v47;
	v27 =	vld.idx.msk [tilespmem:v27+s22+$0x0], $0xffff  }
0x389: {  	v32 =	vxor.u32 v1, v48;
	v19 =	vsub.s32 $0x0, v19;
	v30 =	vand.u32 $0xFFFF0000, v16  }
0x38a: {  	v56 =	vor.u32 v32, v24;
	v18 =	vand.u32 $0x1FFFE0, v43;
	v23 =	vand.u32 v23, v30;
	s5 =	sor.u32 s25, s16  }
0x38b: {  	v53 =	vxor.u32 v1, v44;
	v12 =	vand.u32 v7, v55;
	v57 =	vshll.u32 v26, $0x10;
	s16 =	sor.u32 s28, s10;
	[tilespmem:s5+$0x0] =	vst v23  }
0x38c: {  	v32 =	vand.u32 $0xFFFF0000, v19;
	v54 =	vor.u32 v53, v18;
	[tilespmem:s16+$0x0] =	vst v12;
	v23 =	vand.u32 v19, v57;
	s5 =	sor.u32 s13, s30  }
0x38d: {  	v59 =	vand.u32 v26, v32;
	v60 =	vshll.u32 v27, $0x10;
	s16 =	sor.u32 s13, s2;
	[tilespmem:s5+$0x0] =	vst v23  }
0x38e: {  	v61 =	vand.u32 v10, v60;
	s5 =	sor.u32 s4, s8;
	[tilespmem:s16+$0x0] =	vst v59  }
0x38f: {  	[tilespmem:s5+$0x0] =	vst v61  }
0x390: {  	s7 =	rddreg [dreg:$0x16]  }
0x391: {  	v58 =	vxor.u32 v2, v40;
	v27 =	vand.u32 v29, v27;
	v28 =	vld.idx.msk [tilespmem:v54+s22+$0x0], $0xffff;
	s16 =	sor.u32 s4, s7  }
0x392: {  	v12 =	vor.u32 v58, v14;
	[tilespmem:s16+$0x0] =	vst v27  }
0x393: {  	s16 =	sld [smem:$0x7CA]  }
0x394: {  	v63 =	vld.idx.msk [tilespmem:v56+s22+$0x0], $0xffff;
	_ =	sdelay $0x1  }
0x395: {  	v9 =	vxor.u32 v3, v9;
	v31 =	vand.u32 v8, v20;
	v33 =	vshll.u32 v28, $0x10;
	s5 =	sor.u32 s28, s16  }
0x396: {  	v9 =	vor.u32 v9, v13;
	v12 =	vld.idx.msk [tilespmem:v12+s22+$0x0], $0xffff;
	v34 =	vand.u32 v16, v33;
	[tilespmem:s5+$0x0] =	vst v31;
	s5 =	sor.u32 s25, s21  }
0x397: {  	[tilespmem:s5+$0x0] =	vst v34  }
0x398: {  	v37 =	vshll.u32 v63, $0x10;
	s7 =	sld [smem:$0x7CD]  }
0x399: {  	s17 =	sor.u32 s13, s17;
	v13 =	vand.u32 v19, v37  }
0x39a: {  	v15 =	vxor.u32 v3, v40;
	v62 =	vxor.u32 v2, v44;
	[tilespmem:s17+$0x0] =	vst v13  }
0x39b: {  	v23 =	vor.u32 v62, v18;
	v36 =	vand.u32 v30, v28;
	v9 =	vld.idx.msk [tilespmem:v9+s22+$0x0], $0xffff;
	v40 =	vshll.u32 v12, $0x10;
	[tilespmem:s0+$0x0] =	vst v21;
	s5 =	sor.u32 s25, s7  }
0x39c: {  	v38 =	vor.u32 v15, v14;
	v14 =	vand.u32 v10, v40;
	s7 =	sor.u32 s4, s24;
	[tilespmem:s5+$0x0] =	vst v36  }
0x39d: {  	v39 =	vand.u32 v32, v63;
	s5 =	sor.u32 s13, s31;
	[tilespmem:s7+$0x0] =	vst v14  }
0x39e: {  	v12 =	vand.u32 v29, v12;
	s17 =	sor.u32 s4, s18;
	[tilespmem:s5+$0x0] =	vst v39  }
0x39f: {  	[tilespmem:s17+$0x0] =	vst v12  }
0x3a0: {  	v42 =	vshll.u32 v9, $0x10;
	v23 =	vld.idx.msk [tilespmem:v23+s22+$0x0], $0xffff;
	s0 =	rddreg [dreg:$0x15]  }
0x3a1: {  	v43 =	vand.u32 v7, v42;
	s0 =	sor.u32 s28, s0  }
0x3a2: {  	[tilespmem:s0+$0x0] =	vst v43  }
0x3a3: {  	s0 =	sld [smem:$0x7CF];
	_ =	sdelay $0x1  }
0x3a4: {  	v41 =	vxor.u32 v3, v44;
	v44 =	vshll.u32 v23, $0x10  }
0x3a5: {  	v12 =	vand.u32 v16, v44;
	s0 =	sor.u32 s25, s0  }
0x3a6: {  	v35 =	vxor.u32 v2, v48;
	[tilespmem:s0+$0x0] =	vst v12  }
0x3a7: {  	v20 =	vor.u32 v35, v24;
	s0 =	sld [smem:$0x7D0];
	_ =	sdelay $0x2  }
0x3a8: {  	v47 =	vand.u32 v30, v23;
	s0 =	sor.u32 s25, s0  }
0x3a9: {  	[tilespmem:s0+$0x0] =	vst v47  }
0x3aa: {  	v20 =	vld.idx.msk [tilespmem:v20+s22+$0x0], $0xffff;
	s0 =	rddreg [dreg:$0x1c]  }
0x3ab: {  	v49 =	vand.u32 v8, v9;
	s0 =	sor.u32 s28, s0  }
0x3ac: {  	[tilespmem:s0+$0x0] =	vst v49  }
0x3ad: {  	v15 =	vor.u32 v41, v18;
	s28 =	sld [smem:$0x7C2];
	_ =	sdelay $0x1  }
0x3ae: {  	v50 =	vshll.u32 v20, $0x10  }
0x3af: {  	v46 =	vxor.u32 v3, v48;
	v48 =	vld.idx.msk [tilespmem:v17+s22+$0x0], $0xffff;
	v9 =	vand.u32 v19, v50;
	s5 =	sor.u32 s13, s28  }
0x3b0: {  	v45 =	vld.idx.msk [tilespmem:v38+s22+$0x0], $0xffff;
	s0 =	rddreg [dreg:$0xe];
	[tilespmem:s5+$0x0] =	vst v9  }
0x3b1: {  	v51 =	vld.idx.msk [tilespmem:v15+s22+$0x0], $0xffff;
	[smem:$0x7C1] =	sst s24  }
0x3b2: {  	v52 =	vand.u32 v32, v20;
	s0 =	sor.u32 $0x30, s0;
	s7 =	rddreg [dreg:$0x10];
	s24 =	sor.u32 s13, s19  }
0x3b3: {  	s17 =	sor.u32 s0, s7;
	[tilespmem:s24+$0x0] =	vst v52  }
0x3b4: {  	v53 =	vld [tilespmem:s17+$0x800];
	s17 =	sld [smem:$0x7BC];
	_ =	sdelay $0x1  }
0x3b5: {  	v54 =	vshll.u32 v45, $0x10  }
0x3b6: {  	v9 =	vand.u32 v10, v54;
	s5 =	sor.u32 s4, s17  }
0x3b7: {  	[tilespmem:s5+$0x0] =	vst v9  }
0x3b8: {  	s24 =	sld [smem:$0x7BD];
	_ =	sdelay $0x2  }
0x3b9: {  	v7 =	vand.u32 v29, v45;
	s28 =	smov.u32 s10;
	s10 =	sor.u32 s4, s24  }
0x3ba: {  	[tilespmem:s10+$0x0] =	vst v7  }
0x3bb: {  	v56 =	vshll.u32 v48, $0x10;
	s19 =	rddreg [dreg:$0xd]  }
0x3bc: {  	v13 =	vor.u32 v46, v24;
	v9 =	vand.u32 v5, v56;
	s5 =	sor.u32 s20, s19  }
0x3bd: {  	[tilespmem:s5+$0x0] =	vst v9  }
0x3be: {  	s19 =	sld [smem:$0x7D2];
	_ =	sdelay $0x1  }
0x3bf: {  	v58 =	vshll.u32 v51, $0x10  }
0x3c0: {  	v55 =	vld.idx.msk [tilespmem:v13+s22+$0x0], $0xffff;
	v13 =	vand.u32 v16, v58;
	s10 =	sor.u32 s25, s19  }
0x3c1: {  	v8 =	vand.u32 v30, v51;
	s25 =	sor.u32 s25, s6;
	[tilespmem:s10+$0x0] =	vst v13  }
0x3c2: {  	[tilespmem:s25+$0x0] =	vst v8  }
0x3c3: {  	s7 =	rddreg [dreg:$0xb]  }
0x3c4: {  	v60 =	vand.u32 v4, v48;
	s7 =	sor.u32 s20, s7  }
0x3c5: {  	s4 =	sor.u32 $0x30, s1;
	[tilespmem:s7+$0x0] =	vst v60  }
0x3c6: {  	s1 =	sor.u32 s4, s29;
	s5 =	sor.u32 $0x30, s3;
	s3 =	sld [smem:$0x7BE]  }
0x3c7: {  	v57 =	vxor.u32 v2, v6;
	v12 =	vand.u32 $0x1F, v53;
	v59 =	vld [tilespmem:s1+$0x800]  }
0x3c8: {  	v61 =	vshll.u32 v53, $0x5;
	v62 =	vshll.u32 v55, $0x10;
	v30 =	vxor.u32 v0, v12;
	s26 =	sor.u32 s5, s26  }
0x3c9: {  	v31 =	vand.u32 $0x1FFFF8, v61;
	v15 =	vand.u32 v19, v62;
	v7 =	vor.u32 v57, v11;
	v63 =	vld [tilespmem:s26+$0x800];
	s29 =	sor.u32 s13, s3  }
0x3ca: {  	v17 =	vor.u32 v31, v30;
	[tilespmem:s29+$0x0] =	vst v15  }
0x3cb: {  	s10 =	sld [smem:$0x7BF]  }
0x3cc: {  	v10 =	vand.u32 v32, v55;
	v32 =	vshll.u32 v59, $0x5;
	v15 =	vand.u32 $0x1F, v59  }
0x3cd: {  	v35 =	vand.u32 $0x1FFFF8, v32;
	v34 =	vxor.u32 v0, v15  }
0x3ce: {  	v18 =	vld.idx.msk [tilespmem:v7+s22+$0x0], $0xffff;
	v36 =	vshll.u32 v63, $0x5;
	v13 =	vand.u32 $0x1F, v63;
	v7 =	vor.u32 v35, v34;
	s1 =	sor.u32 s13, s10;
	s13 =	sor.u32 $0x30, s11  }
0x3cf: {  	v17 =	vld.idx.msk [tilespmem:v17+s22+$0x0], $0xffff;
	v38 =	vxor.u32 v0, v13;
	v39 =	vand.u32 $0x1FFFF8, v36;
	[tilespmem:s1+$0x0] =	vst v10;
	s11 =	sor.u32 s13, s23  }
0x3d0: {  	v21 =	vor.u32 v39, v38;
	v33 =	vld [tilespmem:s11+$0x800];
	_ =	sdelay $0x1  }
0x3d1: {  	v37 =	vxor.u32 v3, v6;
	v14 =	vshra.s32 v53, $0x10  }
0x3d2: {  	v23 =	vor.u32 v37, v11;
	v40 =	vshll.u32 v18, $0x10;
	s23 =	rddreg [dreg:$0x9];
	v43 =	vld.idx.msk [tilespmem:v7+s22+$0x0], $0xffff;
	v7 =	vsub.s32 $0x0, v14  }
0x3d3: {  	v49 =	vshll.u32 v17, $0x10;
	v41 =	vand.u32 v5, v40;
	s7 =	sor.u32 s20, s23;
	v6 =	vand.u32 $0xFFFF0000, v7  }
0x3d4: {  	s25 =	sor.u32 s0, s15;
	v21 =	vld.idx.msk [tilespmem:v21+s22+$0x0], $0xffff;
	v14 =	vand.u32 v7, v49;
	[tilespmem:s7+$0x0] =	vst v41;
	v42 =	vshll.u32 v33, $0x5;
	v11 =	vand.u32 $0x1F, v33  }
0x3d5: {  	s26 =	sor.u32 s0, s9;
	v17 =	vand.u32 v17, v6;
	[tilespmem:s25+$0x0] =	vst v14;
	v44 =	vxor.u32 v0, v11;
	v45 =	vand.u32 $0x1FFFF8, v42  }
0x3d6: {  	v50 =	vshra.s32 v59, $0x10;
	[tilespmem:s26+$0x0] =	vst v17;
	v47 =	vor.u32 v45, v44  }
0x3d7: {  	v25 =	vand.u32 $0x1FFFE0, v61;
	v8 =	vsub.s32 $0x0, v50;
	s29 =	rddreg [dreg:$0x18];
	v52 =	vshll.u32 v43, $0x10  }
0x3d8: {  	v46 =	vxor.u32 v1, v12;
	v55 =	vshra.s32 v63, $0x10;
	s1 =	sor.u32 s4, s29;
	v22 =	vand.u32 v8, v52  }
0x3d9: {  	v48 =	vor.u32 v46, v25;
	v10 =	vsub.s32 $0x0, v55;
	v57 =	vshll.u32 v21, $0x10;
	[tilespmem:s1+$0x0] =	vst v22  }
0x3da: {  	s14 =	sor.u32 s5, s14;
	v9 =	vand.u32 $0xFFFF0000, v8;
	v17 =	vand.u32 v10, v57;
	s9 =	rddreg [dreg:$0x1b]  }
0x3db: {  	v26 =	vand.u32 v43, v9;
	[tilespmem:s14+$0x0] =	vst v17;
	s11 =	sor.u32 s4, s9;
	v27 =	vld.idx.msk [tilespmem:v47+s22+$0x0], $0xffff  }
0x3dc: {  	[tilespmem:s11+$0x0] =	vst v26  }
0x3dd: {  	v29 =	vand.u32 $0x1FFFE0, v32;
	v51 =	vxor.u32 v1, v15;
	s15 =	sld [smem:$0x7CB]  }
0x3de: {  	v20 =	vand.u32 $0x1FFFE0, v36;
	v53 =	vor.u32 v51, v29;
	v58 =	vld.idx.msk [tilespmem:v48+s22+$0x0], $0xffff  }
0x3df: {  	v54 =	vxor.u32 v1, v13;
	v14 =	vand.u32 $0xFFFF0000, v10;
	v19 =	vshra.s32 v33, $0x10  }
0x3e0: {  	v21 =	vand.u32 v21, v14;
	v19 =	vsub.s32 $0x0, v19;
	s23 =	sor.u32 s5, s15;
	v62 =	vshll.u32 v27, $0x10  }
0x3e1: {  	v56 =	vor.u32 v54, v20;
	s25 =	sor.u32 s13, s30;
	v30 =	vand.u32 $0xFFFF0000, v19;
	[tilespmem:s23+$0x0] =	vst v21;
	v28 =	vand.u32 v19, v62  }
0x3e2: {  	s26 =	sor.u32 s13, s2;
	v27 =	vand.u32 v27, v30;
	[tilespmem:s25+$0x0] =	vst v28  }
0x3e3: {  	v33 =	vshll.u32 v58, $0x10;
	v61 =	vld.idx.msk [tilespmem:v53+s22+$0x0], $0xffff;
	[tilespmem:s26+$0x0] =	vst v27  }
0x3e4: {  	s1 =	sor.u32 s0, s12;
	v35 =	vand.u32 v7, v33;
	s29 =	rddreg [dreg:$0x13]  }
0x3e5: {  	v18 =	vand.u32 v4, v18;
	[tilespmem:s1+$0x0] =	vst v35;
	s30 =	sor.u32 s20, s29  }
0x3e6: {  	v16 =	vld.idx.msk [tilespmem:v56+s22+$0x0], $0xffff;
	[tilespmem:s30+$0x0] =	vst v18  }
0x3e7: {  	s7 =	sld [smem:$0x7D6]  }
0x3e8: {  	v38 =	vshll.u32 v61, $0x10  }
0x3e9: {  	s11 =	sor.u32 s4, s8;
	v22 =	vand.u32 v8, v38  }
0x3ea: {  	v37 =	vand.u32 v6, v58;
	[tilespmem:s11+$0x0] =	vst v22;
	s9 =	sor.u32 s0, s7  }
0x3eb: {  	v24 =	vand.u32 $0x1FFFE0, v42;
	v59 =	vxor.u32 v1, v11;
	v42 =	vshll.u32 v16, $0x10;
	[tilespmem:s9+$0x0] =	vst v37  }
0x3ec: {  	v60 =	vor.u32 v59, v24;
	s12 =	sor.u32 s5, s21;
	v44 =	vand.u32 v10, v42;
	s1 =	rddreg [dreg:$0x16]  }
0x3ed: {  	v17 =	vand.u32 v9, v61;
	[tilespmem:s12+$0x0] =	vst v44;
	s1 =	sor.u32 s4, s1  }
0x3ee: {  	[tilespmem:s1+$0x0] =	vst v17  }
0x3ef: {  	s1 =	sld [smem:$0x7CD]  }
0x3f0: {  	v63 =	vxor.u32 v2, v12  }
0x3f1: {  	v21 =	vor.u32 v63, v25;
	v26 =	vld.idx.msk [tilespmem:v60+s22+$0x0], $0xffff  }
0x3f2: {  	v16 =	vand.u32 v14, v16;
	s1 =	sor.u32 s5, s1  }
0x3f3: {  	[tilespmem:s1+$0x0] =	vst v16  }
0x3f4: {  	s1 =	sld [smem:$0x7C0]  }
0x3f5: {  	v40 =	vld.idx.msk [tilespmem:v23+s22+$0x0], $0xffff  }
0x3f6: {  	v34 =	vxor.u32 v2, v15;
	v47 =	vshll.u32 v26, $0x10;
	v21 =	vld.idx.msk [tilespmem:v21+s22+$0x0], $0xffff  }
0x3f7: {  	v36 =	vor.u32 v34, v29;
	v48 =	vand.u32 v19, v47;
	s1 =	sor.u32 s13, s1  }
0x3f8: {  	s14 =	sor.u32 s13, s31;
	v50 =	vand.u32 v30, v26;
	[tilespmem:s1+$0x0] =	vst v48  }
0x3f9: {  	[tilespmem:s14+$0x0] =	vst v50  }
0x3fa: {  	v49 =	vshll.u32 v40, $0x10;
	s1 =	rddreg [dreg:$0x6]  }
0x3fb: {  	v5 =	vand.u32 v5, v49;
	v51 =	vshll.u32 v21, $0x10;
	s1 =	sor.u32 s20, s1  }
0x3fc: {  	v39 =	vxor.u32 v2, v13;
	s15 =	sor.u32 s0, s28;
	v46 =	vld.idx.msk [tilespmem:v36+s22+$0x0], $0xffff;
	[tilespmem:s1+$0x0] =	vst v5;
	v5 =	vand.u32 v7, v51  }
0x3fd: {  	s16 =	sor.u32 s0, s16;
	v41 =	vor.u32 v39, v20;
	[tilespmem:s15+$0x0] =	vst v5;
	v5 =	vand.u32 v6, v21  }
0x3fe: {  	[tilespmem:s16+$0x0] =	vst v5  }
0x3ff: {  	s1 =	sld [smem:$0x7C1];
	_ =	sdelay $0x1  }
0x400: {  	v53 =	vshll.u32 v46, $0x10  }
0x401: {  	v23 =	vld.idx.msk [tilespmem:v41+s22+$0x0], $0xffff;
	v5 =	vand.u32 v8, v53;
	s1 =	sor.u32 s4, s1  }
0x402: {  	s18 =	sor.u32 s4, s18;
	v54 =	vand.u32 v9, v46;
	[tilespmem:s1+$0x0] =	vst v5  }
0x403: {  	[tilespmem:s18+$0x0] =	vst v54  }
0x404: {  	s1 =	sld [smem:$0x7CF]  }
0x405: {  	v43 =	vxor.u32 v2, v11  }
0x406: {  	v45 =	vor.u32 v43, v24;
	v55 =	vshll.u32 v23, $0x10  }
0x407: {  	v56 =	vand.u32 v10, v55;
	s1 =	sor.u32 s5, s1  }
0x408: {  	[tilespmem:s1+$0x0] =	vst v56  }
0x409: {  	s1 =	sld [smem:$0x7D0];
	_ =	sdelay $0x1  }
0x40a: {  	v52 =	vld.idx.msk [tilespmem:v45+s22+$0x0], $0xffff  }
0x40b: {  	v58 =	vand.u32 v14, v23;
	s1 =	sor.u32 s5, s1  }
0x40c: {  	v12 =	vxor.u32 v3, v12;
	[tilespmem:s1+$0x0] =	vst v58  }
0x40d: {  	v12 =	vor.u32 v12, v25;
	s1 =	sld [smem:$0x7C2];
	_ =	sdelay $0x1  }
0x40e: {  	v59 =	vshll.u32 v52, $0x10  }
0x40f: {  	v15 =	vxor.u32 v3, v15;
	v60 =	vand.u32 v19, v59;
	s1 =	sor.u32 s13, s1  }
0x410: {  	v15 =	vor.u32 v15, v29;
	[tilespmem:s1+$0x0] =	vst v60  }
0x411: {  	v13 =	vxor.u32 v3, v13;
	v5 =	vld.idx.msk [tilespmem:v12+s22+$0x0], $0xffff;
	s1 =	sld [smem:$0x7C3]  }
0x412: {  	v13 =	vor.u32 v13, v20;
	s2 =	rddreg [dreg:$0x4]  }
0x413: {  	v4 =	vand.u32 v4, v40;
	s2 =	sor.u32 s20, s2  }
0x414: {  	v61 =	vand.u32 v30, v52;
	[tilespmem:s2+$0x0] =	vst v4;
	s1 =	sor.u32 s13, s1  }
0x415: {  	v57 =	vld.idx.msk [tilespmem:v15+s22+$0x0], $0xffff;
	[tilespmem:s1+$0x0] =	vst v61  }
0x416: {  	v62 =	vshll.u32 v5, $0x10;
	s1 =	rddreg [dreg:$0x15]  }
0x417: {  	v13 =	vld.idx.msk [tilespmem:v13+s22+$0x0], $0xffff;
	v4 =	vand.u32 v7, v62;
	s1 =	sor.u32 s0, s1  }
0x418: {  	v11 =	vxor.u32 v3, v11;
	[tilespmem:s1+$0x0] =	vst v4  }
0x419: {  	v11 =	vor.u32 v11, v24;
	s1 =	rddreg [dreg:$0x1c]  }
0x41a: {  	v4 =	vand.u32 v6, v5;
	v5 =	vshll.u32 v57, $0x10;
	s0 =	sor.u32 s0, s1  }
0x41b: {  	s21 =	sor.u32 s4, s17;
	[tilespmem:s0+$0x0] =	vst v4;
	v4 =	vand.u32 v8, v5  }
0x41c: {  	s23 =	sor.u32 s4, s24;
	v5 =	vshll.u32 v13, $0x10;
	[tilespmem:s21+$0x0] =	vst v4;
	v4 =	vand.u32 v9, v57  }
0x41d: {  	s24 =	sor.u32 s5, s19;
	[tilespmem:s23+$0x0] =	vst v4;
	v4 =	vand.u32 v10, v5  }
0x41e: {  	v63 =	vld.idx.msk [tilespmem:v11+s22+$0x0], $0xffff;
	[tilespmem:s24+$0x0] =	vst v4  }
0x41f: {  	s26 =	sld [smem:$0x7FD]  }
0x420: {  	s2 =	sld [smem:$0x7E1];
	_ =	sdelay $0x2  }
.Ltmp4:
0x421: {  	s25 =	sor.u32 s5, s6;
	v5 =	vshll.u32 v63, $0x10;
	v4 =	vand.u32 v14, v13;
	s1 =	sor.u32 s2, s26;
	(pc) =	sbr.rel @p0 .LBB2_8-.Ltmp4, $4  }
0x422: {  	s28 =	sor.u32 s13, s3;
	[tilespmem:s25+$0x0] =	vst v4;
	v4 =	vand.u32 v19, v5;
	s1 =	sshrl.u32 s1, $0x3  }
0x423: {  	s29 =	sor.u32 s13, s10;
	s30 =	rddreg [dreg:$0x1];
	[tilespmem:s28+$0x0] =	vst v4;
	v4 =	vand.u32 v30, v63;
	s1 =	sor.u32 $0x10000, s1  }
0x424: {  	s31 =	simm.s32 $0x15000;
	s3 =	simm.s32 $0x0;
	[tilespmem:s29+$0x0] =	vst v4;
	s0 =	sadd.s32 s30, s1  }
0x425: {  	[hbm4b:s0+s22] =	stream.linear.scatter [tilespmem:s31], [sflag:$0x4], $0x4000, $0x38;
	[tilespmem:$0x19000] =	vst v63  }
0x426: {  	s0 =	sld [smem:$0x7FB]  }
0x427: {  	s1 =	sld [smem:$0x7F4];
	_ =	sdelay $0x1  }
0x428: {  	s29 =	sld [smem:$0x7F7]  }
.Ltmp5:
0x429: {  	s0 =	sadd.s32 s0, s1;
	(pc) =	sbr.rel .LBB2_2-.Ltmp5, $4  }
0x42a: {  	s31 =	sld [smem:$0x7F3];
	s0 =	sshrl.u32 s0, $0x3  }
0x42b: {  	s30 =	simm.s32 $0x10800;
	s0 =	sadd.s32 s29, s0  }
0x42c: {  	[tilespmem:s30], [sflag:$0x2] =	stream.linear.gather [hbm4b:s0+s3], $0x800, $0x38;
	[tilespmem:$0x19000] =	vst v63  }
0x42d: {  	s0 =	sadd.s32 $0x1, s31  }
.LBB2_9:
0x42e: {  	_ =	sfence.sel $0x180000  }
0x42f: {  	[bflag:$0x0] =	sbarrier.arrive $0xFFFF  }
0x430: {  	_ =	strace $0x9000004A  }
0x431: {  	s0 =	stileid.u32;
	[bflag:$0x2] =	sbarrier.arrive $0xFFFF  }
0x432: {  	p0 =	sne.s32 s0, $0x0;
	s0 =	rddreg [dreg:$0x2]  }
0x433: {  	s0 =	sadd.s32 @!p0 $0x100000, s0  }
0x434: {  	[sflag:s0] =	ssyncadd.tile.s32 @!p0 $0x1;
	_ =	shalt  }
.Lfunc_end2:
_tile_overlayer_lowered:
.L_overlay_start_2:
0x435: {  	(tag) =	ssettag $0x2  }
0x436: {  	s0 =	rddreg [dreg:$0x0];
	s2 =	stileid.u32  }
0x437: {  	s1 =	rddreg [dreg:$0x1];
	p0 =	sne.s32 s2, $0x0  }
0x438: {  	s3 =	rddreg [dreg:$0x2];
	[bflag:$0x3] =	sbarrier.arrive $0xFFFF;
	s2 =	simm.s32 @!p0 $0x1C05  }
0x439: {  	[timem:s3], [sflag:s2] =	dma.local @!p0 [hbm:s0], s1  }
0x43a: {  	s0 =	simm.s32 @!p0 $0x5  }
0x43b: {  	_ =	swait.ge @!p0 [sflag:s0], s1  }
0x43c: {  	s1 =	ssub.s32 @!p0 $0x0, s1;
	[sflag:s0] =	ssyncset.done @!p0 $0x0  }
0x43d: {  	[sflag:s0] =	ssyncadd.s32 @!p0 s1  }
0x43e: {  	[bflag:$0x3] =	sbarrier.arrive $0xFFFF  }
0x43f: {  	_ =	shalt  }

</sc_bundles>
